<compile_context>
chip_gen: v7x
topology: tpu7x:2x2x1
jax: 0.10.2.dev20260603
libtpu: 0.0.44.dev20260713+nightly
codegen_flags: <defaults>
</compile_context>

<pallas_src>
import functools

import jax
import jax.numpy as jnp
from jax import lax
from jax.experimental import pallas as pl
from jax.experimental.pallas import tpu as pltpu
from jax.experimental.pallas import tpu_sc as plsc

_IGNORE_LABEL = -1
_THRESH = 0.7
_MIN_KEPT = 100000

_B, _C, _H, _W = 8, 19, 512, 512
_N = _B * _H * _W
_BR = 256


def _softmax_stats(score_ref, target_ref, w_ref):
    t = target_ref[0]
    sc = score_ref[0, 0]
    se = jnp.exp(sc)
    s_t = jnp.where(t == 0, sc, 0.0)
    w_t = jnp.where(t == 0, w_ref[0, 0], 0.0)
    for c in range(1, _C):
        sc = score_ref[0, c]
        se = se + jnp.exp(sc)
        sel = t == c
        s_t = jnp.where(sel, sc, s_t)
        w_t = jnp.where(sel, w_ref[0, c], w_t)
    logp_t = s_t - jnp.log(se)
    loss = -w_t * logp_t
    pred = jnp.exp(logp_t)
    return loss, pred


def _stats_kernel(th_ref, score_ref, target_ref, w_ref, sum_ref, cnt_ref):
    first = jnp.logical_and(pl.program_id(0) == 0, pl.program_id(1) == 0)

    @pl.when(first)
    def _():
        sum_ref[0, 0] = 0.0
        cnt_ref[0, 0] = 0.0

    loss, pred = _softmax_stats(score_ref, target_ref, w_ref)
    keep = pred < th_ref[0, 0]
    sum_ref[0, 0] += jnp.sum(jnp.where(keep, loss, 0.0))
    cnt_ref[0, 0] += jnp.sum(keep.astype(jnp.float32))


def _pred_kernel(score_ref, target_ref, w_ref, pred_ref):
    _, pred = _softmax_stats(score_ref, target_ref, w_ref)
    pred_ref[0] = pred


def _masked_stats(score, target, w2d, threshold):
    th = jnp.reshape(threshold.astype(jnp.float32), (1, 1))
    grid = (_B, _H // _BR)
    s, c = pl.pallas_call(
        _stats_kernel,
        grid=grid,
        in_specs=[
            pl.BlockSpec((1, 1), lambda i, j: (0, 0), memory_space=pltpu.SMEM),
            pl.BlockSpec((1, _C, _BR, _W), lambda i, j: (i, 0, j, 0)),
            pl.BlockSpec((1, _BR, _W), lambda i, j: (i, j, 0)),
            pl.BlockSpec((1, _C), lambda i, j: (0, 0), memory_space=pltpu.SMEM),
        ],
        out_specs=[
            pl.BlockSpec((1, 1), lambda i, j: (0, 0), memory_space=pltpu.SMEM),
            pl.BlockSpec((1, 1), lambda i, j: (0, 0), memory_space=pltpu.SMEM),
        ],
        out_shape=[
            jax.ShapeDtypeStruct((1, 1), jnp.float32),
            jax.ShapeDtypeStruct((1, 1), jnp.float32),
        ],
    )(th, score, target, w2d)
    return s[0, 0], c[0, 0]


def _compute_pred(score, target, w2d):
    grid = (_B, _H // _BR)
    pred = pl.pallas_call(
        _pred_kernel,
        grid=grid,
        in_specs=[
            pl.BlockSpec((1, _C, _BR, _W), lambda i, j: (i, 0, j, 0)),
            pl.BlockSpec((1, _BR, _W), lambda i, j: (i, j, 0)),
            pl.BlockSpec((1, _C), lambda i, j: (0, 0), memory_space=pltpu.SMEM),
        ],
        out_specs=pl.BlockSpec((1, _BR, _W), lambda i, j: (i, j, 0)),
        out_shape=jax.ShapeDtypeStruct((_B, _H, _W), jnp.float32),
    )(score, target, w2d)
    return pred.reshape(_N)



_SC_NS = 16
_SC_L = 16
_SC_NBUF = 65536
_SC_HB = 4096


def _sc_zero_hist(hist_ref):
    zeros = jnp.zeros((_SC_L,), jnp.int32)

    def body(i, carry):
        hist_ref[pl.ds(i * _SC_L, _SC_L)] = zeros
        return carry

    lax.fori_loop(0, _SC_HB // _SC_L, body, 0)


def _sc_accum_hist(hist_ref, data_ref, shift, field_mask, sel_shift, sel_val):
    ones = jnp.ones((_SC_L,), jnp.int32)

    def body(i, carry):
        v = data_ref[pl.ds(i * _SC_L, _SC_L)]
        bits = lax.bitcast_convert_type(v, jnp.int32)
        idx = lax.shift_right_logical(bits, shift) & field_mask
        keep = lax.shift_right_logical(bits, sel_shift) == sel_val
        plsc.addupdate_scatter(hist_ref, [idx], ones, mask=keep)
        return carry

    lax.fori_loop(0, _SC_NBUF // _SC_L, body, 0)


def _sc_find_bucket(comb_ref, rank):

    def body(i, carry):
        run, found, rem = carry
        h = comb_ref[pl.ds(i * _SC_L, _SC_L)]
        cum = plsc.cumsum(h)
        gmask = (run + cum) > rank
        lane = jnp.sum(jnp.where(gmask, 0, 1))
        before = run + jnp.sum(jnp.where(gmask, 0, h))
        crossed = jnp.logical_and(found < 0, lane < _SC_L)
        found = jnp.where(crossed, i * _SC_L + lane, found)
        rem = jnp.where(crossed, rank - before, rem)
        run = run + jnp.sum(h)
        return run, found, rem

    _, found, rem = lax.fori_loop(
        0, _SC_HB // _SC_L, body,
        (jnp.int32(0), jnp.int32(-1), jnp.int32(0)))
    return found, rem


def _sc_kth_smallest(pred_flat, k):
    n = pred_flat.shape[0]
    rounds = n // (_SC_NS * _SC_NBUF)
    mesh = plsc.VectorSubcoreMesh(core_axis_name="c", subcore_axis_name="s")

    @functools.partial(
        pl.kernel,
        mesh=mesh,
        out_type=jax.ShapeDtypeStruct((_SC_L,), jnp.int32),
        compiler_params=pltpu.CompilerParams(needs_layout_passes=False),
        scratch_types=[
            pltpu.VMEM((_SC_NBUF,), jnp.float32),
            pltpu.VMEM((_SC_HB,), jnp.int32),
            pltpu.VMEM((_SC_HB,), jnp.int32),
            pltpu.VMEM((_SC_HB,), jnp.int32),
            pltpu.VMEM((_SC_L,), jnp.int32),
            pltpu.VMEM_SHARED((_SC_NS * _SC_HB,), jnp.int32),
        ],
    )
    def kth_kernel(pred_hbm, out_hbm, data_v, hist_v, comb_v, tmp_v,
                   res_v, shared):
        cid = lax.axis_index("c")
        sid = lax.axis_index("s")

        def phase(rank, shift, field_mask, sel_shift, sel_val):
            _sc_zero_hist(hist_v)
            for r in range(rounds):
                base = (sid * rounds + r) * _SC_NBUF
                pltpu.sync_copy(pred_hbm.at[pl.ds(base, _SC_NBUF)], data_v)
                _sc_accum_hist(hist_v, data_v, shift, field_mask,
                               sel_shift, sel_val)
            pltpu.sync_copy(hist_v, shared.at[pl.ds(sid * _SC_HB, _SC_HB)])
            plsc.subcore_barrier()
            _sc_zero_hist(comb_v)
            for w in range(_SC_NS):
                pltpu.sync_copy(shared.at[pl.ds(w * _SC_HB, _SC_HB)], tmp_v)

                def addb(i, carry):
                    sl = pl.ds(i * _SC_L, _SC_L)
                    comb_v[sl] = comb_v[sl] + tmp_v[sl]
                    return carry

                lax.fori_loop(0, _SC_HB // _SC_L, addb, 0)
            plsc.subcore_barrier()
            return _sc_find_bucket(comb_v, rank)

        b1, r1 = phase(jnp.int32(k), 18, jnp.int32(0xFFF), 31, jnp.int32(0))
        b2, r2 = phase(r1, 6, jnp.int32(0xFFF), 18, b1)
        b3, _ = phase(r2, 0, jnp.int32(0x3F), 6, (b1 << 12) | b2)
        pattern = (b1 << 18) | (b2 << 6) | b3

        @pl.when(jnp.logical_and(cid == 0, sid == 0))
        def _():
            res_v[...] = jnp.full((_SC_L,), pattern, jnp.int32)
            pltpu.sync_copy(res_v, out_hbm)

    bits = kth_kernel(pred_flat)
    return lax.bitcast_convert_type(bits[0], jnp.float32)


def kernel(score, target, weights):
    w2d = weights.reshape(1, _C)

    sum_a, cnt_a = _masked_stats(score, target, w2d, jnp.float32(_THRESH))

    def case_a(_):
        return sum_a / cnt_a

    def case_b(_):
        pred_flat = _compute_pred(score, target, w2d)
        kth = _sc_kth_smallest(pred_flat, _MIN_KEPT)
        th = jnp.maximum(kth, jnp.float32(_THRESH))
        s, c = _masked_stats(score, target, w2d, th)
        return s / c

    return lax.cond(cnt_a >= jnp.float32(_MIN_KEPT + 1), case_a, case_b, None)

# --- scband reference (transcript-rebuilt; emitter-appended) ---
"""Pipeline reference for scband-ohem-cross-entropy-17566416241366 (READ-ONLY COPY).

The authoritative reference and input builder live on the scoring server;
editing this copy changes nothing except your own understanding.
"""

import jax, jax.numpy as jnp
import numpy as np

IGNORE_LABEL = -1
THRESH = 0.7
MIN_KEPT = 100000


def setup_inputs(seed: int = 0) -> dict:
    key = jax.random.key(seed)
    k1, k2, k3 = jax.random.split(key, 3)
    score = jax.random.normal(k1, (8, 19, 512, 512), dtype=jnp.float32)
    target = jax.random.randint(k2, (8, 512, 512), 0, 19, dtype=jnp.int32)
    weights = jax.random.uniform(k3, (19,), dtype=jnp.float32)
    return {"score": score, "target": target, "weights": weights}


def reference(score, target, weights):
    # score: [B, C, H, W]; target: [B, H, W]; weights: [C]
    # ph == h and pw == w, so the bilinear upsample branch is a no-op.
    logp = jax.nn.log_softmax(score, axis=1)
    pred = jax.nn.softmax(score, axis=1)

    tmp_target = jnp.where(target == IGNORE_LABEL, 0, target)
    t1 = tmp_target[:, None, :, :]

    # per-pixel cross entropy with class weights, reduction='none'
    logp_t = jnp.take_along_axis(logp, t1, axis=1)[:, 0].reshape(-1)
    w_t = jnp.take(weights, tmp_target, axis=0).reshape(-1)
    pixel_losses = -w_t * logp_t

    # predicted probability of the target class per pixel
    pred_t = jnp.take_along_axis(pred, t1, axis=1)[:, 0].reshape(-1)

    maskf = target.reshape(-1) != IGNORE_LABEL
    n_valid = jnp.sum(maskf)

    # sort masked predictions (ignored pixels pushed to +inf so they land last)
    pred_masked = jnp.where(maskf, pred_t, jnp.inf)
    pred_sorted = jnp.sort(pred_masked)
    idx = jnp.minimum(MIN_KEPT, n_valid - 1)
    min_value = pred_sorted[idx]
    threshold = jnp.maximum(min_value, THRESH)

    # keep hard examples: valid pixels whose target prob < threshold; mean over kept
    keep = maskf & (pred_t < threshold)
    kept_sum = jnp.sum(jnp.where(keep, pixel_losses, 0.0))
    kept_cnt = jnp.sum(keep).astype(pixel_losses.dtype)
    return kept_sum / kept_cnt

if __name__ == "__main__":
    import jax
    _d = setup_inputs()
    print(jax.jit(kernel)(*tuple(_d.values())))

</pallas_src>

<mosaic_0001>
#map = affine_map<(d0, d1) -> (0)>
module attributes {stable_mosaic.version = 14 : i64} {
  func.func @kth_kernel(%arg0: i32, %arg1: i32, %arg2: memref<2097152xf32, #tpu.memory_space<hbm>>, %arg3: memref<16xi32, #tpu.memory_space<hbm>>, %arg4: memref<65536xf32, #tpu.memory_space<vmem>>, %arg5: memref<4096xi32, #tpu.memory_space<vmem>>, %arg6: memref<4096xi32, #tpu.memory_space<vmem>>, %arg7: memref<4096xi32, #tpu.memory_space<vmem>>, %arg8: memref<16xi32, #tpu.memory_space<vmem>>, %arg9: memref<65536xi32, #tpu.memory_space<vmem_shared>>) attributes {dimension_semantics = [#tpu.dimension_semantics<core_parallel>, #tpu.dimension_semantics<subcore_parallel>], iteration_bounds = array<i64: 2, 16>, scalar_prefetch = 0 : i64, scratch_operands = 6 : i64, tpu.core_type = #tpu.core_type<sc_vector_subcore>, window_params = [{transform_indices = #map}, {transform_indices = #map}]} {
    %broadcast_in_dim3A = arith.constant 0 : i32
    %broadcast_in_dim3A_0 = vector.broadcast %broadcast_in_dim3A : i32 to vector<16xi32>
    %scan3A = arith.constant 0 : i32
    %scan3A_1 = arith.constant 0 : i32
    %scan3A_2 = arith.constant 256 : i32
    %scan3A_3 = arith.addi %scan3A_1, %scan3A_2 : i32
    %scan3A_4 = arith.constant 1 : i32
    scf.for %scan3A_474 = %scan3A_1 to %scan3A_3 step %scan3A_4  : i32 {
      %mul3A_475 = arith.constant 16 : i32
      %mul3A_476 = arith.muli %scan3A_474, %mul3A_475 : i32
      %swap3A = arith.index_cast %mul3A_476 : i32 to index
      %swap3A_477 = tpu.vector_load %arg5[%swap3A] {strides = array<i32>} : memref<4096xi32, #tpu.memory_space<vmem>>, vector<16xi32>,
      tpu.vector_store %arg5[%swap3A], %broadcast_in_dim3A_0 {strides = array<i32>} : memref<4096xi32, #tpu.memory_space<vmem>>, vector<16xi32>,
    }
    %scan3A_5 = arith.constant 256 : i32
    %mul3A = arith.constant 2 : i32
    %mul3A_6 = arith.muli %arg1, %mul3A : i32
    %add3A = arith.constant 0 : i32
    %add3A_7 = arith.addi %mul3A_6, %add3A : i32
    %mul3A_8 = arith.constant 65536 : i32
    %mul3A_9 = arith.muli %add3A_7, %mul3A_8 : i32
    "tpu.region"() ({
      %run_scoped3A = tpu.sem_alloc : memref<!tpu.dma_semaphore, #tpu.memory_space<semaphore_mem>>
      %dma_start3A = tpu.memref_slice %arg2[%mul3A_9] : memref<2097152xf32, #tpu.memory_space<hbm>> -> memref<65536xf32, #tpu.memory_space<hbm>>
      %dma_start3A_474 = tpu.memref_slice %arg2[%mul3A_9] : memref<2097152xf32, #tpu.memory_space<hbm>> -> memref<65536xf32, #tpu.memory_space<hbm>>
      tpu.enqueue_dma source(%dma_start3A_474 : memref<65536xf32, #tpu.memory_space<hbm>>) target(%arg4 : memref<65536xf32, #tpu.memory_space<vmem>>) target_semaphore(%run_scoped3A : memref<!tpu.dma_semaphore, #tpu.memory_space<semaphore_mem>>)
      %dma_wait3A = tpu.memref_slice %arg2[%mul3A_9] : memref<2097152xf32, #tpu.memory_space<hbm>> -> memref<65536xf32, #tpu.memory_space<hbm>>
      %dma_wait3A_475 = tpu.memref_slice %arg2[%mul3A_9] : memref<2097152xf32, #tpu.memory_space<hbm>> -> memref<65536xf32, #tpu.memory_space<hbm>>
      tpu.wait_dma2 semaphore(%run_scoped3A : memref<!tpu.dma_semaphore, #tpu.memory_space<semaphore_mem>>) src(%dma_wait3A_475 : memref<65536xf32, #tpu.memory_space<hbm>>) dst(%arg4 : memref<65536xf32, #tpu.memory_space<vmem>>)
      tpu.yield
    }) : () -> ()
    %broadcast_in_dim3A_10 = arith.constant 1 : i32
    %broadcast_in_dim3A_11 = vector.broadcast %broadcast_in_dim3A_10 : i32 to vector<16xi32>
    %scan3A_12 = arith.constant 0 : i32
    %scan3A_13 = arith.constant 4095 : i32
    %scan3A_14 = arith.constant 0 : i32
    %scan3A_15 = arith.constant 0 : i32
    %scan3A_16 = arith.constant 4096 : i32
    %scan3A_17 = arith.addi %scan3A_15, %scan3A_16 : i32
    %scan3A_18 = arith.constant 1 : i32
    scf.for %scan3A_474 = %scan3A_15 to %scan3A_17 step %scan3A_18  : i32 {
      %mul3A_475 = arith.constant 16 : i32
      %mul3A_476 = arith.muli %scan3A_474, %mul3A_475 : i32
      %get3A = arith.index_cast %mul3A_476 : i32 to index
      %get3A_477 = tpu.vector_load %arg4[%get3A] {strides = array<i32>} : memref<65536xf32, #tpu.memory_space<vmem>>, vector<16xf32>,
      %bitcast_convert_type3A = tpu.bitcast %get3A_477 : vector<16xf32> -> vector<16xi32>
      %shift_right_logical3A = arith.constant 18 : i32
      %shift_right_logical3A_478 = vector.broadcast %shift_right_logical3A : i32 to vector<16xi32>
      %shift_right_logical3A_479 = arith.shrui %bitcast_convert_type3A, %shift_right_logical3A_478 : vector<16xi32>
      %and3A_480 = vector.broadcast %scan3A_13 : i32 to vector<16xi32>
      %and3A_481 = arith.andi %shift_right_logical3A_479, %and3A_480 : vector<16xi32>
      %shift_right_logical3A_482 = arith.constant 31 : i32
      %shift_right_logical3A_483 = vector.broadcast %shift_right_logical3A_482 : i32 to vector<16xi32>
      %shift_right_logical3A_484 = arith.shrui %bitcast_convert_type3A, %shift_right_logical3A_483 : vector<16xi32>
      %eq3A_485 = vector.broadcast %scan3A_14 : i32 to vector<16xi32>
      %eq3A_486 = arith.cmpi eq, %shift_right_logical3A_484, %eq3A_485 : vector<16xi32>
      tpu.vector_store_idx %arg5[%and3A_481], %broadcast_in_dim3A_11 masked %eq3A_486 {add = true} : memref<4096xi32, #tpu.memory_space<vmem>>[vector<16xi32>], vector<16xi32>, vector<16xi1>
    }
    %scan3A_19 = arith.constant 4096 : i32
    %mul3A_20 = arith.constant 2 : i32
    %mul3A_21 = arith.muli %arg1, %mul3A_20 : i32
    %add3A_22 = arith.constant 1 : i32
    %add3A_23 = arith.addi %mul3A_21, %add3A_22 : i32
    %mul3A_24 = arith.constant 65536 : i32
    %mul3A_25 = arith.muli %add3A_23, %mul3A_24 : i32
    "tpu.region"() ({
      %run_scoped3A = tpu.sem_alloc : memref<!tpu.dma_semaphore, #tpu.memory_space<semaphore_mem>>
      %dma_start3A = tpu.memref_slice %arg2[%mul3A_25] : memref<2097152xf32, #tpu.memory_space<hbm>> -> memref<65536xf32, #tpu.memory_space<hbm>>
      %dma_start3A_474 = tpu.memref_slice %arg2[%mul3A_25] : memref<2097152xf32, #tpu.memory_space<hbm>> -> memref<65536xf32, #tpu.memory_space<hbm>>
      tpu.enqueue_dma source(%dma_start3A_474 : memref<65536xf32, #tpu.memory_space<hbm>>) target(%arg4 : memref<65536xf32, #tpu.memory_space<vmem>>) target_semaphore(%run_scoped3A : memref<!tpu.dma_semaphore, #tpu.memory_space<semaphore_mem>>)
      %dma_wait3A = tpu.memref_slice %arg2[%mul3A_25] : memref<2097152xf32, #tpu.memory_space<hbm>> -> memref<65536xf32, #tpu.memory_space<hbm>>
      %dma_wait3A_475 = tpu.memref_slice %arg2[%mul3A_25] : memref<2097152xf32, #tpu.memory_space<hbm>> -> memref<65536xf32, #tpu.memory_space<hbm>>
      tpu.wait_dma2 semaphore(%run_scoped3A : memref<!tpu.dma_semaphore, #tpu.memory_space<semaphore_mem>>) src(%dma_wait3A_475 : memref<65536xf32, #tpu.memory_space<hbm>>) dst(%arg4 : memref<65536xf32, #tpu.memory_space<vmem>>)
      tpu.yield
    }) : () -> ()
    %broadcast_in_dim3A_26 = arith.constant 1 : i32
    %broadcast_in_dim3A_27 = vector.broadcast %broadcast_in_dim3A_26 : i32 to vector<16xi32>
    %scan3A_28 = arith.constant 0 : i32
    %scan3A_29 = arith.constant 4095 : i32
    %scan3A_30 = arith.constant 0 : i32
    %scan3A_31 = arith.constant 0 : i32
    %scan3A_32 = arith.constant 4096 : i32
    %scan3A_33 = arith.addi %scan3A_31, %scan3A_32 : i32
    %scan3A_34 = arith.constant 1 : i32
    scf.for %scan3A_474 = %scan3A_31 to %scan3A_33 step %scan3A_34  : i32 {
      %mul3A_475 = arith.constant 16 : i32
      %mul3A_476 = arith.muli %scan3A_474, %mul3A_475 : i32
      %get3A = arith.index_cast %mul3A_476 : i32 to index
      %get3A_477 = tpu.vector_load %arg4[%get3A] {strides = array<i32>} : memref<65536xf32, #tpu.memory_space<vmem>>, vector<16xf32>,
      %bitcast_convert_type3A = tpu.bitcast %get3A_477 : vector<16xf32> -> vector<16xi32>
      %shift_right_logical3A = arith.constant 18 : i32
      %shift_right_logical3A_478 = vector.broadcast %shift_right_logical3A : i32 to vector<16xi32>
      %shift_right_logical3A_479 = arith.shrui %bitcast_convert_type3A, %shift_right_logical3A_478 : vector<16xi32>
      %and3A_480 = vector.broadcast %scan3A_29 : i32 to vector<16xi32>
      %and3A_481 = arith.andi %shift_right_logical3A_479, %and3A_480 : vector<16xi32>
      %shift_right_logical3A_482 = arith.constant 31 : i32
      %shift_right_logical3A_483 = vector.broadcast %shift_right_logical3A_482 : i32 to vector<16xi32>
      %shift_right_logical3A_484 = arith.shrui %bitcast_convert_type3A, %shift_right_logical3A_483 : vector<16xi32>
      %eq3A_485 = vector.broadcast %scan3A_30 : i32 to vector<16xi32>
      %eq3A_486 = arith.cmpi eq, %shift_right_logical3A_484, %eq3A_485 : vector<16xi32>
      tpu.vector_store_idx %arg5[%and3A_481], %broadcast_in_dim3A_27 masked %eq3A_486 {add = true} : memref<4096xi32, #tpu.memory_space<vmem>>[vector<16xi32>], vector<16xi32>, vector<16xi1>
    }
    %scan3A_35 = arith.constant 4096 : i32
    %mul3A_36 = arith.constant 4096 : i32
    %mul3A_37 = arith.muli %arg1, %mul3A_36 : i32
    "tpu.region"() ({
      %run_scoped3A = tpu.sem_alloc : memref<!tpu.dma_semaphore, #tpu.memory_space<semaphore_mem>>
      %dma_start3A = tpu.memref_slice %arg9[%mul3A_37] : memref<65536xi32, #tpu.memory_space<vmem_shared>> -> memref<4096xi32, #tpu.memory_space<vmem_shared>>
      %dma_start3A_474 = tpu.memref_slice %arg9[%mul3A_37] : memref<65536xi32, #tpu.memory_space<vmem_shared>> -> memref<4096xi32, #tpu.memory_space<vmem_shared>>
      tpu.enqueue_dma source(%arg5 : memref<4096xi32, #tpu.memory_space<vmem>>) target(%dma_start3A_474 : memref<4096xi32, #tpu.memory_space<vmem_shared>>) target_semaphore(%run_scoped3A : memref<!tpu.dma_semaphore, #tpu.memory_space<semaphore_mem>>)
      %dma_wait3A = tpu.memref_slice %arg9[%mul3A_37] : memref<65536xi32, #tpu.memory_space<vmem_shared>> -> memref<4096xi32, #tpu.memory_space<vmem_shared>>
      %dma_wait3A_475 = tpu.memref_slice %arg9[%mul3A_37] : memref<65536xi32, #tpu.memory_space<vmem_shared>> -> memref<4096xi32, #tpu.memory_space<vmem_shared>>
      tpu.wait_dma2 semaphore(%run_scoped3A : memref<!tpu.dma_semaphore, #tpu.memory_space<semaphore_mem>>) src(%arg5 : memref<4096xi32, #tpu.memory_space<vmem>>) dst(%dma_wait3A_475 : memref<4096xi32, #tpu.memory_space<vmem_shared>>)
      tpu.yield
    }) : () -> ()
    %barrier3A = arith.constant 0 : index
    tpu.barrier barrier_id(%barrier3A)
    %broadcast_in_dim3A_38 = arith.constant 0 : i32
    %broadcast_in_dim3A_39 = vector.broadcast %broadcast_in_dim3A_38 : i32 to vector<16xi32>
    %scan3A_40 = arith.constant 0 : i32
    %scan3A_41 = arith.constant 0 : i32
    %scan3A_42 = arith.constant 256 : i32
    %scan3A_43 = arith.addi %scan3A_41, %scan3A_42 : i32
    %scan3A_44 = arith.constant 1 : i32
    scf.for %scan3A_474 = %scan3A_41 to %scan3A_43 step %scan3A_44  : i32 {
      %mul3A_475 = arith.constant 16 : i32
      %mul3A_476 = arith.muli %scan3A_474, %mul3A_475 : i32
      %swap3A = arith.index_cast %mul3A_476 : i32 to index
      %swap3A_477 = tpu.vector_load %arg6[%swap3A] {strides = array<i32>} : memref<4096xi32, #tpu.memory_space<vmem>>, vector<16xi32>,
      tpu.vector_store %arg6[%swap3A], %broadcast_in_dim3A_39 {strides = array<i32>} : memref<4096xi32, #tpu.memory_space<vmem>>, vector<16xi32>,
    }
    %scan3A_45 = arith.constant 256 : i32
    "tpu.region"() ({
      %run_scoped3A = tpu.sem_alloc : memref<!tpu.dma_semaphore, #tpu.memory_space<semaphore_mem>>
      %dma_start3A = arith.constant 0 : i32
      %dma_start3A_474 = tpu.memref_slice %arg9[%dma_start3A] : memref<65536xi32, #tpu.memory_space<vmem_shared>> -> memref<4096xi32, #tpu.memory_space<vmem_shared>>
      %dma_start3A_475 = arith.constant 0 : i32
      %dma_start3A_476 = tpu.memref_slice %arg9[%dma_start3A_475] : memref<65536xi32, #tpu.memory_space<vmem_shared>> -> memref<4096xi32, #tpu.memory_space<vmem_shared>>
      tpu.enqueue_dma source(%dma_start3A_476 : memref<4096xi32, #tpu.memory_space<vmem_shared>>) target(%arg7 : memref<4096xi32, #tpu.memory_space<vmem>>) target_semaphore(%run_scoped3A : memref<!tpu.dma_semaphore, #tpu.memory_space<semaphore_mem>>)
      %dma_wait3A = arith.constant 0 : i32
      %dma_wait3A_477 = tpu.memref_slice %arg9[%dma_wait3A] : memref<65536xi32, #tpu.memory_space<vmem_shared>> -> memref<4096xi32, #tpu.memory_space<vmem_shared>>
      %dma_wait3A_478 = arith.constant 0 : i32
      %dma_wait3A_479 = tpu.memref_slice %arg9[%dma_wait3A_478] : memref<65536xi32, #tpu.memory_space<vmem_shared>> -> memref<4096xi32, #tpu.memory_space<vmem_shared>>
      tpu.wait_dma2 semaphore(%run_scoped3A : memref<!tpu.dma_semaphore, #tpu.memory_space<semaphore_mem>>) src(%dma_wait3A_479 : memref<4096xi32, #tpu.memory_space<vmem_shared>>) dst(%arg7 : memref<4096xi32, #tpu.memory_space<vmem>>)
      tpu.yield
    }) : () -> ()
    %scan3A_46 = arith.constant 0 : i32
    %scan3A_47 = arith.constant 0 : i32
    %scan3A_48 = arith.constant 256 : i32
    %scan3A_49 = arith.addi %scan3A_47, %scan3A_48 : i32
    %scan3A_50 = arith.constant 1 : i32
    scf.for %scan3A_474 = %scan3A_47 to %scan3A_49 step %scan3A_50  : i32 {
      %mul3A_475 = arith.constant 16 : i32
      %mul3A_476 = arith.muli %scan3A_474, %mul3A_475 : i32
      %get3A = arith.index_cast %mul3A_476 : i32 to index
      %get3A_477 = tpu.vector_load %arg6[%get3A] {strides = array<i32>} : memref<4096xi32, #tpu.memory_space<vmem>>, vector<16xi32>,
      %get3A_478 = arith.index_cast %mul3A_476 : i32 to index
      %get3A_479 = tpu.vector_load %arg7[%get3A_478] {strides = array<i32>} : memref<4096xi32, #tpu.memory_space<vmem>>, vector<16xi32>,
      %add3A_480 = arith.addi %get3A_477, %get3A_479 : vector<16xi32>
      %swap3A = arith.index_cast %mul3A_476 : i32 to index
      %swap3A_481 = tpu.vector_load %arg6[%swap3A] {strides = array<i32>} : memref<4096xi32, #tpu.memory_space<vmem>>, vector<16xi32>,
      tpu.vector_store %arg6[%swap3A], %add3A_480 {strides = array<i32>} : memref<4096xi32, #tpu.memory_space<vmem>>, vector<16xi32>,
    }
    %scan3A_51 = arith.constant 256 : i32
    "tpu.region"() ({
      %run_scoped3A = tpu.sem_alloc : memref<!tpu.dma_semaphore, #tpu.memory_space<semaphore_mem>>
      %dma_start3A = arith.constant 4096 : i32
      %dma_start3A_474 = tpu.memref_slice %arg9[%dma_start3A] : memref<65536xi32, #tpu.memory_space<vmem_shared>> -> memref<4096xi32, #tpu.memory_space<vmem_shared>>
      %dma_start3A_475 = arith.constant 4096 : i32
      %dma_start3A_476 = tpu.memref_slice %arg9[%dma_start3A_475] : memref<65536xi32, #tpu.memory_space<vmem_shared>> -> memref<4096xi32, #tpu.memory_space<vmem_shared>>
      tpu.enqueue_dma source(%dma_start3A_476 : memref<4096xi32, #tpu.memory_space<vmem_shared>>) target(%arg7 : memref<4096xi32, #tpu.memory_space<vmem>>) target_semaphore(%run_scoped3A : memref<!tpu.dma_semaphore, #tpu.memory_space<semaphore_mem>>)
      %dma_wait3A = arith.constant 4096 : i32
      %dma_wait3A_477 = tpu.memref_slice %arg9[%dma_wait3A] : memref<65536xi32, #tpu.memory_space<vmem_shared>> -> memref<4096xi32, #tpu.memory_space<vmem_shared>>
      %dma_wait3A_478 = arith.constant 4096 : i32
      %dma_wait3A_479 = tpu.memref_slice %arg9[%dma_wait3A_478] : memref<65536xi32, #tpu.memory_space<vmem_shared>> -> memref<4096xi32, #tpu.memory_space<vmem_shared>>
      tpu.wait_dma2 semaphore(%run_scoped3A : memref<!tpu.dma_semaphore, #tpu.memory_space<semaphore_mem>>) src(%dma_wait3A_479 : memref<4096xi32, #tpu.memory_space<vmem_shared>>) dst(%arg7 : memref<4096xi32, #tpu.memory_space<vmem>>)
      tpu.yield
    }) : () -> ()
    %scan3A_52 = arith.constant 0 : i32
    %scan3A_53 = arith.constant 0 : i32
    %scan3A_54 = arith.constant 256 : i32
    %scan3A_55 = arith.addi %scan3A_53, %scan3A_54 : i32
    %scan3A_56 = arith.constant 1 : i32
    scf.for %scan3A_474 = %scan3A_53 to %scan3A_55 step %scan3A_56  : i32 {
      %mul3A_475 = arith.constant 16 : i32
      %mul3A_476 = arith.muli %scan3A_474, %mul3A_475 : i32
      %get3A = arith.index_cast %mul3A_476 : i32 to index
      %get3A_477 = tpu.vector_load %arg6[%get3A] {strides = array<i32>} : memref<4096xi32, #tpu.memory_space<vmem>>, vector<16xi32>,
      %get3A_478 = arith.index_cast %mul3A_476 : i32 to index
      %get3A_479 = tpu.vector_load %arg7[%get3A_478] {strides = array<i32>} : memref<4096xi32, #tpu.memory_space<vmem>>, vector<16xi32>,
      %add3A_480 = arith.addi %get3A_477, %get3A_479 : vector<16xi32>
      %swap3A = arith.index_cast %mul3A_476 : i32 to index
      %swap3A_481 = tpu.vector_load %arg6[%swap3A] {strides = array<i32>} : memref<4096xi32, #tpu.memory_space<vmem>>, vector<16xi32>,
      tpu.vector_store %arg6[%swap3A], %add3A_480 {strides = array<i32>} : memref<4096xi32, #tpu.memory_space<vmem>>, vector<16xi32>,
    }
    %scan3A_57 = arith.constant 256 : i32
    "tpu.region"() ({
      %run_scoped3A = tpu.sem_alloc : memref<!tpu.dma_semaphore, #tpu.memory_space<semaphore_mem>>
      %dma_start3A = arith.constant 8192 : i32
      %dma_start3A_474 = tpu.memref_slice %arg9[%dma_start3A] : memref<65536xi32, #tpu.memory_space<vmem_shared>> -> memref<4096xi32, #tpu.memory_space<vmem_shared>>
      %dma_start3A_475 = arith.constant 8192 : i32
      %dma_start3A_476 = tpu.memref_slice %arg9[%dma_start3A_475] : memref<65536xi32, #tpu.memory_space<vmem_shared>> -> memref<4096xi32, #tpu.memory_space<vmem_shared>>
      tpu.enqueue_dma source(%dma_start3A_476 : memref<4096xi32, #tpu.memory_space<vmem_shared>>) target(%arg7 : memref<4096xi32, #tpu.memory_space<vmem>>) target_semaphore(%run_scoped3A : memref<!tpu.dma_semaphore, #tpu.memory_space<semaphore_mem>>)
      %dma_wait3A = arith.constant 8192 : i32
      %dma_wait3A_477 = tpu.memref_slice %arg9[%dma_wait3A] : memref<65536xi32, #tpu.memory_space<vmem_shared>> -> memref<4096xi32, #tpu.memory_space<vmem_shared>>
      %dma_wait3A_478 = arith.constant 8192 : i32
      %dma_wait3A_479 = tpu.memref_slice %arg9[%dma_wait3A_478] : memref<65536xi32, #tpu.memory_space<vmem_shared>> -> memref<4096xi32, #tpu.memory_space<vmem_shared>>
      tpu.wait_dma2 semaphore(%run_scoped3A : memref<!tpu.dma_semaphore, #tpu.memory_space<semaphore_mem>>) src(%dma_wait3A_479 : memref<4096xi32, #tpu.memory_space<vmem_shared>>) dst(%arg7 : memref<4096xi32, #tpu.memory_space<vmem>>)
      tpu.yield
    }) : () -> ()
    %scan3A_58 = arith.constant 0 : i32
    %scan3A_59 = arith.constant 0 : i32
    %scan3A_60 = arith.constant 256 : i32
    %scan3A_61 = arith.addi %scan3A_59, %scan3A_60 : i32
    %scan3A_62 = arith.constant 1 : i32
    scf.for %scan3A_474 = %scan3A_59 to %scan3A_61 step %scan3A_62  : i32 {
      %mul3A_475 = arith.constant 16 : i32
      %mul3A_476 = arith.muli %scan3A_474, %mul3A_475 : i32
      %get3A = arith.index_cast %mul3A_476 : i32 to index
      %get3A_477 = tpu.vector_load %arg6[%get3A] {strides = array<i32>} : memref<4096xi32, #tpu.memory_space<vmem>>, vector<16xi32>,
      %get3A_478 = arith.index_cast %mul3A_476 : i32 to index
      %get3A_479 = tpu.vector_load %arg7[%get3A_478] {strides = array<i32>} : memref<4096xi32, #tpu.memory_space<vmem>>, vector<16xi32>,
      %add3A_480 = arith.addi %get3A_477, %get3A_479 : vector<16xi32>
      %swap3A = arith.index_cast %mul3A_476 : i32 to index
      %swap3A_481 = tpu.vector_load %arg6[%swap3A] {strides = array<i32>} : memref<4096xi32, #tpu.memory_space<vmem>>, vector<16xi32>,
      tpu.vector_store %arg6[%swap3A], %add3A_480 {strides = array<i32>} : memref<4096xi32, #tpu.memory_space<vmem>>, vector<16xi32>,
    }
    %scan3A_63 = arith.constant 256 : i32
    "tpu.region"() ({
      %run_scoped3A = tpu.sem_alloc : memref<!tpu.dma_semaphore, #tpu.memory_space<semaphore_mem>>
      %dma_start3A = arith.constant 12288 : i32
      %dma_start3A_474 = tpu.memref_slice %arg9[%dma_start3A] : memref<65536xi32, #tpu.memory_space<vmem_shared>> -> memref<4096xi32, #tpu.memory_space<vmem_shared>>
      %dma_start3A_475 = arith.constant 12288 : i32
      %dma_start3A_476 = tpu.memref_slice %arg9[%dma_start3A_475] : memref<65536xi32, #tpu.memory_space<vmem_shared>> -> memref<4096xi32, #tpu.memory_space<vmem_shared>>
      tpu.enqueue_dma source(%dma_start3A_476 : memref<4096xi32, #tpu.memory_space<vmem_shared>>) target(%arg7 : memref<4096xi32, #tpu.memory_space<vmem>>) target_semaphore(%run_scoped3A : memref<!tpu.dma_semaphore, #tpu.memory_space<semaphore_mem>>)
      %dma_wait3A = arith.constant 12288 : i32
      %dma_wait3A_477 = tpu.memref_slice %arg9[%dma_wait3A] : memref<65536xi32, #tpu.memory_space<vmem_shared>> -> memref<4096xi32, #tpu.memory_space<vmem_shared>>
      %dma_wait3A_478 = arith.constant 12288 : i32
      %dma_wait3A_479 = tpu.memref_slice %arg9[%dma_wait3A_478] : memref<65536xi32, #tpu.memory_space<vmem_shared>> -> memref<4096xi32, #tpu.memory_space<vmem_shared>>
      tpu.wait_dma2 semaphore(%run_scoped3A : memref<!tpu.dma_semaphore, #tpu.memory_space<semaphore_mem>>) src(%dma_wait3A_479 : memref<4096xi32, #tpu.memory_space<vmem_shared>>) dst(%arg7 : memref<4096xi32, #tpu.memory_space<vmem>>)
      tpu.yield
    }) : () -> ()
    %scan3A_64 = arith.constant 0 : i32
    %scan3A_65 = arith.constant 0 : i32
    %scan3A_66 = arith.constant 256 : i32
    %scan3A_67 = arith.addi %scan3A_65, %scan3A_66 : i32
    %scan3A_68 = arith.constant 1 : i32
    scf.for %scan3A_474 = %scan3A_65 to %scan3A_67 step %scan3A_68  : i32 {
      %mul3A_475 = arith.constant 16 : i32
      %mul3A_476 = arith.muli %scan3A_474, %mul3A_475 : i32
      %get3A = arith.index_cast %mul3A_476 : i32 to index
      %get3A_477 = tpu.vector_load %arg6[%get3A] {strides = array<i32>} : memref<4096xi32, #tpu.memory_space<vmem>>, vector<16xi32>,
      %get3A_478 = arith.index_cast %mul3A_476 : i32 to index
      %get3A_479 = tpu.vector_load %arg7[%get3A_478] {strides = array<i32>} : memref<4096xi32, #tpu.memory_space<vmem>>, vector<16xi32>,
      %add3A_480 = arith.addi %get3A_477, %get3A_479 : vector<16xi32>
      %swap3A = arith.index_cast %mul3A_476 : i32 to index
      %swap3A_481 = tpu.vector_load %arg6[%swap3A] {strides = array<i32>} : memref<4096xi32, #tpu.memory_space<vmem>>, vector<16xi32>,
      tpu.vector_store %arg6[%swap3A], %add3A_480 {strides = array<i32>} : memref<4096xi32, #tpu.memory_space<vmem>>, vector<16xi32>,
    }
    %scan3A_69 = arith.constant 256 : i32
    "tpu.region"() ({
      %run_scoped3A = tpu.sem_alloc : memref<!tpu.dma_semaphore, #tpu.memory_space<semaphore_mem>>
      %dma_start3A = arith.constant 16384 : i32
      %dma_start3A_474 = tpu.memref_slice %arg9[%dma_start3A] : memref<65536xi32, #tpu.memory_space<vmem_shared>> -> memref<4096xi32, #tpu.memory_space<vmem_shared>>
      %dma_start3A_475 = arith.constant 16384 : i32
      %dma_start3A_476 = tpu.memref_slice %arg9[%dma_start3A_475] : memref<65536xi32, #tpu.memory_space<vmem_shared>> -> memref<4096xi32, #tpu.memory_space<vmem_shared>>
      tpu.enqueue_dma source(%dma_start3A_476 : memref<4096xi32, #tpu.memory_space<vmem_shared>>) target(%arg7 : memref<4096xi32, #tpu.memory_space<vmem>>) target_semaphore(%run_scoped3A : memref<!tpu.dma_semaphore, #tpu.memory_space<semaphore_mem>>)
      %dma_wait3A = arith.constant 16384 : i32
      %dma_wait3A_477 = tpu.memref_slice %arg9[%dma_wait3A] : memref<65536xi32, #tpu.memory_space<vmem_shared>> -> memref<4096xi32, #tpu.memory_space<vmem_shared>>
      %dma_wait3A_478 = arith.constant 16384 : i32
      %dma_wait3A_479 = tpu.memref_slice %arg9[%dma_wait3A_478] : memref<65536xi32, #tpu.memory_space<vmem_shared>> -> memref<4096xi32, #tpu.memory_space<vmem_shared>>
      tpu.wait_dma2 semaphore(%run_scoped3A : memref<!tpu.dma_semaphore, #tpu.memory_space<semaphore_mem>>) src(%dma_wait3A_479 : memref<4096xi32, #tpu.memory_space<vmem_shared>>) dst(%arg7 : memref<4096xi32, #tpu.memory_space<vmem>>)
      tpu.yield
    }) : () -> ()
    %scan3A_70 = arith.constant 0 : i32
    %scan3A_71 = arith.constant 0 : i32
    %scan3A_72 = arith.constant 256 : i32
    %scan3A_73 = arith.addi %scan3A_71, %scan3A_72 : i32
    %scan3A_74 = arith.constant 1 : i32
    scf.for %scan3A_474 = %scan3A_71 to %scan3A_73 step %scan3A_74  : i32 {
      %mul3A_475 = arith.constant 16 : i32
      %mul3A_476 = arith.muli %scan3A_474, %mul3A_475 : i32
      %get3A = arith.index_cast %mul3A_476 : i32 to index
      %get3A_477 = tpu.vector_load %arg6[%get3A] {strides = array<i32>} : memref<4096xi32, #tpu.memory_space<vmem>>, vector<16xi32>,
      %get3A_478 = arith.index_cast %mul3A_476 : i32 to index
      %get3A_479 = tpu.vector_load %arg7[%get3A_478] {strides = array<i32>} : memref<4096xi32, #tpu.memory_space<vmem>>, vector<16xi32>,
      %add3A_480 = arith.addi %get3A_477, %get3A_479 : vector<16xi32>
      %swap3A = arith.index_cast %mul3A_476 : i32 to index
      %swap3A_481 = tpu.vector_load %arg6[%swap3A] {strides = array<i32>} : memref<4096xi32, #tpu.memory_space<vmem>>, vector<16xi32>,
      tpu.vector_store %arg6[%swap3A], %add3A_480 {strides = array<i32>} : memref<4096xi32, #tpu.memory_space<vmem>>, vector<16xi32>,
    }
    %scan3A_75 = arith.constant 256 : i32
    "tpu.region"() ({
      %run_scoped3A = tpu.sem_alloc : memref<!tpu.dma_semaphore, #tpu.memory_space<semaphore_mem>>
      %dma_start3A = arith.constant 20480 : i32
      %dma_start3A_474 = tpu.memref_slice %arg9[%dma_start3A] : memref<65536xi32, #tpu.memory_space<vmem_shared>> -> memref<4096xi32, #tpu.memory_space<vmem_shared>>
      %dma_start3A_475 = arith.constant 20480 : i32
      %dma_start3A_476 = tpu.memref_slice %arg9[%dma_start3A_475] : memref<65536xi32, #tpu.memory_space<vmem_shared>> -> memref<4096xi32, #tpu.memory_space<vmem_shared>>
      tpu.enqueue_dma source(%dma_start3A_476 : memref<4096xi32, #tpu.memory_space<vmem_shared>>) target(%arg7 : memref<4096xi32, #tpu.memory_space<vmem>>) target_semaphore(%run_scoped3A : memref<!tpu.dma_semaphore, #tpu.memory_space<semaphore_mem>>)
      %dma_wait3A = arith.constant 20480 : i32
      %dma_wait3A_477 = tpu.memref_slice %arg9[%dma_wait3A] : memref<65536xi32, #tpu.memory_space<vmem_shared>> -> memref<4096xi32, #tpu.memory_space<vmem_shared>>
      %dma_wait3A_478 = arith.constant 20480 : i32
      %dma_wait3A_479 = tpu.memref_slice %arg9[%dma_wait3A_478] : memref<65536xi32, #tpu.memory_space<vmem_shared>> -> memref<4096xi32, #tpu.memory_space<vmem_shared>>
      tpu.wait_dma2 semaphore(%run_scoped3A : memref<!tpu.dma_semaphore, #tpu.memory_space<semaphore_mem>>) src(%dma_wait3A_479 : memref<4096xi32, #tpu.memory_space<vmem_shared>>) dst(%arg7 : memref<4096xi32, #tpu.memory_space<vmem>>)
      tpu.yield
    }) : () -> ()
    %scan3A_76 = arith.constant 0 : i32
    %scan3A_77 = arith.constant 0 : i32
    %scan3A_78 = arith.constant 256 : i32
    %scan3A_79 = arith.addi %scan3A_77, %scan3A_78 : i32
    %scan3A_80 = arith.constant 1 : i32
    scf.for %scan3A_474 = %scan3A_77 to %scan3A_79 step %scan3A_80  : i32 {
      %mul3A_475 = arith.constant 16 : i32
      %mul3A_476 = arith.muli %scan3A_474, %mul3A_475 : i32
      %get3A = arith.index_cast %mul3A_476 : i32 to index
      %get3A_477 = tpu.vector_load %arg6[%get3A] {strides = array<i32>} : memref<4096xi32, #tpu.memory_space<vmem>>, vector<16xi32>,
      %get3A_478 = arith.index_cast %mul3A_476 : i32 to index
      %get3A_479 = tpu.vector_load %arg7[%get3A_478] {strides = array<i32>} : memref<4096xi32, #tpu.memory_space<vmem>>, vector<16xi32>,
      %add3A_480 = arith.addi %get3A_477, %get3A_479 : vector<16xi32>
      %swap3A = arith.index_cast %mul3A_476 : i32 to index
      %swap3A_481 = tpu.vector_load %arg6[%swap3A] {strides = array<i32>} : memref<4096xi32, #tpu.memory_space<vmem>>, vector<16xi32>,
      tpu.vector_store %arg6[%swap3A], %add3A_480 {strides = array<i32>} : memref<4096xi32, #tpu.memory_space<vmem>>, vector<16xi32>,
    }
    %scan3A_81 = arith.constant 256 : i32
    "tpu.region"() ({
      %run_scoped3A = tpu.sem_alloc : memref<!tpu.dma_semaphore, #tpu.memory_space<semaphore_mem>>
      %dma_start3A = arith.constant 24576 : i32
      %dma_start3A_474 = tpu.memref_slice %arg9[%dma_start3A] : memref<65536xi32, #tpu.memory_space<vmem_shared>> -> memref<4096xi32, #tpu.memory_space<vmem_shared>>
      %dma_start3A_475 = arith.constant 24576 : i32
      %dma_start3A_476 = tpu.memref_slice %arg9[%dma_start3A_475] : memref<65536xi32, #tpu.memory_space<vmem_shared>> -> memref<4096xi32, #tpu.memory_space<vmem_shared>>
      tpu.enqueue_dma source(%dma_start3A_476 : memref<4096xi32, #tpu.memory_space<vmem_shared>>) target(%arg7 : memref<4096xi32, #tpu.memory_space<vmem>>) target_semaphore(%run_scoped3A : memref<!tpu.dma_semaphore, #tpu.memory_space<semaphore_mem>>)
      %dma_wait3A = arith.constant 24576 : i32
      %dma_wait3A_477 = tpu.memref_slice %arg9[%dma_wait3A] : memref<65536xi32, #tpu.memory_space<vmem_shared>> -> memref<4096xi32, #tpu.memory_space<vmem_shared>>
      %dma_wait3A_478 = arith.constant 24576 : i32
      %dma_wait3A_479 = tpu.memref_slice %arg9[%dma_wait3A_478] : memref<65536xi32, #tpu.memory_space<vmem_shared>> -> memref<4096xi32, #tpu.memory_space<vmem_shared>>
      tpu.wait_dma2 semaphore(%run_scoped3A : memref<!tpu.dma_semaphore, #tpu.memory_space<semaphore_mem>>) src(%dma_wait3A_479 : memref<4096xi32, #tpu.memory_space<vmem_shared>>) dst(%arg7 : memref<4096xi32, #tpu.memory_space<vmem>>)
      tpu.yield
    }) : () -> ()
    %scan3A_82 = arith.constant 0 : i32
    %scan3A_83 = arith.constant 0 : i32
    %scan3A_84 = arith.constant 256 : i32
    %scan3A_85 = arith.addi %scan3A_83, %scan3A_84 : i32
    %scan3A_86 = arith.constant 1 : i32
    scf.for %scan3A_474 = %scan3A_83 to %scan3A_85 step %scan3A_86  : i32 {
      %mul3A_475 = arith.constant 16 : i32
      %mul3A_476 = arith.muli %scan3A_474, %mul3A_475 : i32
      %get3A = arith.index_cast %mul3A_476 : i32 to index
      %get3A_477 = tpu.vector_load %arg6[%get3A] {strides = array<i32>} : memref<4096xi32, #tpu.memory_space<vmem>>, vector<16xi32>,
      %get3A_478 = arith.index_cast %mul3A_476 : i32 to index
      %get3A_479 = tpu.vector_load %arg7[%get3A_478] {strides = array<i32>} : memref<4096xi32, #tpu.memory_space<vmem>>, vector<16xi32>,
      %add3A_480 = arith.addi %get3A_477, %get3A_479 : vector<16xi32>
      %swap3A = arith.index_cast %mul3A_476 : i32 to index
      %swap3A_481 = tpu.vector_load %arg6[%swap3A] {strides = array<i32>} : memref<4096xi32, #tpu.memory_space<vmem>>, vector<16xi32>,
      tpu.vector_store %arg6[%swap3A], %add3A_480 {strides = array<i32>} : memref<4096xi32, #tpu.memory_space<vmem>>, vector<16xi32>,
    }
    %scan3A_87 = arith.constant 256 : i32
    "tpu.region"() ({
      %run_scoped3A = tpu.sem_alloc : memref<!tpu.dma_semaphore, #tpu.memory_space<semaphore_mem>>
      %dma_start3A = arith.constant 28672 : i32
      %dma_start3A_474 = tpu.memref_slice %arg9[%dma_start3A] : memref<65536xi32, #tpu.memory_space<vmem_shared>> -> memref<4096xi32, #tpu.memory_space<vmem_shared>>
      %dma_start3A_475 = arith.constant 28672 : i32
      %dma_start3A_476 = tpu.memref_slice %arg9[%dma_start3A_475] : memref<65536xi32, #tpu.memory_space<vmem_shared>> -> memref<4096xi32, #tpu.memory_space<vmem_shared>>
      tpu.enqueue_dma source(%dma_start3A_476 : memref<4096xi32, #tpu.memory_space<vmem_shared>>) target(%arg7 : memref<4096xi32, #tpu.memory_space<vmem>>) target_semaphore(%run_scoped3A : memref<!tpu.dma_semaphore, #tpu.memory_space<semaphore_mem>>)
      %dma_wait3A = arith.constant 28672 : i32
      %dma_wait3A_477 = tpu.memref_slice %arg9[%dma_wait3A] : memref<65536xi32, #tpu.memory_space<vmem_shared>> -> memref<4096xi32, #tpu.memory_space<vmem_shared>>
      %dma_wait3A_478 = arith.constant 28672 : i32
      %dma_wait3A_479 = tpu.memref_slice %arg9[%dma_wait3A_478] : memref<65536xi32, #tpu.memory_space<vmem_shared>> -> memref<4096xi32, #tpu.memory_space<vmem_shared>>
      tpu.wait_dma2 semaphore(%run_scoped3A : memref<!tpu.dma_semaphore, #tpu.memory_space<semaphore_mem>>) src(%dma_wait3A_479 : memref<4096xi32, #tpu.memory_space<vmem_shared>>) dst(%arg7 : memref<4096xi32, #tpu.memory_space<vmem>>)
      tpu.yield
    }) : () -> ()
    %scan3A_88 = arith.constant 0 : i32
    %scan3A_89 = arith.constant 0 : i32
    %scan3A_90 = arith.constant 256 : i32
    %scan3A_91 = arith.addi %scan3A_89, %scan3A_90 : i32
    %scan3A_92 = arith.constant 1 : i32
    scf.for %scan3A_474 = %scan3A_89 to %scan3A_91 step %scan3A_92  : i32 {
      %mul3A_475 = arith.constant 16 : i32
      %mul3A_476 = arith.muli %scan3A_474, %mul3A_475 : i32
      %get3A = arith.index_cast %mul3A_476 : i32 to index
      %get3A_477 = tpu.vector_load %arg6[%get3A] {strides = array<i32>} : memref<4096xi32, #tpu.memory_space<vmem>>, vector<16xi32>,
      %get3A_478 = arith.index_cast %mul3A_476 : i32 to index
      %get3A_479 = tpu.vector_load %arg7[%get3A_478] {strides = array<i32>} : memref<4096xi32, #tpu.memory_space<vmem>>, vector<16xi32>,
      %add3A_480 = arith.addi %get3A_477, %get3A_479 : vector<16xi32>
      %swap3A = arith.index_cast %mul3A_476 : i32 to index
      %swap3A_481 = tpu.vector_load %arg6[%swap3A] {strides = array<i32>} : memref<4096xi32, #tpu.memory_space<vmem>>, vector<16xi32>,
      tpu.vector_store %arg6[%swap3A], %add3A_480 {strides = array<i32>} : memref<4096xi32, #tpu.memory_space<vmem>>, vector<16xi32>,
    }
    %scan3A_93 = arith.constant 256 : i32
    "tpu.region"() ({
      %run_scoped3A = tpu.sem_alloc : memref<!tpu.dma_semaphore, #tpu.memory_space<semaphore_mem>>
      %dma_start3A = arith.constant 32768 : i32
      %dma_start3A_474 = tpu.memref_slice %arg9[%dma_start3A] : memref<65536xi32, #tpu.memory_space<vmem_shared>> -> memref<4096xi32, #tpu.memory_space<vmem_shared>>
      %dma_start3A_475 = arith.constant 32768 : i32
      %dma_start3A_476 = tpu.memref_slice %arg9[%dma_start3A_475] : memref<65536xi32, #tpu.memory_space<vmem_shared>> -> memref<4096xi32, #tpu.memory_space<vmem_shared>>
      tpu.enqueue_dma source(%dma_start3A_476 : memref<4096xi32, #tpu.memory_space<vmem_shared>>) target(%arg7 : memref<4096xi32, #tpu.memory_space<vmem>>) target_semaphore(%run_scoped3A : memref<!tpu.dma_semaphore, #tpu.memory_space<semaphore_mem>>)
      %dma_wait3A = arith.constant 32768 : i32
      %dma_wait3A_477 = tpu.memref_slice %arg9[%dma_wait3A] : memref<65536xi32, #tpu.memory_space<vmem_shared>> -> memref<4096xi32, #tpu.memory_space<vmem_shared>>
      %dma_wait3A_478 = arith.constant 32768 : i32
      %dma_wait3A_479 = tpu.memref_slice %arg9[%dma_wait3A_478] : memref<65536xi32, #tpu.memory_space<vmem_shared>> -> memref<4096xi32, #tpu.memory_space<vmem_shared>>
      tpu.wait_dma2 semaphore(%run_scoped3A : memref<!tpu.dma_semaphore, #tpu.memory_space<semaphore_mem>>) src(%dma_wait3A_479 : memref<4096xi32, #tpu.memory_space<vmem_shared>>) dst(%arg7 : memref<4096xi32, #tpu.memory_space<vmem>>)
      tpu.yield
    }) : () -> ()
    %scan3A_94 = arith.constant 0 : i32
    %scan3A_95 = arith.constant 0 : i32
    %scan3A_96 = arith.constant 256 : i32
    %scan3A_97 = arith.addi %scan3A_95, %scan3A_96 : i32
    %scan3A_98 = arith.constant 1 : i32
    scf.for %scan3A_474 = %scan3A_95 to %scan3A_97 step %scan3A_98  : i32 {
      %mul3A_475 = arith.constant 16 : i32
      %mul3A_476 = arith.muli %scan3A_474, %mul3A_475 : i32
      %get3A = arith.index_cast %mul3A_476 : i32 to index
      %get3A_477 = tpu.vector_load %arg6[%get3A] {strides = array<i32>} : memref<4096xi32, #tpu.memory_space<vmem>>, vector<16xi32>,
      %get3A_478 = arith.index_cast %mul3A_476 : i32 to index
      %get3A_479 = tpu.vector_load %arg7[%get3A_478] {strides = array<i32>} : memref<4096xi32, #tpu.memory_space<vmem>>, vector<16xi32>,
      %add3A_480 = arith.addi %get3A_477, %get3A_479 : vector<16xi32>
      %swap3A = arith.index_cast %mul3A_476 : i32 to index
      %swap3A_481 = tpu.vector_load %arg6[%swap3A] {strides = array<i32>} : memref<4096xi32, #tpu.memory_space<vmem>>, vector<16xi32>,
      tpu.vector_store %arg6[%swap3A], %add3A_480 {strides = array<i32>} : memref<4096xi32, #tpu.memory_space<vmem>>, vector<16xi32>,
    }
    %scan3A_99 = arith.constant 256 : i32
    "tpu.region"() ({
      %run_scoped3A = tpu.sem_alloc : memref<!tpu.dma_semaphore, #tpu.memory_space<semaphore_mem>>
      %dma_start3A = arith.constant 36864 : i32
      %dma_start3A_474 = tpu.memref_slice %arg9[%dma_start3A] : memref<65536xi32, #tpu.memory_space<vmem_shared>> -> memref<4096xi32, #tpu.memory_space<vmem_shared>>
      %dma_start3A_475 = arith.constant 36864 : i32
      %dma_start3A_476 = tpu.memref_slice %arg9[%dma_start3A_475] : memref<65536xi32, #tpu.memory_space<vmem_shared>> -> memref<4096xi32, #tpu.memory_space<vmem_shared>>
      tpu.enqueue_dma source(%dma_start3A_476 : memref<4096xi32, #tpu.memory_space<vmem_shared>>) target(%arg7 : memref<4096xi32, #tpu.memory_space<vmem>>) target_semaphore(%run_scoped3A : memref<!tpu.dma_semaphore, #tpu.memory_space<semaphore_mem>>)
      %dma_wait3A = arith.constant 36864 : i32
      %dma_wait3A_477 = tpu.memref_slice %arg9[%dma_wait3A] : memref<65536xi32, #tpu.memory_space<vmem_shared>> -> memref<4096xi32, #tpu.memory_space<vmem_shared>>
      %dma_wait3A_478 = arith.constant 36864 : i32
      %dma_wait3A_479 = tpu.memref_slice %arg9[%dma_wait3A_478] : memref<65536xi32, #tpu.memory_space<vmem_shared>> -> memref<4096xi32, #tpu.memory_space<vmem_shared>>
      tpu.wait_dma2 semaphore(%run_scoped3A : memref<!tpu.dma_semaphore, #tpu.memory_space<semaphore_mem>>) src(%dma_wait3A_479 : memref<4096xi32, #tpu.memory_space<vmem_shared>>) dst(%arg7 : memref<4096xi32, #tpu.memory_space<vmem>>)
      tpu.yield
    }) : () -> ()
    %scan3A_100 = arith.constant 0 : i32
    %scan3A_101 = arith.constant 0 : i32
    %scan3A_102 = arith.constant 256 : i32
    %scan3A_103 = arith.addi %scan3A_101, %scan3A_102 : i32
    %scan3A_104 = arith.constant 1 : i32
    scf.for %scan3A_474 = %scan3A_101 to %scan3A_103 step %scan3A_104  : i32 {
      %mul3A_475 = arith.constant 16 : i32
      %mul3A_476 = arith.muli %scan3A_474, %mul3A_475 : i32
      %get3A = arith.index_cast %mul3A_476 : i32 to index
      %get3A_477 = tpu.vector_load %arg6[%get3A] {strides = array<i32>} : memref<4096xi32, #tpu.memory_space<vmem>>, vector<16xi32>,
      %get3A_478 = arith.index_cast %mul3A_476 : i32 to index
      %get3A_479 = tpu.vector_load %arg7[%get3A_478] {strides = array<i32>} : memref<4096xi32, #tpu.memory_space<vmem>>, vector<16xi32>,
      %add3A_480 = arith.addi %get3A_477, %get3A_479 : vector<16xi32>
      %swap3A = arith.index_cast %mul3A_476 : i32 to index
      %swap3A_481 = tpu.vector_load %arg6[%swap3A] {strides = array<i32>} : memref<4096xi32, #tpu.memory_space<vmem>>, vector<16xi32>,
      tpu.vector_store %arg6[%swap3A], %add3A_480 {strides = array<i32>} : memref<4096xi32, #tpu.memory_space<vmem>>, vector<16xi32>,
    }
    %scan3A_105 = arith.constant 256 : i32
    "tpu.region"() ({
      %run_scoped3A = tpu.sem_alloc : memref<!tpu.dma_semaphore, #tpu.memory_space<semaphore_mem>>
      %dma_start3A = arith.constant 40960 : i32
      %dma_start3A_474 = tpu.memref_slice %arg9[%dma_start3A] : memref<65536xi32, #tpu.memory_space<vmem_shared>> -> memref<4096xi32, #tpu.memory_space<vmem_shared>>
      %dma_start3A_475 = arith.constant 40960 : i32
      %dma_start3A_476 = tpu.memref_slice %arg9[%dma_start3A_475] : memref<65536xi32, #tpu.memory_space<vmem_shared>> -> memref<4096xi32, #tpu.memory_space<vmem_shared>>
      tpu.enqueue_dma source(%dma_start3A_476 : memref<4096xi32, #tpu.memory_space<vmem_shared>>) target(%arg7 : memref<4096xi32, #tpu.memory_space<vmem>>) target_semaphore(%run_scoped3A : memref<!tpu.dma_semaphore, #tpu.memory_space<semaphore_mem>>)
      %dma_wait3A = arith.constant 40960 : i32
      %dma_wait3A_477 = tpu.memref_slice %arg9[%dma_wait3A] : memref<65536xi32, #tpu.memory_space<vmem_shared>> -> memref<4096xi32, #tpu.memory_space<vmem_shared>>
      %dma_wait3A_478 = arith.constant 40960 : i32
      %dma_wait3A_479 = tpu.memref_slice %arg9[%dma_wait3A_478] : memref<65536xi32, #tpu.memory_space<vmem_shared>> -> memref<4096xi32, #tpu.memory_space<vmem_shared>>
      tpu.wait_dma2 semaphore(%run_scoped3A : memref<!tpu.dma_semaphore, #tpu.memory_space<semaphore_mem>>) src(%dma_wait3A_479 : memref<4096xi32, #tpu.memory_space<vmem_shared>>) dst(%arg7 : memref<4096xi32, #tpu.memory_space<vmem>>)
      tpu.yield
    }) : () -> ()
    %scan3A_106 = arith.constant 0 : i32
    %scan3A_107 = arith.constant 0 : i32
    %scan3A_108 = arith.constant 256 : i32
    %scan3A_109 = arith.addi %scan3A_107, %scan3A_108 : i32
    %scan3A_110 = arith.constant 1 : i32
    scf.for %scan3A_474 = %scan3A_107 to %scan3A_109 step %scan3A_110  : i32 {
      %mul3A_475 = arith.constant 16 : i32
      %mul3A_476 = arith.muli %scan3A_474, %mul3A_475 : i32
      %get3A = arith.index_cast %mul3A_476 : i32 to index
      %get3A_477 = tpu.vector_load %arg6[%get3A] {strides = array<i32>} : memref<4096xi32, #tpu.memory_space<vmem>>, vector<16xi32>,
      %get3A_478 = arith.index_cast %mul3A_476 : i32 to index
      %get3A_479 = tpu.vector_load %arg7[%get3A_478] {strides = array<i32>} : memref<4096xi32, #tpu.memory_space<vmem>>, vector<16xi32>,
      %add3A_480 = arith.addi %get3A_477, %get3A_479 : vector<16xi32>
      %swap3A = arith.index_cast %mul3A_476 : i32 to index
      %swap3A_481 = tpu.vector_load %arg6[%swap3A] {strides = array<i32>} : memref<4096xi32, #tpu.memory_space<vmem>>, vector<16xi32>,
      tpu.vector_store %arg6[%swap3A], %add3A_480 {strides = array<i32>} : memref<4096xi32, #tpu.memory_space<vmem>>, vector<16xi32>,
    }
    %scan3A_111 = arith.constant 256 : i32
    "tpu.region"() ({
      %run_scoped3A = tpu.sem_alloc : memref<!tpu.dma_semaphore, #tpu.memory_space<semaphore_mem>>
      %dma_start3A = arith.constant 45056 : i32
      %dma_start3A_474 = tpu.memref_slice %arg9[%dma_start3A] : memref<65536xi32, #tpu.memory_space<vmem_shared>> -> memref<4096xi32, #tpu.memory_space<vmem_shared>>
      %dma_start3A_475 = arith.constant 45056 : i32
      %dma_start3A_476 = tpu.memref_slice %arg9[%dma_start3A_475] : memref<65536xi32, #tpu.memory_space<vmem_shared>> -> memref<4096xi32, #tpu.memory_space<vmem_shared>>
      tpu.enqueue_dma source(%dma_start3A_476 : memref<4096xi32, #tpu.memory_space<vmem_shared>>) target(%arg7 : memref<4096xi32, #tpu.memory_space<vmem>>) target_semaphore(%run_scoped3A : memref<!tpu.dma_semaphore, #tpu.memory_space<semaphore_mem>>)
      %dma_wait3A = arith.constant 45056 : i32
      %dma_wait3A_477 = tpu.memref_slice %arg9[%dma_wait3A] : memref<65536xi32, #tpu.memory_space<vmem_shared>> -> memref<4096xi32, #tpu.memory_space<vmem_shared>>
      %dma_wait3A_478 = arith.constant 45056 : i32
      %dma_wait3A_479 = tpu.memref_slice %arg9[%dma_wait3A_478] : memref<65536xi32, #tpu.memory_space<vmem_shared>> -> memref<4096xi32, #tpu.memory_space<vmem_shared>>
      tpu.wait_dma2 semaphore(%run_scoped3A : memref<!tpu.dma_semaphore, #tpu.memory_space<semaphore_mem>>) src(%dma_wait3A_479 : memref<4096xi32, #tpu.memory_space<vmem_shared>>) dst(%arg7 : memref<4096xi32, #tpu.memory_space<vmem>>)
      tpu.yield
    }) : () -> ()
    %scan3A_112 = arith.constant 0 : i32
    %scan3A_113 = arith.constant 0 : i32
    %scan3A_114 = arith.constant 256 : i32
    %scan3A_115 = arith.addi %scan3A_113, %scan3A_114 : i32
    %scan3A_116 = arith.constant 1 : i32
    scf.for %scan3A_474 = %scan3A_113 to %scan3A_115 step %scan3A_116  : i32 {
      %mul3A_475 = arith.constant 16 : i32
      %mul3A_476 = arith.muli %scan3A_474, %mul3A_475 : i32
      %get3A = arith.index_cast %mul3A_476 : i32 to index
      %get3A_477 = tpu.vector_load %arg6[%get3A] {strides = array<i32>} : memref<4096xi32, #tpu.memory_space<vmem>>, vector<16xi32>,
      %get3A_478 = arith.index_cast %mul3A_476 : i32 to index
      %get3A_479 = tpu.vector_load %arg7[%get3A_478] {strides = array<i32>} : memref<4096xi32, #tpu.memory_space<vmem>>, vector<16xi32>,
      %add3A_480 = arith.addi %get3A_477, %get3A_479 : vector<16xi32>
      %swap3A = arith.index_cast %mul3A_476 : i32 to index
      %swap3A_481 = tpu.vector_load %arg6[%swap3A] {strides = array<i32>} : memref<4096xi32, #tpu.memory_space<vmem>>, vector<16xi32>,
      tpu.vector_store %arg6[%swap3A], %add3A_480 {strides = array<i32>} : memref<4096xi32, #tpu.memory_space<vmem>>, vector<16xi32>,
    }
    %scan3A_117 = arith.constant 256 : i32
    "tpu.region"() ({
      %run_scoped3A = tpu.sem_alloc : memref<!tpu.dma_semaphore, #tpu.memory_space<semaphore_mem>>
      %dma_start3A = arith.constant 49152 : i32
      %dma_start3A_474 = tpu.memref_slice %arg9[%dma_start3A] : memref<65536xi32, #tpu.memory_space<vmem_shared>> -> memref<4096xi32, #tpu.memory_space<vmem_shared>>
      %dma_start3A_475 = arith.constant 49152 : i32
      %dma_start3A_476 = tpu.memref_slice %arg9[%dma_start3A_475] : memref<65536xi32, #tpu.memory_space<vmem_shared>> -> memref<4096xi32, #tpu.memory_space<vmem_shared>>
      tpu.enqueue_dma source(%dma_start3A_476 : memref<4096xi32, #tpu.memory_space<vmem_shared>>) target(%arg7 : memref<4096xi32, #tpu.memory_space<vmem>>) target_semaphore(%run_scoped3A : memref<!tpu.dma_semaphore, #tpu.memory_space<semaphore_mem>>)
      %dma_wait3A = arith.constant 49152 : i32
      %dma_wait3A_477 = tpu.memref_slice %arg9[%dma_wait3A] : memref<65536xi32, #tpu.memory_space<vmem_shared>> -> memref<4096xi32, #tpu.memory_space<vmem_shared>>
      %dma_wait3A_478 = arith.constant 49152 : i32
      %dma_wait3A_479 = tpu.memref_slice %arg9[%dma_wait3A_478] : memref<65536xi32, #tpu.memory_space<vmem_shared>> -> memref<4096xi32, #tpu.memory_space<vmem_shared>>
      tpu.wait_dma2 semaphore(%run_scoped3A : memref<!tpu.dma_semaphore, #tpu.memory_space<semaphore_mem>>) src(%dma_wait3A_479 : memref<4096xi32, #tpu.memory_space<vmem_shared>>) dst(%arg7 : memref<4096xi32, #tpu.memory_space<vmem>>)
      tpu.yield
    }) : () -> ()
    %scan3A_118 = arith.constant 0 : i32
    %scan3A_119 = arith.constant 0 : i32
    %scan3A_120 = arith.constant 256 : i32
    %scan3A_121 = arith.addi %scan3A_119, %scan3A_120 : i32
    %scan3A_122 = arith.constant 1 : i32
    scf.for %scan3A_474 = %scan3A_119 to %scan3A_121 step %scan3A_122  : i32 {
      %mul3A_475 = arith.constant 16 : i32
      %mul3A_476 = arith.muli %scan3A_474, %mul3A_475 : i32
      %get3A = arith.index_cast %mul3A_476 : i32 to index
      %get3A_477 = tpu.vector_load %arg6[%get3A] {strides = array<i32>} : memref<4096xi32, #tpu.memory_space<vmem>>, vector<16xi32>,
      %get3A_478 = arith.index_cast %mul3A_476 : i32 to index
      %get3A_479 = tpu.vector_load %arg7[%get3A_478] {strides = array<i32>} : memref<4096xi32, #tpu.memory_space<vmem>>, vector<16xi32>,
      %add3A_480 = arith.addi %get3A_477, %get3A_479 : vector<16xi32>
      %swap3A = arith.index_cast %mul3A_476 : i32 to index
      %swap3A_481 = tpu.vector_load %arg6[%swap3A] {strides = array<i32>} : memref<4096xi32, #tpu.memory_space<vmem>>, vector<16xi32>,
      tpu.vector_store %arg6[%swap3A], %add3A_480 {strides = array<i32>} : memref<4096xi32, #tpu.memory_space<vmem>>, vector<16xi32>,
    }
    %scan3A_123 = arith.constant 256 : i32
    "tpu.region"() ({
      %run_scoped3A = tpu.sem_alloc : memref<!tpu.dma_semaphore, #tpu.memory_space<semaphore_mem>>
      %dma_start3A = arith.constant 53248 : i32
      %dma_start3A_474 = tpu.memref_slice %arg9[%dma_start3A] : memref<65536xi32, #tpu.memory_space<vmem_shared>> -> memref<4096xi32, #tpu.memory_space<vmem_shared>>
      %dma_start3A_475 = arith.constant 53248 : i32
      %dma_start3A_476 = tpu.memref_slice %arg9[%dma_start3A_475] : memref<65536xi32, #tpu.memory_space<vmem_shared>> -> memref<4096xi32, #tpu.memory_space<vmem_shared>>
      tpu.enqueue_dma source(%dma_start3A_476 : memref<4096xi32, #tpu.memory_space<vmem_shared>>) target(%arg7 : memref<4096xi32, #tpu.memory_space<vmem>>) target_semaphore(%run_scoped3A : memref<!tpu.dma_semaphore, #tpu.memory_space<semaphore_mem>>)
      %dma_wait3A = arith.constant 53248 : i32
      %dma_wait3A_477 = tpu.memref_slice %arg9[%dma_wait3A] : memref<65536xi32, #tpu.memory_space<vmem_shared>> -> memref<4096xi32, #tpu.memory_space<vmem_shared>>
      %dma_wait3A_478 = arith.constant 53248 : i32
      %dma_wait3A_479 = tpu.memref_slice %arg9[%dma_wait3A_478] : memref<65536xi32, #tpu.memory_space<vmem_shared>> -> memref<4096xi32, #tpu.memory_space<vmem_shared>>
      tpu.wait_dma2 semaphore(%run_scoped3A : memref<!tpu.dma_semaphore, #tpu.memory_space<semaphore_mem>>) src(%dma_wait3A_479 : memref<4096xi32, #tpu.memory_space<vmem_shared>>) dst(%arg7 : memref<4096xi32, #tpu.memory_space<vmem>>)
      tpu.yield
    }) : () -> ()
    %scan3A_124 = arith.constant 0 : i32
    %scan3A_125 = arith.constant 0 : i32
    %scan3A_126 = arith.constant 256 : i32
    %scan3A_127 = arith.addi %scan3A_125, %scan3A_126 : i32
    %scan3A_128 = arith.constant 1 : i32
    scf.for %scan3A_474 = %scan3A_125 to %scan3A_127 step %scan3A_128  : i32 {
      %mul3A_475 = arith.constant 16 : i32
      %mul3A_476 = arith.muli %scan3A_474, %mul3A_475 : i32
      %get3A = arith.index_cast %mul3A_476 : i32 to index
      %get3A_477 = tpu.vector_load %arg6[%get3A] {strides = array<i32>} : memref<4096xi32, #tpu.memory_space<vmem>>, vector<16xi32>,
      %get3A_478 = arith.index_cast %mul3A_476 : i32 to index
      %get3A_479 = tpu.vector_load %arg7[%get3A_478] {strides = array<i32>} : memref<4096xi32, #tpu.memory_space<vmem>>, vector<16xi32>,
      %add3A_480 = arith.addi %get3A_477, %get3A_479 : vector<16xi32>
      %swap3A = arith.index_cast %mul3A_476 : i32 to index
      %swap3A_481 = tpu.vector_load %arg6[%swap3A] {strides = array<i32>} : memref<4096xi32, #tpu.memory_space<vmem>>, vector<16xi32>,
      tpu.vector_store %arg6[%swap3A], %add3A_480 {strides = array<i32>} : memref<4096xi32, #tpu.memory_space<vmem>>, vector<16xi32>,
    }
    %scan3A_129 = arith.constant 256 : i32
    "tpu.region"() ({
      %run_scoped3A = tpu.sem_alloc : memref<!tpu.dma_semaphore, #tpu.memory_space<semaphore_mem>>
      %dma_start3A = arith.constant 57344 : i32
      %dma_start3A_474 = tpu.memref_slice %arg9[%dma_start3A] : memref<65536xi32, #tpu.memory_space<vmem_shared>> -> memref<4096xi32, #tpu.memory_space<vmem_shared>>
      %dma_start3A_475 = arith.constant 57344 : i32
      %dma_start3A_476 = tpu.memref_slice %arg9[%dma_start3A_475] : memref<65536xi32, #tpu.memory_space<vmem_shared>> -> memref<4096xi32, #tpu.memory_space<vmem_shared>>
      tpu.enqueue_dma source(%dma_start3A_476 : memref<4096xi32, #tpu.memory_space<vmem_shared>>) target(%arg7 : memref<4096xi32, #tpu.memory_space<vmem>>) target_semaphore(%run_scoped3A : memref<!tpu.dma_semaphore, #tpu.memory_space<semaphore_mem>>)
      %dma_wait3A = arith.constant 57344 : i32
      %dma_wait3A_477 = tpu.memref_slice %arg9[%dma_wait3A] : memref<65536xi32, #tpu.memory_space<vmem_shared>> -> memref<4096xi32, #tpu.memory_space<vmem_shared>>
      %dma_wait3A_478 = arith.constant 57344 : i32
      %dma_wait3A_479 = tpu.memref_slice %arg9[%dma_wait3A_478] : memref<65536xi32, #tpu.memory_space<vmem_shared>> -> memref<4096xi32, #tpu.memory_space<vmem_shared>>
      tpu.wait_dma2 semaphore(%run_scoped3A : memref<!tpu.dma_semaphore, #tpu.memory_space<semaphore_mem>>) src(%dma_wait3A_479 : memref<4096xi32, #tpu.memory_space<vmem_shared>>) dst(%arg7 : memref<4096xi32, #tpu.memory_space<vmem>>)
      tpu.yield
    }) : () -> ()
    %scan3A_130 = arith.constant 0 : i32
    %scan3A_131 = arith.constant 0 : i32
    %scan3A_132 = arith.constant 256 : i32
    %scan3A_133 = arith.addi %scan3A_131, %scan3A_132 : i32
    %scan3A_134 = arith.constant 1 : i32
    scf.for %scan3A_474 = %scan3A_131 to %scan3A_133 step %scan3A_134  : i32 {
      %mul3A_475 = arith.constant 16 : i32
      %mul3A_476 = arith.muli %scan3A_474, %mul3A_475 : i32
      %get3A = arith.index_cast %mul3A_476 : i32 to index
      %get3A_477 = tpu.vector_load %arg6[%get3A] {strides = array<i32>} : memref<4096xi32, #tpu.memory_space<vmem>>, vector<16xi32>,
      %get3A_478 = arith.index_cast %mul3A_476 : i32 to index
      %get3A_479 = tpu.vector_load %arg7[%get3A_478] {strides = array<i32>} : memref<4096xi32, #tpu.memory_space<vmem>>, vector<16xi32>,
      %add3A_480 = arith.addi %get3A_477, %get3A_479 : vector<16xi32>
      %swap3A = arith.index_cast %mul3A_476 : i32 to index
      %swap3A_481 = tpu.vector_load %arg6[%swap3A] {strides = array<i32>} : memref<4096xi32, #tpu.memory_space<vmem>>, vector<16xi32>,
      tpu.vector_store %arg6[%swap3A], %add3A_480 {strides = array<i32>} : memref<4096xi32, #tpu.memory_space<vmem>>, vector<16xi32>,
    }
    %scan3A_135 = arith.constant 256 : i32
    "tpu.region"() ({
      %run_scoped3A = tpu.sem_alloc : memref<!tpu.dma_semaphore, #tpu.memory_space<semaphore_mem>>
      %dma_start3A = arith.constant 61440 : i32
      %dma_start3A_474 = tpu.memref_slice %arg9[%dma_start3A] : memref<65536xi32, #tpu.memory_space<vmem_shared>> -> memref<4096xi32, #tpu.memory_space<vmem_shared>>
      %dma_start3A_475 = arith.constant 61440 : i32
      %dma_start3A_476 = tpu.memref_slice %arg9[%dma_start3A_475] : memref<65536xi32, #tpu.memory_space<vmem_shared>> -> memref<4096xi32, #tpu.memory_space<vmem_shared>>
      tpu.enqueue_dma source(%dma_start3A_476 : memref<4096xi32, #tpu.memory_space<vmem_shared>>) target(%arg7 : memref<4096xi32, #tpu.memory_space<vmem>>) target_semaphore(%run_scoped3A : memref<!tpu.dma_semaphore, #tpu.memory_space<semaphore_mem>>)
      %dma_wait3A = arith.constant 61440 : i32
      %dma_wait3A_477 = tpu.memref_slice %arg9[%dma_wait3A] : memref<65536xi32, #tpu.memory_space<vmem_shared>> -> memref<4096xi32, #tpu.memory_space<vmem_shared>>
      %dma_wait3A_478 = arith.constant 61440 : i32
      %dma_wait3A_479 = tpu.memref_slice %arg9[%dma_wait3A_478] : memref<65536xi32, #tpu.memory_space<vmem_shared>> -> memref<4096xi32, #tpu.memory_space<vmem_shared>>
      tpu.wait_dma2 semaphore(%run_scoped3A : memref<!tpu.dma_semaphore, #tpu.memory_space<semaphore_mem>>) src(%dma_wait3A_479 : memref<4096xi32, #tpu.memory_space<vmem_shared>>) dst(%arg7 : memref<4096xi32, #tpu.memory_space<vmem>>)
      tpu.yield
    }) : () -> ()
    %scan3A_136 = arith.constant 0 : i32
    %scan3A_137 = arith.constant 0 : i32
    %scan3A_138 = arith.constant 256 : i32
    %scan3A_139 = arith.addi %scan3A_137, %scan3A_138 : i32
    %scan3A_140 = arith.constant 1 : i32
    scf.for %scan3A_474 = %scan3A_137 to %scan3A_139 step %scan3A_140  : i32 {
      %mul3A_475 = arith.constant 16 : i32
      %mul3A_476 = arith.muli %scan3A_474, %mul3A_475 : i32
      %get3A = arith.index_cast %mul3A_476 : i32 to index
      %get3A_477 = tpu.vector_load %arg6[%get3A] {strides = array<i32>} : memref<4096xi32, #tpu.memory_space<vmem>>, vector<16xi32>,
      %get3A_478 = arith.index_cast %mul3A_476 : i32 to index
      %get3A_479 = tpu.vector_load %arg7[%get3A_478] {strides = array<i32>} : memref<4096xi32, #tpu.memory_space<vmem>>, vector<16xi32>,
      %add3A_480 = arith.addi %get3A_477, %get3A_479 : vector<16xi32>
      %swap3A = arith.index_cast %mul3A_476 : i32 to index
      %swap3A_481 = tpu.vector_load %arg6[%swap3A] {strides = array<i32>} : memref<4096xi32, #tpu.memory_space<vmem>>, vector<16xi32>,
      tpu.vector_store %arg6[%swap3A], %add3A_480 {strides = array<i32>} : memref<4096xi32, #tpu.memory_space<vmem>>, vector<16xi32>,
    }
    %scan3A_141 = arith.constant 256 : i32
    %barrier3A_142 = arith.constant 0 : index
    tpu.barrier barrier_id(%barrier3A_142)
    %scan3A_143 = arith.constant 100000 : i32
    %scan3A_144 = arith.constant 0 : i32
    %scan3A_145 = arith.constant -1 : i32
    %scan3A_146 = arith.constant 0 : i32
    %scan3A_147 = arith.constant 0 : i32
    %scan3A_148 = arith.constant 256 : i32
    %scan3A_149 = arith.addi %scan3A_147, %scan3A_148 : i32
    %scan3A_150 = arith.constant 1 : i32
    %scan3A_151:3 = scf.for %scan3A_474 = %scan3A_147 to %scan3A_149 step %scan3A_150 iter_args(%scan3A_475 = %scan3A_144, %scan3A_476 = %scan3A_145, %scan3A_477 = %scan3A_146) -> (i32, i32, i32)  : i32 {
      %mul3A_478 = arith.constant 16 : i32
      %mul3A_479 = arith.muli %scan3A_474, %mul3A_478 : i32
      %get3A = arith.index_cast %mul3A_479 : i32 to index
      %get3A_480 = tpu.vector_load %arg6[%get3A] {strides = array<i32>} : memref<4096xi32, #tpu.memory_space<vmem>>, vector<16xi32>,
      %broadcast_in_dim3A_481 = arith.constant true
      %broadcast_in_dim3A_482 = vector.broadcast %broadcast_in_dim3A_481 : i1 to vector<16xi1>
      %masked_cumsum3A = tpu.scan <sum>, %get3A_480 masked %broadcast_in_dim3A_482 : vector<16xi32>, vector<16xi1> -> vector<16xi32>
      %add3A_483 = vector.broadcast %scan3A_475 : i32 to vector<16xi32>
      %add3A_484 = arith.addi %add3A_483, %masked_cumsum3A : vector<16xi32>
      %gt3A = vector.broadcast %scan3A_143 : i32 to vector<16xi32>
      %gt3A_485 = arith.cmpi sgt, %add3A_484, %gt3A : vector<16xi32>
      %jit3A = arith.constant 0 : i32
      %jit3A_486 = arith.constant 1 : i32
      %broadcast_in_dim3A_487 = vector.broadcast %jit3A : i32 to vector<16xi32>
      %broadcast_in_dim3A_488 = vector.broadcast %jit3A_486 : i32 to vector<16xi32>
      %select_n3A = arith.select %gt3A_485, %broadcast_in_dim3A_487, %broadcast_in_dim3A_488 : vector<16xi1>, vector<16xi32>
      %reduce_sum3A = arith.constant true
      %reduce_sum3A_489 = vector.broadcast %reduce_sum3A : i1 to vector<16xi1>
      %reduce_sum3A_490 = tpu.scan <sum>, %select_n3A masked %reduce_sum3A_489 : vector<16xi32>, vector<16xi1> -> vector<16xi32>
      %reduce_sum3A_491 = vector.extract %reduce_sum3A_490[15] : i32 from vector<16xi32>
      %jit3A_492 = arith.constant 0 : i32
      %broadcast_in_dim3A_493 = vector.broadcast %jit3A_492 : i32 to vector<16xi32>
      %select_n3A_494 = arith.select %gt3A_485, %broadcast_in_dim3A_493, %get3A_480 : vector<16xi1>, vector<16xi32>
      %reduce_sum3A_495 = arith.constant true
      %reduce_sum3A_496 = vector.broadcast %reduce_sum3A_495 : i1 to vector<16xi1>
      %reduce_sum3A_497 = tpu.scan <sum>, %select_n3A_494 masked %reduce_sum3A_496 : vector<16xi32>, vector<16xi1> -> vector<16xi32>
      %reduce_sum3A_498 = vector.extract %reduce_sum3A_497[15] : i32 from vector<16xi32>
      %add3A_499 = arith.addi %scan3A_475, %reduce_sum3A_498 : i32
      %lt3A = arith.constant 0 : i32
      %lt3A_500 = arith.cmpi slt, %scan3A_476, %lt3A : i32
      %lt3A_501 = arith.constant 16 : i32
      %lt3A_502 = arith.cmpi slt, %reduce_sum3A_491, %lt3A_501 : i32
      %and3A_503 = arith.andi %lt3A_500, %lt3A_502 : i1
      %mul3A_504 = arith.constant 16 : i32
      %mul3A_505 = arith.muli %scan3A_474, %mul3A_504 : i32
      %add3A_506 = arith.addi %mul3A_505, %reduce_sum3A_491 : i32
      %select_n3A_507 = arith.select %and3A_503, %add3A_506, %scan3A_476 : i32
      %sub3A = arith.subi %scan3A_143, %add3A_499 : i32
      %select_n3A_508 = arith.select %and3A_503, %sub3A, %scan3A_477 : i32
      %reduce_sum3A_509 = arith.constant true
      %reduce_sum3A_510 = vector.broadcast %reduce_sum3A_509 : i1 to vector<16xi1>
      %reduce_sum3A_511 = tpu.scan <sum>, %get3A_480 masked %reduce_sum3A_510 : vector<16xi32>, vector<16xi1> -> vector<16xi32>
      %reduce_sum3A_512 = vector.extract %reduce_sum3A_511[15] : i32 from vector<16xi32>
      %add3A_513 = arith.addi %scan3A_475, %reduce_sum3A_512 : i32
      scf.yield %add3A_513, %select_n3A_507, %select_n3A_508 : i32, i32, i32
    }
    %scan3A_152 = arith.constant 256 : i32
    %broadcast_in_dim3A_153 = arith.constant 0 : i32
    %broadcast_in_dim3A_154 = vector.broadcast %broadcast_in_dim3A_153 : i32 to vector<16xi32>
    %scan3A_155 = arith.constant 0 : i32
    %scan3A_156 = arith.constant 0 : i32
    %scan3A_157 = arith.constant 256 : i32
    %scan3A_158 = arith.addi %scan3A_156, %scan3A_157 : i32
    %scan3A_159 = arith.constant 1 : i32
    scf.for %scan3A_474 = %scan3A_156 to %scan3A_158 step %scan3A_159  : i32 {
      %mul3A_475 = arith.constant 16 : i32
      %mul3A_476 = arith.muli %scan3A_474, %mul3A_475 : i32
      %swap3A = arith.index_cast %mul3A_476 : i32 to index
      %swap3A_477 = tpu.vector_load %arg5[%swap3A] {strides = array<i32>} : memref<4096xi32, #tpu.memory_space<vmem>>, vector<16xi32>,
      tpu.vector_store %arg5[%swap3A], %broadcast_in_dim3A_154 {strides = array<i32>} : memref<4096xi32, #tpu.memory_space<vmem>>, vector<16xi32>,
    }
    %scan3A_160 = arith.constant 256 : i32
    %mul3A_161 = arith.constant 2 : i32
    %mul3A_162 = arith.muli %arg1, %mul3A_161 : i32
    %add3A_163 = arith.constant 0 : i32
    %add3A_164 = arith.addi %mul3A_162, %add3A_163 : i32
    %mul3A_165 = arith.constant 65536 : i32
    %mul3A_166 = arith.muli %add3A_164, %mul3A_165 : i32
    "tpu.region"() ({
      %run_scoped3A = tpu.sem_alloc : memref<!tpu.dma_semaphore, #tpu.memory_space<semaphore_mem>>
      %dma_start3A = tpu.memref_slice %arg2[%mul3A_166] : memref<2097152xf32, #tpu.memory_space<hbm>> -> memref<65536xf32, #tpu.memory_space<hbm>>
      %dma_start3A_474 = tpu.memref_slice %arg2[%mul3A_166] : memref<2097152xf32, #tpu.memory_space<hbm>> -> memref<65536xf32, #tpu.memory_space<hbm>>
      tpu.enqueue_dma source(%dma_start3A_474 : memref<65536xf32, #tpu.memory_space<hbm>>) target(%arg4 : memref<65536xf32, #tpu.memory_space<vmem>>) target_semaphore(%run_scoped3A : memref<!tpu.dma_semaphore, #tpu.memory_space<semaphore_mem>>)
      %dma_wait3A = tpu.memref_slice %arg2[%mul3A_166] : memref<2097152xf32, #tpu.memory_space<hbm>> -> memref<65536xf32, #tpu.memory_space<hbm>>
      %dma_wait3A_475 = tpu.memref_slice %arg2[%mul3A_166] : memref<2097152xf32, #tpu.memory_space<hbm>> -> memref<65536xf32, #tpu.memory_space<hbm>>
      tpu.wait_dma2 semaphore(%run_scoped3A : memref<!tpu.dma_semaphore, #tpu.memory_space<semaphore_mem>>) src(%dma_wait3A_475 : memref<65536xf32, #tpu.memory_space<hbm>>) dst(%arg4 : memref<65536xf32, #tpu.memory_space<vmem>>)
      tpu.yield
    }) : () -> ()
    %broadcast_in_dim3A_167 = arith.constant 1 : i32
    %broadcast_in_dim3A_168 = vector.broadcast %broadcast_in_dim3A_167 : i32 to vector<16xi32>
    %scan3A_169 = arith.constant 0 : i32
    %scan3A_170 = arith.constant 4095 : i32
    %scan3A_171 = arith.constant 0 : i32
    %scan3A_172 = arith.constant 4096 : i32
    %scan3A_173 = arith.addi %scan3A_171, %scan3A_172 : i32
    %scan3A_174 = arith.constant 1 : i32
    scf.for %scan3A_474 = %scan3A_171 to %scan3A_173 step %scan3A_174  : i32 {
      %mul3A_475 = arith.constant 16 : i32
      %mul3A_476 = arith.muli %scan3A_474, %mul3A_475 : i32
      %get3A = arith.index_cast %mul3A_476 : i32 to index
      %get3A_477 = tpu.vector_load %arg4[%get3A] {strides = array<i32>} : memref<65536xf32, #tpu.memory_space<vmem>>, vector<16xf32>,
      %bitcast_convert_type3A = tpu.bitcast %get3A_477 : vector<16xf32> -> vector<16xi32>
      %shift_right_logical3A = arith.constant 6 : i32
      %shift_right_logical3A_478 = vector.broadcast %shift_right_logical3A : i32 to vector<16xi32>
      %shift_right_logical3A_479 = arith.shrui %bitcast_convert_type3A, %shift_right_logical3A_478 : vector<16xi32>
      %and3A_480 = vector.broadcast %scan3A_170 : i32 to vector<16xi32>
      %and3A_481 = arith.andi %shift_right_logical3A_479, %and3A_480 : vector<16xi32>
      %shift_right_logical3A_482 = arith.constant 18 : i32
      %shift_right_logical3A_483 = vector.broadcast %shift_right_logical3A_482 : i32 to vector<16xi32>
      %shift_right_logical3A_484 = arith.shrui %bitcast_convert_type3A, %shift_right_logical3A_483 : vector<16xi32>
      %eq3A_485 = vector.broadcast %scan3A_151#1 : i32 to vector<16xi32>
      %eq3A_486 = arith.cmpi eq, %shift_right_logical3A_484, %eq3A_485 : vector<16xi32>
      tpu.vector_store_idx %arg5[%and3A_481], %broadcast_in_dim3A_168 masked %eq3A_486 {add = true} : memref<4096xi32, #tpu.memory_space<vmem>>[vector<16xi32>], vector<16xi32>, vector<16xi1>
    }
    %scan3A_175 = arith.constant 4096 : i32
    %mul3A_176 = arith.constant 2 : i32
    %mul3A_177 = arith.muli %arg1, %mul3A_176 : i32
    %add3A_178 = arith.constant 1 : i32
    %add3A_179 = arith.addi %mul3A_177, %add3A_178 : i32
    %mul3A_180 = arith.constant 65536 : i32
    %mul3A_181 = arith.muli %add3A_179, %mul3A_180 : i32
    "tpu.region"() ({
      %run_scoped3A = tpu.sem_alloc : memref<!tpu.dma_semaphore, #tpu.memory_space<semaphore_mem>>
      %dma_start3A = tpu.memref_slice %arg2[%mul3A_181] : memref<2097152xf32, #tpu.memory_space<hbm>> -> memref<65536xf32, #tpu.memory_space<hbm>>
      %dma_start3A_474 = tpu.memref_slice %arg2[%mul3A_181] : memref<2097152xf32, #tpu.memory_space<hbm>> -> memref<65536xf32, #tpu.memory_space<hbm>>
      tpu.enqueue_dma source(%dma_start3A_474 : memref<65536xf32, #tpu.memory_space<hbm>>) target(%arg4 : memref<65536xf32, #tpu.memory_space<vmem>>) target_semaphore(%run_scoped3A : memref<!tpu.dma_semaphore, #tpu.memory_space<semaphore_mem>>)
      %dma_wait3A = tpu.memref_slice %arg2[%mul3A_181] : memref<2097152xf32, #tpu.memory_space<hbm>> -> memref<65536xf32, #tpu.memory_space<hbm>>
      %dma_wait3A_475 = tpu.memref_slice %arg2[%mul3A_181] : memref<2097152xf32, #tpu.memory_space<hbm>> -> memref<65536xf32, #tpu.memory_space<hbm>>
      tpu.wait_dma2 semaphore(%run_scoped3A : memref<!tpu.dma_semaphore, #tpu.memory_space<semaphore_mem>>) src(%dma_wait3A_475 : memref<65536xf32, #tpu.memory_space<hbm>>) dst(%arg4 : memref<65536xf32, #tpu.memory_space<vmem>>)
      tpu.yield
    }) : () -> ()
    %broadcast_in_dim3A_182 = arith.constant 1 : i32
    %broadcast_in_dim3A_183 = vector.broadcast %broadcast_in_dim3A_182 : i32 to vector<16xi32>
    %scan3A_184 = arith.constant 0 : i32
    %scan3A_185 = arith.constant 4095 : i32
    %scan3A_186 = arith.constant 0 : i32
    %scan3A_187 = arith.constant 4096 : i32
    %scan3A_188 = arith.addi %scan3A_186, %scan3A_187 : i32
    %scan3A_189 = arith.constant 1 : i32
    scf.for %scan3A_474 = %scan3A_186 to %scan3A_188 step %scan3A_189  : i32 {
      %mul3A_475 = arith.constant 16 : i32
      %mul3A_476 = arith.muli %scan3A_474, %mul3A_475 : i32
      %get3A = arith.index_cast %mul3A_476 : i32 to index
      %get3A_477 = tpu.vector_load %arg4[%get3A] {strides = array<i32>} : memref<65536xf32, #tpu.memory_space<vmem>>, vector<16xf32>,
      %bitcast_convert_type3A = tpu.bitcast %get3A_477 : vector<16xf32> -> vector<16xi32>
      %shift_right_logical3A = arith.constant 6 : i32
      %shift_right_logical3A_478 = vector.broadcast %shift_right_logical3A : i32 to vector<16xi32>
      %shift_right_logical3A_479 = arith.shrui %bitcast_convert_type3A, %shift_right_logical3A_478 : vector<16xi32>
      %and3A_480 = vector.broadcast %scan3A_185 : i32 to vector<16xi32>
      %and3A_481 = arith.andi %shift_right_logical3A_479, %and3A_480 : vector<16xi32>
      %shift_right_logical3A_482 = arith.constant 18 : i32
      %shift_right_logical3A_483 = vector.broadcast %shift_right_logical3A_482 : i32 to vector<16xi32>
      %shift_right_logical3A_484 = arith.shrui %bitcast_convert_type3A, %shift_right_logical3A_483 : vector<16xi32>
      %eq3A_485 = vector.broadcast %scan3A_151#1 : i32 to vector<16xi32>
      %eq3A_486 = arith.cmpi eq, %shift_right_logical3A_484, %eq3A_485 : vector<16xi32>
      tpu.vector_store_idx %arg5[%and3A_481], %broadcast_in_dim3A_183 masked %eq3A_486 {add = true} : memref<4096xi32, #tpu.memory_space<vmem>>[vector<16xi32>], vector<16xi32>, vector<16xi1>
    }
    %scan3A_190 = arith.constant 4096 : i32
    %mul3A_191 = arith.constant 4096 : i32
    %mul3A_192 = arith.muli %arg1, %mul3A_191 : i32
    "tpu.region"() ({
      %run_scoped3A = tpu.sem_alloc : memref<!tpu.dma_semaphore, #tpu.memory_space<semaphore_mem>>
      %dma_start3A = tpu.memref_slice %arg9[%mul3A_192] : memref<65536xi32, #tpu.memory_space<vmem_shared>> -> memref<4096xi32, #tpu.memory_space<vmem_shared>>
      %dma_start3A_474 = tpu.memref_slice %arg9[%mul3A_192] : memref<65536xi32, #tpu.memory_space<vmem_shared>> -> memref<4096xi32, #tpu.memory_space<vmem_shared>>
      tpu.enqueue_dma source(%arg5 : memref<4096xi32, #tpu.memory_space<vmem>>) target(%dma_start3A_474 : memref<4096xi32, #tpu.memory_space<vmem_shared>>) target_semaphore(%run_scoped3A : memref<!tpu.dma_semaphore, #tpu.memory_space<semaphore_mem>>)
      %dma_wait3A = tpu.memref_slice %arg9[%mul3A_192] : memref<65536xi32, #tpu.memory_space<vmem_shared>> -> memref<4096xi32, #tpu.memory_space<vmem_shared>>
      %dma_wait3A_475 = tpu.memref_slice %arg9[%mul3A_192] : memref<65536xi32, #tpu.memory_space<vmem_shared>> -> memref<4096xi32, #tpu.memory_space<vmem_shared>>
      tpu.wait_dma2 semaphore(%run_scoped3A : memref<!tpu.dma_semaphore, #tpu.memory_space<semaphore_mem>>) src(%arg5 : memref<4096xi32, #tpu.memory_space<vmem>>) dst(%dma_wait3A_475 : memref<4096xi32, #tpu.memory_space<vmem_shared>>)
      tpu.yield
    }) : () -> ()
    %barrier3A_193 = arith.constant 0 : index
    tpu.barrier barrier_id(%barrier3A_193)
    %broadcast_in_dim3A_194 = arith.constant 0 : i32
    %broadcast_in_dim3A_195 = vector.broadcast %broadcast_in_dim3A_194 : i32 to vector<16xi32>
    %scan3A_196 = arith.constant 0 : i32
    %scan3A_197 = arith.constant 0 : i32
    %scan3A_198 = arith.constant 256 : i32
    %scan3A_199 = arith.addi %scan3A_197, %scan3A_198 : i32
    %scan3A_200 = arith.constant 1 : i32
    scf.for %scan3A_474 = %scan3A_197 to %scan3A_199 step %scan3A_200  : i32 {
      %mul3A_475 = arith.constant 16 : i32
      %mul3A_476 = arith.muli %scan3A_474, %mul3A_475 : i32
      %swap3A = arith.index_cast %mul3A_476 : i32 to index
      %swap3A_477 = tpu.vector_load %arg6[%swap3A] {strides = array<i32>} : memref<4096xi32, #tpu.memory_space<vmem>>, vector<16xi32>,
      tpu.vector_store %arg6[%swap3A], %broadcast_in_dim3A_195 {strides = array<i32>} : memref<4096xi32, #tpu.memory_space<vmem>>, vector<16xi32>,
    }
    %scan3A_201 = arith.constant 256 : i32
    "tpu.region"() ({
      %run_scoped3A = tpu.sem_alloc : memref<!tpu.dma_semaphore, #tpu.memory_space<semaphore_mem>>
      %dma_start3A = arith.constant 0 : i32
      %dma_start3A_474 = tpu.memref_slice %arg9[%dma_start3A] : memref<65536xi32, #tpu.memory_space<vmem_shared>> -> memref<4096xi32, #tpu.memory_space<vmem_shared>>
      %dma_start3A_475 = arith.constant 0 : i32
      %dma_start3A_476 = tpu.memref_slice %arg9[%dma_start3A_475] : memref<65536xi32, #tpu.memory_space<vmem_shared>> -> memref<4096xi32, #tpu.memory_space<vmem_shared>>
      tpu.enqueue_dma source(%dma_start3A_476 : memref<4096xi32, #tpu.memory_space<vmem_shared>>) target(%arg7 : memref<4096xi32, #tpu.memory_space<vmem>>) target_semaphore(%run_scoped3A : memref<!tpu.dma_semaphore, #tpu.memory_space<semaphore_mem>>)
      %dma_wait3A = arith.constant 0 : i32
      %dma_wait3A_477 = tpu.memref_slice %arg9[%dma_wait3A] : memref<65536xi32, #tpu.memory_space<vmem_shared>> -> memref<4096xi32, #tpu.memory_space<vmem_shared>>
      %dma_wait3A_478 = arith.constant 0 : i32
      %dma_wait3A_479 = tpu.memref_slice %arg9[%dma_wait3A_478] : memref<65536xi32, #tpu.memory_space<vmem_shared>> -> memref<4096xi32, #tpu.memory_space<vmem_shared>>
      tpu.wait_dma2 semaphore(%run_scoped3A : memref<!tpu.dma_semaphore, #tpu.memory_space<semaphore_mem>>) src(%dma_wait3A_479 : memref<4096xi32, #tpu.memory_space<vmem_shared>>) dst(%arg7 : memref<4096xi32, #tpu.memory_space<vmem>>)
      tpu.yield
    }) : () -> ()
    %scan3A_202 = arith.constant 0 : i32
    %scan3A_203 = arith.constant 0 : i32
    %scan3A_204 = arith.constant 256 : i32
    %scan3A_205 = arith.addi %scan3A_203, %scan3A_204 : i32
    %scan3A_206 = arith.constant 1 : i32
    scf.for %scan3A_474 = %scan3A_203 to %scan3A_205 step %scan3A_206  : i32 {
      %mul3A_475 = arith.constant 16 : i32
      %mul3A_476 = arith.muli %scan3A_474, %mul3A_475 : i32
      %get3A = arith.index_cast %mul3A_476 : i32 to index
      %get3A_477 = tpu.vector_load %arg6[%get3A] {strides = array<i32>} : memref<4096xi32, #tpu.memory_space<vmem>>, vector<16xi32>,
      %get3A_478 = arith.index_cast %mul3A_476 : i32 to index
      %get3A_479 = tpu.vector_load %arg7[%get3A_478] {strides = array<i32>} : memref<4096xi32, #tpu.memory_space<vmem>>, vector<16xi32>,
      %add3A_480 = arith.addi %get3A_477, %get3A_479 : vector<16xi32>
      %swap3A = arith.index_cast %mul3A_476 : i32 to index
      %swap3A_481 = tpu.vector_load %arg6[%swap3A] {strides = array<i32>} : memref<4096xi32, #tpu.memory_space<vmem>>, vector<16xi32>,
      tpu.vector_store %arg6[%swap3A], %add3A_480 {strides = array<i32>} : memref<4096xi32, #tpu.memory_space<vmem>>, vector<16xi32>,
    }
    %scan3A_207 = arith.constant 256 : i32
    "tpu.region"() ({
      %run_scoped3A = tpu.sem_alloc : memref<!tpu.dma_semaphore, #tpu.memory_space<semaphore_mem>>
      %dma_start3A = arith.constant 4096 : i32
      %dma_start3A_474 = tpu.memref_slice %arg9[%dma_start3A] : memref<65536xi32, #tpu.memory_space<vmem_shared>> -> memref<4096xi32, #tpu.memory_space<vmem_shared>>
      %dma_start3A_475 = arith.constant 4096 : i32
      %dma_start3A_476 = tpu.memref_slice %arg9[%dma_start3A_475] : memref<65536xi32, #tpu.memory_space<vmem_shared>> -> memref<4096xi32, #tpu.memory_space<vmem_shared>>
      tpu.enqueue_dma source(%dma_start3A_476 : memref<4096xi32, #tpu.memory_space<vmem_shared>>) target(%arg7 : memref<4096xi32, #tpu.memory_space<vmem>>) target_semaphore(%run_scoped3A : memref<!tpu.dma_semaphore, #tpu.memory_space<semaphore_mem>>)
      %dma_wait3A = arith.constant 4096 : i32
      %dma_wait3A_477 = tpu.memref_slice %arg9[%dma_wait3A] : memref<65536xi32, #tpu.memory_space<vmem_shared>> -> memref<4096xi32, #tpu.memory_space<vmem_shared>>
      %dma_wait3A_478 = arith.constant 4096 : i32
      %dma_wait3A_479 = tpu.memref_slice %arg9[%dma_wait3A_478] : memref<65536xi32, #tpu.memory_space<vmem_shared>> -> memref<4096xi32, #tpu.memory_space<vmem_shared>>
      tpu.wait_dma2 semaphore(%run_scoped3A : memref<!tpu.dma_semaphore, #tpu.memory_space<semaphore_mem>>) src(%dma_wait3A_479 : memref<4096xi32, #tpu.memory_space<vmem_shared>>) dst(%arg7 : memref<4096xi32, #tpu.memory_space<vmem>>)
      tpu.yield
    }) : () -> ()
    %scan3A_208 = arith.constant 0 : i32
    %scan3A_209 = arith.constant 0 : i32
    %scan3A_210 = arith.constant 256 : i32
    %scan3A_211 = arith.addi %scan3A_209, %scan3A_210 : i32
    %scan3A_212 = arith.constant 1 : i32
    scf.for %scan3A_474 = %scan3A_209 to %scan3A_211 step %scan3A_212  : i32 {
      %mul3A_475 = arith.constant 16 : i32
      %mul3A_476 = arith.muli %scan3A_474, %mul3A_475 : i32
      %get3A = arith.index_cast %mul3A_476 : i32 to index
      %get3A_477 = tpu.vector_load %arg6[%get3A] {strides = array<i32>} : memref<4096xi32, #tpu.memory_space<vmem>>, vector<16xi32>,
      %get3A_478 = arith.index_cast %mul3A_476 : i32 to index
      %get3A_479 = tpu.vector_load %arg7[%get3A_478] {strides = array<i32>} : memref<4096xi32, #tpu.memory_space<vmem>>, vector<16xi32>,
      %add3A_480 = arith.addi %get3A_477, %get3A_479 : vector<16xi32>
      %swap3A = arith.index_cast %mul3A_476 : i32 to index
      %swap3A_481 = tpu.vector_load %arg6[%swap3A] {strides = array<i32>} : memref<4096xi32, #tpu.memory_space<vmem>>, vector<16xi32>,
      tpu.vector_store %arg6[%swap3A], %add3A_480 {strides = array<i32>} : memref<4096xi32, #tpu.memory_space<vmem>>, vector<16xi32>,
    }
    %scan3A_213 = arith.constant 256 : i32
    "tpu.region"() ({
      %run_scoped3A = tpu.sem_alloc : memref<!tpu.dma_semaphore, #tpu.memory_space<semaphore_mem>>
      %dma_start3A = arith.constant 8192 : i32
      %dma_start3A_474 = tpu.memref_slice %arg9[%dma_start3A] : memref<65536xi32, #tpu.memory_space<vmem_shared>> -> memref<4096xi32, #tpu.memory_space<vmem_shared>>
      %dma_start3A_475 = arith.constant 8192 : i32
      %dma_start3A_476 = tpu.memref_slice %arg9[%dma_start3A_475] : memref<65536xi32, #tpu.memory_space<vmem_shared>> -> memref<4096xi32, #tpu.memory_space<vmem_shared>>
      tpu.enqueue_dma source(%dma_start3A_476 : memref<4096xi32, #tpu.memory_space<vmem_shared>>) target(%arg7 : memref<4096xi32, #tpu.memory_space<vmem>>) target_semaphore(%run_scoped3A : memref<!tpu.dma_semaphore, #tpu.memory_space<semaphore_mem>>)
      %dma_wait3A = arith.constant 8192 : i32
      %dma_wait3A_477 = tpu.memref_slice %arg9[%dma_wait3A] : memref<65536xi32, #tpu.memory_space<vmem_shared>> -> memref<4096xi32, #tpu.memory_space<vmem_shared>>
      %dma_wait3A_478 = arith.constant 8192 : i32
      %dma_wait3A_479 = tpu.memref_slice %arg9[%dma_wait3A_478] : memref<65536xi32, #tpu.memory_space<vmem_shared>> -> memref<4096xi32, #tpu.memory_space<vmem_shared>>
      tpu.wait_dma2 semaphore(%run_scoped3A : memref<!tpu.dma_semaphore, #tpu.memory_space<semaphore_mem>>) src(%dma_wait3A_479 : memref<4096xi32, #tpu.memory_space<vmem_shared>>) dst(%arg7 : memref<4096xi32, #tpu.memory_space<vmem>>)
      tpu.yield
    }) : () -> ()
    %scan3A_214 = arith.constant 0 : i32
    %scan3A_215 = arith.constant 0 : i32
    %scan3A_216 = arith.constant 256 : i32
    %scan3A_217 = arith.addi %scan3A_215, %scan3A_216 : i32
    %scan3A_218 = arith.constant 1 : i32
    scf.for %scan3A_474 = %scan3A_215 to %scan3A_217 step %scan3A_218  : i32 {
      %mul3A_475 = arith.constant 16 : i32
      %mul3A_476 = arith.muli %scan3A_474, %mul3A_475 : i32
      %get3A = arith.index_cast %mul3A_476 : i32 to index
      %get3A_477 = tpu.vector_load %arg6[%get3A] {strides = array<i32>} : memref<4096xi32, #tpu.memory_space<vmem>>, vector<16xi32>,
      %get3A_478 = arith.index_cast %mul3A_476 : i32 to index
      %get3A_479 = tpu.vector_load %arg7[%get3A_478] {strides = array<i32>} : memref<4096xi32, #tpu.memory_space<vmem>>, vector<16xi32>,
      %add3A_480 = arith.addi %get3A_477, %get3A_479 : vector<16xi32>
      %swap3A = arith.index_cast %mul3A_476 : i32 to index
      %swap3A_481 = tpu.vector_load %arg6[%swap3A] {strides = array<i32>} : memref<4096xi32, #tpu.memory_space<vmem>>, vector<16xi32>,
      tpu.vector_store %arg6[%swap3A], %add3A_480 {strides = array<i32>} : memref<4096xi32, #tpu.memory_space<vmem>>, vector<16xi32>,
    }
    %scan3A_219 = arith.constant 256 : i32
    "tpu.region"() ({
      %run_scoped3A = tpu.sem_alloc : memref<!tpu.dma_semaphore, #tpu.memory_space<semaphore_mem>>
      %dma_start3A = arith.constant 12288 : i32
      %dma_start3A_474 = tpu.memref_slice %arg9[%dma_start3A] : memref<65536xi32, #tpu.memory_space<vmem_shared>> -> memref<4096xi32, #tpu.memory_space<vmem_shared>>
      %dma_start3A_475 = arith.constant 12288 : i32
      %dma_start3A_476 = tpu.memref_slice %arg9[%dma_start3A_475] : memref<65536xi32, #tpu.memory_space<vmem_shared>> -> memref<4096xi32, #tpu.memory_space<vmem_shared>>
      tpu.enqueue_dma source(%dma_start3A_476 : memref<4096xi32, #tpu.memory_space<vmem_shared>>) target(%arg7 : memref<4096xi32, #tpu.memory_space<vmem>>) target_semaphore(%run_scoped3A : memref<!tpu.dma_semaphore, #tpu.memory_space<semaphore_mem>>)
      %dma_wait3A = arith.constant 12288 : i32
      %dma_wait3A_477 = tpu.memref_slice %arg9[%dma_wait3A] : memref<65536xi32, #tpu.memory_space<vmem_shared>> -> memref<4096xi32, #tpu.memory_space<vmem_shared>>
      %dma_wait3A_478 = arith.constant 12288 : i32
      %dma_wait3A_479 = tpu.memref_slice %arg9[%dma_wait3A_478] : memref<65536xi32, #tpu.memory_space<vmem_shared>> -> memref<4096xi32, #tpu.memory_space<vmem_shared>>
      tpu.wait_dma2 semaphore(%run_scoped3A : memref<!tpu.dma_semaphore, #tpu.memory_space<semaphore_mem>>) src(%dma_wait3A_479 : memref<4096xi32, #tpu.memory_space<vmem_shared>>) dst(%arg7 : memref<4096xi32, #tpu.memory_space<vmem>>)
      tpu.yield
    }) : () -> ()
    %scan3A_220 = arith.constant 0 : i32
    %scan3A_221 = arith.constant 0 : i32
    %scan3A_222 = arith.constant 256 : i32
    %scan3A_223 = arith.addi %scan3A_221, %scan3A_222 : i32
    %scan3A_224 = arith.constant 1 : i32
    scf.for %scan3A_474 = %scan3A_221 to %scan3A_223 step %scan3A_224  : i32 {
      %mul3A_475 = arith.constant 16 : i32
      %mul3A_476 = arith.muli %scan3A_474, %mul3A_475 : i32
      %get3A = arith.index_cast %mul3A_476 : i32 to index
      %get3A_477 = tpu.vector_load %arg6[%get3A] {strides = array<i32>} : memref<4096xi32, #tpu.memory_space<vmem>>, vector<16xi32>,
      %get3A_478 = arith.index_cast %mul3A_476 : i32 to index
      %get3A_479 = tpu.vector_load %arg7[%get3A_478] {strides = array<i32>} : memref<4096xi32, #tpu.memory_space<vmem>>, vector<16xi32>,
      %add3A_480 = arith.addi %get3A_477, %get3A_479 : vector<16xi32>
      %swap3A = arith.index_cast %mul3A_476 : i32 to index
      %swap3A_481 = tpu.vector_load %arg6[%swap3A] {strides = array<i32>} : memref<4096xi32, #tpu.memory_space<vmem>>, vector<16xi32>,
      tpu.vector_store %arg6[%swap3A], %add3A_480 {strides = array<i32>} : memref<4096xi32, #tpu.memory_space<vmem>>, vector<16xi32>,
    }
    %scan3A_225 = arith.constant 256 : i32
    "tpu.region"() ({
      %run_scoped3A = tpu.sem_alloc : memref<!tpu.dma_semaphore, #tpu.memory_space<semaphore_mem>>
      %dma_start3A = arith.constant 16384 : i32
      %dma_start3A_474 = tpu.memref_slice %arg9[%dma_start3A] : memref<65536xi32, #tpu.memory_space<vmem_shared>> -> memref<4096xi32, #tpu.memory_space<vmem_shared>>
      %dma_start3A_475 = arith.constant 16384 : i32
      %dma_start3A_476 = tpu.memref_slice %arg9[%dma_start3A_475] : memref<65536xi32, #tpu.memory_space<vmem_shared>> -> memref<4096xi32, #tpu.memory_space<vmem_shared>>
      tpu.enqueue_dma source(%dma_start3A_476 : memref<4096xi32, #tpu.memory_space<vmem_shared>>) target(%arg7 : memref<4096xi32, #tpu.memory_space<vmem>>) target_semaphore(%run_scoped3A : memref<!tpu.dma_semaphore, #tpu.memory_space<semaphore_mem>>)
      %dma_wait3A = arith.constant 16384 : i32
      %dma_wait3A_477 = tpu.memref_slice %arg9[%dma_wait3A] : memref<65536xi32, #tpu.memory_space<vmem_shared>> -> memref<4096xi32, #tpu.memory_space<vmem_shared>>
      %dma_wait3A_478 = arith.constant 16384 : i32
      %dma_wait3A_479 = tpu.memref_slice %arg9[%dma_wait3A_478] : memref<65536xi32, #tpu.memory_space<vmem_shared>> -> memref<4096xi32, #tpu.memory_space<vmem_shared>>
      tpu.wait_dma2 semaphore(%run_scoped3A : memref<!tpu.dma_semaphore, #tpu.memory_space<semaphore_mem>>) src(%dma_wait3A_479 : memref<4096xi32, #tpu.memory_space<vmem_shared>>) dst(%arg7 : memref<4096xi32, #tpu.memory_space<vmem>>)
      tpu.yield
    }) : () -> ()
    %scan3A_226 = arith.constant 0 : i32
    %scan3A_227 = arith.constant 0 : i32
    %scan3A_228 = arith.constant 256 : i32
    %scan3A_229 = arith.addi %scan3A_227, %scan3A_228 : i32
    %scan3A_230 = arith.constant 1 : i32
    scf.for %scan3A_474 = %scan3A_227 to %scan3A_229 step %scan3A_230  : i32 {
      %mul3A_475 = arith.constant 16 : i32
      %mul3A_476 = arith.muli %scan3A_474, %mul3A_475 : i32
      %get3A = arith.index_cast %mul3A_476 : i32 to index
      %get3A_477 = tpu.vector_load %arg6[%get3A] {strides = array<i32>} : memref<4096xi32, #tpu.memory_space<vmem>>, vector<16xi32>,
      %get3A_478 = arith.index_cast %mul3A_476 : i32 to index
      %get3A_479 = tpu.vector_load %arg7[%get3A_478] {strides = array<i32>} : memref<4096xi32, #tpu.memory_space<vmem>>, vector<16xi32>,
      %add3A_480 = arith.addi %get3A_477, %get3A_479 : vector<16xi32>
      %swap3A = arith.index_cast %mul3A_476 : i32 to index
      %swap3A_481 = tpu.vector_load %arg6[%swap3A] {strides = array<i32>} : memref<4096xi32, #tpu.memory_space<vmem>>, vector<16xi32>,
      tpu.vector_store %arg6[%swap3A], %add3A_480 {strides = array<i32>} : memref<4096xi32, #tpu.memory_space<vmem>>, vector<16xi32>,
    }
    %scan3A_231 = arith.constant 256 : i32
    "tpu.region"() ({
      %run_scoped3A = tpu.sem_alloc : memref<!tpu.dma_semaphore, #tpu.memory_space<semaphore_mem>>
      %dma_start3A = arith.constant 20480 : i32
      %dma_start3A_474 = tpu.memref_slice %arg9[%dma_start3A] : memref<65536xi32, #tpu.memory_space<vmem_shared>> -> memref<4096xi32, #tpu.memory_space<vmem_shared>>
      %dma_start3A_475 = arith.constant 20480 : i32
      %dma_start3A_476 = tpu.memref_slice %arg9[%dma_start3A_475] : memref<65536xi32, #tpu.memory_space<vmem_shared>> -> memref<4096xi32, #tpu.memory_space<vmem_shared>>
      tpu.enqueue_dma source(%dma_start3A_476 : memref<4096xi32, #tpu.memory_space<vmem_shared>>) target(%arg7 : memref<4096xi32, #tpu.memory_space<vmem>>) target_semaphore(%run_scoped3A : memref<!tpu.dma_semaphore, #tpu.memory_space<semaphore_mem>>)
      %dma_wait3A = arith.constant 20480 : i32
      %dma_wait3A_477 = tpu.memref_slice %arg9[%dma_wait3A] : memref<65536xi32, #tpu.memory_space<vmem_shared>> -> memref<4096xi32, #tpu.memory_space<vmem_shared>>
      %dma_wait3A_478 = arith.constant 20480 : i32
      %dma_wait3A_479 = tpu.memref_slice %arg9[%dma_wait3A_478] : memref<65536xi32, #tpu.memory_space<vmem_shared>> -> memref<4096xi32, #tpu.memory_space<vmem_shared>>
      tpu.wait_dma2 semaphore(%run_scoped3A : memref<!tpu.dma_semaphore, #tpu.memory_space<semaphore_mem>>) src(%dma_wait3A_479 : memref<4096xi32, #tpu.memory_space<vmem_shared>>) dst(%arg7 : memref<4096xi32, #tpu.memory_space<vmem>>)
      tpu.yield
    }) : () -> ()
    %scan3A_232 = arith.constant 0 : i32
    %scan3A_233 = arith.constant 0 : i32
    %scan3A_234 = arith.constant 256 : i32
    %scan3A_235 = arith.addi %scan3A_233, %scan3A_234 : i32
    %scan3A_236 = arith.constant 1 : i32
    scf.for %scan3A_474 = %scan3A_233 to %scan3A_235 step %scan3A_236  : i32 {
      %mul3A_475 = arith.constant 16 : i32
      %mul3A_476 = arith.muli %scan3A_474, %mul3A_475 : i32
      %get3A = arith.index_cast %mul3A_476 : i32 to index
      %get3A_477 = tpu.vector_load %arg6[%get3A] {strides = array<i32>} : memref<4096xi32, #tpu.memory_space<vmem>>, vector<16xi32>,
      %get3A_478 = arith.index_cast %mul3A_476 : i32 to index
      %get3A_479 = tpu.vector_load %arg7[%get3A_478] {strides = array<i32>} : memref<4096xi32, #tpu.memory_space<vmem>>, vector<16xi32>,
      %add3A_480 = arith.addi %get3A_477, %get3A_479 : vector<16xi32>
      %swap3A = arith.index_cast %mul3A_476 : i32 to index
      %swap3A_481 = tpu.vector_load %arg6[%swap3A] {strides = array<i32>} : memref<4096xi32, #tpu.memory_space<vmem>>, vector<16xi32>,
      tpu.vector_store %arg6[%swap3A], %add3A_480 {strides = array<i32>} : memref<4096xi32, #tpu.memory_space<vmem>>, vector<16xi32>,
    }
    %scan3A_237 = arith.constant 256 : i32
    "tpu.region"() ({
      %run_scoped3A = tpu.sem_alloc : memref<!tpu.dma_semaphore, #tpu.memory_space<semaphore_mem>>
      %dma_start3A = arith.constant 24576 : i32
      %dma_start3A_474 = tpu.memref_slice %arg9[%dma_start3A] : memref<65536xi32, #tpu.memory_space<vmem_shared>> -> memref<4096xi32, #tpu.memory_space<vmem_shared>>
      %dma_start3A_475 = arith.constant 24576 : i32
      %dma_start3A_476 = tpu.memref_slice %arg9[%dma_start3A_475] : memref<65536xi32, #tpu.memory_space<vmem_shared>> -> memref<4096xi32, #tpu.memory_space<vmem_shared>>
      tpu.enqueue_dma source(%dma_start3A_476 : memref<4096xi32, #tpu.memory_space<vmem_shared>>) target(%arg7 : memref<4096xi32, #tpu.memory_space<vmem>>) target_semaphore(%run_scoped3A : memref<!tpu.dma_semaphore, #tpu.memory_space<semaphore_mem>>)
      %dma_wait3A = arith.constant 24576 : i32
      %dma_wait3A_477 = tpu.memref_slice %arg9[%dma_wait3A] : memref<65536xi32, #tpu.memory_space<vmem_shared>> -> memref<4096xi32, #tpu.memory_space<vmem_shared>>
      %dma_wait3A_478 = arith.constant 24576 : i32
      %dma_wait3A_479 = tpu.memref_slice %arg9[%dma_wait3A_478] : memref<65536xi32, #tpu.memory_space<vmem_shared>> -> memref<4096xi32, #tpu.memory_space<vmem_shared>>
      tpu.wait_dma2 semaphore(%run_scoped3A : memref<!tpu.dma_semaphore, #tpu.memory_space<semaphore_mem>>) src(%dma_wait3A_479 : memref<4096xi32, #tpu.memory_space<vmem_shared>>) dst(%arg7 : memref<4096xi32, #tpu.memory_space<vmem>>)
      tpu.yield
    }) : () -> ()
    %scan3A_238 = arith.constant 0 : i32
    %scan3A_239 = arith.constant 0 : i32
    %scan3A_240 = arith.constant 256 : i32
    %scan3A_241 = arith.addi %scan3A_239, %scan3A_240 : i32
    %scan3A_242 = arith.constant 1 : i32
    scf.for %scan3A_474 = %scan3A_239 to %scan3A_241 step %scan3A_242  : i32 {
      %mul3A_475 = arith.constant 16 : i32
      %mul3A_476 = arith.muli %scan3A_474, %mul3A_475 : i32
      %get3A = arith.index_cast %mul3A_476 : i32 to index
      %get3A_477 = tpu.vector_load %arg6[%get3A] {strides = array<i32>} : memref<4096xi32, #tpu.memory_space<vmem>>, vector<16xi32>,
      %get3A_478 = arith.index_cast %mul3A_476 : i32 to index
      %get3A_479 = tpu.vector_load %arg7[%get3A_478] {strides = array<i32>} : memref<4096xi32, #tpu.memory_space<vmem>>, vector<16xi32>,
      %add3A_480 = arith.addi %get3A_477, %get3A_479 : vector<16xi32>
      %swap3A = arith.index_cast %mul3A_476 : i32 to index
      %swap3A_481 = tpu.vector_load %arg6[%swap3A] {strides = array<i32>} : memref<4096xi32, #tpu.memory_space<vmem>>, vector<16xi32>,
      tpu.vector_store %arg6[%swap3A], %add3A_480 {strides = array<i32>} : memref<4096xi32, #tpu.memory_space<vmem>>, vector<16xi32>,
    }
    %scan3A_243 = arith.constant 256 : i32
    "tpu.region"() ({
      %run_scoped3A = tpu.sem_alloc : memref<!tpu.dma_semaphore, #tpu.memory_space<semaphore_mem>>
      %dma_start3A = arith.constant 28672 : i32
      %dma_start3A_474 = tpu.memref_slice %arg9[%dma_start3A] : memref<65536xi32, #tpu.memory_space<vmem_shared>> -> memref<4096xi32, #tpu.memory_space<vmem_shared>>
      %dma_start3A_475 = arith.constant 28672 : i32
      %dma_start3A_476 = tpu.memref_slice %arg9[%dma_start3A_475] : memref<65536xi32, #tpu.memory_space<vmem_shared>> -> memref<4096xi32, #tpu.memory_space<vmem_shared>>
      tpu.enqueue_dma source(%dma_start3A_476 : memref<4096xi32, #tpu.memory_space<vmem_shared>>) target(%arg7 : memref<4096xi32, #tpu.memory_space<vmem>>) target_semaphore(%run_scoped3A : memref<!tpu.dma_semaphore, #tpu.memory_space<semaphore_mem>>)
      %dma_wait3A = arith.constant 28672 : i32
      %dma_wait3A_477 = tpu.memref_slice %arg9[%dma_wait3A] : memref<65536xi32, #tpu.memory_space<vmem_shared>> -> memref<4096xi32, #tpu.memory_space<vmem_shared>>
      %dma_wait3A_478 = arith.constant 28672 : i32
      %dma_wait3A_479 = tpu.memref_slice %arg9[%dma_wait3A_478] : memref<65536xi32, #tpu.memory_space<vmem_shared>> -> memref<4096xi32, #tpu.memory_space<vmem_shared>>
      tpu.wait_dma2 semaphore(%run_scoped3A : memref<!tpu.dma_semaphore, #tpu.memory_space<semaphore_mem>>) src(%dma_wait3A_479 : memref<4096xi32, #tpu.memory_space<vmem_shared>>) dst(%arg7 : memref<4096xi32, #tpu.memory_space<vmem>>)
      tpu.yield
    }) : () -> ()
    %scan3A_244 = arith.constant 0 : i32
    %scan3A_245 = arith.constant 0 : i32
    %scan3A_246 = arith.constant 256 : i32
    %scan3A_247 = arith.addi %scan3A_245, %scan3A_246 : i32
    %scan3A_248 = arith.constant 1 : i32
    scf.for %scan3A_474 = %scan3A_245 to %scan3A_247 step %scan3A_248  : i32 {
      %mul3A_475 = arith.constant 16 : i32
      %mul3A_476 = arith.muli %scan3A_474, %mul3A_475 : i32
      %get3A = arith.index_cast %mul3A_476 : i32 to index
      %get3A_477 = tpu.vector_load %arg6[%get3A] {strides = array<i32>} : memref<4096xi32, #tpu.memory_space<vmem>>, vector<16xi32>,
      %get3A_478 = arith.index_cast %mul3A_476 : i32 to index
      %get3A_479 = tpu.vector_load %arg7[%get3A_478] {strides = array<i32>} : memref<4096xi32, #tpu.memory_space<vmem>>, vector<16xi32>,
      %add3A_480 = arith.addi %get3A_477, %get3A_479 : vector<16xi32>
      %swap3A = arith.index_cast %mul3A_476 : i32 to index
      %swap3A_481 = tpu.vector_load %arg6[%swap3A] {strides = array<i32>} : memref<4096xi32, #tpu.memory_space<vmem>>, vector<16xi32>,
      tpu.vector_store %arg6[%swap3A], %add3A_480 {strides = array<i32>} : memref<4096xi32, #tpu.memory_space<vmem>>, vector<16xi32>,
    }
    %scan3A_249 = arith.constant 256 : i32
    "tpu.region"() ({
      %run_scoped3A = tpu.sem_alloc : memref<!tpu.dma_semaphore, #tpu.memory_space<semaphore_mem>>
      %dma_start3A = arith.constant 32768 : i32
      %dma_start3A_474 = tpu.memref_slice %arg9[%dma_start3A] : memref<65536xi32, #tpu.memory_space<vmem_shared>> -> memref<4096xi32, #tpu.memory_space<vmem_shared>>
      %dma_start3A_475 = arith.constant 32768 : i32
      %dma_start3A_476 = tpu.memref_slice %arg9[%dma_start3A_475] : memref<65536xi32, #tpu.memory_space<vmem_shared>> -> memref<4096xi32, #tpu.memory_space<vmem_shared>>
      tpu.enqueue_dma source(%dma_start3A_476 : memref<4096xi32, #tpu.memory_space<vmem_shared>>) target(%arg7 : memref<4096xi32, #tpu.memory_space<vmem>>) target_semaphore(%run_scoped3A : memref<!tpu.dma_semaphore, #tpu.memory_space<semaphore_mem>>)
      %dma_wait3A = arith.constant 32768 : i32
      %dma_wait3A_477 = tpu.memref_slice %arg9[%dma_wait3A] : memref<65536xi32, #tpu.memory_space<vmem_shared>> -> memref<4096xi32, #tpu.memory_space<vmem_shared>>
      %dma_wait3A_478 = arith.constant 32768 : i32
      %dma_wait3A_479 = tpu.memref_slice %arg9[%dma_wait3A_478] : memref<65536xi32, #tpu.memory_space<vmem_shared>> -> memref<4096xi32, #tpu.memory_space<vmem_shared>>
      tpu.wait_dma2 semaphore(%run_scoped3A : memref<!tpu.dma_semaphore, #tpu.memory_space<semaphore_mem>>) src(%dma_wait3A_479 : memref<4096xi32, #tpu.memory_space<vmem_shared>>) dst(%arg7 : memref<4096xi32, #tpu.memory_space<vmem>>)
      tpu.yield
    }) : () -> ()
    %scan3A_250 = arith.constant 0 : i32
    %scan3A_251 = arith.constant 0 : i32
    %scan3A_252 = arith.constant 256 : i32
    %scan3A_253 = arith.addi %scan3A_251, %scan3A_252 : i32
    %scan3A_254 = arith.constant 1 : i32
    scf.for %scan3A_474 = %scan3A_251 to %scan3A_253 step %scan3A_254  : i32 {
      %mul3A_475 = arith.constant 16 : i32
      %mul3A_476 = arith.muli %scan3A_474, %mul3A_475 : i32
      %get3A = arith.index_cast %mul3A_476 : i32 to index
      %get3A_477 = tpu.vector_load %arg6[%get3A] {strides = array<i32>} : memref<4096xi32, #tpu.memory_space<vmem>>, vector<16xi32>,
      %get3A_478 = arith.index_cast %mul3A_476 : i32 to index
      %get3A_479 = tpu.vector_load %arg7[%get3A_478] {strides = array<i32>} : memref<4096xi32, #tpu.memory_space<vmem>>, vector<16xi32>,
      %add3A_480 = arith.addi %get3A_477, %get3A_479 : vector<16xi32>
      %swap3A = arith.index_cast %mul3A_476 : i32 to index
      %swap3A_481 = tpu.vector_load %arg6[%swap3A] {strides = array<i32>} : memref<4096xi32, #tpu.memory_space<vmem>>, vector<16xi32>,
      tpu.vector_store %arg6[%swap3A], %add3A_480 {strides = array<i32>} : memref<4096xi32, #tpu.memory_space<vmem>>, vector<16xi32>,
    }
    %scan3A_255 = arith.constant 256 : i32
    "tpu.region"() ({
      %run_scoped3A = tpu.sem_alloc : memref<!tpu.dma_semaphore, #tpu.memory_space<semaphore_mem>>
      %dma_start3A = arith.constant 36864 : i32
      %dma_start3A_474 = tpu.memref_slice %arg9[%dma_start3A] : memref<65536xi32, #tpu.memory_space<vmem_shared>> -> memref<4096xi32, #tpu.memory_space<vmem_shared>>
      %dma_start3A_475 = arith.constant 36864 : i32
      %dma_start3A_476 = tpu.memref_slice %arg9[%dma_start3A_475] : memref<65536xi32, #tpu.memory_space<vmem_shared>> -> memref<4096xi32, #tpu.memory_space<vmem_shared>>
      tpu.enqueue_dma source(%dma_start3A_476 : memref<4096xi32, #tpu.memory_space<vmem_shared>>) target(%arg7 : memref<4096xi32, #tpu.memory_space<vmem>>) target_semaphore(%run_scoped3A : memref<!tpu.dma_semaphore, #tpu.memory_space<semaphore_mem>>)
      %dma_wait3A = arith.constant 36864 : i32
      %dma_wait3A_477 = tpu.memref_slice %arg9[%dma_wait3A] : memref<65536xi32, #tpu.memory_space<vmem_shared>> -> memref<4096xi32, #tpu.memory_space<vmem_shared>>
      %dma_wait3A_478 = arith.constant 36864 : i32
      %dma_wait3A_479 = tpu.memref_slice %arg9[%dma_wait3A_478] : memref<65536xi32, #tpu.memory_space<vmem_shared>> -> memref<4096xi32, #tpu.memory_space<vmem_shared>>
      tpu.wait_dma2 semaphore(%run_scoped3A : memref<!tpu.dma_semaphore, #tpu.memory_space<semaphore_mem>>) src(%dma_wait3A_479 : memref<4096xi32, #tpu.memory_space<vmem_shared>>) dst(%arg7 : memref<4096xi32, #tpu.memory_space<vmem>>)
      tpu.yield
    }) : () -> ()
    %scan3A_256 = arith.constant 0 : i32
    %scan3A_257 = arith.constant 0 : i32
    %scan3A_258 = arith.constant 256 : i32
    %scan3A_259 = arith.addi %scan3A_257, %scan3A_258 : i32
    %scan3A_260 = arith.constant 1 : i32
    scf.for %scan3A_474 = %scan3A_257 to %scan3A_259 step %scan3A_260  : i32 {
      %mul3A_475 = arith.constant 16 : i32
      %mul3A_476 = arith.muli %scan3A_474, %mul3A_475 : i32
      %get3A = arith.index_cast %mul3A_476 : i32 to index
      %get3A_477 = tpu.vector_load %arg6[%get3A] {strides = array<i32>} : memref<4096xi32, #tpu.memory_space<vmem>>, vector<16xi32>,
      %get3A_478 = arith.index_cast %mul3A_476 : i32 to index
      %get3A_479 = tpu.vector_load %arg7[%get3A_478] {strides = array<i32>} : memref<4096xi32, #tpu.memory_space<vmem>>, vector<16xi32>,
      %add3A_480 = arith.addi %get3A_477, %get3A_479 : vector<16xi32>
      %swap3A = arith.index_cast %mul3A_476 : i32 to index
      %swap3A_481 = tpu.vector_load %arg6[%swap3A] {strides = array<i32>} : memref<4096xi32, #tpu.memory_space<vmem>>, vector<16xi32>,
      tpu.vector_store %arg6[%swap3A], %add3A_480 {strides = array<i32>} : memref<4096xi32, #tpu.memory_space<vmem>>, vector<16xi32>,
    }
    %scan3A_261 = arith.constant 256 : i32
    "tpu.region"() ({
      %run_scoped3A = tpu.sem_alloc : memref<!tpu.dma_semaphore, #tpu.memory_space<semaphore_mem>>
      %dma_start3A = arith.constant 40960 : i32
      %dma_start3A_474 = tpu.memref_slice %arg9[%dma_start3A] : memref<65536xi32, #tpu.memory_space<vmem_shared>> -> memref<4096xi32, #tpu.memory_space<vmem_shared>>
      %dma_start3A_475 = arith.constant 40960 : i32
      %dma_start3A_476 = tpu.memref_slice %arg9[%dma_start3A_475] : memref<65536xi32, #tpu.memory_space<vmem_shared>> -> memref<4096xi32, #tpu.memory_space<vmem_shared>>
      tpu.enqueue_dma source(%dma_start3A_476 : memref<4096xi32, #tpu.memory_space<vmem_shared>>) target(%arg7 : memref<4096xi32, #tpu.memory_space<vmem>>) target_semaphore(%run_scoped3A : memref<!tpu.dma_semaphore, #tpu.memory_space<semaphore_mem>>)
      %dma_wait3A = arith.constant 40960 : i32
      %dma_wait3A_477 = tpu.memref_slice %arg9[%dma_wait3A] : memref<65536xi32, #tpu.memory_space<vmem_shared>> -> memref<4096xi32, #tpu.memory_space<vmem_shared>>
      %dma_wait3A_478 = arith.constant 40960 : i32
      %dma_wait3A_479 = tpu.memref_slice %arg9[%dma_wait3A_478] : memref<65536xi32, #tpu.memory_space<vmem_shared>> -> memref<4096xi32, #tpu.memory_space<vmem_shared>>
      tpu.wait_dma2 semaphore(%run_scoped3A : memref<!tpu.dma_semaphore, #tpu.memory_space<semaphore_mem>>) src(%dma_wait3A_479 : memref<4096xi32, #tpu.memory_space<vmem_shared>>) dst(%arg7 : memref<4096xi32, #tpu.memory_space<vmem>>)
      tpu.yield
    }) : () -> ()
    %scan3A_262 = arith.constant 0 : i32
    %scan3A_263 = arith.constant 0 : i32
    %scan3A_264 = arith.constant 256 : i32
    %scan3A_265 = arith.addi %scan3A_263, %scan3A_264 : i32
    %scan3A_266 = arith.constant 1 : i32
    scf.for %scan3A_474 = %scan3A_263 to %scan3A_265 step %scan3A_266  : i32 {
      %mul3A_475 = arith.constant 16 : i32
      %mul3A_476 = arith.muli %scan3A_474, %mul3A_475 : i32
      %get3A = arith.index_cast %mul3A_476 : i32 to index
      %get3A_477 = tpu.vector_load %arg6[%get3A] {strides = array<i32>} : memref<4096xi32, #tpu.memory_space<vmem>>, vector<16xi32>,
      %get3A_478 = arith.index_cast %mul3A_476 : i32 to index
      %get3A_479 = tpu.vector_load %arg7[%get3A_478] {strides = array<i32>} : memref<4096xi32, #tpu.memory_space<vmem>>, vector<16xi32>,
      %add3A_480 = arith.addi %get3A_477, %get3A_479 : vector<16xi32>
      %swap3A = arith.index_cast %mul3A_476 : i32 to index
      %swap3A_481 = tpu.vector_load %arg6[%swap3A] {strides = array<i32>} : memref<4096xi32, #tpu.memory_space<vmem>>, vector<16xi32>,
      tpu.vector_store %arg6[%swap3A], %add3A_480 {strides = array<i32>} : memref<4096xi32, #tpu.memory_space<vmem>>, vector<16xi32>,
    }
    %scan3A_267 = arith.constant 256 : i32
    "tpu.region"() ({
      %run_scoped3A = tpu.sem_alloc : memref<!tpu.dma_semaphore, #tpu.memory_space<semaphore_mem>>
      %dma_start3A = arith.constant 45056 : i32
      %dma_start3A_474 = tpu.memref_slice %arg9[%dma_start3A] : memref<65536xi32, #tpu.memory_space<vmem_shared>> -> memref<4096xi32, #tpu.memory_space<vmem_shared>>
      %dma_start3A_475 = arith.constant 45056 : i32
      %dma_start3A_476 = tpu.memref_slice %arg9[%dma_start3A_475] : memref<65536xi32, #tpu.memory_space<vmem_shared>> -> memref<4096xi32, #tpu.memory_space<vmem_shared>>
      tpu.enqueue_dma source(%dma_start3A_476 : memref<4096xi32, #tpu.memory_space<vmem_shared>>) target(%arg7 : memref<4096xi32, #tpu.memory_space<vmem>>) target_semaphore(%run_scoped3A : memref<!tpu.dma_semaphore, #tpu.memory_space<semaphore_mem>>)
      %dma_wait3A = arith.constant 45056 : i32
      %dma_wait3A_477 = tpu.memref_slice %arg9[%dma_wait3A] : memref<65536xi32, #tpu.memory_space<vmem_shared>> -> memref<4096xi32, #tpu.memory_space<vmem_shared>>
      %dma_wait3A_478 = arith.constant 45056 : i32
      %dma_wait3A_479 = tpu.memref_slice %arg9[%dma_wait3A_478] : memref<65536xi32, #tpu.memory_space<vmem_shared>> -> memref<4096xi32, #tpu.memory_space<vmem_shared>>
      tpu.wait_dma2 semaphore(%run_scoped3A : memref<!tpu.dma_semaphore, #tpu.memory_space<semaphore_mem>>) src(%dma_wait3A_479 : memref<4096xi32, #tpu.memory_space<vmem_shared>>) dst(%arg7 : memref<4096xi32, #tpu.memory_space<vmem>>)
      tpu.yield
    }) : () -> ()
    %scan3A_268 = arith.constant 0 : i32
    %scan3A_269 = arith.constant 0 : i32
    %scan3A_270 = arith.constant 256 : i32
    %scan3A_271 = arith.addi %scan3A_269, %scan3A_270 : i32
    %scan3A_272 = arith.constant 1 : i32
    scf.for %scan3A_474 = %scan3A_269 to %scan3A_271 step %scan3A_272  : i32 {
      %mul3A_475 = arith.constant 16 : i32
      %mul3A_476 = arith.muli %scan3A_474, %mul3A_475 : i32
      %get3A = arith.index_cast %mul3A_476 : i32 to index
      %get3A_477 = tpu.vector_load %arg6[%get3A] {strides = array<i32>} : memref<4096xi32, #tpu.memory_space<vmem>>, vector<16xi32>,
      %get3A_478 = arith.index_cast %mul3A_476 : i32 to index
      %get3A_479 = tpu.vector_load %arg7[%get3A_478] {strides = array<i32>} : memref<4096xi32, #tpu.memory_space<vmem>>, vector<16xi32>,
      %add3A_480 = arith.addi %get3A_477, %get3A_479 : vector<16xi32>
      %swap3A = arith.index_cast %mul3A_476 : i32 to index
      %swap3A_481 = tpu.vector_load %arg6[%swap3A] {strides = array<i32>} : memref<4096xi32, #tpu.memory_space<vmem>>, vector<16xi32>,
      tpu.vector_store %arg6[%swap3A], %add3A_480 {strides = array<i32>} : memref<4096xi32, #tpu.memory_space<vmem>>, vector<16xi32>,
    }
    %scan3A_273 = arith.constant 256 : i32
    "tpu.region"() ({
      %run_scoped3A = tpu.sem_alloc : memref<!tpu.dma_semaphore, #tpu.memory_space<semaphore_mem>>
      %dma_start3A = arith.constant 49152 : i32
      %dma_start3A_474 = tpu.memref_slice %arg9[%dma_start3A] : memref<65536xi32, #tpu.memory_space<vmem_shared>> -> memref<4096xi32, #tpu.memory_space<vmem_shared>>
      %dma_start3A_475 = arith.constant 49152 : i32
      %dma_start3A_476 = tpu.memref_slice %arg9[%dma_start3A_475] : memref<65536xi32, #tpu.memory_space<vmem_shared>> -> memref<4096xi32, #tpu.memory_space<vmem_shared>>
      tpu.enqueue_dma source(%dma_start3A_476 : memref<4096xi32, #tpu.memory_space<vmem_shared>>) target(%arg7 : memref<4096xi32, #tpu.memory_space<vmem>>) target_semaphore(%run_scoped3A : memref<!tpu.dma_semaphore, #tpu.memory_space<semaphore_mem>>)
      %dma_wait3A = arith.constant 49152 : i32
      %dma_wait3A_477 = tpu.memref_slice %arg9[%dma_wait3A] : memref<65536xi32, #tpu.memory_space<vmem_shared>> -> memref<4096xi32, #tpu.memory_space<vmem_shared>>
      %dma_wait3A_478 = arith.constant 49152 : i32
      %dma_wait3A_479 = tpu.memref_slice %arg9[%dma_wait3A_478] : memref<65536xi32, #tpu.memory_space<vmem_shared>> -> memref<4096xi32, #tpu.memory_space<vmem_shared>>
      tpu.wait_dma2 semaphore(%run_scoped3A : memref<!tpu.dma_semaphore, #tpu.memory_space<semaphore_mem>>) src(%dma_wait3A_479 : memref<4096xi32, #tpu.memory_space<vmem_shared>>) dst(%arg7 : memref<4096xi32, #tpu.memory_space<vmem>>)
      tpu.yield
    }) : () -> ()
    %scan3A_274 = arith.constant 0 : i32
    %scan3A_275 = arith.constant 0 : i32
    %scan3A_276 = arith.constant 256 : i32
    %scan3A_277 = arith.addi %scan3A_275, %scan3A_276 : i32
    %scan3A_278 = arith.constant 1 : i32
    scf.for %scan3A_474 = %scan3A_275 to %scan3A_277 step %scan3A_278  : i32 {
      %mul3A_475 = arith.constant 16 : i32
      %mul3A_476 = arith.muli %scan3A_474, %mul3A_475 : i32
      %get3A = arith.index_cast %mul3A_476 : i32 to index
      %get3A_477 = tpu.vector_load %arg6[%get3A] {strides = array<i32>} : memref<4096xi32, #tpu.memory_space<vmem>>, vector<16xi32>,
      %get3A_478 = arith.index_cast %mul3A_476 : i32 to index
      %get3A_479 = tpu.vector_load %arg7[%get3A_478] {strides = array<i32>} : memref<4096xi32, #tpu.memory_space<vmem>>, vector<16xi32>,
      %add3A_480 = arith.addi %get3A_477, %get3A_479 : vector<16xi32>
      %swap3A = arith.index_cast %mul3A_476 : i32 to index
      %swap3A_481 = tpu.vector_load %arg6[%swap3A] {strides = array<i32>} : memref<4096xi32, #tpu.memory_space<vmem>>, vector<16xi32>,
      tpu.vector_store %arg6[%swap3A], %add3A_480 {strides = array<i32>} : memref<4096xi32, #tpu.memory_space<vmem>>, vector<16xi32>,
    }
    %scan3A_279 = arith.constant 256 : i32
    "tpu.region"() ({
      %run_scoped3A = tpu.sem_alloc : memref<!tpu.dma_semaphore, #tpu.memory_space<semaphore_mem>>
      %dma_start3A = arith.constant 53248 : i32
      %dma_start3A_474 = tpu.memref_slice %arg9[%dma_start3A] : memref<65536xi32, #tpu.memory_space<vmem_shared>> -> memref<4096xi32, #tpu.memory_space<vmem_shared>>
      %dma_start3A_475 = arith.constant 53248 : i32
      %dma_start3A_476 = tpu.memref_slice %arg9[%dma_start3A_475] : memref<65536xi32, #tpu.memory_space<vmem_shared>> -> memref<4096xi32, #tpu.memory_space<vmem_shared>>
      tpu.enqueue_dma source(%dma_start3A_476 : memref<4096xi32, #tpu.memory_space<vmem_shared>>) target(%arg7 : memref<4096xi32, #tpu.memory_space<vmem>>) target_semaphore(%run_scoped3A : memref<!tpu.dma_semaphore, #tpu.memory_space<semaphore_mem>>)
      %dma_wait3A = arith.constant 53248 : i32
      %dma_wait3A_477 = tpu.memref_slice %arg9[%dma_wait3A] : memref<65536xi32, #tpu.memory_space<vmem_shared>> -> memref<4096xi32, #tpu.memory_space<vmem_shared>>
      %dma_wait3A_478 = arith.constant 53248 : i32
      %dma_wait3A_479 = tpu.memref_slice %arg9[%dma_wait3A_478] : memref<65536xi32, #tpu.memory_space<vmem_shared>> -> memref<4096xi32, #tpu.memory_space<vmem_shared>>
      tpu.wait_dma2 semaphore(%run_scoped3A : memref<!tpu.dma_semaphore, #tpu.memory_space<semaphore_mem>>) src(%dma_wait3A_479 : memref<4096xi32, #tpu.memory_space<vmem_shared>>) dst(%arg7 : memref<4096xi32, #tpu.memory_space<vmem>>)
      tpu.yield
    }) : () -> ()
    %scan3A_280 = arith.constant 0 : i32
    %scan3A_281 = arith.constant 0 : i32
    %scan3A_282 = arith.constant 256 : i32
    %scan3A_283 = arith.addi %scan3A_281, %scan3A_282 : i32
    %scan3A_284 = arith.constant 1 : i32
    scf.for %scan3A_474 = %scan3A_281 to %scan3A_283 step %scan3A_284  : i32 {
      %mul3A_475 = arith.constant 16 : i32
      %mul3A_476 = arith.muli %scan3A_474, %mul3A_475 : i32
      %get3A = arith.index_cast %mul3A_476 : i32 to index
      %get3A_477 = tpu.vector_load %arg6[%get3A] {strides = array<i32>} : memref<4096xi32, #tpu.memory_space<vmem>>, vector<16xi32>,
      %get3A_478 = arith.index_cast %mul3A_476 : i32 to index
      %get3A_479 = tpu.vector_load %arg7[%get3A_478] {strides = array<i32>} : memref<4096xi32, #tpu.memory_space<vmem>>, vector<16xi32>,
      %add3A_480 = arith.addi %get3A_477, %get3A_479 : vector<16xi32>
      %swap3A = arith.index_cast %mul3A_476 : i32 to index
      %swap3A_481 = tpu.vector_load %arg6[%swap3A] {strides = array<i32>} : memref<4096xi32, #tpu.memory_space<vmem>>, vector<16xi32>,
      tpu.vector_store %arg6[%swap3A], %add3A_480 {strides = array<i32>} : memref<4096xi32, #tpu.memory_space<vmem>>, vector<16xi32>,
    }
    %scan3A_285 = arith.constant 256 : i32
    "tpu.region"() ({
      %run_scoped3A = tpu.sem_alloc : memref<!tpu.dma_semaphore, #tpu.memory_space<semaphore_mem>>
      %dma_start3A = arith.constant 57344 : i32
      %dma_start3A_474 = tpu.memref_slice %arg9[%dma_start3A] : memref<65536xi32, #tpu.memory_space<vmem_shared>> -> memref<4096xi32, #tpu.memory_space<vmem_shared>>
      %dma_start3A_475 = arith.constant 57344 : i32
      %dma_start3A_476 = tpu.memref_slice %arg9[%dma_start3A_475] : memref<65536xi32, #tpu.memory_space<vmem_shared>> -> memref<4096xi32, #tpu.memory_space<vmem_shared>>
      tpu.enqueue_dma source(%dma_start3A_476 : memref<4096xi32, #tpu.memory_space<vmem_shared>>) target(%arg7 : memref<4096xi32, #tpu.memory_space<vmem>>) target_semaphore(%run_scoped3A : memref<!tpu.dma_semaphore, #tpu.memory_space<semaphore_mem>>)
      %dma_wait3A = arith.constant 57344 : i32
      %dma_wait3A_477 = tpu.memref_slice %arg9[%dma_wait3A] : memref<65536xi32, #tpu.memory_space<vmem_shared>> -> memref<4096xi32, #tpu.memory_space<vmem_shared>>
      %dma_wait3A_478 = arith.constant 57344 : i32
      %dma_wait3A_479 = tpu.memref_slice %arg9[%dma_wait3A_478] : memref<65536xi32, #tpu.memory_space<vmem_shared>> -> memref<4096xi32, #tpu.memory_space<vmem_shared>>
      tpu.wait_dma2 semaphore(%run_scoped3A : memref<!tpu.dma_semaphore, #tpu.memory_space<semaphore_mem>>) src(%dma_wait3A_479 : memref<4096xi32, #tpu.memory_space<vmem_shared>>) dst(%arg7 : memref<4096xi32, #tpu.memory_space<vmem>>)
      tpu.yield
    }) : () -> ()
    %scan3A_286 = arith.constant 0 : i32
    %scan3A_287 = arith.constant 0 : i32
    %scan3A_288 = arith.constant 256 : i32
    %scan3A_289 = arith.addi %scan3A_287, %scan3A_288 : i32
    %scan3A_290 = arith.constant 1 : i32
    scf.for %scan3A_474 = %scan3A_287 to %scan3A_289 step %scan3A_290  : i32 {
      %mul3A_475 = arith.constant 16 : i32
      %mul3A_476 = arith.muli %scan3A_474, %mul3A_475 : i32
      %get3A = arith.index_cast %mul3A_476 : i32 to index
      %get3A_477 = tpu.vector_load %arg6[%get3A] {strides = array<i32>} : memref<4096xi32, #tpu.memory_space<vmem>>, vector<16xi32>,
      %get3A_478 = arith.index_cast %mul3A_476 : i32 to index
      %get3A_479 = tpu.vector_load %arg7[%get3A_478] {strides = array<i32>} : memref<4096xi32, #tpu.memory_space<vmem>>, vector<16xi32>,
      %add3A_480 = arith.addi %get3A_477, %get3A_479 : vector<16xi32>
      %swap3A = arith.index_cast %mul3A_476 : i32 to index
      %swap3A_481 = tpu.vector_load %arg6[%swap3A] {strides = array<i32>} : memref<4096xi32, #tpu.memory_space<vmem>>, vector<16xi32>,
      tpu.vector_store %arg6[%swap3A], %add3A_480 {strides = array<i32>} : memref<4096xi32, #tpu.memory_space<vmem>>, vector<16xi32>,
    }
    %scan3A_291 = arith.constant 256 : i32
    "tpu.region"() ({
      %run_scoped3A = tpu.sem_alloc : memref<!tpu.dma_semaphore, #tpu.memory_space<semaphore_mem>>
      %dma_start3A = arith.constant 61440 : i32
      %dma_start3A_474 = tpu.memref_slice %arg9[%dma_start3A] : memref<65536xi32, #tpu.memory_space<vmem_shared>> -> memref<4096xi32, #tpu.memory_space<vmem_shared>>
      %dma_start3A_475 = arith.constant 61440 : i32
      %dma_start3A_476 = tpu.memref_slice %arg9[%dma_start3A_475] : memref<65536xi32, #tpu.memory_space<vmem_shared>> -> memref<4096xi32, #tpu.memory_space<vmem_shared>>
      tpu.enqueue_dma source(%dma_start3A_476 : memref<4096xi32, #tpu.memory_space<vmem_shared>>) target(%arg7 : memref<4096xi32, #tpu.memory_space<vmem>>) target_semaphore(%run_scoped3A : memref<!tpu.dma_semaphore, #tpu.memory_space<semaphore_mem>>)
      %dma_wait3A = arith.constant 61440 : i32
      %dma_wait3A_477 = tpu.memref_slice %arg9[%dma_wait3A] : memref<65536xi32, #tpu.memory_space<vmem_shared>> -> memref<4096xi32, #tpu.memory_space<vmem_shared>>
      %dma_wait3A_478 = arith.constant 61440 : i32
      %dma_wait3A_479 = tpu.memref_slice %arg9[%dma_wait3A_478] : memref<65536xi32, #tpu.memory_space<vmem_shared>> -> memref<4096xi32, #tpu.memory_space<vmem_shared>>
      tpu.wait_dma2 semaphore(%run_scoped3A : memref<!tpu.dma_semaphore, #tpu.memory_space<semaphore_mem>>) src(%dma_wait3A_479 : memref<4096xi32, #tpu.memory_space<vmem_shared>>) dst(%arg7 : memref<4096xi32, #tpu.memory_space<vmem>>)
      tpu.yield
    }) : () -> ()
    %scan3A_292 = arith.constant 0 : i32
    %scan3A_293 = arith.constant 0 : i32
    %scan3A_294 = arith.constant 256 : i32
    %scan3A_295 = arith.addi %scan3A_293, %scan3A_294 : i32
    %scan3A_296 = arith.constant 1 : i32
    scf.for %scan3A_474 = %scan3A_293 to %scan3A_295 step %scan3A_296  : i32 {
      %mul3A_475 = arith.constant 16 : i32
      %mul3A_476 = arith.muli %scan3A_474, %mul3A_475 : i32
      %get3A = arith.index_cast %mul3A_476 : i32 to index
      %get3A_477 = tpu.vector_load %arg6[%get3A] {strides = array<i32>} : memref<4096xi32, #tpu.memory_space<vmem>>, vector<16xi32>,
      %get3A_478 = arith.index_cast %mul3A_476 : i32 to index
      %get3A_479 = tpu.vector_load %arg7[%get3A_478] {strides = array<i32>} : memref<4096xi32, #tpu.memory_space<vmem>>, vector<16xi32>,
      %add3A_480 = arith.addi %get3A_477, %get3A_479 : vector<16xi32>
      %swap3A = arith.index_cast %mul3A_476 : i32 to index
      %swap3A_481 = tpu.vector_load %arg6[%swap3A] {strides = array<i32>} : memref<4096xi32, #tpu.memory_space<vmem>>, vector<16xi32>,
      tpu.vector_store %arg6[%swap3A], %add3A_480 {strides = array<i32>} : memref<4096xi32, #tpu.memory_space<vmem>>, vector<16xi32>,
    }
    %scan3A_297 = arith.constant 256 : i32
    %barrier3A_298 = arith.constant 0 : index
    tpu.barrier barrier_id(%barrier3A_298)
    %scan3A_299 = arith.constant 0 : i32
    %scan3A_300 = arith.constant -1 : i32
    %scan3A_301 = arith.constant 0 : i32
    %scan3A_302 = arith.constant 0 : i32
    %scan3A_303 = arith.constant 256 : i32
    %scan3A_304 = arith.addi %scan3A_302, %scan3A_303 : i32
    %scan3A_305 = arith.constant 1 : i32
    %scan3A_306:3 = scf.for %scan3A_474 = %scan3A_302 to %scan3A_304 step %scan3A_305 iter_args(%scan3A_475 = %scan3A_299, %scan3A_476 = %scan3A_300, %scan3A_477 = %scan3A_301) -> (i32, i32, i32)  : i32 {
      %mul3A_478 = arith.constant 16 : i32
      %mul3A_479 = arith.muli %scan3A_474, %mul3A_478 : i32
      %get3A = arith.index_cast %mul3A_479 : i32 to index
      %get3A_480 = tpu.vector_load %arg6[%get3A] {strides = array<i32>} : memref<4096xi32, #tpu.memory_space<vmem>>, vector<16xi32>,
      %broadcast_in_dim3A_481 = arith.constant true
      %broadcast_in_dim3A_482 = vector.broadcast %broadcast_in_dim3A_481 : i1 to vector<16xi1>
      %masked_cumsum3A = tpu.scan <sum>, %get3A_480 masked %broadcast_in_dim3A_482 : vector<16xi32>, vector<16xi1> -> vector<16xi32>
      %add3A_483 = vector.broadcast %scan3A_475 : i32 to vector<16xi32>
      %add3A_484 = arith.addi %add3A_483, %masked_cumsum3A : vector<16xi32>
      %gt3A = vector.broadcast %scan3A_151#2 : i32 to vector<16xi32>
      %gt3A_485 = arith.cmpi sgt, %add3A_484, %gt3A : vector<16xi32>
      %jit3A = arith.constant 0 : i32
      %jit3A_486 = arith.constant 1 : i32
      %broadcast_in_dim3A_487 = vector.broadcast %jit3A : i32 to vector<16xi32>
      %broadcast_in_dim3A_488 = vector.broadcast %jit3A_486 : i32 to vector<16xi32>
      %select_n3A = arith.select %gt3A_485, %broadcast_in_dim3A_487, %broadcast_in_dim3A_488 : vector<16xi1>, vector<16xi32>
      %reduce_sum3A = arith.constant true
      %reduce_sum3A_489 = vector.broadcast %reduce_sum3A : i1 to vector<16xi1>
      %reduce_sum3A_490 = tpu.scan <sum>, %select_n3A masked %reduce_sum3A_489 : vector<16xi32>, vector<16xi1> -> vector<16xi32>
      %reduce_sum3A_491 = vector.extract %reduce_sum3A_490[15] : i32 from vector<16xi32>
      %jit3A_492 = arith.constant 0 : i32
      %broadcast_in_dim3A_493 = vector.broadcast %jit3A_492 : i32 to vector<16xi32>
      %select_n3A_494 = arith.select %gt3A_485, %broadcast_in_dim3A_493, %get3A_480 : vector<16xi1>, vector<16xi32>
      %reduce_sum3A_495 = arith.constant true
      %reduce_sum3A_496 = vector.broadcast %reduce_sum3A_495 : i1 to vector<16xi1>
      %reduce_sum3A_497 = tpu.scan <sum>, %select_n3A_494 masked %reduce_sum3A_496 : vector<16xi32>, vector<16xi1> -> vector<16xi32>
      %reduce_sum3A_498 = vector.extract %reduce_sum3A_497[15] : i32 from vector<16xi32>
      %add3A_499 = arith.addi %scan3A_475, %reduce_sum3A_498 : i32
      %lt3A = arith.constant 0 : i32
      %lt3A_500 = arith.cmpi slt, %scan3A_476, %lt3A : i32
      %lt3A_501 = arith.constant 16 : i32
      %lt3A_502 = arith.cmpi slt, %reduce_sum3A_491, %lt3A_501 : i32
      %and3A_503 = arith.andi %lt3A_500, %lt3A_502 : i1
      %mul3A_504 = arith.constant 16 : i32
      %mul3A_505 = arith.muli %scan3A_474, %mul3A_504 : i32
      %add3A_506 = arith.addi %mul3A_505, %reduce_sum3A_491 : i32
      %select_n3A_507 = arith.select %and3A_503, %add3A_506, %scan3A_476 : i32
      %sub3A = arith.subi %scan3A_151#2, %add3A_499 : i32
      %select_n3A_508 = arith.select %and3A_503, %sub3A, %scan3A_477 : i32
      %reduce_sum3A_509 = arith.constant true
      %reduce_sum3A_510 = vector.broadcast %reduce_sum3A_509 : i1 to vector<16xi1>
      %reduce_sum3A_511 = tpu.scan <sum>, %get3A_480 masked %reduce_sum3A_510 : vector<16xi32>, vector<16xi1> -> vector<16xi32>
      %reduce_sum3A_512 = vector.extract %reduce_sum3A_511[15] : i32 from vector<16xi32>
      %add3A_513 = arith.addi %scan3A_475, %reduce_sum3A_512 : i32
      scf.yield %add3A_513, %select_n3A_507, %select_n3A_508 : i32, i32, i32
    }
    %scan3A_307 = arith.constant 256 : i32
    %shift_left3A = arith.constant 12 : i32
    %shift_left3A_308 = arith.shli %scan3A_151#1, %shift_left3A : i32
    %or3A = arith.ori %shift_left3A_308, %scan3A_306#1 : i32
    %broadcast_in_dim3A_309 = arith.constant 0 : i32
    %broadcast_in_dim3A_310 = vector.broadcast %broadcast_in_dim3A_309 : i32 to vector<16xi32>
    %scan3A_311 = arith.constant 0 : i32
    %scan3A_312 = arith.constant 0 : i32
    %scan3A_313 = arith.constant 256 : i32
    %scan3A_314 = arith.addi %scan3A_312, %scan3A_313 : i32
    %scan3A_315 = arith.constant 1 : i32
    scf.for %scan3A_474 = %scan3A_312 to %scan3A_314 step %scan3A_315  : i32 {
      %mul3A_475 = arith.constant 16 : i32
      %mul3A_476 = arith.muli %scan3A_474, %mul3A_475 : i32
      %swap3A = arith.index_cast %mul3A_476 : i32 to index
      %swap3A_477 = tpu.vector_load %arg5[%swap3A] {strides = array<i32>} : memref<4096xi32, #tpu.memory_space<vmem>>, vector<16xi32>,
      tpu.vector_store %arg5[%swap3A], %broadcast_in_dim3A_310 {strides = array<i32>} : memref<4096xi32, #tpu.memory_space<vmem>>, vector<16xi32>,
    }
    %scan3A_316 = arith.constant 256 : i32
    %mul3A_317 = arith.constant 2 : i32
    %mul3A_318 = arith.muli %arg1, %mul3A_317 : i32
    %add3A_319 = arith.constant 0 : i32
    %add3A_320 = arith.addi %mul3A_318, %add3A_319 : i32
    %mul3A_321 = arith.constant 65536 : i32
    %mul3A_322 = arith.muli %add3A_320, %mul3A_321 : i32
    "tpu.region"() ({
      %run_scoped3A = tpu.sem_alloc : memref<!tpu.dma_semaphore, #tpu.memory_space<semaphore_mem>>
      %dma_start3A = tpu.memref_slice %arg2[%mul3A_322] : memref<2097152xf32, #tpu.memory_space<hbm>> -> memref<65536xf32, #tpu.memory_space<hbm>>
      %dma_start3A_474 = tpu.memref_slice %arg2[%mul3A_322] : memref<2097152xf32, #tpu.memory_space<hbm>> -> memref<65536xf32, #tpu.memory_space<hbm>>
      tpu.enqueue_dma source(%dma_start3A_474 : memref<65536xf32, #tpu.memory_space<hbm>>) target(%arg4 : memref<65536xf32, #tpu.memory_space<vmem>>) target_semaphore(%run_scoped3A : memref<!tpu.dma_semaphore, #tpu.memory_space<semaphore_mem>>)
      %dma_wait3A = tpu.memref_slice %arg2[%mul3A_322] : memref<2097152xf32, #tpu.memory_space<hbm>> -> memref<65536xf32, #tpu.memory_space<hbm>>
      %dma_wait3A_475 = tpu.memref_slice %arg2[%mul3A_322] : memref<2097152xf32, #tpu.memory_space<hbm>> -> memref<65536xf32, #tpu.memory_space<hbm>>
      tpu.wait_dma2 semaphore(%run_scoped3A : memref<!tpu.dma_semaphore, #tpu.memory_space<semaphore_mem>>) src(%dma_wait3A_475 : memref<65536xf32, #tpu.memory_space<hbm>>) dst(%arg4 : memref<65536xf32, #tpu.memory_space<vmem>>)
      tpu.yield
    }) : () -> ()
    %broadcast_in_dim3A_323 = arith.constant 1 : i32
    %broadcast_in_dim3A_324 = vector.broadcast %broadcast_in_dim3A_323 : i32 to vector<16xi32>
    %scan3A_325 = arith.constant 0 : i32
    %scan3A_326 = arith.constant 63 : i32
    %scan3A_327 = arith.constant 0 : i32
    %scan3A_328 = arith.constant 4096 : i32
    %scan3A_329 = arith.addi %scan3A_327, %scan3A_328 : i32
    %scan3A_330 = arith.constant 1 : i32
    scf.for %scan3A_474 = %scan3A_327 to %scan3A_329 step %scan3A_330  : i32 {
      %mul3A_475 = arith.constant 16 : i32
      %mul3A_476 = arith.muli %scan3A_474, %mul3A_475 : i32
      %get3A = arith.index_cast %mul3A_476 : i32 to index
      %get3A_477 = tpu.vector_load %arg4[%get3A] {strides = array<i32>} : memref<65536xf32, #tpu.memory_space<vmem>>, vector<16xf32>,
      %bitcast_convert_type3A = tpu.bitcast %get3A_477 : vector<16xf32> -> vector<16xi32>
      %shift_right_logical3A = arith.constant 0 : i32
      %shift_right_logical3A_478 = vector.broadcast %shift_right_logical3A : i32 to vector<16xi32>
      %shift_right_logical3A_479 = arith.shrui %bitcast_convert_type3A, %shift_right_logical3A_478 : vector<16xi32>
      %and3A_480 = vector.broadcast %scan3A_326 : i32 to vector<16xi32>
      %and3A_481 = arith.andi %shift_right_logical3A_479, %and3A_480 : vector<16xi32>
      %shift_right_logical3A_482 = arith.constant 6 : i32
      %shift_right_logical3A_483 = vector.broadcast %shift_right_logical3A_482 : i32 to vector<16xi32>
      %shift_right_logical3A_484 = arith.shrui %bitcast_convert_type3A, %shift_right_logical3A_483 : vector<16xi32>
      %eq3A_485 = vector.broadcast %or3A : i32 to vector<16xi32>
      %eq3A_486 = arith.cmpi eq, %shift_right_logical3A_484, %eq3A_485 : vector<16xi32>
      tpu.vector_store_idx %arg5[%and3A_481], %broadcast_in_dim3A_324 masked %eq3A_486 {add = true} : memref<4096xi32, #tpu.memory_space<vmem>>[vector<16xi32>], vector<16xi32>, vector<16xi1>
    }
    %scan3A_331 = arith.constant 4096 : i32
    %mul3A_332 = arith.constant 2 : i32
    %mul3A_333 = arith.muli %arg1, %mul3A_332 : i32
    %add3A_334 = arith.constant 1 : i32
    %add3A_335 = arith.addi %mul3A_333, %add3A_334 : i32
    %mul3A_336 = arith.constant 65536 : i32
    %mul3A_337 = arith.muli %add3A_335, %mul3A_336 : i32
    "tpu.region"() ({
      %run_scoped3A = tpu.sem_alloc : memref<!tpu.dma_semaphore, #tpu.memory_space<semaphore_mem>>
      %dma_start3A = tpu.memref_slice %arg2[%mul3A_337] : memref<2097152xf32, #tpu.memory_space<hbm>> -> memref<65536xf32, #tpu.memory_space<hbm>>
      %dma_start3A_474 = tpu.memref_slice %arg2[%mul3A_337] : memref<2097152xf32, #tpu.memory_space<hbm>> -> memref<65536xf32, #tpu.memory_space<hbm>>
      tpu.enqueue_dma source(%dma_start3A_474 : memref<65536xf32, #tpu.memory_space<hbm>>) target(%arg4 : memref<65536xf32, #tpu.memory_space<vmem>>) target_semaphore(%run_scoped3A : memref<!tpu.dma_semaphore, #tpu.memory_space<semaphore_mem>>)
      %dma_wait3A = tpu.memref_slice %arg2[%mul3A_337] : memref<2097152xf32, #tpu.memory_space<hbm>> -> memref<65536xf32, #tpu.memory_space<hbm>>
      %dma_wait3A_475 = tpu.memref_slice %arg2[%mul3A_337] : memref<2097152xf32, #tpu.memory_space<hbm>> -> memref<65536xf32, #tpu.memory_space<hbm>>
      tpu.wait_dma2 semaphore(%run_scoped3A : memref<!tpu.dma_semaphore, #tpu.memory_space<semaphore_mem>>) src(%dma_wait3A_475 : memref<65536xf32, #tpu.memory_space<hbm>>) dst(%arg4 : memref<65536xf32, #tpu.memory_space<vmem>>)
      tpu.yield
    }) : () -> ()
    %broadcast_in_dim3A_338 = arith.constant 1 : i32
    %broadcast_in_dim3A_339 = vector.broadcast %broadcast_in_dim3A_338 : i32 to vector<16xi32>
    %scan3A_340 = arith.constant 0 : i32
    %scan3A_341 = arith.constant 63 : i32
    %scan3A_342 = arith.constant 0 : i32
    %scan3A_343 = arith.constant 4096 : i32
    %scan3A_344 = arith.addi %scan3A_342, %scan3A_343 : i32
    %scan3A_345 = arith.constant 1 : i32
    scf.for %scan3A_474 = %scan3A_342 to %scan3A_344 step %scan3A_345  : i32 {
      %mul3A_475 = arith.constant 16 : i32
      %mul3A_476 = arith.muli %scan3A_474, %mul3A_475 : i32
      %get3A = arith.index_cast %mul3A_476 : i32 to index
      %get3A_477 = tpu.vector_load %arg4[%get3A] {strides = array<i32>} : memref<65536xf32, #tpu.memory_space<vmem>>, vector<16xf32>,
      %bitcast_convert_type3A = tpu.bitcast %get3A_477 : vector<16xf32> -> vector<16xi32>
      %shift_right_logical3A = arith.constant 0 : i32
      %shift_right_logical3A_478 = vector.broadcast %shift_right_logical3A : i32 to vector<16xi32>
      %shift_right_logical3A_479 = arith.shrui %bitcast_convert_type3A, %shift_right_logical3A_478 : vector<16xi32>
      %and3A_480 = vector.broadcast %scan3A_341 : i32 to vector<16xi32>
      %and3A_481 = arith.andi %shift_right_logical3A_479, %and3A_480 : vector<16xi32>
      %shift_right_logical3A_482 = arith.constant 6 : i32
      %shift_right_logical3A_483 = vector.broadcast %shift_right_logical3A_482 : i32 to vector<16xi32>
      %shift_right_logical3A_484 = arith.shrui %bitcast_convert_type3A, %shift_right_logical3A_483 : vector<16xi32>
      %eq3A_485 = vector.broadcast %or3A : i32 to vector<16xi32>
      %eq3A_486 = arith.cmpi eq, %shift_right_logical3A_484, %eq3A_485 : vector<16xi32>
      tpu.vector_store_idx %arg5[%and3A_481], %broadcast_in_dim3A_339 masked %eq3A_486 {add = true} : memref<4096xi32, #tpu.memory_space<vmem>>[vector<16xi32>], vector<16xi32>, vector<16xi1>
    }
    %scan3A_346 = arith.constant 4096 : i32
    %mul3A_347 = arith.constant 4096 : i32
    %mul3A_348 = arith.muli %arg1, %mul3A_347 : i32
    "tpu.region"() ({
      %run_scoped3A = tpu.sem_alloc : memref<!tpu.dma_semaphore, #tpu.memory_space<semaphore_mem>>
      %dma_start3A = tpu.memref_slice %arg9[%mul3A_348] : memref<65536xi32, #tpu.memory_space<vmem_shared>> -> memref<4096xi32, #tpu.memory_space<vmem_shared>>
      %dma_start3A_474 = tpu.memref_slice %arg9[%mul3A_348] : memref<65536xi32, #tpu.memory_space<vmem_shared>> -> memref<4096xi32, #tpu.memory_space<vmem_shared>>
      tpu.enqueue_dma source(%arg5 : memref<4096xi32, #tpu.memory_space<vmem>>) target(%dma_start3A_474 : memref<4096xi32, #tpu.memory_space<vmem_shared>>) target_semaphore(%run_scoped3A : memref<!tpu.dma_semaphore, #tpu.memory_space<semaphore_mem>>)
      %dma_wait3A = tpu.memref_slice %arg9[%mul3A_348] : memref<65536xi32, #tpu.memory_space<vmem_shared>> -> memref<4096xi32, #tpu.memory_space<vmem_shared>>
      %dma_wait3A_475 = tpu.memref_slice %arg9[%mul3A_348] : memref<65536xi32, #tpu.memory_space<vmem_shared>> -> memref<4096xi32, #tpu.memory_space<vmem_shared>>
      tpu.wait_dma2 semaphore(%run_scoped3A : memref<!tpu.dma_semaphore, #tpu.memory_space<semaphore_mem>>) src(%arg5 : memref<4096xi32, #tpu.memory_space<vmem>>) dst(%dma_wait3A_475 : memref<4096xi32, #tpu.memory_space<vmem_shared>>)
      tpu.yield
    }) : () -> ()
    %barrier3A_349 = arith.constant 0 : index
    tpu.barrier barrier_id(%barrier3A_349)
    %broadcast_in_dim3A_350 = arith.constant 0 : i32
    %broadcast_in_dim3A_351 = vector.broadcast %broadcast_in_dim3A_350 : i32 to vector<16xi32>
    %scan3A_352 = arith.constant 0 : i32
    %scan3A_353 = arith.constant 0 : i32
    %scan3A_354 = arith.constant 256 : i32
    %scan3A_355 = arith.addi %scan3A_353, %scan3A_354 : i32
    %scan3A_356 = arith.constant 1 : i32
    scf.for %scan3A_474 = %scan3A_353 to %scan3A_355 step %scan3A_356  : i32 {
      %mul3A_475 = arith.constant 16 : i32
      %mul3A_476 = arith.muli %scan3A_474, %mul3A_475 : i32
      %swap3A = arith.index_cast %mul3A_476 : i32 to index
      %swap3A_477 = tpu.vector_load %arg6[%swap3A] {strides = array<i32>} : memref<4096xi32, #tpu.memory_space<vmem>>, vector<16xi32>,
      tpu.vector_store %arg6[%swap3A], %broadcast_in_dim3A_351 {strides = array<i32>} : memref<4096xi32, #tpu.memory_space<vmem>>, vector<16xi32>,
    }
    %scan3A_357 = arith.constant 256 : i32
    "tpu.region"() ({
      %run_scoped3A = tpu.sem_alloc : memref<!tpu.dma_semaphore, #tpu.memory_space<semaphore_mem>>
      %dma_start3A = arith.constant 0 : i32
      %dma_start3A_474 = tpu.memref_slice %arg9[%dma_start3A] : memref<65536xi32, #tpu.memory_space<vmem_shared>> -> memref<4096xi32, #tpu.memory_space<vmem_shared>>
      %dma_start3A_475 = arith.constant 0 : i32
      %dma_start3A_476 = tpu.memref_slice %arg9[%dma_start3A_475] : memref<65536xi32, #tpu.memory_space<vmem_shared>> -> memref<4096xi32, #tpu.memory_space<vmem_shared>>
      tpu.enqueue_dma source(%dma_start3A_476 : memref<4096xi32, #tpu.memory_space<vmem_shared>>) target(%arg7 : memref<4096xi32, #tpu.memory_space<vmem>>) target_semaphore(%run_scoped3A : memref<!tpu.dma_semaphore, #tpu.memory_space<semaphore_mem>>)
      %dma_wait3A = arith.constant 0 : i32
      %dma_wait3A_477 = tpu.memref_slice %arg9[%dma_wait3A] : memref<65536xi32, #tpu.memory_space<vmem_shared>> -> memref<4096xi32, #tpu.memory_space<vmem_shared>>
      %dma_wait3A_478 = arith.constant 0 : i32
      %dma_wait3A_479 = tpu.memref_slice %arg9[%dma_wait3A_478] : memref<65536xi32, #tpu.memory_space<vmem_shared>> -> memref<4096xi32, #tpu.memory_space<vmem_shared>>
      tpu.wait_dma2 semaphore(%run_scoped3A : memref<!tpu.dma_semaphore, #tpu.memory_space<semaphore_mem>>) src(%dma_wait3A_479 : memref<4096xi32, #tpu.memory_space<vmem_shared>>) dst(%arg7 : memref<4096xi32, #tpu.memory_space<vmem>>)
      tpu.yield
    }) : () -> ()
    %scan3A_358 = arith.constant 0 : i32
    %scan3A_359 = arith.constant 0 : i32
    %scan3A_360 = arith.constant 256 : i32
    %scan3A_361 = arith.addi %scan3A_359, %scan3A_360 : i32
    %scan3A_362 = arith.constant 1 : i32
    scf.for %scan3A_474 = %scan3A_359 to %scan3A_361 step %scan3A_362  : i32 {
      %mul3A_475 = arith.constant 16 : i32
      %mul3A_476 = arith.muli %scan3A_474, %mul3A_475 : i32
      %get3A = arith.index_cast %mul3A_476 : i32 to index
      %get3A_477 = tpu.vector_load %arg6[%get3A] {strides = array<i32>} : memref<4096xi32, #tpu.memory_space<vmem>>, vector<16xi32>,
      %get3A_478 = arith.index_cast %mul3A_476 : i32 to index
      %get3A_479 = tpu.vector_load %arg7[%get3A_478] {strides = array<i32>} : memref<4096xi32, #tpu.memory_space<vmem>>, vector<16xi32>,
      %add3A_480 = arith.addi %get3A_477, %get3A_479 : vector<16xi32>
      %swap3A = arith.index_cast %mul3A_476 : i32 to index
      %swap3A_481 = tpu.vector_load %arg6[%swap3A] {strides = array<i32>} : memref<4096xi32, #tpu.memory_space<vmem>>, vector<16xi32>,
      tpu.vector_store %arg6[%swap3A], %add3A_480 {strides = array<i32>} : memref<4096xi32, #tpu.memory_space<vmem>>, vector<16xi32>,
    }
    %scan3A_363 = arith.constant 256 : i32
    "tpu.region"() ({
      %run_scoped3A = tpu.sem_alloc : memref<!tpu.dma_semaphore, #tpu.memory_space<semaphore_mem>>
      %dma_start3A = arith.constant 4096 : i32
      %dma_start3A_474 = tpu.memref_slice %arg9[%dma_start3A] : memref<65536xi32, #tpu.memory_space<vmem_shared>> -> memref<4096xi32, #tpu.memory_space<vmem_shared>>
      %dma_start3A_475 = arith.constant 4096 : i32
      %dma_start3A_476 = tpu.memref_slice %arg9[%dma_start3A_475] : memref<65536xi32, #tpu.memory_space<vmem_shared>> -> memref<4096xi32, #tpu.memory_space<vmem_shared>>
      tpu.enqueue_dma source(%dma_start3A_476 : memref<4096xi32, #tpu.memory_space<vmem_shared>>) target(%arg7 : memref<4096xi32, #tpu.memory_space<vmem>>) target_semaphore(%run_scoped3A : memref<!tpu.dma_semaphore, #tpu.memory_space<semaphore_mem>>)
      %dma_wait3A = arith.constant 4096 : i32
      %dma_wait3A_477 = tpu.memref_slice %arg9[%dma_wait3A] : memref<65536xi32, #tpu.memory_space<vmem_shared>> -> memref<4096xi32, #tpu.memory_space<vmem_shared>>
      %dma_wait3A_478 = arith.constant 4096 : i32
      %dma_wait3A_479 = tpu.memref_slice %arg9[%dma_wait3A_478] : memref<65536xi32, #tpu.memory_space<vmem_shared>> -> memref<4096xi32, #tpu.memory_space<vmem_shared>>
      tpu.wait_dma2 semaphore(%run_scoped3A : memref<!tpu.dma_semaphore, #tpu.memory_space<semaphore_mem>>) src(%dma_wait3A_479 : memref<4096xi32, #tpu.memory_space<vmem_shared>>) dst(%arg7 : memref<4096xi32, #tpu.memory_space<vmem>>)
      tpu.yield
    }) : () -> ()
    %scan3A_364 = arith.constant 0 : i32
    %scan3A_365 = arith.constant 0 : i32
    %scan3A_366 = arith.constant 256 : i32
    %scan3A_367 = arith.addi %scan3A_365, %scan3A_366 : i32
    %scan3A_368 = arith.constant 1 : i32
    scf.for %scan3A_474 = %scan3A_365 to %scan3A_367 step %scan3A_368  : i32 {
      %mul3A_475 = arith.constant 16 : i32
      %mul3A_476 = arith.muli %scan3A_474, %mul3A_475 : i32
      %get3A = arith.index_cast %mul3A_476 : i32 to index
      %get3A_477 = tpu.vector_load %arg6[%get3A] {strides = array<i32>} : memref<4096xi32, #tpu.memory_space<vmem>>, vector<16xi32>,
      %get3A_478 = arith.index_cast %mul3A_476 : i32 to index
      %get3A_479 = tpu.vector_load %arg7[%get3A_478] {strides = array<i32>} : memref<4096xi32, #tpu.memory_space<vmem>>, vector<16xi32>,
      %add3A_480 = arith.addi %get3A_477, %get3A_479 : vector<16xi32>
      %swap3A = arith.index_cast %mul3A_476 : i32 to index
      %swap3A_481 = tpu.vector_load %arg6[%swap3A] {strides = array<i32>} : memref<4096xi32, #tpu.memory_space<vmem>>, vector<16xi32>,
      tpu.vector_store %arg6[%swap3A], %add3A_480 {strides = array<i32>} : memref<4096xi32, #tpu.memory_space<vmem>>, vector<16xi32>,
    }
    %scan3A_369 = arith.constant 256 : i32
    "tpu.region"() ({
      %run_scoped3A = tpu.sem_alloc : memref<!tpu.dma_semaphore, #tpu.memory_space<semaphore_mem>>
      %dma_start3A = arith.constant 8192 : i32
      %dma_start3A_474 = tpu.memref_slice %arg9[%dma_start3A] : memref<65536xi32, #tpu.memory_space<vmem_shared>> -> memref<4096xi32, #tpu.memory_space<vmem_shared>>
      %dma_start3A_475 = arith.constant 8192 : i32
      %dma_start3A_476 = tpu.memref_slice %arg9[%dma_start3A_475] : memref<65536xi32, #tpu.memory_space<vmem_shared>> -> memref<4096xi32, #tpu.memory_space<vmem_shared>>
      tpu.enqueue_dma source(%dma_start3A_476 : memref<4096xi32, #tpu.memory_space<vmem_shared>>) target(%arg7 : memref<4096xi32, #tpu.memory_space<vmem>>) target_semaphore(%run_scoped3A : memref<!tpu.dma_semaphore, #tpu.memory_space<semaphore_mem>>)
      %dma_wait3A = arith.constant 8192 : i32
      %dma_wait3A_477 = tpu.memref_slice %arg9[%dma_wait3A] : memref<65536xi32, #tpu.memory_space<vmem_shared>> -> memref<4096xi32, #tpu.memory_space<vmem_shared>>
      %dma_wait3A_478 = arith.constant 8192 : i32
      %dma_wait3A_479 = tpu.memref_slice %arg9[%dma_wait3A_478] : memref<65536xi32, #tpu.memory_space<vmem_shared>> -> memref<4096xi32, #tpu.memory_space<vmem_shared>>
      tpu.wait_dma2 semaphore(%run_scoped3A : memref<!tpu.dma_semaphore, #tpu.memory_space<semaphore_mem>>) src(%dma_wait3A_479 : memref<4096xi32, #tpu.memory_space<vmem_shared>>) dst(%arg7 : memref<4096xi32, #tpu.memory_space<vmem>>)
      tpu.yield
    }) : () -> ()
    %scan3A_370 = arith.constant 0 : i32
    %scan3A_371 = arith.constant 0 : i32
    %scan3A_372 = arith.constant 256 : i32
    %scan3A_373 = arith.addi %scan3A_371, %scan3A_372 : i32
    %scan3A_374 = arith.constant 1 : i32
    scf.for %scan3A_474 = %scan3A_371 to %scan3A_373 step %scan3A_374  : i32 {
      %mul3A_475 = arith.constant 16 : i32
      %mul3A_476 = arith.muli %scan3A_474, %mul3A_475 : i32
      %get3A = arith.index_cast %mul3A_476 : i32 to index
      %get3A_477 = tpu.vector_load %arg6[%get3A] {strides = array<i32>} : memref<4096xi32, #tpu.memory_space<vmem>>, vector<16xi32>,
      %get3A_478 = arith.index_cast %mul3A_476 : i32 to index
      %get3A_479 = tpu.vector_load %arg7[%get3A_478] {strides = array<i32>} : memref<4096xi32, #tpu.memory_space<vmem>>, vector<16xi32>,
      %add3A_480 = arith.addi %get3A_477, %get3A_479 : vector<16xi32>
      %swap3A = arith.index_cast %mul3A_476 : i32 to index
      %swap3A_481 = tpu.vector_load %arg6[%swap3A] {strides = array<i32>} : memref<4096xi32, #tpu.memory_space<vmem>>, vector<16xi32>,
      tpu.vector_store %arg6[%swap3A], %add3A_480 {strides = array<i32>} : memref<4096xi32, #tpu.memory_space<vmem>>, vector<16xi32>,
    }
    %scan3A_375 = arith.constant 256 : i32
    "tpu.region"() ({
      %run_scoped3A = tpu.sem_alloc : memref<!tpu.dma_semaphore, #tpu.memory_space<semaphore_mem>>
      %dma_start3A = arith.constant 12288 : i32
      %dma_start3A_474 = tpu.memref_slice %arg9[%dma_start3A] : memref<65536xi32, #tpu.memory_space<vmem_shared>> -> memref<4096xi32, #tpu.memory_space<vmem_shared>>
      %dma_start3A_475 = arith.constant 12288 : i32
      %dma_start3A_476 = tpu.memref_slice %arg9[%dma_start3A_475] : memref<65536xi32, #tpu.memory_space<vmem_shared>> -> memref<4096xi32, #tpu.memory_space<vmem_shared>>
      tpu.enqueue_dma source(%dma_start3A_476 : memref<4096xi32, #tpu.memory_space<vmem_shared>>) target(%arg7 : memref<4096xi32, #tpu.memory_space<vmem>>) target_semaphore(%run_scoped3A : memref<!tpu.dma_semaphore, #tpu.memory_space<semaphore_mem>>)
      %dma_wait3A = arith.constant 12288 : i32
      %dma_wait3A_477 = tpu.memref_slice %arg9[%dma_wait3A] : memref<65536xi32, #tpu.memory_space<vmem_shared>> -> memref<4096xi32, #tpu.memory_space<vmem_shared>>
      %dma_wait3A_478 = arith.constant 12288 : i32
      %dma_wait3A_479 = tpu.memref_slice %arg9[%dma_wait3A_478] : memref<65536xi32, #tpu.memory_space<vmem_shared>> -> memref<4096xi32, #tpu.memory_space<vmem_shared>>
      tpu.wait_dma2 semaphore(%run_scoped3A : memref<!tpu.dma_semaphore, #tpu.memory_space<semaphore_mem>>) src(%dma_wait3A_479 : memref<4096xi32, #tpu.memory_space<vmem_shared>>) dst(%arg7 : memref<4096xi32, #tpu.memory_space<vmem>>)
      tpu.yield
    }) : () -> ()
    %scan3A_376 = arith.constant 0 : i32
    %scan3A_377 = arith.constant 0 : i32
    %scan3A_378 = arith.constant 256 : i32
    %scan3A_379 = arith.addi %scan3A_377, %scan3A_378 : i32
    %scan3A_380 = arith.constant 1 : i32
    scf.for %scan3A_474 = %scan3A_377 to %scan3A_379 step %scan3A_380  : i32 {
      %mul3A_475 = arith.constant 16 : i32
      %mul3A_476 = arith.muli %scan3A_474, %mul3A_475 : i32
      %get3A = arith.index_cast %mul3A_476 : i32 to index
      %get3A_477 = tpu.vector_load %arg6[%get3A] {strides = array<i32>} : memref<4096xi32, #tpu.memory_space<vmem>>, vector<16xi32>,
      %get3A_478 = arith.index_cast %mul3A_476 : i32 to index
      %get3A_479 = tpu.vector_load %arg7[%get3A_478] {strides = array<i32>} : memref<4096xi32, #tpu.memory_space<vmem>>, vector<16xi32>,
      %add3A_480 = arith.addi %get3A_477, %get3A_479 : vector<16xi32>
      %swap3A = arith.index_cast %mul3A_476 : i32 to index
      %swap3A_481 = tpu.vector_load %arg6[%swap3A] {strides = array<i32>} : memref<4096xi32, #tpu.memory_space<vmem>>, vector<16xi32>,
      tpu.vector_store %arg6[%swap3A], %add3A_480 {strides = array<i32>} : memref<4096xi32, #tpu.memory_space<vmem>>, vector<16xi32>,
    }
    %scan3A_381 = arith.constant 256 : i32
    "tpu.region"() ({
      %run_scoped3A = tpu.sem_alloc : memref<!tpu.dma_semaphore, #tpu.memory_space<semaphore_mem>>
      %dma_start3A = arith.constant 16384 : i32
      %dma_start3A_474 = tpu.memref_slice %arg9[%dma_start3A] : memref<65536xi32, #tpu.memory_space<vmem_shared>> -> memref<4096xi32, #tpu.memory_space<vmem_shared>>
      %dma_start3A_475 = arith.constant 16384 : i32
      %dma_start3A_476 = tpu.memref_slice %arg9[%dma_start3A_475] : memref<65536xi32, #tpu.memory_space<vmem_shared>> -> memref<4096xi32, #tpu.memory_space<vmem_shared>>
      tpu.enqueue_dma source(%dma_start3A_476 : memref<4096xi32, #tpu.memory_space<vmem_shared>>) target(%arg7 : memref<4096xi32, #tpu.memory_space<vmem>>) target_semaphore(%run_scoped3A : memref<!tpu.dma_semaphore, #tpu.memory_space<semaphore_mem>>)
      %dma_wait3A = arith.constant 16384 : i32
      %dma_wait3A_477 = tpu.memref_slice %arg9[%dma_wait3A] : memref<65536xi32, #tpu.memory_space<vmem_shared>> -> memref<4096xi32, #tpu.memory_space<vmem_shared>>
      %dma_wait3A_478 = arith.constant 16384 : i32
      %dma_wait3A_479 = tpu.memref_slice %arg9[%dma_wait3A_478] : memref<65536xi32, #tpu.memory_space<vmem_shared>> -> memref<4096xi32, #tpu.memory_space<vmem_shared>>
      tpu.wait_dma2 semaphore(%run_scoped3A : memref<!tpu.dma_semaphore, #tpu.memory_space<semaphore_mem>>) src(%dma_wait3A_479 : memref<4096xi32, #tpu.memory_space<vmem_shared>>) dst(%arg7 : memref<4096xi32, #tpu.memory_space<vmem>>)
      tpu.yield
    }) : () -> ()
    %scan3A_382 = arith.constant 0 : i32
    %scan3A_383 = arith.constant 0 : i32
    %scan3A_384 = arith.constant 256 : i32
    %scan3A_385 = arith.addi %scan3A_383, %scan3A_384 : i32
    %scan3A_386 = arith.constant 1 : i32
    scf.for %scan3A_474 = %scan3A_383 to %scan3A_385 step %scan3A_386  : i32 {
      %mul3A_475 = arith.constant 16 : i32
      %mul3A_476 = arith.muli %scan3A_474, %mul3A_475 : i32
      %get3A = arith.index_cast %mul3A_476 : i32 to index
      %get3A_477 = tpu.vector_load %arg6[%get3A] {strides = array<i32>} : memref<4096xi32, #tpu.memory_space<vmem>>, vector<16xi32>,
      %get3A_478 = arith.index_cast %mul3A_476 : i32 to index
      %get3A_479 = tpu.vector_load %arg7[%get3A_478] {strides = array<i32>} : memref<4096xi32, #tpu.memory_space<vmem>>, vector<16xi32>,
      %add3A_480 = arith.addi %get3A_477, %get3A_479 : vector<16xi32>
      %swap3A = arith.index_cast %mul3A_476 : i32 to index
      %swap3A_481 = tpu.vector_load %arg6[%swap3A] {strides = array<i32>} : memref<4096xi32, #tpu.memory_space<vmem>>, vector<16xi32>,
      tpu.vector_store %arg6[%swap3A], %add3A_480 {strides = array<i32>} : memref<4096xi32, #tpu.memory_space<vmem>>, vector<16xi32>,
    }
    %scan3A_387 = arith.constant 256 : i32
    "tpu.region"() ({
      %run_scoped3A = tpu.sem_alloc : memref<!tpu.dma_semaphore, #tpu.memory_space<semaphore_mem>>
      %dma_start3A = arith.constant 20480 : i32
      %dma_start3A_474 = tpu.memref_slice %arg9[%dma_start3A] : memref<65536xi32, #tpu.memory_space<vmem_shared>> -> memref<4096xi32, #tpu.memory_space<vmem_shared>>
      %dma_start3A_475 = arith.constant 20480 : i32
      %dma_start3A_476 = tpu.memref_slice %arg9[%dma_start3A_475] : memref<65536xi32, #tpu.memory_space<vmem_shared>> -> memref<4096xi32, #tpu.memory_space<vmem_shared>>
      tpu.enqueue_dma source(%dma_start3A_476 : memref<4096xi32, #tpu.memory_space<vmem_shared>>) target(%arg7 : memref<4096xi32, #tpu.memory_space<vmem>>) target_semaphore(%run_scoped3A : memref<!tpu.dma_semaphore, #tpu.memory_space<semaphore_mem>>)
      %dma_wait3A = arith.constant 20480 : i32
      %dma_wait3A_477 = tpu.memref_slice %arg9[%dma_wait3A] : memref<65536xi32, #tpu.memory_space<vmem_shared>> -> memref<4096xi32, #tpu.memory_space<vmem_shared>>
      %dma_wait3A_478 = arith.constant 20480 : i32
      %dma_wait3A_479 = tpu.memref_slice %arg9[%dma_wait3A_478] : memref<65536xi32, #tpu.memory_space<vmem_shared>> -> memref<4096xi32, #tpu.memory_space<vmem_shared>>
      tpu.wait_dma2 semaphore(%run_scoped3A : memref<!tpu.dma_semaphore, #tpu.memory_space<semaphore_mem>>) src(%dma_wait3A_479 : memref<4096xi32, #tpu.memory_space<vmem_shared>>) dst(%arg7 : memref<4096xi32, #tpu.memory_space<vmem>>)
      tpu.yield
    }) : () -> ()
    %scan3A_388 = arith.constant 0 : i32
    %scan3A_389 = arith.constant 0 : i32
    %scan3A_390 = arith.constant 256 : i32
    %scan3A_391 = arith.addi %scan3A_389, %scan3A_390 : i32
    %scan3A_392 = arith.constant 1 : i32
    scf.for %scan3A_474 = %scan3A_389 to %scan3A_391 step %scan3A_392  : i32 {
      %mul3A_475 = arith.constant 16 : i32
      %mul3A_476 = arith.muli %scan3A_474, %mul3A_475 : i32
      %get3A = arith.index_cast %mul3A_476 : i32 to index
      %get3A_477 = tpu.vector_load %arg6[%get3A] {strides = array<i32>} : memref<4096xi32, #tpu.memory_space<vmem>>, vector<16xi32>,
      %get3A_478 = arith.index_cast %mul3A_476 : i32 to index
      %get3A_479 = tpu.vector_load %arg7[%get3A_478] {strides = array<i32>} : memref<4096xi32, #tpu.memory_space<vmem>>, vector<16xi32>,
      %add3A_480 = arith.addi %get3A_477, %get3A_479 : vector<16xi32>
      %swap3A = arith.index_cast %mul3A_476 : i32 to index
      %swap3A_481 = tpu.vector_load %arg6[%swap3A] {strides = array<i32>} : memref<4096xi32, #tpu.memory_space<vmem>>, vector<16xi32>,
      tpu.vector_store %arg6[%swap3A], %add3A_480 {strides = array<i32>} : memref<4096xi32, #tpu.memory_space<vmem>>, vector<16xi32>,
    }
    %scan3A_393 = arith.constant 256 : i32
    "tpu.region"() ({
      %run_scoped3A = tpu.sem_alloc : memref<!tpu.dma_semaphore, #tpu.memory_space<semaphore_mem>>
      %dma_start3A = arith.constant 24576 : i32
      %dma_start3A_474 = tpu.memref_slice %arg9[%dma_start3A] : memref<65536xi32, #tpu.memory_space<vmem_shared>> -> memref<4096xi32, #tpu.memory_space<vmem_shared>>
      %dma_start3A_475 = arith.constant 24576 : i32
      %dma_start3A_476 = tpu.memref_slice %arg9[%dma_start3A_475] : memref<65536xi32, #tpu.memory_space<vmem_shared>> -> memref<4096xi32, #tpu.memory_space<vmem_shared>>
      tpu.enqueue_dma source(%dma_start3A_476 : memref<4096xi32, #tpu.memory_space<vmem_shared>>) target(%arg7 : memref<4096xi32, #tpu.memory_space<vmem>>) target_semaphore(%run_scoped3A : memref<!tpu.dma_semaphore, #tpu.memory_space<semaphore_mem>>)
      %dma_wait3A = arith.constant 24576 : i32
      %dma_wait3A_477 = tpu.memref_slice %arg9[%dma_wait3A] : memref<65536xi32, #tpu.memory_space<vmem_shared>> -> memref<4096xi32, #tpu.memory_space<vmem_shared>>
      %dma_wait3A_478 = arith.constant 24576 : i32
      %dma_wait3A_479 = tpu.memref_slice %arg9[%dma_wait3A_478] : memref<65536xi32, #tpu.memory_space<vmem_shared>> -> memref<4096xi32, #tpu.memory_space<vmem_shared>>
      tpu.wait_dma2 semaphore(%run_scoped3A : memref<!tpu.dma_semaphore, #tpu.memory_space<semaphore_mem>>) src(%dma_wait3A_479 : memref<4096xi32, #tpu.memory_space<vmem_shared>>) dst(%arg7 : memref<4096xi32, #tpu.memory_space<vmem>>)
      tpu.yield
    }) : () -> ()
    %scan3A_394 = arith.constant 0 : i32
    %scan3A_395 = arith.constant 0 : i32
    %scan3A_396 = arith.constant 256 : i32
    %scan3A_397 = arith.addi %scan3A_395, %scan3A_396 : i32
    %scan3A_398 = arith.constant 1 : i32
    scf.for %scan3A_474 = %scan3A_395 to %scan3A_397 step %scan3A_398  : i32 {
      %mul3A_475 = arith.constant 16 : i32
      %mul3A_476 = arith.muli %scan3A_474, %mul3A_475 : i32
      %get3A = arith.index_cast %mul3A_476 : i32 to index
      %get3A_477 = tpu.vector_load %arg6[%get3A] {strides = array<i32>} : memref<4096xi32, #tpu.memory_space<vmem>>, vector<16xi32>,
      %get3A_478 = arith.index_cast %mul3A_476 : i32 to index
      %get3A_479 = tpu.vector_load %arg7[%get3A_478] {strides = array<i32>} : memref<4096xi32, #tpu.memory_space<vmem>>, vector<16xi32>,
      %add3A_480 = arith.addi %get3A_477, %get3A_479 : vector<16xi32>
      %swap3A = arith.index_cast %mul3A_476 : i32 to index
      %swap3A_481 = tpu.vector_load %arg6[%swap3A] {strides = array<i32>} : memref<4096xi32, #tpu.memory_space<vmem>>, vector<16xi32>,
      tpu.vector_store %arg6[%swap3A], %add3A_480 {strides = array<i32>} : memref<4096xi32, #tpu.memory_space<vmem>>, vector<16xi32>,
    }
    %scan3A_399 = arith.constant 256 : i32
    "tpu.region"() ({
      %run_scoped3A = tpu.sem_alloc : memref<!tpu.dma_semaphore, #tpu.memory_space<semaphore_mem>>
      %dma_start3A = arith.constant 28672 : i32
      %dma_start3A_474 = tpu.memref_slice %arg9[%dma_start3A] : memref<65536xi32, #tpu.memory_space<vmem_shared>> -> memref<4096xi32, #tpu.memory_space<vmem_shared>>
      %dma_start3A_475 = arith.constant 28672 : i32
      %dma_start3A_476 = tpu.memref_slice %arg9[%dma_start3A_475] : memref<65536xi32, #tpu.memory_space<vmem_shared>> -> memref<4096xi32, #tpu.memory_space<vmem_shared>>
      tpu.enqueue_dma source(%dma_start3A_476 : memref<4096xi32, #tpu.memory_space<vmem_shared>>) target(%arg7 : memref<4096xi32, #tpu.memory_space<vmem>>) target_semaphore(%run_scoped3A : memref<!tpu.dma_semaphore, #tpu.memory_space<semaphore_mem>>)
      %dma_wait3A = arith.constant 28672 : i32
      %dma_wait3A_477 = tpu.memref_slice %arg9[%dma_wait3A] : memref<65536xi32, #tpu.memory_space<vmem_shared>> -> memref<4096xi32, #tpu.memory_space<vmem_shared>>
      %dma_wait3A_478 = arith.constant 28672 : i32
      %dma_wait3A_479 = tpu.memref_slice %arg9[%dma_wait3A_478] : memref<65536xi32, #tpu.memory_space<vmem_shared>> -> memref<4096xi32, #tpu.memory_space<vmem_shared>>
      tpu.wait_dma2 semaphore(%run_scoped3A : memref<!tpu.dma_semaphore, #tpu.memory_space<semaphore_mem>>) src(%dma_wait3A_479 : memref<4096xi32, #tpu.memory_space<vmem_shared>>) dst(%arg7 : memref<4096xi32, #tpu.memory_space<vmem>>)
      tpu.yield
    }) : () -> ()
    %scan3A_400 = arith.constant 0 : i32
    %scan3A_401 = arith.constant 0 : i32
    %scan3A_402 = arith.constant 256 : i32
    %scan3A_403 = arith.addi %scan3A_401, %scan3A_402 : i32
    %scan3A_404 = arith.constant 1 : i32
    scf.for %scan3A_474 = %scan3A_401 to %scan3A_403 step %scan3A_404  : i32 {
      %mul3A_475 = arith.constant 16 : i32
      %mul3A_476 = arith.muli %scan3A_474, %mul3A_475 : i32
      %get3A = arith.index_cast %mul3A_476 : i32 to index
      %get3A_477 = tpu.vector_load %arg6[%get3A] {strides = array<i32>} : memref<4096xi32, #tpu.memory_space<vmem>>, vector<16xi32>,
      %get3A_478 = arith.index_cast %mul3A_476 : i32 to index
      %get3A_479 = tpu.vector_load %arg7[%get3A_478] {strides = array<i32>} : memref<4096xi32, #tpu.memory_space<vmem>>, vector<16xi32>,
      %add3A_480 = arith.addi %get3A_477, %get3A_479 : vector<16xi32>
      %swap3A = arith.index_cast %mul3A_476 : i32 to index
      %swap3A_481 = tpu.vector_load %arg6[%swap3A] {strides = array<i32>} : memref<4096xi32, #tpu.memory_space<vmem>>, vector<16xi32>,
      tpu.vector_store %arg6[%swap3A], %add3A_480 {strides = array<i32>} : memref<4096xi32, #tpu.memory_space<vmem>>, vector<16xi32>,
    }
    %scan3A_405 = arith.constant 256 : i32
    "tpu.region"() ({
      %run_scoped3A = tpu.sem_alloc : memref<!tpu.dma_semaphore, #tpu.memory_space<semaphore_mem>>
      %dma_start3A = arith.constant 32768 : i32
      %dma_start3A_474 = tpu.memref_slice %arg9[%dma_start3A] : memref<65536xi32, #tpu.memory_space<vmem_shared>> -> memref<4096xi32, #tpu.memory_space<vmem_shared>>
      %dma_start3A_475 = arith.constant 32768 : i32
      %dma_start3A_476 = tpu.memref_slice %arg9[%dma_start3A_475] : memref<65536xi32, #tpu.memory_space<vmem_shared>> -> memref<4096xi32, #tpu.memory_space<vmem_shared>>
      tpu.enqueue_dma source(%dma_start3A_476 : memref<4096xi32, #tpu.memory_space<vmem_shared>>) target(%arg7 : memref<4096xi32, #tpu.memory_space<vmem>>) target_semaphore(%run_scoped3A : memref<!tpu.dma_semaphore, #tpu.memory_space<semaphore_mem>>)
      %dma_wait3A = arith.constant 32768 : i32
      %dma_wait3A_477 = tpu.memref_slice %arg9[%dma_wait3A] : memref<65536xi32, #tpu.memory_space<vmem_shared>> -> memref<4096xi32, #tpu.memory_space<vmem_shared>>
      %dma_wait3A_478 = arith.constant 32768 : i32
      %dma_wait3A_479 = tpu.memref_slice %arg9[%dma_wait3A_478] : memref<65536xi32, #tpu.memory_space<vmem_shared>> -> memref<4096xi32, #tpu.memory_space<vmem_shared>>
      tpu.wait_dma2 semaphore(%run_scoped3A : memref<!tpu.dma_semaphore, #tpu.memory_space<semaphore_mem>>) src(%dma_wait3A_479 : memref<4096xi32, #tpu.memory_space<vmem_shared>>) dst(%arg7 : memref<4096xi32, #tpu.memory_space<vmem>>)
      tpu.yield
    }) : () -> ()
    %scan3A_406 = arith.constant 0 : i32
    %scan3A_407 = arith.constant 0 : i32
    %scan3A_408 = arith.constant 256 : i32
    %scan3A_409 = arith.addi %scan3A_407, %scan3A_408 : i32
    %scan3A_410 = arith.constant 1 : i32
    scf.for %scan3A_474 = %scan3A_407 to %scan3A_409 step %scan3A_410  : i32 {
      %mul3A_475 = arith.constant 16 : i32
      %mul3A_476 = arith.muli %scan3A_474, %mul3A_475 : i32
      %get3A = arith.index_cast %mul3A_476 : i32 to index
      %get3A_477 = tpu.vector_load %arg6[%get3A] {strides = array<i32>} : memref<4096xi32, #tpu.memory_space<vmem>>, vector<16xi32>,
      %get3A_478 = arith.index_cast %mul3A_476 : i32 to index
      %get3A_479 = tpu.vector_load %arg7[%get3A_478] {strides = array<i32>} : memref<4096xi32, #tpu.memory_space<vmem>>, vector<16xi32>,
      %add3A_480 = arith.addi %get3A_477, %get3A_479 : vector<16xi32>
      %swap3A = arith.index_cast %mul3A_476 : i32 to index
      %swap3A_481 = tpu.vector_load %arg6[%swap3A] {strides = array<i32>} : memref<4096xi32, #tpu.memory_space<vmem>>, vector<16xi32>,
      tpu.vector_store %arg6[%swap3A], %add3A_480 {strides = array<i32>} : memref<4096xi32, #tpu.memory_space<vmem>>, vector<16xi32>,
    }
    %scan3A_411 = arith.constant 256 : i32
    "tpu.region"() ({
      %run_scoped3A = tpu.sem_alloc : memref<!tpu.dma_semaphore, #tpu.memory_space<semaphore_mem>>
      %dma_start3A = arith.constant 36864 : i32
      %dma_start3A_474 = tpu.memref_slice %arg9[%dma_start3A] : memref<65536xi32, #tpu.memory_space<vmem_shared>> -> memref<4096xi32, #tpu.memory_space<vmem_shared>>
      %dma_start3A_475 = arith.constant 36864 : i32
      %dma_start3A_476 = tpu.memref_slice %arg9[%dma_start3A_475] : memref<65536xi32, #tpu.memory_space<vmem_shared>> -> memref<4096xi32, #tpu.memory_space<vmem_shared>>
      tpu.enqueue_dma source(%dma_start3A_476 : memref<4096xi32, #tpu.memory_space<vmem_shared>>) target(%arg7 : memref<4096xi32, #tpu.memory_space<vmem>>) target_semaphore(%run_scoped3A : memref<!tpu.dma_semaphore, #tpu.memory_space<semaphore_mem>>)
      %dma_wait3A = arith.constant 36864 : i32
      %dma_wait3A_477 = tpu.memref_slice %arg9[%dma_wait3A] : memref<65536xi32, #tpu.memory_space<vmem_shared>> -> memref<4096xi32, #tpu.memory_space<vmem_shared>>
      %dma_wait3A_478 = arith.constant 36864 : i32
      %dma_wait3A_479 = tpu.memref_slice %arg9[%dma_wait3A_478] : memref<65536xi32, #tpu.memory_space<vmem_shared>> -> memref<4096xi32, #tpu.memory_space<vmem_shared>>
      tpu.wait_dma2 semaphore(%run_scoped3A : memref<!tpu.dma_semaphore, #tpu.memory_space<semaphore_mem>>) src(%dma_wait3A_479 : memref<4096xi32, #tpu.memory_space<vmem_shared>>) dst(%arg7 : memref<4096xi32, #tpu.memory_space<vmem>>)
      tpu.yield
    }) : () -> ()
    %scan3A_412 = arith.constant 0 : i32
    %scan3A_413 = arith.constant 0 : i32
    %scan3A_414 = arith.constant 256 : i32
    %scan3A_415 = arith.addi %scan3A_413, %scan3A_414 : i32
    %scan3A_416 = arith.constant 1 : i32
    scf.for %scan3A_474 = %scan3A_413 to %scan3A_415 step %scan3A_416  : i32 {
      %mul3A_475 = arith.constant 16 : i32
      %mul3A_476 = arith.muli %scan3A_474, %mul3A_475 : i32
      %get3A = arith.index_cast %mul3A_476 : i32 to index
      %get3A_477 = tpu.vector_load %arg6[%get3A] {strides = array<i32>} : memref<4096xi32, #tpu.memory_space<vmem>>, vector<16xi32>,
      %get3A_478 = arith.index_cast %mul3A_476 : i32 to index
      %get3A_479 = tpu.vector_load %arg7[%get3A_478] {strides = array<i32>} : memref<4096xi32, #tpu.memory_space<vmem>>, vector<16xi32>,
      %add3A_480 = arith.addi %get3A_477, %get3A_479 : vector<16xi32>
      %swap3A = arith.index_cast %mul3A_476 : i32 to index
      %swap3A_481 = tpu.vector_load %arg6[%swap3A] {strides = array<i32>} : memref<4096xi32, #tpu.memory_space<vmem>>, vector<16xi32>,
      tpu.vector_store %arg6[%swap3A], %add3A_480 {strides = array<i32>} : memref<4096xi32, #tpu.memory_space<vmem>>, vector<16xi32>,
    }
    %scan3A_417 = arith.constant 256 : i32
    "tpu.region"() ({
      %run_scoped3A = tpu.sem_alloc : memref<!tpu.dma_semaphore, #tpu.memory_space<semaphore_mem>>
      %dma_start3A = arith.constant 40960 : i32
      %dma_start3A_474 = tpu.memref_slice %arg9[%dma_start3A] : memref<65536xi32, #tpu.memory_space<vmem_shared>> -> memref<4096xi32, #tpu.memory_space<vmem_shared>>
      %dma_start3A_475 = arith.constant 40960 : i32
      %dma_start3A_476 = tpu.memref_slice %arg9[%dma_start3A_475] : memref<65536xi32, #tpu.memory_space<vmem_shared>> -> memref<4096xi32, #tpu.memory_space<vmem_shared>>
      tpu.enqueue_dma source(%dma_start3A_476 : memref<4096xi32, #tpu.memory_space<vmem_shared>>) target(%arg7 : memref<4096xi32, #tpu.memory_space<vmem>>) target_semaphore(%run_scoped3A : memref<!tpu.dma_semaphore, #tpu.memory_space<semaphore_mem>>)
      %dma_wait3A = arith.constant 40960 : i32
      %dma_wait3A_477 = tpu.memref_slice %arg9[%dma_wait3A] : memref<65536xi32, #tpu.memory_space<vmem_shared>> -> memref<4096xi32, #tpu.memory_space<vmem_shared>>
      %dma_wait3A_478 = arith.constant 40960 : i32
      %dma_wait3A_479 = tpu.memref_slice %arg9[%dma_wait3A_478] : memref<65536xi32, #tpu.memory_space<vmem_shared>> -> memref<4096xi32, #tpu.memory_space<vmem_shared>>
      tpu.wait_dma2 semaphore(%run_scoped3A : memref<!tpu.dma_semaphore, #tpu.memory_space<semaphore_mem>>) src(%dma_wait3A_479 : memref<4096xi32, #tpu.memory_space<vmem_shared>>) dst(%arg7 : memref<4096xi32, #tpu.memory_space<vmem>>)
      tpu.yield
    }) : () -> ()
    %scan3A_418 = arith.constant 0 : i32
    %scan3A_419 = arith.constant 0 : i32
    %scan3A_420 = arith.constant 256 : i32
    %scan3A_421 = arith.addi %scan3A_419, %scan3A_420 : i32
    %scan3A_422 = arith.constant 1 : i32
    scf.for %scan3A_474 = %scan3A_419 to %scan3A_421 step %scan3A_422  : i32 {
      %mul3A_475 = arith.constant 16 : i32
      %mul3A_476 = arith.muli %scan3A_474, %mul3A_475 : i32
      %get3A = arith.index_cast %mul3A_476 : i32 to index
      %get3A_477 = tpu.vector_load %arg6[%get3A] {strides = array<i32>} : memref<4096xi32, #tpu.memory_space<vmem>>, vector<16xi32>,
      %get3A_478 = arith.index_cast %mul3A_476 : i32 to index
      %get3A_479 = tpu.vector_load %arg7[%get3A_478] {strides = array<i32>} : memref<4096xi32, #tpu.memory_space<vmem>>, vector<16xi32>,
      %add3A_480 = arith.addi %get3A_477, %get3A_479 : vector<16xi32>
      %swap3A = arith.index_cast %mul3A_476 : i32 to index
      %swap3A_481 = tpu.vector_load %arg6[%swap3A] {strides = array<i32>} : memref<4096xi32, #tpu.memory_space<vmem>>, vector<16xi32>,
      tpu.vector_store %arg6[%swap3A], %add3A_480 {strides = array<i32>} : memref<4096xi32, #tpu.memory_space<vmem>>, vector<16xi32>,
    }
    %scan3A_423 = arith.constant 256 : i32
    "tpu.region"() ({
      %run_scoped3A = tpu.sem_alloc : memref<!tpu.dma_semaphore, #tpu.memory_space<semaphore_mem>>
      %dma_start3A = arith.constant 45056 : i32
      %dma_start3A_474 = tpu.memref_slice %arg9[%dma_start3A] : memref<65536xi32, #tpu.memory_space<vmem_shared>> -> memref<4096xi32, #tpu.memory_space<vmem_shared>>
      %dma_start3A_475 = arith.constant 45056 : i32
      %dma_start3A_476 = tpu.memref_slice %arg9[%dma_start3A_475] : memref<65536xi32, #tpu.memory_space<vmem_shared>> -> memref<4096xi32, #tpu.memory_space<vmem_shared>>
      tpu.enqueue_dma source(%dma_start3A_476 : memref<4096xi32, #tpu.memory_space<vmem_shared>>) target(%arg7 : memref<4096xi32, #tpu.memory_space<vmem>>) target_semaphore(%run_scoped3A : memref<!tpu.dma_semaphore, #tpu.memory_space<semaphore_mem>>)
      %dma_wait3A = arith.constant 45056 : i32
      %dma_wait3A_477 = tpu.memref_slice %arg9[%dma_wait3A] : memref<65536xi32, #tpu.memory_space<vmem_shared>> -> memref<4096xi32, #tpu.memory_space<vmem_shared>>
      %dma_wait3A_478 = arith.constant 45056 : i32
      %dma_wait3A_479 = tpu.memref_slice %arg9[%dma_wait3A_478] : memref<65536xi32, #tpu.memory_space<vmem_shared>> -> memref<4096xi32, #tpu.memory_space<vmem_shared>>
      tpu.wait_dma2 semaphore(%run_scoped3A : memref<!tpu.dma_semaphore, #tpu.memory_space<semaphore_mem>>) src(%dma_wait3A_479 : memref<4096xi32, #tpu.memory_space<vmem_shared>>) dst(%arg7 : memref<4096xi32, #tpu.memory_space<vmem>>)
      tpu.yield
    }) : () -> ()
    %scan3A_424 = arith.constant 0 : i32
    %scan3A_425 = arith.constant 0 : i32
    %scan3A_426 = arith.constant 256 : i32
    %scan3A_427 = arith.addi %scan3A_425, %scan3A_426 : i32
    %scan3A_428 = arith.constant 1 : i32
    scf.for %scan3A_474 = %scan3A_425 to %scan3A_427 step %scan3A_428  : i32 {
      %mul3A_475 = arith.constant 16 : i32
      %mul3A_476 = arith.muli %scan3A_474, %mul3A_475 : i32
      %get3A = arith.index_cast %mul3A_476 : i32 to index
      %get3A_477 = tpu.vector_load %arg6[%get3A] {strides = array<i32>} : memref<4096xi32, #tpu.memory_space<vmem>>, vector<16xi32>,
      %get3A_478 = arith.index_cast %mul3A_476 : i32 to index
      %get3A_479 = tpu.vector_load %arg7[%get3A_478] {strides = array<i32>} : memref<4096xi32, #tpu.memory_space<vmem>>, vector<16xi32>,
      %add3A_480 = arith.addi %get3A_477, %get3A_479 : vector<16xi32>
      %swap3A = arith.index_cast %mul3A_476 : i32 to index
      %swap3A_481 = tpu.vector_load %arg6[%swap3A] {strides = array<i32>} : memref<4096xi32, #tpu.memory_space<vmem>>, vector<16xi32>,
      tpu.vector_store %arg6[%swap3A], %add3A_480 {strides = array<i32>} : memref<4096xi32, #tpu.memory_space<vmem>>, vector<16xi32>,
    }
    %scan3A_429 = arith.constant 256 : i32
    "tpu.region"() ({
      %run_scoped3A = tpu.sem_alloc : memref<!tpu.dma_semaphore, #tpu.memory_space<semaphore_mem>>
      %dma_start3A = arith.constant 49152 : i32
      %dma_start3A_474 = tpu.memref_slice %arg9[%dma_start3A] : memref<65536xi32, #tpu.memory_space<vmem_shared>> -> memref<4096xi32, #tpu.memory_space<vmem_shared>>
      %dma_start3A_475 = arith.constant 49152 : i32
      %dma_start3A_476 = tpu.memref_slice %arg9[%dma_start3A_475] : memref<65536xi32, #tpu.memory_space<vmem_shared>> -> memref<4096xi32, #tpu.memory_space<vmem_shared>>
      tpu.enqueue_dma source(%dma_start3A_476 : memref<4096xi32, #tpu.memory_space<vmem_shared>>) target(%arg7 : memref<4096xi32, #tpu.memory_space<vmem>>) target_semaphore(%run_scoped3A : memref<!tpu.dma_semaphore, #tpu.memory_space<semaphore_mem>>)
      %dma_wait3A = arith.constant 49152 : i32
      %dma_wait3A_477 = tpu.memref_slice %arg9[%dma_wait3A] : memref<65536xi32, #tpu.memory_space<vmem_shared>> -> memref<4096xi32, #tpu.memory_space<vmem_shared>>
      %dma_wait3A_478 = arith.constant 49152 : i32
      %dma_wait3A_479 = tpu.memref_slice %arg9[%dma_wait3A_478] : memref<65536xi32, #tpu.memory_space<vmem_shared>> -> memref<4096xi32, #tpu.memory_space<vmem_shared>>
      tpu.wait_dma2 semaphore(%run_scoped3A : memref<!tpu.dma_semaphore, #tpu.memory_space<semaphore_mem>>) src(%dma_wait3A_479 : memref<4096xi32, #tpu.memory_space<vmem_shared>>) dst(%arg7 : memref<4096xi32, #tpu.memory_space<vmem>>)
      tpu.yield
    }) : () -> ()
    %scan3A_430 = arith.constant 0 : i32
    %scan3A_431 = arith.constant 0 : i32
    %scan3A_432 = arith.constant 256 : i32
    %scan3A_433 = arith.addi %scan3A_431, %scan3A_432 : i32
    %scan3A_434 = arith.constant 1 : i32
    scf.for %scan3A_474 = %scan3A_431 to %scan3A_433 step %scan3A_434  : i32 {
      %mul3A_475 = arith.constant 16 : i32
      %mul3A_476 = arith.muli %scan3A_474, %mul3A_475 : i32
      %get3A = arith.index_cast %mul3A_476 : i32 to index
      %get3A_477 = tpu.vector_load %arg6[%get3A] {strides = array<i32>} : memref<4096xi32, #tpu.memory_space<vmem>>, vector<16xi32>,
      %get3A_478 = arith.index_cast %mul3A_476 : i32 to index
      %get3A_479 = tpu.vector_load %arg7[%get3A_478] {strides = array<i32>} : memref<4096xi32, #tpu.memory_space<vmem>>, vector<16xi32>,
      %add3A_480 = arith.addi %get3A_477, %get3A_479 : vector<16xi32>
      %swap3A = arith.index_cast %mul3A_476 : i32 to index
      %swap3A_481 = tpu.vector_load %arg6[%swap3A] {strides = array<i32>} : memref<4096xi32, #tpu.memory_space<vmem>>, vector<16xi32>,
      tpu.vector_store %arg6[%swap3A], %add3A_480 {strides = array<i32>} : memref<4096xi32, #tpu.memory_space<vmem>>, vector<16xi32>,
    }
    %scan3A_435 = arith.constant 256 : i32
    "tpu.region"() ({
      %run_scoped3A = tpu.sem_alloc : memref<!tpu.dma_semaphore, #tpu.memory_space<semaphore_mem>>
      %dma_start3A = arith.constant 53248 : i32
      %dma_start3A_474 = tpu.memref_slice %arg9[%dma_start3A] : memref<65536xi32, #tpu.memory_space<vmem_shared>> -> memref<4096xi32, #tpu.memory_space<vmem_shared>>
      %dma_start3A_475 = arith.constant 53248 : i32
      %dma_start3A_476 = tpu.memref_slice %arg9[%dma_start3A_475] : memref<65536xi32, #tpu.memory_space<vmem_shared>> -> memref<4096xi32, #tpu.memory_space<vmem_shared>>
      tpu.enqueue_dma source(%dma_start3A_476 : memref<4096xi32, #tpu.memory_space<vmem_shared>>) target(%arg7 : memref<4096xi32, #tpu.memory_space<vmem>>) target_semaphore(%run_scoped3A : memref<!tpu.dma_semaphore, #tpu.memory_space<semaphore_mem>>)
      %dma_wait3A = arith.constant 53248 : i32
      %dma_wait3A_477 = tpu.memref_slice %arg9[%dma_wait3A] : memref<65536xi32, #tpu.memory_space<vmem_shared>> -> memref<4096xi32, #tpu.memory_space<vmem_shared>>
      %dma_wait3A_478 = arith.constant 53248 : i32
      %dma_wait3A_479 = tpu.memref_slice %arg9[%dma_wait3A_478] : memref<65536xi32, #tpu.memory_space<vmem_shared>> -> memref<4096xi32, #tpu.memory_space<vmem_shared>>
      tpu.wait_dma2 semaphore(%run_scoped3A : memref<!tpu.dma_semaphore, #tpu.memory_space<semaphore_mem>>) src(%dma_wait3A_479 : memref<4096xi32, #tpu.memory_space<vmem_shared>>) dst(%arg7 : memref<4096xi32, #tpu.memory_space<vmem>>)
      tpu.yield
    }) : () -> ()
    %scan3A_436 = arith.constant 0 : i32
    %scan3A_437 = arith.constant 0 : i32
    %scan3A_438 = arith.constant 256 : i32
    %scan3A_439 = arith.addi %scan3A_437, %scan3A_438 : i32
    %scan3A_440 = arith.constant 1 : i32
    scf.for %scan3A_474 = %scan3A_437 to %scan3A_439 step %scan3A_440  : i32 {
      %mul3A_475 = arith.constant 16 : i32
      %mul3A_476 = arith.muli %scan3A_474, %mul3A_475 : i32
      %get3A = arith.index_cast %mul3A_476 : i32 to index
      %get3A_477 = tpu.vector_load %arg6[%get3A] {strides = array<i32>} : memref<4096xi32, #tpu.memory_space<vmem>>, vector<16xi32>,
      %get3A_478 = arith.index_cast %mul3A_476 : i32 to index
      %get3A_479 = tpu.vector_load %arg7[%get3A_478] {strides = array<i32>} : memref<4096xi32, #tpu.memory_space<vmem>>, vector<16xi32>,
      %add3A_480 = arith.addi %get3A_477, %get3A_479 : vector<16xi32>
      %swap3A = arith.index_cast %mul3A_476 : i32 to index
      %swap3A_481 = tpu.vector_load %arg6[%swap3A] {strides = array<i32>} : memref<4096xi32, #tpu.memory_space<vmem>>, vector<16xi32>,
      tpu.vector_store %arg6[%swap3A], %add3A_480 {strides = array<i32>} : memref<4096xi32, #tpu.memory_space<vmem>>, vector<16xi32>,
    }
    %scan3A_441 = arith.constant 256 : i32
    "tpu.region"() ({
      %run_scoped3A = tpu.sem_alloc : memref<!tpu.dma_semaphore, #tpu.memory_space<semaphore_mem>>
      %dma_start3A = arith.constant 57344 : i32
      %dma_start3A_474 = tpu.memref_slice %arg9[%dma_start3A] : memref<65536xi32, #tpu.memory_space<vmem_shared>> -> memref<4096xi32, #tpu.memory_space<vmem_shared>>
      %dma_start3A_475 = arith.constant 57344 : i32
      %dma_start3A_476 = tpu.memref_slice %arg9[%dma_start3A_475] : memref<65536xi32, #tpu.memory_space<vmem_shared>> -> memref<4096xi32, #tpu.memory_space<vmem_shared>>
      tpu.enqueue_dma source(%dma_start3A_476 : memref<4096xi32, #tpu.memory_space<vmem_shared>>) target(%arg7 : memref<4096xi32, #tpu.memory_space<vmem>>) target_semaphore(%run_scoped3A : memref<!tpu.dma_semaphore, #tpu.memory_space<semaphore_mem>>)
      %dma_wait3A = arith.constant 57344 : i32
      %dma_wait3A_477 = tpu.memref_slice %arg9[%dma_wait3A] : memref<65536xi32, #tpu.memory_space<vmem_shared>> -> memref<4096xi32, #tpu.memory_space<vmem_shared>>
      %dma_wait3A_478 = arith.constant 57344 : i32
      %dma_wait3A_479 = tpu.memref_slice %arg9[%dma_wait3A_478] : memref<65536xi32, #tpu.memory_space<vmem_shared>> -> memref<4096xi32, #tpu.memory_space<vmem_shared>>
      tpu.wait_dma2 semaphore(%run_scoped3A : memref<!tpu.dma_semaphore, #tpu.memory_space<semaphore_mem>>) src(%dma_wait3A_479 : memref<4096xi32, #tpu.memory_space<vmem_shared>>) dst(%arg7 : memref<4096xi32, #tpu.memory_space<vmem>>)
      tpu.yield
    }) : () -> ()
    %scan3A_442 = arith.constant 0 : i32
    %scan3A_443 = arith.constant 0 : i32
    %scan3A_444 = arith.constant 256 : i32
    %scan3A_445 = arith.addi %scan3A_443, %scan3A_444 : i32
    %scan3A_446 = arith.constant 1 : i32
    scf.for %scan3A_474 = %scan3A_443 to %scan3A_445 step %scan3A_446  : i32 {
      %mul3A_475 = arith.constant 16 : i32
      %mul3A_476 = arith.muli %scan3A_474, %mul3A_475 : i32
      %get3A = arith.index_cast %mul3A_476 : i32 to index
      %get3A_477 = tpu.vector_load %arg6[%get3A] {strides = array<i32>} : memref<4096xi32, #tpu.memory_space<vmem>>, vector<16xi32>,
      %get3A_478 = arith.index_cast %mul3A_476 : i32 to index
      %get3A_479 = tpu.vector_load %arg7[%get3A_478] {strides = array<i32>} : memref<4096xi32, #tpu.memory_space<vmem>>, vector<16xi32>,
      %add3A_480 = arith.addi %get3A_477, %get3A_479 : vector<16xi32>
      %swap3A = arith.index_cast %mul3A_476 : i32 to index
      %swap3A_481 = tpu.vector_load %arg6[%swap3A] {strides = array<i32>} : memref<4096xi32, #tpu.memory_space<vmem>>, vector<16xi32>,
      tpu.vector_store %arg6[%swap3A], %add3A_480 {strides = array<i32>} : memref<4096xi32, #tpu.memory_space<vmem>>, vector<16xi32>,
    }
    %scan3A_447 = arith.constant 256 : i32
    "tpu.region"() ({
      %run_scoped3A = tpu.sem_alloc : memref<!tpu.dma_semaphore, #tpu.memory_space<semaphore_mem>>
      %dma_start3A = arith.constant 61440 : i32
      %dma_start3A_474 = tpu.memref_slice %arg9[%dma_start3A] : memref<65536xi32, #tpu.memory_space<vmem_shared>> -> memref<4096xi32, #tpu.memory_space<vmem_shared>>
      %dma_start3A_475 = arith.constant 61440 : i32
      %dma_start3A_476 = tpu.memref_slice %arg9[%dma_start3A_475] : memref<65536xi32, #tpu.memory_space<vmem_shared>> -> memref<4096xi32, #tpu.memory_space<vmem_shared>>
      tpu.enqueue_dma source(%dma_start3A_476 : memref<4096xi32, #tpu.memory_space<vmem_shared>>) target(%arg7 : memref<4096xi32, #tpu.memory_space<vmem>>) target_semaphore(%run_scoped3A : memref<!tpu.dma_semaphore, #tpu.memory_space<semaphore_mem>>)
      %dma_wait3A = arith.constant 61440 : i32
      %dma_wait3A_477 = tpu.memref_slice %arg9[%dma_wait3A] : memref<65536xi32, #tpu.memory_space<vmem_shared>> -> memref<4096xi32, #tpu.memory_space<vmem_shared>>
      %dma_wait3A_478 = arith.constant 61440 : i32
      %dma_wait3A_479 = tpu.memref_slice %arg9[%dma_wait3A_478] : memref<65536xi32, #tpu.memory_space<vmem_shared>> -> memref<4096xi32, #tpu.memory_space<vmem_shared>>
      tpu.wait_dma2 semaphore(%run_scoped3A : memref<!tpu.dma_semaphore, #tpu.memory_space<semaphore_mem>>) src(%dma_wait3A_479 : memref<4096xi32, #tpu.memory_space<vmem_shared>>) dst(%arg7 : memref<4096xi32, #tpu.memory_space<vmem>>)
      tpu.yield
    }) : () -> ()
    %scan3A_448 = arith.constant 0 : i32
    %scan3A_449 = arith.constant 0 : i32
    %scan3A_450 = arith.constant 256 : i32
    %scan3A_451 = arith.addi %scan3A_449, %scan3A_450 : i32
    %scan3A_452 = arith.constant 1 : i32
    scf.for %scan3A_474 = %scan3A_449 to %scan3A_451 step %scan3A_452  : i32 {
      %mul3A_475 = arith.constant 16 : i32
      %mul3A_476 = arith.muli %scan3A_474, %mul3A_475 : i32
      %get3A = arith.index_cast %mul3A_476 : i32 to index
      %get3A_477 = tpu.vector_load %arg6[%get3A] {strides = array<i32>} : memref<4096xi32, #tpu.memory_space<vmem>>, vector<16xi32>,
      %get3A_478 = arith.index_cast %mul3A_476 : i32 to index
      %get3A_479 = tpu.vector_load %arg7[%get3A_478] {strides = array<i32>} : memref<4096xi32, #tpu.memory_space<vmem>>, vector<16xi32>,
      %add3A_480 = arith.addi %get3A_477, %get3A_479 : vector<16xi32>
      %swap3A = arith.index_cast %mul3A_476 : i32 to index
      %swap3A_481 = tpu.vector_load %arg6[%swap3A] {strides = array<i32>} : memref<4096xi32, #tpu.memory_space<vmem>>, vector<16xi32>,
      tpu.vector_store %arg6[%swap3A], %add3A_480 {strides = array<i32>} : memref<4096xi32, #tpu.memory_space<vmem>>, vector<16xi32>,
    }
    %scan3A_453 = arith.constant 256 : i32
    %barrier3A_454 = arith.constant 0 : index
    tpu.barrier barrier_id(%barrier3A_454)
    %scan3A_455 = arith.constant 0 : i32
    %scan3A_456 = arith.constant -1 : i32
    %scan3A_457 = arith.constant 0 : i32
    %scan3A_458 = arith.constant 0 : i32
    %scan3A_459 = arith.constant 256 : i32
    %scan3A_460 = arith.addi %scan3A_458, %scan3A_459 : i32
    %scan3A_461 = arith.constant 1 : i32
    %scan3A_462:3 = scf.for %scan3A_474 = %scan3A_458 to %scan3A_460 step %scan3A_461 iter_args(%scan3A_475 = %scan3A_455, %scan3A_476 = %scan3A_456, %scan3A_477 = %scan3A_457) -> (i32, i32, i32)  : i32 {
      %mul3A_478 = arith.constant 16 : i32
      %mul3A_479 = arith.muli %scan3A_474, %mul3A_478 : i32
      %get3A = arith.index_cast %mul3A_479 : i32 to index
      %get3A_480 = tpu.vector_load %arg6[%get3A] {strides = array<i32>} : memref<4096xi32, #tpu.memory_space<vmem>>, vector<16xi32>,
      %broadcast_in_dim3A_481 = arith.constant true
      %broadcast_in_dim3A_482 = vector.broadcast %broadcast_in_dim3A_481 : i1 to vector<16xi1>
      %masked_cumsum3A = tpu.scan <sum>, %get3A_480 masked %broadcast_in_dim3A_482 : vector<16xi32>, vector<16xi1> -> vector<16xi32>
      %add3A_483 = vector.broadcast %scan3A_475 : i32 to vector<16xi32>
      %add3A_484 = arith.addi %add3A_483, %masked_cumsum3A : vector<16xi32>
      %gt3A = vector.broadcast %scan3A_306#2 : i32 to vector<16xi32>
      %gt3A_485 = arith.cmpi sgt, %add3A_484, %gt3A : vector<16xi32>
      %jit3A = arith.constant 0 : i32
      %jit3A_486 = arith.constant 1 : i32
      %broadcast_in_dim3A_487 = vector.broadcast %jit3A : i32 to vector<16xi32>
      %broadcast_in_dim3A_488 = vector.broadcast %jit3A_486 : i32 to vector<16xi32>
      %select_n3A = arith.select %gt3A_485, %broadcast_in_dim3A_487, %broadcast_in_dim3A_488 : vector<16xi1>, vector<16xi32>
      %reduce_sum3A = arith.constant true
      %reduce_sum3A_489 = vector.broadcast %reduce_sum3A : i1 to vector<16xi1>
      %reduce_sum3A_490 = tpu.scan <sum>, %select_n3A masked %reduce_sum3A_489 : vector<16xi32>, vector<16xi1> -> vector<16xi32>
      %reduce_sum3A_491 = vector.extract %reduce_sum3A_490[15] : i32 from vector<16xi32>
      %jit3A_492 = arith.constant 0 : i32
      %broadcast_in_dim3A_493 = vector.broadcast %jit3A_492 : i32 to vector<16xi32>
      %select_n3A_494 = arith.select %gt3A_485, %broadcast_in_dim3A_493, %get3A_480 : vector<16xi1>, vector<16xi32>
      %reduce_sum3A_495 = arith.constant true
      %reduce_sum3A_496 = vector.broadcast %reduce_sum3A_495 : i1 to vector<16xi1>
      %reduce_sum3A_497 = tpu.scan <sum>, %select_n3A_494 masked %reduce_sum3A_496 : vector<16xi32>, vector<16xi1> -> vector<16xi32>
      %reduce_sum3A_498 = vector.extract %reduce_sum3A_497[15] : i32 from vector<16xi32>
      %add3A_499 = arith.addi %scan3A_475, %reduce_sum3A_498 : i32
      %lt3A = arith.constant 0 : i32
      %lt3A_500 = arith.cmpi slt, %scan3A_476, %lt3A : i32
      %lt3A_501 = arith.constant 16 : i32
      %lt3A_502 = arith.cmpi slt, %reduce_sum3A_491, %lt3A_501 : i32
      %and3A_503 = arith.andi %lt3A_500, %lt3A_502 : i1
      %mul3A_504 = arith.constant 16 : i32
      %mul3A_505 = arith.muli %scan3A_474, %mul3A_504 : i32
      %add3A_506 = arith.addi %mul3A_505, %reduce_sum3A_491 : i32
      %select_n3A_507 = arith.select %and3A_503, %add3A_506, %scan3A_476 : i32
      %sub3A = arith.subi %scan3A_306#2, %add3A_499 : i32
      %select_n3A_508 = arith.select %and3A_503, %sub3A, %scan3A_477 : i32
      %reduce_sum3A_509 = arith.constant true
      %reduce_sum3A_510 = vector.broadcast %reduce_sum3A_509 : i1 to vector<16xi1>
      %reduce_sum3A_511 = tpu.scan <sum>, %get3A_480 masked %reduce_sum3A_510 : vector<16xi32>, vector<16xi1> -> vector<16xi32>
      %reduce_sum3A_512 = vector.extract %reduce_sum3A_511[15] : i32 from vector<16xi32>
      %add3A_513 = arith.addi %scan3A_475, %reduce_sum3A_512 : i32
      scf.yield %add3A_513, %select_n3A_507, %select_n3A_508 : i32, i32, i32
    }
    %scan3A_463 = arith.constant 256 : i32
    %shift_left3A_464 = arith.constant 18 : i32
    %shift_left3A_465 = arith.shli %scan3A_151#1, %shift_left3A_464 : i32
    %shift_left3A_466 = arith.constant 6 : i32
    %shift_left3A_467 = arith.shli %scan3A_306#1, %shift_left3A_466 : i32
    %or3A_468 = arith.ori %shift_left3A_465, %shift_left3A_467 : i32
    %or3A_469 = arith.ori %or3A_468, %scan3A_462#1 : i32
    %eq3A = arith.constant 0 : i32
    %eq3A_470 = arith.cmpi eq, %arg0, %eq3A : i32
    %eq3A_471 = arith.constant 0 : i32
    %eq3A_472 = arith.cmpi eq, %arg1, %eq3A_471 : i32
    %and3A = arith.andi %eq3A_470, %eq3A_472 : i1
    %convert_element_type3A = arith.extui %and3A : i1 to i32
    %cond3A = arith.constant 0 : i32
    %cond3A_473 = arith.cmpi ne, %convert_element_type3A, %cond3A : i32
    scf.if %cond3A_473 {
      %broadcast_in_dim3A_474 = vector.broadcast %or3A_469 : i32 to vector<16xi32>
      %swap3A = arith.constant 0 : index
      %swap3A_475 = tpu.vector_load %arg8[%swap3A] {strides = array<i32>} : memref<16xi32, #tpu.memory_space<vmem>>, vector<16xi32>,
      tpu.vector_store %arg8[%swap3A], %broadcast_in_dim3A_474 {strides = array<i32>} : memref<16xi32, #tpu.memory_space<vmem>>, vector<16xi32>,
      "tpu.region"() ({
        %run_scoped3A = tpu.sem_alloc : memref<!tpu.dma_semaphore, #tpu.memory_space<semaphore_mem>>
        tpu.enqueue_dma source(%arg8 : memref<16xi32, #tpu.memory_space<vmem>>) target(%arg3 : memref<16xi32, #tpu.memory_space<hbm>>) target_semaphore(%run_scoped3A : memref<!tpu.dma_semaphore, #tpu.memory_space<semaphore_mem>>)
        tpu.wait_dma2 semaphore(%run_scoped3A : memref<!tpu.dma_semaphore, #tpu.memory_space<semaphore_mem>>) src(%arg8 : memref<16xi32, #tpu.memory_space<vmem>>) dst(%arg3 : memref<16xi32, #tpu.memory_space<hbm>>)
        tpu.yield
      }) : () -> ()
    } else {
    }
    return
  }
}

module attributes {stable_mosaic.version = 14 : i64} {
  func.func @_stats_kernel(%arg0: i32, %arg1: i32, %arg2: memref<1x1xf32, #tpu.memory_space<smem>>, %arg3: memref<1x19x256x512xf32, #tpu.memory_space<vmem>>, %arg4: memref<1x256x512xi32, #tpu.memory_space<vmem>>, %arg5: memref<1x19xf32, #tpu.memory_space<smem>>, %arg6: memref<1x1xf32, #tpu.memory_space<smem>>, %arg7: memref<1x1xf32, #tpu.memory_space<smem>>) attributes {dimension_semantics = [#tpu.dimension_semantics<arbitrary>, #tpu.dimension_semantics<arbitrary>], iteration_bounds = array<i64: 8, 2>, scalar_prefetch = 0 : i64, scratch_operands = 0 : i64, tpu.core_type = #tpu.core_type<tc>, window_params = [{transform_indices = @transform_0, window_bounds = array<i64: 1, 1>}, {transform_indices = @transform_1, window_bounds = array<i64: 1, 19, 256, 512>}, {transform_indices = @transform_2, window_bounds = array<i64: 1, 256, 512>}, {transform_indices = @transform_3, window_bounds = array<i64: 1, 19>}, {transform_indices = @transform_4, window_bounds = array<i64: 1, 1>}, {transform_indices = @transform_5, window_bounds = array<i64: 1, 1>}]} {
    %eq3A = arith.constant 0 : i32
    %eq3A_0 = arith.cmpi eq, %arg0, %eq3A : i32
    %eq3A_1 = arith.constant 0 : i32
    %eq3A_2 = arith.cmpi eq, %arg1, %eq3A_1 : i32
    %and3A = arith.andi %eq3A_0, %eq3A_2 : i1
    %convert_element_type3A = arith.extui %and3A : i1 to i32
    %cond3A = arith.constant 0 : i32
    %cond3A_3 = arith.cmpi ne, %convert_element_type3A, %cond3A : i32
    scf.if %cond3A_3 {
      %swap3A_366 = arith.constant 0.000000e+00 : f32
      %swap3A_367 = arith.constant 0 : index
      %swap3A_368 = arith.constant 0 : index
      %swap3A_369 = memref.load %arg6[%swap3A_367, %swap3A_368] : memref<1x1xf32, #tpu.memory_space<smem>>
      memref.store %swap3A_366, %arg6[%swap3A_367, %swap3A_368] : memref<1x1xf32, #tpu.memory_space<smem>>
      %swap3A_370 = arith.constant 0.000000e+00 : f32
      %swap3A_371 = arith.constant 0 : index
      %swap3A_372 = arith.constant 0 : index
      %swap3A_373 = memref.load %arg7[%swap3A_371, %swap3A_372] : memref<1x1xf32, #tpu.memory_space<smem>>
      memref.store %swap3A_370, %arg7[%swap3A_371, %swap3A_372] : memref<1x1xf32, #tpu.memory_space<smem>>
    } else {
    }
    %get3A = arith.constant 0 : index
    %get3A_4 = arith.constant 0 : index
    %get3A_5 = arith.constant 0 : index
    %get3A_6 = vector.load %arg4[%get3A, %get3A_4, %get3A_5] : memref<1x256x512xi32, #tpu.memory_space<vmem>>, vector<1x256x512xi32>
    %get3A_7 = vector.shape_cast %get3A_6 : vector<1x256x512xi32> to vector<256x512xi32>
    %get3A_8 = arith.constant 0 : index
    %get3A_9 = arith.constant 0 : index
    %get3A_10 = arith.constant 0 : index
    %get3A_11 = arith.constant 0 : index
    %get3A_12 = vector.load %arg3[%get3A_8, %get3A_9, %get3A_10, %get3A_11] : memref<1x19x256x512xf32, #tpu.memory_space<vmem>>, vector<1x1x256x512xf32>
    %get3A_13 = vector.shape_cast %get3A_12 : vector<1x1x256x512xf32> to vector<256x512xf32>
    %exp3A = math.exp %get3A_13 : vector<256x512xf32>
    %eq3A_14 = arith.constant 0 : i32
    %eq3A_15 = vector.broadcast %eq3A_14 : i32 to vector<256x512xi32>
    %eq3A_16 = arith.cmpi eq, %get3A_7, %eq3A_15 : vector<256x512xi32>
    %jit3A = arith.constant 0.000000e+00 : f32
    %broadcast_in_dim3A = vector.broadcast %jit3A : f32 to vector<256x512xf32>
    %select_n3A = arith.select %eq3A_16, %get3A_13, %broadcast_in_dim3A : vector<256x512xi1>, vector<256x512xf32>
    %eq3A_17 = arith.constant 0 : i32
    %eq3A_18 = vector.broadcast %eq3A_17 : i32 to vector<256x512xi32>
    %eq3A_19 = arith.cmpi eq, %get3A_7, %eq3A_18 : vector<256x512xi32>
    %get3A_20 = arith.constant 0 : index
    %get3A_21 = arith.constant 0 : index
    %get3A_22 = memref.load %arg5[%get3A_20, %get3A_21] : memref<1x19xf32, #tpu.memory_space<smem>>
    %jit3A_23 = arith.constant 0.000000e+00 : f32
    %broadcast_in_dim3A_24 = vector.broadcast %get3A_22 : f32 to vector<256x512xf32>
    %broadcast_in_dim3A_25 = vector.broadcast %jit3A_23 : f32 to vector<256x512xf32>
    %select_n3A_26 = arith.select %eq3A_19, %broadcast_in_dim3A_24, %broadcast_in_dim3A_25 : vector<256x512xi1>, vector<256x512xf32>
    %get3A_27 = arith.constant 0 : index
    %get3A_28 = arith.constant 1 : index
    %get3A_29 = arith.constant 0 : index
    %get3A_30 = arith.constant 0 : index
    %get3A_31 = vector.load %arg3[%get3A_27, %get3A_28, %get3A_29, %get3A_30] : memref<1x19x256x512xf32, #tpu.memory_space<vmem>>, vector<1x1x256x512xf32>
    %get3A_32 = vector.shape_cast %get3A_31 : vector<1x1x256x512xf32> to vector<256x512xf32>
    %exp3A_33 = math.exp %get3A_32 : vector<256x512xf32>
    %add3A = arith.addf %exp3A, %exp3A_33 : vector<256x512xf32>
    %eq3A_34 = arith.constant 1 : i32
    %eq3A_35 = vector.broadcast %eq3A_34 : i32 to vector<256x512xi32>
    %eq3A_36 = arith.cmpi eq, %get3A_7, %eq3A_35 : vector<256x512xi32>
    %select_n3A_37 = arith.select %eq3A_36, %get3A_32, %select_n3A : vector<256x512xi1>, vector<256x512xf32>
    %get3A_38 = arith.constant 0 : index
    %get3A_39 = arith.constant 1 : index
    %get3A_40 = memref.load %arg5[%get3A_38, %get3A_39] : memref<1x19xf32, #tpu.memory_space<smem>>
    %broadcast_in_dim3A_41 = vector.broadcast %get3A_40 : f32 to vector<256x512xf32>
    %select_n3A_42 = arith.select %eq3A_36, %broadcast_in_dim3A_41, %select_n3A_26 : vector<256x512xi1>, vector<256x512xf32>
    %get3A_43 = arith.constant 0 : index
    %get3A_44 = arith.constant 2 : index
    %get3A_45 = arith.constant 0 : index
    %get3A_46 = arith.constant 0 : index
    %get3A_47 = vector.load %arg3[%get3A_43, %get3A_44, %get3A_45, %get3A_46] : memref<1x19x256x512xf32, #tpu.memory_space<vmem>>, vector<1x1x256x512xf32>
    %get3A_48 = vector.shape_cast %get3A_47 : vector<1x1x256x512xf32> to vector<256x512xf32>
    %exp3A_49 = math.exp %get3A_48 : vector<256x512xf32>
    %add3A_50 = arith.addf %add3A, %exp3A_49 : vector<256x512xf32>
    %eq3A_51 = arith.constant 2 : i32
    %eq3A_52 = vector.broadcast %eq3A_51 : i32 to vector<256x512xi32>
    %eq3A_53 = arith.cmpi eq, %get3A_7, %eq3A_52 : vector<256x512xi32>
    %select_n3A_54 = arith.select %eq3A_53, %get3A_48, %select_n3A_37 : vector<256x512xi1>, vector<256x512xf32>
    %get3A_55 = arith.constant 0 : index
    %get3A_56 = arith.constant 2 : index
    %get3A_57 = memref.load %arg5[%get3A_55, %get3A_56] : memref<1x19xf32, #tpu.memory_space<smem>>
    %broadcast_in_dim3A_58 = vector.broadcast %get3A_57 : f32 to vector<256x512xf32>
    %select_n3A_59 = arith.select %eq3A_53, %broadcast_in_dim3A_58, %select_n3A_42 : vector<256x512xi1>, vector<256x512xf32>
    %get3A_60 = arith.constant 0 : index
    %get3A_61 = arith.constant 3 : index
    %get3A_62 = arith.constant 0 : index
    %get3A_63 = arith.constant 0 : index
    %get3A_64 = vector.load %arg3[%get3A_60, %get3A_61, %get3A_62, %get3A_63] : memref<1x19x256x512xf32, #tpu.memory_space<vmem>>, vector<1x1x256x512xf32>
    %get3A_65 = vector.shape_cast %get3A_64 : vector<1x1x256x512xf32> to vector<256x512xf32>
    %exp3A_66 = math.exp %get3A_65 : vector<256x512xf32>
    %add3A_67 = arith.addf %add3A_50, %exp3A_66 : vector<256x512xf32>
    %eq3A_68 = arith.constant 3 : i32
    %eq3A_69 = vector.broadcast %eq3A_68 : i32 to vector<256x512xi32>
    %eq3A_70 = arith.cmpi eq, %get3A_7, %eq3A_69 : vector<256x512xi32>
    %select_n3A_71 = arith.select %eq3A_70, %get3A_65, %select_n3A_54 : vector<256x512xi1>, vector<256x512xf32>
    %get3A_72 = arith.constant 0 : index
    %get3A_73 = arith.constant 3 : index
    %get3A_74 = memref.load %arg5[%get3A_72, %get3A_73] : memref<1x19xf32, #tpu.memory_space<smem>>
    %broadcast_in_dim3A_75 = vector.broadcast %get3A_74 : f32 to vector<256x512xf32>
    %select_n3A_76 = arith.select %eq3A_70, %broadcast_in_dim3A_75, %select_n3A_59 : vector<256x512xi1>, vector<256x512xf32>
    %get3A_77 = arith.constant 0 : index
    %get3A_78 = arith.constant 4 : index
    %get3A_79 = arith.constant 0 : index
    %get3A_80 = arith.constant 0 : index
    %get3A_81 = vector.load %arg3[%get3A_77, %get3A_78, %get3A_79, %get3A_80] : memref<1x19x256x512xf32, #tpu.memory_space<vmem>>, vector<1x1x256x512xf32>
    %get3A_82 = vector.shape_cast %get3A_81 : vector<1x1x256x512xf32> to vector<256x512xf32>
    %exp3A_83 = math.exp %get3A_82 : vector<256x512xf32>
    %add3A_84 = arith.addf %add3A_67, %exp3A_83 : vector<256x512xf32>
    %eq3A_85 = arith.constant 4 : i32
    %eq3A_86 = vector.broadcast %eq3A_85 : i32 to vector<256x512xi32>
    %eq3A_87 = arith.cmpi eq, %get3A_7, %eq3A_86 : vector<256x512xi32>
    %select_n3A_88 = arith.select %eq3A_87, %get3A_82, %select_n3A_71 : vector<256x512xi1>, vector<256x512xf32>
    %get3A_89 = arith.constant 0 : index
    %get3A_90 = arith.constant 4 : index
    %get3A_91 = memref.load %arg5[%get3A_89, %get3A_90] : memref<1x19xf32, #tpu.memory_space<smem>>
    %broadcast_in_dim3A_92 = vector.broadcast %get3A_91 : f32 to vector<256x512xf32>
    %select_n3A_93 = arith.select %eq3A_87, %broadcast_in_dim3A_92, %select_n3A_76 : vector<256x512xi1>, vector<256x512xf32>
    %get3A_94 = arith.constant 0 : index
    %get3A_95 = arith.constant 5 : index
    %get3A_96 = arith.constant 0 : index
    %get3A_97 = arith.constant 0 : index
    %get3A_98 = vector.load %arg3[%get3A_94, %get3A_95, %get3A_96, %get3A_97] : memref<1x19x256x512xf32, #tpu.memory_space<vmem>>, vector<1x1x256x512xf32>
    %get3A_99 = vector.shape_cast %get3A_98 : vector<1x1x256x512xf32> to vector<256x512xf32>
    %exp3A_100 = math.exp %get3A_99 : vector<256x512xf32>
    %add3A_101 = arith.addf %add3A_84, %exp3A_100 : vector<256x512xf32>
    %eq3A_102 = arith.constant 5 : i32
    %eq3A_103 = vector.broadcast %eq3A_102 : i32 to vector<256x512xi32>
    %eq3A_104 = arith.cmpi eq, %get3A_7, %eq3A_103 : vector<256x512xi32>
    %select_n3A_105 = arith.select %eq3A_104, %get3A_99, %select_n3A_88 : vector<256x512xi1>, vector<256x512xf32>
    %get3A_106 = arith.constant 0 : index
    %get3A_107 = arith.constant 5 : index
    %get3A_108 = memref.load %arg5[%get3A_106, %get3A_107] : memref<1x19xf32, #tpu.memory_space<smem>>
    %broadcast_in_dim3A_109 = vector.broadcast %get3A_108 : f32 to vector<256x512xf32>
    %select_n3A_110 = arith.select %eq3A_104, %broadcast_in_dim3A_109, %select_n3A_93 : vector<256x512xi1>, vector<256x512xf32>
    %get3A_111 = arith.constant 0 : index
    %get3A_112 = arith.constant 6 : index
    %get3A_113 = arith.constant 0 : index
    %get3A_114 = arith.constant 0 : index
    %get3A_115 = vector.load %arg3[%get3A_111, %get3A_112, %get3A_113, %get3A_114] : memref<1x19x256x512xf32, #tpu.memory_space<vmem>>, vector<1x1x256x512xf32>
    %get3A_116 = vector.shape_cast %get3A_115 : vector<1x1x256x512xf32> to vector<256x512xf32>
    %exp3A_117 = math.exp %get3A_116 : vector<256x512xf32>
    %add3A_118 = arith.addf %add3A_101, %exp3A_117 : vector<256x512xf32>
    %eq3A_119 = arith.constant 6 : i32
    %eq3A_120 = vector.broadcast %eq3A_119 : i32 to vector<256x512xi32>
    %eq3A_121 = arith.cmpi eq, %get3A_7, %eq3A_120 : vector<256x512xi32>
    %select_n3A_122 = arith.select %eq3A_121, %get3A_116, %select_n3A_105 : vector<256x512xi1>, vector<256x512xf32>
    %get3A_123 = arith.constant 0 : index
    %get3A_124 = arith.constant 6 : index
    %get3A_125 = memref.load %arg5[%get3A_123, %get3A_124] : memref<1x19xf32, #tpu.memory_space<smem>>
    %broadcast_in_dim3A_126 = vector.broadcast %get3A_125 : f32 to vector<256x512xf32>
    %select_n3A_127 = arith.select %eq3A_121, %broadcast_in_dim3A_126, %select_n3A_110 : vector<256x512xi1>, vector<256x512xf32>
    %get3A_128 = arith.constant 0 : index
    %get3A_129 = arith.constant 7 : index
    %get3A_130 = arith.constant 0 : index
    %get3A_131 = arith.constant 0 : index
    %get3A_132 = vector.load %arg3[%get3A_128, %get3A_129, %get3A_130, %get3A_131] : memref<1x19x256x512xf32, #tpu.memory_space<vmem>>, vector<1x1x256x512xf32>
    %get3A_133 = vector.shape_cast %get3A_132 : vector<1x1x256x512xf32> to vector<256x512xf32>
    %exp3A_134 = math.exp %get3A_133 : vector<256x512xf32>
    %add3A_135 = arith.addf %add3A_118, %exp3A_134 : vector<256x512xf32>
    %eq3A_136 = arith.constant 7 : i32
    %eq3A_137 = vector.broadcast %eq3A_136 : i32 to vector<256x512xi32>
    %eq3A_138 = arith.cmpi eq, %get3A_7, %eq3A_137 : vector<256x512xi32>
    %select_n3A_139 = arith.select %eq3A_138, %get3A_133, %select_n3A_122 : vector<256x512xi1>, vector<256x512xf32>
    %get3A_140 = arith.constant 0 : index
    %get3A_141 = arith.constant 7 : index
    %get3A_142 = memref.load %arg5[%get3A_140, %get3A_141] : memref<1x19xf32, #tpu.memory_space<smem>>
    %broadcast_in_dim3A_143 = vector.broadcast %get3A_142 : f32 to vector<256x512xf32>
    %select_n3A_144 = arith.select %eq3A_138, %broadcast_in_dim3A_143, %select_n3A_127 : vector<256x512xi1>, vector<256x512xf32>
    %get3A_145 = arith.constant 0 : index
    %get3A_146 = arith.constant 8 : index
    %get3A_147 = arith.constant 0 : index
    %get3A_148 = arith.constant 0 : index
    %get3A_149 = vector.load %arg3[%get3A_145, %get3A_146, %get3A_147, %get3A_148] : memref<1x19x256x512xf32, #tpu.memory_space<vmem>>, vector<1x1x256x512xf32>
    %get3A_150 = vector.shape_cast %get3A_149 : vector<1x1x256x512xf32> to vector<256x512xf32>
    %exp3A_151 = math.exp %get3A_150 : vector<256x512xf32>
    %add3A_152 = arith.addf %add3A_135, %exp3A_151 : vector<256x512xf32>
    %eq3A_153 = arith.constant 8 : i32
    %eq3A_154 = vector.broadcast %eq3A_153 : i32 to vector<256x512xi32>
    %eq3A_155 = arith.cmpi eq, %get3A_7, %eq3A_154 : vector<256x512xi32>
    %select_n3A_156 = arith.select %eq3A_155, %get3A_150, %select_n3A_139 : vector<256x512xi1>, vector<256x512xf32>
    %get3A_157 = arith.constant 0 : index
    %get3A_158 = arith.constant 8 : index
    %get3A_159 = memref.load %arg5[%get3A_157, %get3A_158] : memref<1x19xf32, #tpu.memory_space<smem>>
    %broadcast_in_dim3A_160 = vector.broadcast %get3A_159 : f32 to vector<256x512xf32>
    %select_n3A_161 = arith.select %eq3A_155, %broadcast_in_dim3A_160, %select_n3A_144 : vector<256x512xi1>, vector<256x512xf32>
    %get3A_162 = arith.constant 0 : index
    %get3A_163 = arith.constant 9 : index
    %get3A_164 = arith.constant 0 : index
    %get3A_165 = arith.constant 0 : index
    %get3A_166 = vector.load %arg3[%get3A_162, %get3A_163, %get3A_164, %get3A_165] : memref<1x19x256x512xf32, #tpu.memory_space<vmem>>, vector<1x1x256x512xf32>
    %get3A_167 = vector.shape_cast %get3A_166 : vector<1x1x256x512xf32> to vector<256x512xf32>
    %exp3A_168 = math.exp %get3A_167 : vector<256x512xf32>
    %add3A_169 = arith.addf %add3A_152, %exp3A_168 : vector<256x512xf32>
    %eq3A_170 = arith.constant 9 : i32
    %eq3A_171 = vector.broadcast %eq3A_170 : i32 to vector<256x512xi32>
    %eq3A_172 = arith.cmpi eq, %get3A_7, %eq3A_171 : vector<256x512xi32>
    %select_n3A_173 = arith.select %eq3A_172, %get3A_167, %select_n3A_156 : vector<256x512xi1>, vector<256x512xf32>
    %get3A_174 = arith.constant 0 : index
    %get3A_175 = arith.constant 9 : index
    %get3A_176 = memref.load %arg5[%get3A_174, %get3A_175] : memref<1x19xf32, #tpu.memory_space<smem>>
    %broadcast_in_dim3A_177 = vector.broadcast %get3A_176 : f32 to vector<256x512xf32>
    %select_n3A_178 = arith.select %eq3A_172, %broadcast_in_dim3A_177, %select_n3A_161 : vector<256x512xi1>, vector<256x512xf32>
    %get3A_179 = arith.constant 0 : index
    %get3A_180 = arith.constant 10 : index
    %get3A_181 = arith.constant 0 : index
    %get3A_182 = arith.constant 0 : index
    %get3A_183 = vector.load %arg3[%get3A_179, %get3A_180, %get3A_181, %get3A_182] : memref<1x19x256x512xf32, #tpu.memory_space<vmem>>, vector<1x1x256x512xf32>
    %get3A_184 = vector.shape_cast %get3A_183 : vector<1x1x256x512xf32> to vector<256x512xf32>
    %exp3A_185 = math.exp %get3A_184 : vector<256x512xf32>
    %add3A_186 = arith.addf %add3A_169, %exp3A_185 : vector<256x512xf32>
    %eq3A_187 = arith.constant 10 : i32
    %eq3A_188 = vector.broadcast %eq3A_187 : i32 to vector<256x512xi32>
    %eq3A_189 = arith.cmpi eq, %get3A_7, %eq3A_188 : vector<256x512xi32>
    %select_n3A_190 = arith.select %eq3A_189, %get3A_184, %select_n3A_173 : vector<256x512xi1>, vector<256x512xf32>
    %get3A_191 = arith.constant 0 : index
    %get3A_192 = arith.constant 10 : index
    %get3A_193 = memref.load %arg5[%get3A_191, %get3A_192] : memref<1x19xf32, #tpu.memory_space<smem>>
    %broadcast_in_dim3A_194 = vector.broadcast %get3A_193 : f32 to vector<256x512xf32>
    %select_n3A_195 = arith.select %eq3A_189, %broadcast_in_dim3A_194, %select_n3A_178 : vector<256x512xi1>, vector<256x512xf32>
    %get3A_196 = arith.constant 0 : index
    %get3A_197 = arith.constant 11 : index
    %get3A_198 = arith.constant 0 : index
    %get3A_199 = arith.constant 0 : index
    %get3A_200 = vector.load %arg3[%get3A_196, %get3A_197, %get3A_198, %get3A_199] : memref<1x19x256x512xf32, #tpu.memory_space<vmem>>, vector<1x1x256x512xf32>
    %get3A_201 = vector.shape_cast %get3A_200 : vector<1x1x256x512xf32> to vector<256x512xf32>
    %exp3A_202 = math.exp %get3A_201 : vector<256x512xf32>
    %add3A_203 = arith.addf %add3A_186, %exp3A_202 : vector<256x512xf32>
    %eq3A_204 = arith.constant 11 : i32
    %eq3A_205 = vector.broadcast %eq3A_204 : i32 to vector<256x512xi32>
    %eq3A_206 = arith.cmpi eq, %get3A_7, %eq3A_205 : vector<256x512xi32>
    %select_n3A_207 = arith.select %eq3A_206, %get3A_201, %select_n3A_190 : vector<256x512xi1>, vector<256x512xf32>
    %get3A_208 = arith.constant 0 : index
    %get3A_209 = arith.constant 11 : index
    %get3A_210 = memref.load %arg5[%get3A_208, %get3A_209] : memref<1x19xf32, #tpu.memory_space<smem>>
    %broadcast_in_dim3A_211 = vector.broadcast %get3A_210 : f32 to vector<256x512xf32>
    %select_n3A_212 = arith.select %eq3A_206, %broadcast_in_dim3A_211, %select_n3A_195 : vector<256x512xi1>, vector<256x512xf32>
    %get3A_213 = arith.constant 0 : index
    %get3A_214 = arith.constant 12 : index
    %get3A_215 = arith.constant 0 : index
    %get3A_216 = arith.constant 0 : index
    %get3A_217 = vector.load %arg3[%get3A_213, %get3A_214, %get3A_215, %get3A_216] : memref<1x19x256x512xf32, #tpu.memory_space<vmem>>, vector<1x1x256x512xf32>
    %get3A_218 = vector.shape_cast %get3A_217 : vector<1x1x256x512xf32> to vector<256x512xf32>
    %exp3A_219 = math.exp %get3A_218 : vector<256x512xf32>
    %add3A_220 = arith.addf %add3A_203, %exp3A_219 : vector<256x512xf32>
    %eq3A_221 = arith.constant 12 : i32
    %eq3A_222 = vector.broadcast %eq3A_221 : i32 to vector<256x512xi32>
    %eq3A_223 = arith.cmpi eq, %get3A_7, %eq3A_222 : vector<256x512xi32>
    %select_n3A_224 = arith.select %eq3A_223, %get3A_218, %select_n3A_207 : vector<256x512xi1>, vector<256x512xf32>
    %get3A_225 = arith.constant 0 : index
    %get3A_226 = arith.constant 12 : index
    %get3A_227 = memref.load %arg5[%get3A_225, %get3A_226] : memref<1x19xf32, #tpu.memory_space<smem>>
    %broadcast_in_dim3A_228 = vector.broadcast %get3A_227 : f32 to vector<256x512xf32>
    %select_n3A_229 = arith.select %eq3A_223, %broadcast_in_dim3A_228, %select_n3A_212 : vector<256x512xi1>, vector<256x512xf32>
    %get3A_230 = arith.constant 0 : index
    %get3A_231 = arith.constant 13 : index
    %get3A_232 = arith.constant 0 : index
    %get3A_233 = arith.constant 0 : index
    %get3A_234 = vector.load %arg3[%get3A_230, %get3A_231, %get3A_232, %get3A_233] : memref<1x19x256x512xf32, #tpu.memory_space<vmem>>, vector<1x1x256x512xf32>
    %get3A_235 = vector.shape_cast %get3A_234 : vector<1x1x256x512xf32> to vector<256x512xf32>
    %exp3A_236 = math.exp %get3A_235 : vector<256x512xf32>
    %add3A_237 = arith.addf %add3A_220, %exp3A_236 : vector<256x512xf32>
    %eq3A_238 = arith.constant 13 : i32
    %eq3A_239 = vector.broadcast %eq3A_238 : i32 to vector<256x512xi32>
    %eq3A_240 = arith.cmpi eq, %get3A_7, %eq3A_239 : vector<256x512xi32>
    %select_n3A_241 = arith.select %eq3A_240, %get3A_235, %select_n3A_224 : vector<256x512xi1>, vector<256x512xf32>
    %get3A_242 = arith.constant 0 : index
    %get3A_243 = arith.constant 13 : index
    %get3A_244 = memref.load %arg5[%get3A_242, %get3A_243] : memref<1x19xf32, #tpu.memory_space<smem>>
    %broadcast_in_dim3A_245 = vector.broadcast %get3A_244 : f32 to vector<256x512xf32>
    %select_n3A_246 = arith.select %eq3A_240, %broadcast_in_dim3A_245, %select_n3A_229 : vector<256x512xi1>, vector<256x512xf32>
    %get3A_247 = arith.constant 0 : index
    %get3A_248 = arith.constant 14 : index
    %get3A_249 = arith.constant 0 : index
    %get3A_250 = arith.constant 0 : index
    %get3A_251 = vector.load %arg3[%get3A_247, %get3A_248, %get3A_249, %get3A_250] : memref<1x19x256x512xf32, #tpu.memory_space<vmem>>, vector<1x1x256x512xf32>
    %get3A_252 = vector.shape_cast %get3A_251 : vector<1x1x256x512xf32> to vector<256x512xf32>
    %exp3A_253 = math.exp %get3A_252 : vector<256x512xf32>
    %add3A_254 = arith.addf %add3A_237, %exp3A_253 : vector<256x512xf32>
    %eq3A_255 = arith.constant 14 : i32
    %eq3A_256 = vector.broadcast %eq3A_255 : i32 to vector<256x512xi32>
    %eq3A_257 = arith.cmpi eq, %get3A_7, %eq3A_256 : vector<256x512xi32>
    %select_n3A_258 = arith.select %eq3A_257, %get3A_252, %select_n3A_241 : vector<256x512xi1>, vector<256x512xf32>
    %get3A_259 = arith.constant 0 : index
    %get3A_260 = arith.constant 14 : index
    %get3A_261 = memref.load %arg5[%get3A_259, %get3A_260] : memref<1x19xf32, #tpu.memory_space<smem>>
    %broadcast_in_dim3A_262 = vector.broadcast %get3A_261 : f32 to vector<256x512xf32>
    %select_n3A_263 = arith.select %eq3A_257, %broadcast_in_dim3A_262, %select_n3A_246 : vector<256x512xi1>, vector<256x512xf32>
    %get3A_264 = arith.constant 0 : index
    %get3A_265 = arith.constant 15 : index
    %get3A_266 = arith.constant 0 : index
    %get3A_267 = arith.constant 0 : index
    %get3A_268 = vector.load %arg3[%get3A_264, %get3A_265, %get3A_266, %get3A_267] : memref<1x19x256x512xf32, #tpu.memory_space<vmem>>, vector<1x1x256x512xf32>
    %get3A_269 = vector.shape_cast %get3A_268 : vector<1x1x256x512xf32> to vector<256x512xf32>
    %exp3A_270 = math.exp %get3A_269 : vector<256x512xf32>
    %add3A_271 = arith.addf %add3A_254, %exp3A_270 : vector<256x512xf32>
    %eq3A_272 = arith.constant 15 : i32
    %eq3A_273 = vector.broadcast %eq3A_272 : i32 to vector<256x512xi32>
    %eq3A_274 = arith.cmpi eq, %get3A_7, %eq3A_273 : vector<256x512xi32>
    %select_n3A_275 = arith.select %eq3A_274, %get3A_269, %select_n3A_258 : vector<256x512xi1>, vector<256x512xf32>
    %get3A_276 = arith.constant 0 : index
    %get3A_277 = arith.constant 15 : index
    %get3A_278 = memref.load %arg5[%get3A_276, %get3A_277] : memref<1x19xf32, #tpu.memory_space<smem>>
    %broadcast_in_dim3A_279 = vector.broadcast %get3A_278 : f32 to vector<256x512xf32>
    %select_n3A_280 = arith.select %eq3A_274, %broadcast_in_dim3A_279, %select_n3A_263 : vector<256x512xi1>, vector<256x512xf32>
    %get3A_281 = arith.constant 0 : index
    %get3A_282 = arith.constant 16 : index
    %get3A_283 = arith.constant 0 : index
    %get3A_284 = arith.constant 0 : index
    %get3A_285 = vector.load %arg3[%get3A_281, %get3A_282, %get3A_283, %get3A_284] : memref<1x19x256x512xf32, #tpu.memory_space<vmem>>, vector<1x1x256x512xf32>
    %get3A_286 = vector.shape_cast %get3A_285 : vector<1x1x256x512xf32> to vector<256x512xf32>
    %exp3A_287 = math.exp %get3A_286 : vector<256x512xf32>
    %add3A_288 = arith.addf %add3A_271, %exp3A_287 : vector<256x512xf32>
    %eq3A_289 = arith.constant 16 : i32
    %eq3A_290 = vector.broadcast %eq3A_289 : i32 to vector<256x512xi32>
    %eq3A_291 = arith.cmpi eq, %get3A_7, %eq3A_290 : vector<256x512xi32>
    %select_n3A_292 = arith.select %eq3A_291, %get3A_286, %select_n3A_275 : vector<256x512xi1>, vector<256x512xf32>
    %get3A_293 = arith.constant 0 : index
    %get3A_294 = arith.constant 16 : index
    %get3A_295 = memref.load %arg5[%get3A_293, %get3A_294] : memref<1x19xf32, #tpu.memory_space<smem>>
    %broadcast_in_dim3A_296 = vector.broadcast %get3A_295 : f32 to vector<256x512xf32>
    %select_n3A_297 = arith.select %eq3A_291, %broadcast_in_dim3A_296, %select_n3A_280 : vector<256x512xi1>, vector<256x512xf32>
    %get3A_298 = arith.constant 0 : index
    %get3A_299 = arith.constant 17 : index
    %get3A_300 = arith.constant 0 : index
    %get3A_301 = arith.constant 0 : index
    %get3A_302 = vector.load %arg3[%get3A_298, %get3A_299, %get3A_300, %get3A_301] : memref<1x19x256x512xf32, #tpu.memory_space<vmem>>, vector<1x1x256x512xf32>
    %get3A_303 = vector.shape_cast %get3A_302 : vector<1x1x256x512xf32> to vector<256x512xf32>
    %exp3A_304 = math.exp %get3A_303 : vector<256x512xf32>
    %add3A_305 = arith.addf %add3A_288, %exp3A_304 : vector<256x512xf32>
    %eq3A_306 = arith.constant 17 : i32
    %eq3A_307 = vector.broadcast %eq3A_306 : i32 to vector<256x512xi32>
    %eq3A_308 = arith.cmpi eq, %get3A_7, %eq3A_307 : vector<256x512xi32>
    %select_n3A_309 = arith.select %eq3A_308, %get3A_303, %select_n3A_292 : vector<256x512xi1>, vector<256x512xf32>
    %get3A_310 = arith.constant 0 : index
    %get3A_311 = arith.constant 17 : index
    %get3A_312 = memref.load %arg5[%get3A_310, %get3A_311] : memref<1x19xf32, #tpu.memory_space<smem>>
    %broadcast_in_dim3A_313 = vector.broadcast %get3A_312 : f32 to vector<256x512xf32>
    %select_n3A_314 = arith.select %eq3A_308, %broadcast_in_dim3A_313, %select_n3A_297 : vector<256x512xi1>, vector<256x512xf32>
    %get3A_315 = arith.constant 0 : index
    %get3A_316 = arith.constant 18 : index
    %get3A_317 = arith.constant 0 : index
    %get3A_318 = arith.constant 0 : index
    %get3A_319 = vector.load %arg3[%get3A_315, %get3A_316, %get3A_317, %get3A_318] : memref<1x19x256x512xf32, #tpu.memory_space<vmem>>, vector<1x1x256x512xf32>
    %get3A_320 = vector.shape_cast %get3A_319 : vector<1x1x256x512xf32> to vector<256x512xf32>
    %exp3A_321 = math.exp %get3A_320 : vector<256x512xf32>
    %add3A_322 = arith.addf %add3A_305, %exp3A_321 : vector<256x512xf32>
    %eq3A_323 = arith.constant 18 : i32
    %eq3A_324 = vector.broadcast %eq3A_323 : i32 to vector<256x512xi32>
    %eq3A_325 = arith.cmpi eq, %get3A_7, %eq3A_324 : vector<256x512xi32>
    %select_n3A_326 = arith.select %eq3A_325, %get3A_320, %select_n3A_309 : vector<256x512xi1>, vector<256x512xf32>
    %get3A_327 = arith.constant 0 : index
    %get3A_328 = arith.constant 18 : index
    %get3A_329 = memref.load %arg5[%get3A_327, %get3A_328] : memref<1x19xf32, #tpu.memory_space<smem>>
    %broadcast_in_dim3A_330 = vector.broadcast %get3A_329 : f32 to vector<256x512xf32>
    %select_n3A_331 = arith.select %eq3A_325, %broadcast_in_dim3A_330, %select_n3A_314 : vector<256x512xi1>, vector<256x512xf32>
    %log3A = math.log %add3A_322 : vector<256x512xf32>
    %sub3A = arith.subf %select_n3A_326, %log3A : vector<256x512xf32>
    %neg3A = arith.constant 0.000000e+00 : f32
    %neg3A_332 = vector.broadcast %neg3A : f32 to vector<256x512xf32>
    %neg3A_333 = arith.subf %neg3A_332, %select_n3A_331 : vector<256x512xf32>
    %mul3A = arith.mulf %neg3A_333, %sub3A : vector<256x512xf32>
    %exp3A_334 = math.exp %sub3A : vector<256x512xf32>
    %get3A_335 = arith.constant 0 : index
    %get3A_336 = arith.constant 0 : index
    %get3A_337 = memref.load %arg2[%get3A_335, %get3A_336] : memref<1x1xf32, #tpu.memory_space<smem>>
    %lt3A = vector.broadcast %get3A_337 : f32 to vector<256x512xf32>
    %lt3A_338 = arith.cmpf olt, %exp3A_334, %lt3A : vector<256x512xf32>
    %get3A_339 = arith.constant 0 : index
    %get3A_340 = arith.constant 0 : index
    %get3A_341 = memref.load %arg6[%get3A_339, %get3A_340] : memref<1x1xf32, #tpu.memory_space<smem>>
    %jit3A_342 = arith.constant 0.000000e+00 : f32
    %broadcast_in_dim3A_343 = vector.broadcast %jit3A_342 : f32 to vector<256x512xf32>
    %select_n3A_344 = arith.select %lt3A_338, %mul3A, %broadcast_in_dim3A_343 : vector<256x512xi1>, vector<256x512xf32>
    %reduce_sum3A = vector.shape_cast %select_n3A_344 : vector<256x512xf32> to vector<1x256x512xf32>
    %reduce_sum3A_345 = arith.constant dense<0.000000e+00> : vector<1xf32>
    %reduce_sum3A_346 = vector.multi_reduction <add>, %reduce_sum3A, %reduce_sum3A_345 [1, 2] : vector<1x256x512xf32> to vector<1xf32>
    %reduce_sum3A_347 = vector.shape_cast %reduce_sum3A_346 : vector<1xf32> to vector<1x1x1xf32>
    %reduce_sum3A_348 = vector.extract %reduce_sum3A_347[0, 0, 0] : f32 from vector<1x1x1xf32>
    %add3A_349 = arith.addf %get3A_341, %reduce_sum3A_348 : f32
    %swap3A = arith.constant 0 : index
    %swap3A_350 = arith.constant 0 : index
    %swap3A_351 = memref.load %arg6[%swap3A, %swap3A_350] : memref<1x1xf32, #tpu.memory_space<smem>>
    memref.store %add3A_349, %arg6[%swap3A, %swap3A_350] : memref<1x1xf32, #tpu.memory_space<smem>>
    %get3A_352 = arith.constant 0 : index
    %get3A_353 = arith.constant 0 : index
    %get3A_354 = memref.load %arg7[%get3A_352, %get3A_353] : memref<1x1xf32, #tpu.memory_space<smem>>
    %convert_element_type3A_355 = arith.extui %lt3A_338 : vector<256x512xi1> to vector<256x512xi32>
    %convert_element_type3A_356 = arith.sitofp %convert_element_type3A_355 : vector<256x512xi32> to vector<256x512xf32>
    %reduce_sum3A_357 = vector.shape_cast %convert_element_type3A_356 : vector<256x512xf32> to vector<1x256x512xf32>
    %reduce_sum3A_358 = arith.constant dense<0.000000e+00> : vector<1xf32>
    %reduce_sum3A_359 = vector.multi_reduction <add>, %reduce_sum3A_357, %reduce_sum3A_358 [1, 2] : vector<1x256x512xf32> to vector<1xf32>
    %reduce_sum3A_360 = vector.shape_cast %reduce_sum3A_359 : vector<1xf32> to vector<1x1x1xf32>
    %reduce_sum3A_361 = vector.extract %reduce_sum3A_360[0, 0, 0] : f32 from vector<1x1x1xf32>
    %add3A_362 = arith.addf %get3A_354, %reduce_sum3A_361 : f32
    %swap3A_363 = arith.constant 0 : index
    %swap3A_364 = arith.constant 0 : index
    %swap3A_365 = memref.load %arg7[%swap3A_363, %swap3A_364] : memref<1x1xf32, #tpu.memory_space<smem>>
    memref.store %add3A_362, %arg7[%swap3A_363, %swap3A_364] : memref<1x1xf32, #tpu.memory_space<smem>>
    return
  }
  func.func @transform_0(%arg0: i32, %arg1: i32) -> (i32, i32) {
    %c0_i32 = arith.constant 0 : i32
    %c0_i32_0 = arith.constant 0 : i32
    %c0_i32_1 = arith.constant 0 : i32
    return %c0_i32, %c0_i32_0 : i32, i32
  }
  func.func @transform_1(%arg0: i32, %arg1: i32) -> (i32, i32, i32, i32) {
    %c0_i32 = arith.constant 0 : i32
    %c0_i32_0 = arith.constant 0 : i32
    %c0_i32_1 = arith.constant 0 : i32
    return %arg0, %c0_i32, %arg1, %c0_i32_0 : i32, i32, i32, i32
  }
  func.func @transform_2(%arg0: i32, %arg1: i32) -> (i32, i32, i32) {
    %c0_i32 = arith.constant 0 : i32
    %c0_i32_0 = arith.constant 0 : i32
    return %arg0, %arg1, %c0_i32 : i32, i32, i32
  }
  func.func @transform_3(%arg0: i32, %arg1: i32) -> (i32, i32) {
    %c0_i32 = arith.constant 0 : i32
    %c0_i32_0 = arith.constant 0 : i32
    %c0_i32_1 = arith.constant 0 : i32
    return %c0_i32, %c0_i32_0 : i32, i32
  }
  func.func @transform_4(%arg0: i32, %arg1: i32) -> (i32, i32) {
    %c0_i32 = arith.constant 0 : i32
    %c0_i32_0 = arith.constant 0 : i32
    %c0_i32_1 = arith.constant 0 : i32
    return %c0_i32, %c0_i32_0 : i32, i32
  }
  func.func @transform_5(%arg0: i32, %arg1: i32) -> (i32, i32) {
    %c0_i32 = arith.constant 0 : i32
    %c0_i32_0 = arith.constant 0 : i32
    %c0_i32_1 = arith.constant 0 : i32
    return %c0_i32, %c0_i32_0 : i32, i32
  }
}

module attributes {stable_mosaic.version = 14 : i64} {
  func.func @_stats_kernel(%arg0: i32, %arg1: i32, %arg2: memref<1x1xf32, #tpu.memory_space<smem>>, %arg3: memref<1x19x256x512xf32, #tpu.memory_space<vmem>>, %arg4: memref<1x256x512xi32, #tpu.memory_space<vmem>>, %arg5: memref<1x19xf32, #tpu.memory_space<smem>>, %arg6: memref<1x1xf32, #tpu.memory_space<smem>>, %arg7: memref<1x1xf32, #tpu.memory_space<smem>>) attributes {dimension_semantics = [#tpu.dimension_semantics<arbitrary>, #tpu.dimension_semantics<arbitrary>], iteration_bounds = array<i64: 8, 2>, scalar_prefetch = 0 : i64, scratch_operands = 0 : i64, tpu.core_type = #tpu.core_type<tc>, window_params = [{transform_indices = @transform_0, window_bounds = array<i64: 1, 1>}, {transform_indices = @transform_1, window_bounds = array<i64: 1, 19, 256, 512>}, {transform_indices = @transform_2, window_bounds = array<i64: 1, 256, 512>}, {transform_indices = @transform_3, window_bounds = array<i64: 1, 19>}, {transform_indices = @transform_4, window_bounds = array<i64: 1, 1>}, {transform_indices = @transform_5, window_bounds = array<i64: 1, 1>}]} {
    %eq3A = arith.constant 0 : i32
    %eq3A_0 = arith.cmpi eq, %arg0, %eq3A : i32
    %eq3A_1 = arith.constant 0 : i32
    %eq3A_2 = arith.cmpi eq, %arg1, %eq3A_1 : i32
    %and3A = arith.andi %eq3A_0, %eq3A_2 : i1
    %convert_element_type3A = arith.extui %and3A : i1 to i32
    %cond3A = arith.constant 0 : i32
    %cond3A_3 = arith.cmpi ne, %convert_element_type3A, %cond3A : i32
    scf.if %cond3A_3 {
      %swap3A_366 = arith.constant 0.000000e+00 : f32
      %swap3A_367 = arith.constant 0 : index
      %swap3A_368 = arith.constant 0 : index
      %swap3A_369 = memref.load %arg6[%swap3A_367, %swap3A_368] : memref<1x1xf32, #tpu.memory_space<smem>>
      memref.store %swap3A_366, %arg6[%swap3A_367, %swap3A_368] : memref<1x1xf32, #tpu.memory_space<smem>>
      %swap3A_370 = arith.constant 0.000000e+00 : f32
      %swap3A_371 = arith.constant 0 : index
      %swap3A_372 = arith.constant 0 : index
      %swap3A_373 = memref.load %arg7[%swap3A_371, %swap3A_372] : memref<1x1xf32, #tpu.memory_space<smem>>
      memref.store %swap3A_370, %arg7[%swap3A_371, %swap3A_372] : memref<1x1xf32, #tpu.memory_space<smem>>
    } else {
    }
    %get3A = arith.constant 0 : index
    %get3A_4 = arith.constant 0 : index
    %get3A_5 = arith.constant 0 : index
    %get3A_6 = vector.load %arg4[%get3A, %get3A_4, %get3A_5] : memref<1x256x512xi32, #tpu.memory_space<vmem>>, vector<1x256x512xi32>
    %get3A_7 = vector.shape_cast %get3A_6 : vector<1x256x512xi32> to vector<256x512xi32>
    %get3A_8 = arith.constant 0 : index
    %get3A_9 = arith.constant 0 : index
    %get3A_10 = arith.constant 0 : index
    %get3A_11 = arith.constant 0 : index
    %get3A_12 = vector.load %arg3[%get3A_8, %get3A_9, %get3A_10, %get3A_11] : memref<1x19x256x512xf32, #tpu.memory_space<vmem>>, vector<1x1x256x512xf32>
    %get3A_13 = vector.shape_cast %get3A_12 : vector<1x1x256x512xf32> to vector<256x512xf32>
    %exp3A = math.exp %get3A_13 : vector<256x512xf32>
    %eq3A_14 = arith.constant 0 : i32
    %eq3A_15 = vector.broadcast %eq3A_14 : i32 to vector<256x512xi32>
    %eq3A_16 = arith.cmpi eq, %get3A_7, %eq3A_15 : vector<256x512xi32>
    %jit3A = arith.constant 0.000000e+00 : f32
    %broadcast_in_dim3A = vector.broadcast %jit3A : f32 to vector<256x512xf32>
    %select_n3A = arith.select %eq3A_16, %get3A_13, %broadcast_in_dim3A : vector<256x512xi1>, vector<256x512xf32>
    %eq3A_17 = arith.constant 0 : i32
    %eq3A_18 = vector.broadcast %eq3A_17 : i32 to vector<256x512xi32>
    %eq3A_19 = arith.cmpi eq, %get3A_7, %eq3A_18 : vector<256x512xi32>
    %get3A_20 = arith.constant 0 : index
    %get3A_21 = arith.constant 0 : index
    %get3A_22 = memref.load %arg5[%get3A_20, %get3A_21] : memref<1x19xf32, #tpu.memory_space<smem>>
    %jit3A_23 = arith.constant 0.000000e+00 : f32
    %broadcast_in_dim3A_24 = vector.broadcast %get3A_22 : f32 to vector<256x512xf32>
    %broadcast_in_dim3A_25 = vector.broadcast %jit3A_23 : f32 to vector<256x512xf32>
    %select_n3A_26 = arith.select %eq3A_19, %broadcast_in_dim3A_24, %broadcast_in_dim3A_25 : vector<256x512xi1>, vector<256x512xf32>
    %get3A_27 = arith.constant 0 : index
    %get3A_28 = arith.constant 1 : index
    %get3A_29 = arith.constant 0 : index
    %get3A_30 = arith.constant 0 : index
    %get3A_31 = vector.load %arg3[%get3A_27, %get3A_28, %get3A_29, %get3A_30] : memref<1x19x256x512xf32, #tpu.memory_space<vmem>>, vector<1x1x256x512xf32>
    %get3A_32 = vector.shape_cast %get3A_31 : vector<1x1x256x512xf32> to vector<256x512xf32>
    %exp3A_33 = math.exp %get3A_32 : vector<256x512xf32>
    %add3A = arith.addf %exp3A, %exp3A_33 : vector<256x512xf32>
    %eq3A_34 = arith.constant 1 : i32
    %eq3A_35 = vector.broadcast %eq3A_34 : i32 to vector<256x512xi32>
    %eq3A_36 = arith.cmpi eq, %get3A_7, %eq3A_35 : vector<256x512xi32>
    %select_n3A_37 = arith.select %eq3A_36, %get3A_32, %select_n3A : vector<256x512xi1>, vector<256x512xf32>
    %get3A_38 = arith.constant 0 : index
    %get3A_39 = arith.constant 1 : index
    %get3A_40 = memref.load %arg5[%get3A_38, %get3A_39] : memref<1x19xf32, #tpu.memory_space<smem>>
    %broadcast_in_dim3A_41 = vector.broadcast %get3A_40 : f32 to vector<256x512xf32>
    %select_n3A_42 = arith.select %eq3A_36, %broadcast_in_dim3A_41, %select_n3A_26 : vector<256x512xi1>, vector<256x512xf32>
    %get3A_43 = arith.constant 0 : index
    %get3A_44 = arith.constant 2 : index
    %get3A_45 = arith.constant 0 : index
    %get3A_46 = arith.constant 0 : index
    %get3A_47 = vector.load %arg3[%get3A_43, %get3A_44, %get3A_45, %get3A_46] : memref<1x19x256x512xf32, #tpu.memory_space<vmem>>, vector<1x1x256x512xf32>
    %get3A_48 = vector.shape_cast %get3A_47 : vector<1x1x256x512xf32> to vector<256x512xf32>
    %exp3A_49 = math.exp %get3A_48 : vector<256x512xf32>
    %add3A_50 = arith.addf %add3A, %exp3A_49 : vector<256x512xf32>
    %eq3A_51 = arith.constant 2 : i32
    %eq3A_52 = vector.broadcast %eq3A_51 : i32 to vector<256x512xi32>
    %eq3A_53 = arith.cmpi eq, %get3A_7, %eq3A_52 : vector<256x512xi32>
    %select_n3A_54 = arith.select %eq3A_53, %get3A_48, %select_n3A_37 : vector<256x512xi1>, vector<256x512xf32>
    %get3A_55 = arith.constant 0 : index
    %get3A_56 = arith.constant 2 : index
    %get3A_57 = memref.load %arg5[%get3A_55, %get3A_56] : memref<1x19xf32, #tpu.memory_space<smem>>
    %broadcast_in_dim3A_58 = vector.broadcast %get3A_57 : f32 to vector<256x512xf32>
    %select_n3A_59 = arith.select %eq3A_53, %broadcast_in_dim3A_58, %select_n3A_42 : vector<256x512xi1>, vector<256x512xf32>
    %get3A_60 = arith.constant 0 : index
    %get3A_61 = arith.constant 3 : index
    %get3A_62 = arith.constant 0 : index
    %get3A_63 = arith.constant 0 : index
    %get3A_64 = vector.load %arg3[%get3A_60, %get3A_61, %get3A_62, %get3A_63] : memref<1x19x256x512xf32, #tpu.memory_space<vmem>>, vector<1x1x256x512xf32>
    %get3A_65 = vector.shape_cast %get3A_64 : vector<1x1x256x512xf32> to vector<256x512xf32>
    %exp3A_66 = math.exp %get3A_65 : vector<256x512xf32>
    %add3A_67 = arith.addf %add3A_50, %exp3A_66 : vector<256x512xf32>
    %eq3A_68 = arith.constant 3 : i32
    %eq3A_69 = vector.broadcast %eq3A_68 : i32 to vector<256x512xi32>
    %eq3A_70 = arith.cmpi eq, %get3A_7, %eq3A_69 : vector<256x512xi32>
    %select_n3A_71 = arith.select %eq3A_70, %get3A_65, %select_n3A_54 : vector<256x512xi1>, vector<256x512xf32>
    %get3A_72 = arith.constant 0 : index
    %get3A_73 = arith.constant 3 : index
    %get3A_74 = memref.load %arg5[%get3A_72, %get3A_73] : memref<1x19xf32, #tpu.memory_space<smem>>
    %broadcast_in_dim3A_75 = vector.broadcast %get3A_74 : f32 to vector<256x512xf32>
    %select_n3A_76 = arith.select %eq3A_70, %broadcast_in_dim3A_75, %select_n3A_59 : vector<256x512xi1>, vector<256x512xf32>
    %get3A_77 = arith.constant 0 : index
    %get3A_78 = arith.constant 4 : index
    %get3A_79 = arith.constant 0 : index
    %get3A_80 = arith.constant 0 : index
    %get3A_81 = vector.load %arg3[%get3A_77, %get3A_78, %get3A_79, %get3A_80] : memref<1x19x256x512xf32, #tpu.memory_space<vmem>>, vector<1x1x256x512xf32>
    %get3A_82 = vector.shape_cast %get3A_81 : vector<1x1x256x512xf32> to vector<256x512xf32>
    %exp3A_83 = math.exp %get3A_82 : vector<256x512xf32>
    %add3A_84 = arith.addf %add3A_67, %exp3A_83 : vector<256x512xf32>
    %eq3A_85 = arith.constant 4 : i32
    %eq3A_86 = vector.broadcast %eq3A_85 : i32 to vector<256x512xi32>
    %eq3A_87 = arith.cmpi eq, %get3A_7, %eq3A_86 : vector<256x512xi32>
    %select_n3A_88 = arith.select %eq3A_87, %get3A_82, %select_n3A_71 : vector<256x512xi1>, vector<256x512xf32>
    %get3A_89 = arith.constant 0 : index
    %get3A_90 = arith.constant 4 : index
    %get3A_91 = memref.load %arg5[%get3A_89, %get3A_90] : memref<1x19xf32, #tpu.memory_space<smem>>
    %broadcast_in_dim3A_92 = vector.broadcast %get3A_91 : f32 to vector<256x512xf32>
    %select_n3A_93 = arith.select %eq3A_87, %broadcast_in_dim3A_92, %select_n3A_76 : vector<256x512xi1>, vector<256x512xf32>
    %get3A_94 = arith.constant 0 : index
    %get3A_95 = arith.constant 5 : index
    %get3A_96 = arith.constant 0 : index
    %get3A_97 = arith.constant 0 : index
    %get3A_98 = vector.load %arg3[%get3A_94, %get3A_95, %get3A_96, %get3A_97] : memref<1x19x256x512xf32, #tpu.memory_space<vmem>>, vector<1x1x256x512xf32>
    %get3A_99 = vector.shape_cast %get3A_98 : vector<1x1x256x512xf32> to vector<256x512xf32>
    %exp3A_100 = math.exp %get3A_99 : vector<256x512xf32>
    %add3A_101 = arith.addf %add3A_84, %exp3A_100 : vector<256x512xf32>
    %eq3A_102 = arith.constant 5 : i32
    %eq3A_103 = vector.broadcast %eq3A_102 : i32 to vector<256x512xi32>
    %eq3A_104 = arith.cmpi eq, %get3A_7, %eq3A_103 : vector<256x512xi32>
    %select_n3A_105 = arith.select %eq3A_104, %get3A_99, %select_n3A_88 : vector<256x512xi1>, vector<256x512xf32>
    %get3A_106 = arith.constant 0 : index
    %get3A_107 = arith.constant 5 : index
    %get3A_108 = memref.load %arg5[%get3A_106, %get3A_107] : memref<1x19xf32, #tpu.memory_space<smem>>
    %broadcast_in_dim3A_109 = vector.broadcast %get3A_108 : f32 to vector<256x512xf32>
    %select_n3A_110 = arith.select %eq3A_104, %broadcast_in_dim3A_109, %select_n3A_93 : vector<256x512xi1>, vector<256x512xf32>
    %get3A_111 = arith.constant 0 : index
    %get3A_112 = arith.constant 6 : index
    %get3A_113 = arith.constant 0 : index
    %get3A_114 = arith.constant 0 : index
    %get3A_115 = vector.load %arg3[%get3A_111, %get3A_112, %get3A_113, %get3A_114] : memref<1x19x256x512xf32, #tpu.memory_space<vmem>>, vector<1x1x256x512xf32>
    %get3A_116 = vector.shape_cast %get3A_115 : vector<1x1x256x512xf32> to vector<256x512xf32>
    %exp3A_117 = math.exp %get3A_116 : vector<256x512xf32>
    %add3A_118 = arith.addf %add3A_101, %exp3A_117 : vector<256x512xf32>
    %eq3A_119 = arith.constant 6 : i32
    %eq3A_120 = vector.broadcast %eq3A_119 : i32 to vector<256x512xi32>
    %eq3A_121 = arith.cmpi eq, %get3A_7, %eq3A_120 : vector<256x512xi32>
    %select_n3A_122 = arith.select %eq3A_121, %get3A_116, %select_n3A_105 : vector<256x512xi1>, vector<256x512xf32>
    %get3A_123 = arith.constant 0 : index
    %get3A_124 = arith.constant 6 : index
    %get3A_125 = memref.load %arg5[%get3A_123, %get3A_124] : memref<1x19xf32, #tpu.memory_space<smem>>
    %broadcast_in_dim3A_126 = vector.broadcast %get3A_125 : f32 to vector<256x512xf32>
    %select_n3A_127 = arith.select %eq3A_121, %broadcast_in_dim3A_126, %select_n3A_110 : vector<256x512xi1>, vector<256x512xf32>
    %get3A_128 = arith.constant 0 : index
    %get3A_129 = arith.constant 7 : index
    %get3A_130 = arith.constant 0 : index
    %get3A_131 = arith.constant 0 : index
    %get3A_132 = vector.load %arg3[%get3A_128, %get3A_129, %get3A_130, %get3A_131] : memref<1x19x256x512xf32, #tpu.memory_space<vmem>>, vector<1x1x256x512xf32>
    %get3A_133 = vector.shape_cast %get3A_132 : vector<1x1x256x512xf32> to vector<256x512xf32>
    %exp3A_134 = math.exp %get3A_133 : vector<256x512xf32>
    %add3A_135 = arith.addf %add3A_118, %exp3A_134 : vector<256x512xf32>
    %eq3A_136 = arith.constant 7 : i32
    %eq3A_137 = vector.broadcast %eq3A_136 : i32 to vector<256x512xi32>
    %eq3A_138 = arith.cmpi eq, %get3A_7, %eq3A_137 : vector<256x512xi32>
    %select_n3A_139 = arith.select %eq3A_138, %get3A_133, %select_n3A_122 : vector<256x512xi1>, vector<256x512xf32>
    %get3A_140 = arith.constant 0 : index
    %get3A_141 = arith.constant 7 : index
    %get3A_142 = memref.load %arg5[%get3A_140, %get3A_141] : memref<1x19xf32, #tpu.memory_space<smem>>
    %broadcast_in_dim3A_143 = vector.broadcast %get3A_142 : f32 to vector<256x512xf32>
    %select_n3A_144 = arith.select %eq3A_138, %broadcast_in_dim3A_143, %select_n3A_127 : vector<256x512xi1>, vector<256x512xf32>
    %get3A_145 = arith.constant 0 : index
    %get3A_146 = arith.constant 8 : index
    %get3A_147 = arith.constant 0 : index
    %get3A_148 = arith.constant 0 : index
    %get3A_149 = vector.load %arg3[%get3A_145, %get3A_146, %get3A_147, %get3A_148] : memref<1x19x256x512xf32, #tpu.memory_space<vmem>>, vector<1x1x256x512xf32>
    %get3A_150 = vector.shape_cast %get3A_149 : vector<1x1x256x512xf32> to vector<256x512xf32>
    %exp3A_151 = math.exp %get3A_150 : vector<256x512xf32>
    %add3A_152 = arith.addf %add3A_135, %exp3A_151 : vector<256x512xf32>
    %eq3A_153 = arith.constant 8 : i32
    %eq3A_154 = vector.broadcast %eq3A_153 : i32 to vector<256x512xi32>
    %eq3A_155 = arith.cmpi eq, %get3A_7, %eq3A_154 : vector<256x512xi32>
    %select_n3A_156 = arith.select %eq3A_155, %get3A_150, %select_n3A_139 : vector<256x512xi1>, vector<256x512xf32>
    %get3A_157 = arith.constant 0 : index
    %get3A_158 = arith.constant 8 : index
    %get3A_159 = memref.load %arg5[%get3A_157, %get3A_158] : memref<1x19xf32, #tpu.memory_space<smem>>
    %broadcast_in_dim3A_160 = vector.broadcast %get3A_159 : f32 to vector<256x512xf32>
    %select_n3A_161 = arith.select %eq3A_155, %broadcast_in_dim3A_160, %select_n3A_144 : vector<256x512xi1>, vector<256x512xf32>
    %get3A_162 = arith.constant 0 : index
    %get3A_163 = arith.constant 9 : index
    %get3A_164 = arith.constant 0 : index
    %get3A_165 = arith.constant 0 : index
    %get3A_166 = vector.load %arg3[%get3A_162, %get3A_163, %get3A_164, %get3A_165] : memref<1x19x256x512xf32, #tpu.memory_space<vmem>>, vector<1x1x256x512xf32>
    %get3A_167 = vector.shape_cast %get3A_166 : vector<1x1x256x512xf32> to vector<256x512xf32>
    %exp3A_168 = math.exp %get3A_167 : vector<256x512xf32>
    %add3A_169 = arith.addf %add3A_152, %exp3A_168 : vector<256x512xf32>
    %eq3A_170 = arith.constant 9 : i32
    %eq3A_171 = vector.broadcast %eq3A_170 : i32 to vector<256x512xi32>
    %eq3A_172 = arith.cmpi eq, %get3A_7, %eq3A_171 : vector<256x512xi32>
    %select_n3A_173 = arith.select %eq3A_172, %get3A_167, %select_n3A_156 : vector<256x512xi1>, vector<256x512xf32>
    %get3A_174 = arith.constant 0 : index
    %get3A_175 = arith.constant 9 : index
    %get3A_176 = memref.load %arg5[%get3A_174, %get3A_175] : memref<1x19xf32, #tpu.memory_space<smem>>
    %broadcast_in_dim3A_177 = vector.broadcast %get3A_176 : f32 to vector<256x512xf32>
    %select_n3A_178 = arith.select %eq3A_172, %broadcast_in_dim3A_177, %select_n3A_161 : vector<256x512xi1>, vector<256x512xf32>
    %get3A_179 = arith.constant 0 : index
    %get3A_180 = arith.constant 10 : index
    %get3A_181 = arith.constant 0 : index
    %get3A_182 = arith.constant 0 : index
    %get3A_183 = vector.load %arg3[%get3A_179, %get3A_180, %get3A_181, %get3A_182] : memref<1x19x256x512xf32, #tpu.memory_space<vmem>>, vector<1x1x256x512xf32>
    %get3A_184 = vector.shape_cast %get3A_183 : vector<1x1x256x512xf32> to vector<256x512xf32>
    %exp3A_185 = math.exp %get3A_184 : vector<256x512xf32>
    %add3A_186 = arith.addf %add3A_169, %exp3A_185 : vector<256x512xf32>
    %eq3A_187 = arith.constant 10 : i32
    %eq3A_188 = vector.broadcast %eq3A_187 : i32 to vector<256x512xi32>
    %eq3A_189 = arith.cmpi eq, %get3A_7, %eq3A_188 : vector<256x512xi32>
    %select_n3A_190 = arith.select %eq3A_189, %get3A_184, %select_n3A_173 : vector<256x512xi1>, vector<256x512xf32>
    %get3A_191 = arith.constant 0 : index
    %get3A_192 = arith.constant 10 : index
    %get3A_193 = memref.load %arg5[%get3A_191, %get3A_192] : memref<1x19xf32, #tpu.memory_space<smem>>
    %broadcast_in_dim3A_194 = vector.broadcast %get3A_193 : f32 to vector<256x512xf32>
    %select_n3A_195 = arith.select %eq3A_189, %broadcast_in_dim3A_194, %select_n3A_178 : vector<256x512xi1>, vector<256x512xf32>
    %get3A_196 = arith.constant 0 : index
    %get3A_197 = arith.constant 11 : index
    %get3A_198 = arith.constant 0 : index
    %get3A_199 = arith.constant 0 : index
    %get3A_200 = vector.load %arg3[%get3A_196, %get3A_197, %get3A_198, %get3A_199] : memref<1x19x256x512xf32, #tpu.memory_space<vmem>>, vector<1x1x256x512xf32>
    %get3A_201 = vector.shape_cast %get3A_200 : vector<1x1x256x512xf32> to vector<256x512xf32>
    %exp3A_202 = math.exp %get3A_201 : vector<256x512xf32>
    %add3A_203 = arith.addf %add3A_186, %exp3A_202 : vector<256x512xf32>
    %eq3A_204 = arith.constant 11 : i32
    %eq3A_205 = vector.broadcast %eq3A_204 : i32 to vector<256x512xi32>
    %eq3A_206 = arith.cmpi eq, %get3A_7, %eq3A_205 : vector<256x512xi32>
    %select_n3A_207 = arith.select %eq3A_206, %get3A_201, %select_n3A_190 : vector<256x512xi1>, vector<256x512xf32>
    %get3A_208 = arith.constant 0 : index
    %get3A_209 = arith.constant 11 : index
    %get3A_210 = memref.load %arg5[%get3A_208, %get3A_209] : memref<1x19xf32, #tpu.memory_space<smem>>
    %broadcast_in_dim3A_211 = vector.broadcast %get3A_210 : f32 to vector<256x512xf32>
    %select_n3A_212 = arith.select %eq3A_206, %broadcast_in_dim3A_211, %select_n3A_195 : vector<256x512xi1>, vector<256x512xf32>
    %get3A_213 = arith.constant 0 : index
    %get3A_214 = arith.constant 12 : index
    %get3A_215 = arith.constant 0 : index
    %get3A_216 = arith.constant 0 : index
    %get3A_217 = vector.load %arg3[%get3A_213, %get3A_214, %get3A_215, %get3A_216] : memref<1x19x256x512xf32, #tpu.memory_space<vmem>>, vector<1x1x256x512xf32>
    %get3A_218 = vector.shape_cast %get3A_217 : vector<1x1x256x512xf32> to vector<256x512xf32>
    %exp3A_219 = math.exp %get3A_218 : vector<256x512xf32>
    %add3A_220 = arith.addf %add3A_203, %exp3A_219 : vector<256x512xf32>
    %eq3A_221 = arith.constant 12 : i32
    %eq3A_222 = vector.broadcast %eq3A_221 : i32 to vector<256x512xi32>
    %eq3A_223 = arith.cmpi eq, %get3A_7, %eq3A_222 : vector<256x512xi32>
    %select_n3A_224 = arith.select %eq3A_223, %get3A_218, %select_n3A_207 : vector<256x512xi1>, vector<256x512xf32>
    %get3A_225 = arith.constant 0 : index
    %get3A_226 = arith.constant 12 : index
    %get3A_227 = memref.load %arg5[%get3A_225, %get3A_226] : memref<1x19xf32, #tpu.memory_space<smem>>
    %broadcast_in_dim3A_228 = vector.broadcast %get3A_227 : f32 to vector<256x512xf32>
    %select_n3A_229 = arith.select %eq3A_223, %broadcast_in_dim3A_228, %select_n3A_212 : vector<256x512xi1>, vector<256x512xf32>
    %get3A_230 = arith.constant 0 : index
    %get3A_231 = arith.constant 13 : index
    %get3A_232 = arith.constant 0 : index
    %get3A_233 = arith.constant 0 : index
    %get3A_234 = vector.load %arg3[%get3A_230, %get3A_231, %get3A_232, %get3A_233] : memref<1x19x256x512xf32, #tpu.memory_space<vmem>>, vector<1x1x256x512xf32>
    %get3A_235 = vector.shape_cast %get3A_234 : vector<1x1x256x512xf32> to vector<256x512xf32>
    %exp3A_236 = math.exp %get3A_235 : vector<256x512xf32>
    %add3A_237 = arith.addf %add3A_220, %exp3A_236 : vector<256x512xf32>
    %eq3A_238 = arith.constant 13 : i32
    %eq3A_239 = vector.broadcast %eq3A_238 : i32 to vector<256x512xi32>
    %eq3A_240 = arith.cmpi eq, %get3A_7, %eq3A_239 : vector<256x512xi32>
    %select_n3A_241 = arith.select %eq3A_240, %get3A_235, %select_n3A_224 : vector<256x512xi1>, vector<256x512xf32>
    %get3A_242 = arith.constant 0 : index
    %get3A_243 = arith.constant 13 : index
    %get3A_244 = memref.load %arg5[%get3A_242, %get3A_243] : memref<1x19xf32, #tpu.memory_space<smem>>
    %broadcast_in_dim3A_245 = vector.broadcast %get3A_244 : f32 to vector<256x512xf32>
    %select_n3A_246 = arith.select %eq3A_240, %broadcast_in_dim3A_245, %select_n3A_229 : vector<256x512xi1>, vector<256x512xf32>
    %get3A_247 = arith.constant 0 : index
    %get3A_248 = arith.constant 14 : index
    %get3A_249 = arith.constant 0 : index
    %get3A_250 = arith.constant 0 : index
    %get3A_251 = vector.load %arg3[%get3A_247, %get3A_248, %get3A_249, %get3A_250] : memref<1x19x256x512xf32, #tpu.memory_space<vmem>>, vector<1x1x256x512xf32>
    %get3A_252 = vector.shape_cast %get3A_251 : vector<1x1x256x512xf32> to vector<256x512xf32>
    %exp3A_253 = math.exp %get3A_252 : vector<256x512xf32>
    %add3A_254 = arith.addf %add3A_237, %exp3A_253 : vector<256x512xf32>
    %eq3A_255 = arith.constant 14 : i32
    %eq3A_256 = vector.broadcast %eq3A_255 : i32 to vector<256x512xi32>
    %eq3A_257 = arith.cmpi eq, %get3A_7, %eq3A_256 : vector<256x512xi32>
    %select_n3A_258 = arith.select %eq3A_257, %get3A_252, %select_n3A_241 : vector<256x512xi1>, vector<256x512xf32>
    %get3A_259 = arith.constant 0 : index
    %get3A_260 = arith.constant 14 : index
    %get3A_261 = memref.load %arg5[%get3A_259, %get3A_260] : memref<1x19xf32, #tpu.memory_space<smem>>
    %broadcast_in_dim3A_262 = vector.broadcast %get3A_261 : f32 to vector<256x512xf32>
    %select_n3A_263 = arith.select %eq3A_257, %broadcast_in_dim3A_262, %select_n3A_246 : vector<256x512xi1>, vector<256x512xf32>
    %get3A_264 = arith.constant 0 : index
    %get3A_265 = arith.constant 15 : index
    %get3A_266 = arith.constant 0 : index
    %get3A_267 = arith.constant 0 : index
    %get3A_268 = vector.load %arg3[%get3A_264, %get3A_265, %get3A_266, %get3A_267] : memref<1x19x256x512xf32, #tpu.memory_space<vmem>>, vector<1x1x256x512xf32>
    %get3A_269 = vector.shape_cast %get3A_268 : vector<1x1x256x512xf32> to vector<256x512xf32>
    %exp3A_270 = math.exp %get3A_269 : vector<256x512xf32>
    %add3A_271 = arith.addf %add3A_254, %exp3A_270 : vector<256x512xf32>
    %eq3A_272 = arith.constant 15 : i32
    %eq3A_273 = vector.broadcast %eq3A_272 : i32 to vector<256x512xi32>
    %eq3A_274 = arith.cmpi eq, %get3A_7, %eq3A_273 : vector<256x512xi32>
    %select_n3A_275 = arith.select %eq3A_274, %get3A_269, %select_n3A_258 : vector<256x512xi1>, vector<256x512xf32>
    %get3A_276 = arith.constant 0 : index
    %get3A_277 = arith.constant 15 : index
    %get3A_278 = memref.load %arg5[%get3A_276, %get3A_277] : memref<1x19xf32, #tpu.memory_space<smem>>
    %broadcast_in_dim3A_279 = vector.broadcast %get3A_278 : f32 to vector<256x512xf32>
    %select_n3A_280 = arith.select %eq3A_274, %broadcast_in_dim3A_279, %select_n3A_263 : vector<256x512xi1>, vector<256x512xf32>
    %get3A_281 = arith.constant 0 : index
    %get3A_282 = arith.constant 16 : index
    %get3A_283 = arith.constant 0 : index
    %get3A_284 = arith.constant 0 : index
    %get3A_285 = vector.load %arg3[%get3A_281, %get3A_282, %get3A_283, %get3A_284] : memref<1x19x256x512xf32, #tpu.memory_space<vmem>>, vector<1x1x256x512xf32>
    %get3A_286 = vector.shape_cast %get3A_285 : vector<1x1x256x512xf32> to vector<256x512xf32>
    %exp3A_287 = math.exp %get3A_286 : vector<256x512xf32>
    %add3A_288 = arith.addf %add3A_271, %exp3A_287 : vector<256x512xf32>
    %eq3A_289 = arith.constant 16 : i32
    %eq3A_290 = vector.broadcast %eq3A_289 : i32 to vector<256x512xi32>
    %eq3A_291 = arith.cmpi eq, %get3A_7, %eq3A_290 : vector<256x512xi32>
    %select_n3A_292 = arith.select %eq3A_291, %get3A_286, %select_n3A_275 : vector<256x512xi1>, vector<256x512xf32>
    %get3A_293 = arith.constant 0 : index
    %get3A_294 = arith.constant 16 : index
    %get3A_295 = memref.load %arg5[%get3A_293, %get3A_294] : memref<1x19xf32, #tpu.memory_space<smem>>
    %broadcast_in_dim3A_296 = vector.broadcast %get3A_295 : f32 to vector<256x512xf32>
    %select_n3A_297 = arith.select %eq3A_291, %broadcast_in_dim3A_296, %select_n3A_280 : vector<256x512xi1>, vector<256x512xf32>
    %get3A_298 = arith.constant 0 : index
    %get3A_299 = arith.constant 17 : index
    %get3A_300 = arith.constant 0 : index
    %get3A_301 = arith.constant 0 : index
    %get3A_302 = vector.load %arg3[%get3A_298, %get3A_299, %get3A_300, %get3A_301] : memref<1x19x256x512xf32, #tpu.memory_space<vmem>>, vector<1x1x256x512xf32>
    %get3A_303 = vector.shape_cast %get3A_302 : vector<1x1x256x512xf32> to vector<256x512xf32>
    %exp3A_304 = math.exp %get3A_303 : vector<256x512xf32>
    %add3A_305 = arith.addf %add3A_288, %exp3A_304 : vector<256x512xf32>
    %eq3A_306 = arith.constant 17 : i32
    %eq3A_307 = vector.broadcast %eq3A_306 : i32 to vector<256x512xi32>
    %eq3A_308 = arith.cmpi eq, %get3A_7, %eq3A_307 : vector<256x512xi32>
    %select_n3A_309 = arith.select %eq3A_308, %get3A_303, %select_n3A_292 : vector<256x512xi1>, vector<256x512xf32>
    %get3A_310 = arith.constant 0 : index
    %get3A_311 = arith.constant 17 : index
    %get3A_312 = memref.load %arg5[%get3A_310, %get3A_311] : memref<1x19xf32, #tpu.memory_space<smem>>
    %broadcast_in_dim3A_313 = vector.broadcast %get3A_312 : f32 to vector<256x512xf32>
    %select_n3A_314 = arith.select %eq3A_308, %broadcast_in_dim3A_313, %select_n3A_297 : vector<256x512xi1>, vector<256x512xf32>
    %get3A_315 = arith.constant 0 : index
    %get3A_316 = arith.constant 18 : index
    %get3A_317 = arith.constant 0 : index
    %get3A_318 = arith.constant 0 : index
    %get3A_319 = vector.load %arg3[%get3A_315, %get3A_316, %get3A_317, %get3A_318] : memref<1x19x256x512xf32, #tpu.memory_space<vmem>>, vector<1x1x256x512xf32>
    %get3A_320 = vector.shape_cast %get3A_319 : vector<1x1x256x512xf32> to vector<256x512xf32>
    %exp3A_321 = math.exp %get3A_320 : vector<256x512xf32>
    %add3A_322 = arith.addf %add3A_305, %exp3A_321 : vector<256x512xf32>
    %eq3A_323 = arith.constant 18 : i32
    %eq3A_324 = vector.broadcast %eq3A_323 : i32 to vector<256x512xi32>
    %eq3A_325 = arith.cmpi eq, %get3A_7, %eq3A_324 : vector<256x512xi32>
    %select_n3A_326 = arith.select %eq3A_325, %get3A_320, %select_n3A_309 : vector<256x512xi1>, vector<256x512xf32>
    %get3A_327 = arith.constant 0 : index
    %get3A_328 = arith.constant 18 : index
    %get3A_329 = memref.load %arg5[%get3A_327, %get3A_328] : memref<1x19xf32, #tpu.memory_space<smem>>
    %broadcast_in_dim3A_330 = vector.broadcast %get3A_329 : f32 to vector<256x512xf32>
    %select_n3A_331 = arith.select %eq3A_325, %broadcast_in_dim3A_330, %select_n3A_314 : vector<256x512xi1>, vector<256x512xf32>
    %log3A = math.log %add3A_322 : vector<256x512xf32>
    %sub3A = arith.subf %select_n3A_326, %log3A : vector<256x512xf32>
    %neg3A = arith.constant 0.000000e+00 : f32
    %neg3A_332 = vector.broadcast %neg3A : f32 to vector<256x512xf32>
    %neg3A_333 = arith.subf %neg3A_332, %select_n3A_331 : vector<256x512xf32>
    %mul3A = arith.mulf %neg3A_333, %sub3A : vector<256x512xf32>
    %exp3A_334 = math.exp %sub3A : vector<256x512xf32>
    %get3A_335 = arith.constant 0 : index
    %get3A_336 = arith.constant 0 : index
    %get3A_337 = memref.load %arg2[%get3A_335, %get3A_336] : memref<1x1xf32, #tpu.memory_space<smem>>
    %lt3A = vector.broadcast %get3A_337 : f32 to vector<256x512xf32>
    %lt3A_338 = arith.cmpf olt, %exp3A_334, %lt3A : vector<256x512xf32>
    %get3A_339 = arith.constant 0 : index
    %get3A_340 = arith.constant 0 : index
    %get3A_341 = memref.load %arg6[%get3A_339, %get3A_340] : memref<1x1xf32, #tpu.memory_space<smem>>
    %jit3A_342 = arith.constant 0.000000e+00 : f32
    %broadcast_in_dim3A_343 = vector.broadcast %jit3A_342 : f32 to vector<256x512xf32>
    %select_n3A_344 = arith.select %lt3A_338, %mul3A, %broadcast_in_dim3A_343 : vector<256x512xi1>, vector<256x512xf32>
    %reduce_sum3A = vector.shape_cast %select_n3A_344 : vector<256x512xf32> to vector<1x256x512xf32>
    %reduce_sum3A_345 = arith.constant dense<0.000000e+00> : vector<1xf32>
    %reduce_sum3A_346 = vector.multi_reduction <add>, %reduce_sum3A, %reduce_sum3A_345 [1, 2] : vector<1x256x512xf32> to vector<1xf32>
    %reduce_sum3A_347 = vector.shape_cast %reduce_sum3A_346 : vector<1xf32> to vector<1x1x1xf32>
    %reduce_sum3A_348 = vector.extract %reduce_sum3A_347[0, 0, 0] : f32 from vector<1x1x1xf32>
    %add3A_349 = arith.addf %get3A_341, %reduce_sum3A_348 : f32
    %swap3A = arith.constant 0 : index
    %swap3A_350 = arith.constant 0 : index
    %swap3A_351 = memref.load %arg6[%swap3A, %swap3A_350] : memref<1x1xf32, #tpu.memory_space<smem>>
    memref.store %add3A_349, %arg6[%swap3A, %swap3A_350] : memref<1x1xf32, #tpu.memory_space<smem>>
    %get3A_352 = arith.constant 0 : index
    %get3A_353 = arith.constant 0 : index
    %get3A_354 = memref.load %arg7[%get3A_352, %get3A_353] : memref<1x1xf32, #tpu.memory_space<smem>>
    %convert_element_type3A_355 = arith.extui %lt3A_338 : vector<256x512xi1> to vector<256x512xi32>
    %convert_element_type3A_356 = arith.sitofp %convert_element_type3A_355 : vector<256x512xi32> to vector<256x512xf32>
    %reduce_sum3A_357 = vector.shape_cast %convert_element_type3A_356 : vector<256x512xf32> to vector<1x256x512xf32>
    %reduce_sum3A_358 = arith.constant dense<0.000000e+00> : vector<1xf32>
    %reduce_sum3A_359 = vector.multi_reduction <add>, %reduce_sum3A_357, %reduce_sum3A_358 [1, 2] : vector<1x256x512xf32> to vector<1xf32>
    %reduce_sum3A_360 = vector.shape_cast %reduce_sum3A_359 : vector<1xf32> to vector<1x1x1xf32>
    %reduce_sum3A_361 = vector.extract %reduce_sum3A_360[0, 0, 0] : f32 from vector<1x1x1xf32>
    %add3A_362 = arith.addf %get3A_354, %reduce_sum3A_361 : f32
    %swap3A_363 = arith.constant 0 : index
    %swap3A_364 = arith.constant 0 : index
    %swap3A_365 = memref.load %arg7[%swap3A_363, %swap3A_364] : memref<1x1xf32, #tpu.memory_space<smem>>
    memref.store %add3A_362, %arg7[%swap3A_363, %swap3A_364] : memref<1x1xf32, #tpu.memory_space<smem>>
    return
  }
  func.func @transform_0(%arg0: i32, %arg1: i32) -> (i32, i32) {
    %c0_i32 = arith.constant 0 : i32
    %c0_i32_0 = arith.constant 0 : i32
    %c0_i32_1 = arith.constant 0 : i32
    return %c0_i32, %c0_i32_0 : i32, i32
  }
  func.func @transform_1(%arg0: i32, %arg1: i32) -> (i32, i32, i32, i32) {
    %c0_i32 = arith.constant 0 : i32
    %c0_i32_0 = arith.constant 0 : i32
    %c0_i32_1 = arith.constant 0 : i32
    return %arg0, %c0_i32, %arg1, %c0_i32_0 : i32, i32, i32, i32
  }
  func.func @transform_2(%arg0: i32, %arg1: i32) -> (i32, i32, i32) {
    %c0_i32 = arith.constant 0 : i32
    %c0_i32_0 = arith.constant 0 : i32
    return %arg0, %arg1, %c0_i32 : i32, i32, i32
  }
  func.func @transform_3(%arg0: i32, %arg1: i32) -> (i32, i32) {
    %c0_i32 = arith.constant 0 : i32
    %c0_i32_0 = arith.constant 0 : i32
    %c0_i32_1 = arith.constant 0 : i32
    return %c0_i32, %c0_i32_0 : i32, i32
  }
  func.func @transform_4(%arg0: i32, %arg1: i32) -> (i32, i32) {
    %c0_i32 = arith.constant 0 : i32
    %c0_i32_0 = arith.constant 0 : i32
    %c0_i32_1 = arith.constant 0 : i32
    return %c0_i32, %c0_i32_0 : i32, i32
  }
  func.func @transform_5(%arg0: i32, %arg1: i32) -> (i32, i32) {
    %c0_i32 = arith.constant 0 : i32
    %c0_i32_0 = arith.constant 0 : i32
    %c0_i32_1 = arith.constant 0 : i32
    return %c0_i32, %c0_i32_0 : i32, i32
  }
}

module attributes {stable_mosaic.version = 14 : i64} {
  func.func @_pred_kernel(%arg0: i32, %arg1: i32, %arg2: memref<1x19x256x512xf32, #tpu.memory_space<vmem>>, %arg3: memref<1x256x512xi32, #tpu.memory_space<vmem>>, %arg4: memref<1x19xf32, #tpu.memory_space<smem>>, %arg5: memref<1x256x512xf32, #tpu.memory_space<vmem>>) attributes {dimension_semantics = [#tpu.dimension_semantics<arbitrary>, #tpu.dimension_semantics<arbitrary>], iteration_bounds = array<i64: 8, 2>, scalar_prefetch = 0 : i64, scratch_operands = 0 : i64, tpu.core_type = #tpu.core_type<tc>, window_params = [{transform_indices = @transform_0, window_bounds = array<i64: 1, 19, 256, 512>}, {transform_indices = @transform_1, window_bounds = array<i64: 1, 256, 512>}, {transform_indices = @transform_2, window_bounds = array<i64: 1, 19>}, {transform_indices = @transform_3, window_bounds = array<i64: 1, 256, 512>}]} {
    %get3A = arith.constant 0 : index
    %get3A_0 = arith.constant 0 : index
    %get3A_1 = arith.constant 0 : index
    %get3A_2 = vector.load %arg3[%get3A, %get3A_0, %get3A_1] : memref<1x256x512xi32, #tpu.memory_space<vmem>>, vector<1x256x512xi32>
    %get3A_3 = vector.shape_cast %get3A_2 : vector<1x256x512xi32> to vector<256x512xi32>
    %get3A_4 = arith.constant 0 : index
    %get3A_5 = arith.constant 0 : index
    %get3A_6 = arith.constant 0 : index
    %get3A_7 = arith.constant 0 : index
    %get3A_8 = vector.load %arg2[%get3A_4, %get3A_5, %get3A_6, %get3A_7] : memref<1x19x256x512xf32, #tpu.memory_space<vmem>>, vector<1x1x256x512xf32>
    %get3A_9 = vector.shape_cast %get3A_8 : vector<1x1x256x512xf32> to vector<256x512xf32>
    %exp3A = math.exp %get3A_9 : vector<256x512xf32>
    %eq3A = arith.constant 0 : i32
    %eq3A_10 = vector.broadcast %eq3A : i32 to vector<256x512xi32>
    %eq3A_11 = arith.cmpi eq, %get3A_3, %eq3A_10 : vector<256x512xi32>
    %jit3A = arith.constant 0.000000e+00 : f32
    %broadcast_in_dim3A = vector.broadcast %jit3A : f32 to vector<256x512xf32>
    %select_n3A = arith.select %eq3A_11, %get3A_9, %broadcast_in_dim3A : vector<256x512xi1>, vector<256x512xf32>
    %get3A_12 = arith.constant 0 : index
    %get3A_13 = arith.constant 1 : index
    %get3A_14 = arith.constant 0 : index
    %get3A_15 = arith.constant 0 : index
    %get3A_16 = vector.load %arg2[%get3A_12, %get3A_13, %get3A_14, %get3A_15] : memref<1x19x256x512xf32, #tpu.memory_space<vmem>>, vector<1x1x256x512xf32>
    %get3A_17 = vector.shape_cast %get3A_16 : vector<1x1x256x512xf32> to vector<256x512xf32>
    %exp3A_18 = math.exp %get3A_17 : vector<256x512xf32>
    %add3A = arith.addf %exp3A, %exp3A_18 : vector<256x512xf32>
    %eq3A_19 = arith.constant 1 : i32
    %eq3A_20 = vector.broadcast %eq3A_19 : i32 to vector<256x512xi32>
    %eq3A_21 = arith.cmpi eq, %get3A_3, %eq3A_20 : vector<256x512xi32>
    %select_n3A_22 = arith.select %eq3A_21, %get3A_17, %select_n3A : vector<256x512xi1>, vector<256x512xf32>
    %get3A_23 = arith.constant 0 : index
    %get3A_24 = arith.constant 2 : index
    %get3A_25 = arith.constant 0 : index
    %get3A_26 = arith.constant 0 : index
    %get3A_27 = vector.load %arg2[%get3A_23, %get3A_24, %get3A_25, %get3A_26] : memref<1x19x256x512xf32, #tpu.memory_space<vmem>>, vector<1x1x256x512xf32>
    %get3A_28 = vector.shape_cast %get3A_27 : vector<1x1x256x512xf32> to vector<256x512xf32>
    %exp3A_29 = math.exp %get3A_28 : vector<256x512xf32>
    %add3A_30 = arith.addf %add3A, %exp3A_29 : vector<256x512xf32>
    %eq3A_31 = arith.constant 2 : i32
    %eq3A_32 = vector.broadcast %eq3A_31 : i32 to vector<256x512xi32>
    %eq3A_33 = arith.cmpi eq, %get3A_3, %eq3A_32 : vector<256x512xi32>
    %select_n3A_34 = arith.select %eq3A_33, %get3A_28, %select_n3A_22 : vector<256x512xi1>, vector<256x512xf32>
    %get3A_35 = arith.constant 0 : index
    %get3A_36 = arith.constant 3 : index
    %get3A_37 = arith.constant 0 : index
    %get3A_38 = arith.constant 0 : index
    %get3A_39 = vector.load %arg2[%get3A_35, %get3A_36, %get3A_37, %get3A_38] : memref<1x19x256x512xf32, #tpu.memory_space<vmem>>, vector<1x1x256x512xf32>
    %get3A_40 = vector.shape_cast %get3A_39 : vector<1x1x256x512xf32> to vector<256x512xf32>
    %exp3A_41 = math.exp %get3A_40 : vector<256x512xf32>
    %add3A_42 = arith.addf %add3A_30, %exp3A_41 : vector<256x512xf32>
    %eq3A_43 = arith.constant 3 : i32
    %eq3A_44 = vector.broadcast %eq3A_43 : i32 to vector<256x512xi32>
    %eq3A_45 = arith.cmpi eq, %get3A_3, %eq3A_44 : vector<256x512xi32>
    %select_n3A_46 = arith.select %eq3A_45, %get3A_40, %select_n3A_34 : vector<256x512xi1>, vector<256x512xf32>
    %get3A_47 = arith.constant 0 : index
    %get3A_48 = arith.constant 4 : index
    %get3A_49 = arith.constant 0 : index
    %get3A_50 = arith.constant 0 : index
    %get3A_51 = vector.load %arg2[%get3A_47, %get3A_48, %get3A_49, %get3A_50] : memref<1x19x256x512xf32, #tpu.memory_space<vmem>>, vector<1x1x256x512xf32>
    %get3A_52 = vector.shape_cast %get3A_51 : vector<1x1x256x512xf32> to vector<256x512xf32>
    %exp3A_53 = math.exp %get3A_52 : vector<256x512xf32>
    %add3A_54 = arith.addf %add3A_42, %exp3A_53 : vector<256x512xf32>
    %eq3A_55 = arith.constant 4 : i32
    %eq3A_56 = vector.broadcast %eq3A_55 : i32 to vector<256x512xi32>
    %eq3A_57 = arith.cmpi eq, %get3A_3, %eq3A_56 : vector<256x512xi32>
    %select_n3A_58 = arith.select %eq3A_57, %get3A_52, %select_n3A_46 : vector<256x512xi1>, vector<256x512xf32>
    %get3A_59 = arith.constant 0 : index
    %get3A_60 = arith.constant 5 : index
    %get3A_61 = arith.constant 0 : index
    %get3A_62 = arith.constant 0 : index
    %get3A_63 = vector.load %arg2[%get3A_59, %get3A_60, %get3A_61, %get3A_62] : memref<1x19x256x512xf32, #tpu.memory_space<vmem>>, vector<1x1x256x512xf32>
    %get3A_64 = vector.shape_cast %get3A_63 : vector<1x1x256x512xf32> to vector<256x512xf32>
    %exp3A_65 = math.exp %get3A_64 : vector<256x512xf32>
    %add3A_66 = arith.addf %add3A_54, %exp3A_65 : vector<256x512xf32>
    %eq3A_67 = arith.constant 5 : i32
    %eq3A_68 = vector.broadcast %eq3A_67 : i32 to vector<256x512xi32>
    %eq3A_69 = arith.cmpi eq, %get3A_3, %eq3A_68 : vector<256x512xi32>
    %select_n3A_70 = arith.select %eq3A_69, %get3A_64, %select_n3A_58 : vector<256x512xi1>, vector<256x512xf32>
    %get3A_71 = arith.constant 0 : index
    %get3A_72 = arith.constant 6 : index
    %get3A_73 = arith.constant 0 : index
    %get3A_74 = arith.constant 0 : index
    %get3A_75 = vector.load %arg2[%get3A_71, %get3A_72, %get3A_73, %get3A_74] : memref<1x19x256x512xf32, #tpu.memory_space<vmem>>, vector<1x1x256x512xf32>
    %get3A_76 = vector.shape_cast %get3A_75 : vector<1x1x256x512xf32> to vector<256x512xf32>
    %exp3A_77 = math.exp %get3A_76 : vector<256x512xf32>
    %add3A_78 = arith.addf %add3A_66, %exp3A_77 : vector<256x512xf32>
    %eq3A_79 = arith.constant 6 : i32
    %eq3A_80 = vector.broadcast %eq3A_79 : i32 to vector<256x512xi32>
    %eq3A_81 = arith.cmpi eq, %get3A_3, %eq3A_80 : vector<256x512xi32>
    %select_n3A_82 = arith.select %eq3A_81, %get3A_76, %select_n3A_70 : vector<256x512xi1>, vector<256x512xf32>
    %get3A_83 = arith.constant 0 : index
    %get3A_84 = arith.constant 7 : index
    %get3A_85 = arith.constant 0 : index
    %get3A_86 = arith.constant 0 : index
    %get3A_87 = vector.load %arg2[%get3A_83, %get3A_84, %get3A_85, %get3A_86] : memref<1x19x256x512xf32, #tpu.memory_space<vmem>>, vector<1x1x256x512xf32>
    %get3A_88 = vector.shape_cast %get3A_87 : vector<1x1x256x512xf32> to vector<256x512xf32>
    %exp3A_89 = math.exp %get3A_88 : vector<256x512xf32>
    %add3A_90 = arith.addf %add3A_78, %exp3A_89 : vector<256x512xf32>
    %eq3A_91 = arith.constant 7 : i32
    %eq3A_92 = vector.broadcast %eq3A_91 : i32 to vector<256x512xi32>
    %eq3A_93 = arith.cmpi eq, %get3A_3, %eq3A_92 : vector<256x512xi32>
    %select_n3A_94 = arith.select %eq3A_93, %get3A_88, %select_n3A_82 : vector<256x512xi1>, vector<256x512xf32>
    %get3A_95 = arith.constant 0 : index
    %get3A_96 = arith.constant 8 : index
    %get3A_97 = arith.constant 0 : index
    %get3A_98 = arith.constant 0 : index
    %get3A_99 = vector.load %arg2[%get3A_95, %get3A_96, %get3A_97, %get3A_98] : memref<1x19x256x512xf32, #tpu.memory_space<vmem>>, vector<1x1x256x512xf32>
    %get3A_100 = vector.shape_cast %get3A_99 : vector<1x1x256x512xf32> to vector<256x512xf32>
    %exp3A_101 = math.exp %get3A_100 : vector<256x512xf32>
    %add3A_102 = arith.addf %add3A_90, %exp3A_101 : vector<256x512xf32>
    %eq3A_103 = arith.constant 8 : i32
    %eq3A_104 = vector.broadcast %eq3A_103 : i32 to vector<256x512xi32>
    %eq3A_105 = arith.cmpi eq, %get3A_3, %eq3A_104 : vector<256x512xi32>
    %select_n3A_106 = arith.select %eq3A_105, %get3A_100, %select_n3A_94 : vector<256x512xi1>, vector<256x512xf32>
    %get3A_107 = arith.constant 0 : index
    %get3A_108 = arith.constant 9 : index
    %get3A_109 = arith.constant 0 : index
    %get3A_110 = arith.constant 0 : index
    %get3A_111 = vector.load %arg2[%get3A_107, %get3A_108, %get3A_109, %get3A_110] : memref<1x19x256x512xf32, #tpu.memory_space<vmem>>, vector<1x1x256x512xf32>
    %get3A_112 = vector.shape_cast %get3A_111 : vector<1x1x256x512xf32> to vector<256x512xf32>
    %exp3A_113 = math.exp %get3A_112 : vector<256x512xf32>
    %add3A_114 = arith.addf %add3A_102, %exp3A_113 : vector<256x512xf32>
    %eq3A_115 = arith.constant 9 : i32
    %eq3A_116 = vector.broadcast %eq3A_115 : i32 to vector<256x512xi32>
    %eq3A_117 = arith.cmpi eq, %get3A_3, %eq3A_116 : vector<256x512xi32>
    %select_n3A_118 = arith.select %eq3A_117, %get3A_112, %select_n3A_106 : vector<256x512xi1>, vector<256x512xf32>
    %get3A_119 = arith.constant 0 : index
    %get3A_120 = arith.constant 10 : index
    %get3A_121 = arith.constant 0 : index
    %get3A_122 = arith.constant 0 : index
    %get3A_123 = vector.load %arg2[%get3A_119, %get3A_120, %get3A_121, %get3A_122] : memref<1x19x256x512xf32, #tpu.memory_space<vmem>>, vector<1x1x256x512xf32>
    %get3A_124 = vector.shape_cast %get3A_123 : vector<1x1x256x512xf32> to vector<256x512xf32>
    %exp3A_125 = math.exp %get3A_124 : vector<256x512xf32>
    %add3A_126 = arith.addf %add3A_114, %exp3A_125 : vector<256x512xf32>
    %eq3A_127 = arith.constant 10 : i32
    %eq3A_128 = vector.broadcast %eq3A_127 : i32 to vector<256x512xi32>
    %eq3A_129 = arith.cmpi eq, %get3A_3, %eq3A_128 : vector<256x512xi32>
    %select_n3A_130 = arith.select %eq3A_129, %get3A_124, %select_n3A_118 : vector<256x512xi1>, vector<256x512xf32>
    %get3A_131 = arith.constant 0 : index
    %get3A_132 = arith.constant 11 : index
    %get3A_133 = arith.constant 0 : index
    %get3A_134 = arith.constant 0 : index
    %get3A_135 = vector.load %arg2[%get3A_131, %get3A_132, %get3A_133, %get3A_134] : memref<1x19x256x512xf32, #tpu.memory_space<vmem>>, vector<1x1x256x512xf32>
    %get3A_136 = vector.shape_cast %get3A_135 : vector<1x1x256x512xf32> to vector<256x512xf32>
    %exp3A_137 = math.exp %get3A_136 : vector<256x512xf32>
    %add3A_138 = arith.addf %add3A_126, %exp3A_137 : vector<256x512xf32>
    %eq3A_139 = arith.constant 11 : i32
    %eq3A_140 = vector.broadcast %eq3A_139 : i32 to vector<256x512xi32>
    %eq3A_141 = arith.cmpi eq, %get3A_3, %eq3A_140 : vector<256x512xi32>
    %select_n3A_142 = arith.select %eq3A_141, %get3A_136, %select_n3A_130 : vector<256x512xi1>, vector<256x512xf32>
    %get3A_143 = arith.constant 0 : index
    %get3A_144 = arith.constant 12 : index
    %get3A_145 = arith.constant 0 : index
    %get3A_146 = arith.constant 0 : index
    %get3A_147 = vector.load %arg2[%get3A_143, %get3A_144, %get3A_145, %get3A_146] : memref<1x19x256x512xf32, #tpu.memory_space<vmem>>, vector<1x1x256x512xf32>
    %get3A_148 = vector.shape_cast %get3A_147 : vector<1x1x256x512xf32> to vector<256x512xf32>
    %exp3A_149 = math.exp %get3A_148 : vector<256x512xf32>
    %add3A_150 = arith.addf %add3A_138, %exp3A_149 : vector<256x512xf32>
    %eq3A_151 = arith.constant 12 : i32
    %eq3A_152 = vector.broadcast %eq3A_151 : i32 to vector<256x512xi32>
    %eq3A_153 = arith.cmpi eq, %get3A_3, %eq3A_152 : vector<256x512xi32>
    %select_n3A_154 = arith.select %eq3A_153, %get3A_148, %select_n3A_142 : vector<256x512xi1>, vector<256x512xf32>
    %get3A_155 = arith.constant 0 : index
    %get3A_156 = arith.constant 13 : index
    %get3A_157 = arith.constant 0 : index
    %get3A_158 = arith.constant 0 : index
    %get3A_159 = vector.load %arg2[%get3A_155, %get3A_156, %get3A_157, %get3A_158] : memref<1x19x256x512xf32, #tpu.memory_space<vmem>>, vector<1x1x256x512xf32>
    %get3A_160 = vector.shape_cast %get3A_159 : vector<1x1x256x512xf32> to vector<256x512xf32>
    %exp3A_161 = math.exp %get3A_160 : vector<256x512xf32>
    %add3A_162 = arith.addf %add3A_150, %exp3A_161 : vector<256x512xf32>
    %eq3A_163 = arith.constant 13 : i32
    %eq3A_164 = vector.broadcast %eq3A_163 : i32 to vector<256x512xi32>
    %eq3A_165 = arith.cmpi eq, %get3A_3, %eq3A_164 : vector<256x512xi32>
    %select_n3A_166 = arith.select %eq3A_165, %get3A_160, %select_n3A_154 : vector<256x512xi1>, vector<256x512xf32>
    %get3A_167 = arith.constant 0 : index
    %get3A_168 = arith.constant 14 : index
    %get3A_169 = arith.constant 0 : index
    %get3A_170 = arith.constant 0 : index
    %get3A_171 = vector.load %arg2[%get3A_167, %get3A_168, %get3A_169, %get3A_170] : memref<1x19x256x512xf32, #tpu.memory_space<vmem>>, vector<1x1x256x512xf32>
    %get3A_172 = vector.shape_cast %get3A_171 : vector<1x1x256x512xf32> to vector<256x512xf32>
    %exp3A_173 = math.exp %get3A_172 : vector<256x512xf32>
    %add3A_174 = arith.addf %add3A_162, %exp3A_173 : vector<256x512xf32>
    %eq3A_175 = arith.constant 14 : i32
    %eq3A_176 = vector.broadcast %eq3A_175 : i32 to vector<256x512xi32>
    %eq3A_177 = arith.cmpi eq, %get3A_3, %eq3A_176 : vector<256x512xi32>
    %select_n3A_178 = arith.select %eq3A_177, %get3A_172, %select_n3A_166 : vector<256x512xi1>, vector<256x512xf32>
    %get3A_179 = arith.constant 0 : index
    %get3A_180 = arith.constant 15 : index
    %get3A_181 = arith.constant 0 : index
    %get3A_182 = arith.constant 0 : index
    %get3A_183 = vector.load %arg2[%get3A_179, %get3A_180, %get3A_181, %get3A_182] : memref<1x19x256x512xf32, #tpu.memory_space<vmem>>, vector<1x1x256x512xf32>
    %get3A_184 = vector.shape_cast %get3A_183 : vector<1x1x256x512xf32> to vector<256x512xf32>
    %exp3A_185 = math.exp %get3A_184 : vector<256x512xf32>
    %add3A_186 = arith.addf %add3A_174, %exp3A_185 : vector<256x512xf32>
    %eq3A_187 = arith.constant 15 : i32
    %eq3A_188 = vector.broadcast %eq3A_187 : i32 to vector<256x512xi32>
    %eq3A_189 = arith.cmpi eq, %get3A_3, %eq3A_188 : vector<256x512xi32>
    %select_n3A_190 = arith.select %eq3A_189, %get3A_184, %select_n3A_178 : vector<256x512xi1>, vector<256x512xf32>
    %get3A_191 = arith.constant 0 : index
    %get3A_192 = arith.constant 16 : index
    %get3A_193 = arith.constant 0 : index
    %get3A_194 = arith.constant 0 : index
    %get3A_195 = vector.load %arg2[%get3A_191, %get3A_192, %get3A_193, %get3A_194] : memref<1x19x256x512xf32, #tpu.memory_space<vmem>>, vector<1x1x256x512xf32>
    %get3A_196 = vector.shape_cast %get3A_195 : vector<1x1x256x512xf32> to vector<256x512xf32>
    %exp3A_197 = math.exp %get3A_196 : vector<256x512xf32>
    %add3A_198 = arith.addf %add3A_186, %exp3A_197 : vector<256x512xf32>
    %eq3A_199 = arith.constant 16 : i32
    %eq3A_200 = vector.broadcast %eq3A_199 : i32 to vector<256x512xi32>
    %eq3A_201 = arith.cmpi eq, %get3A_3, %eq3A_200 : vector<256x512xi32>
    %select_n3A_202 = arith.select %eq3A_201, %get3A_196, %select_n3A_190 : vector<256x512xi1>, vector<256x512xf32>
    %get3A_203 = arith.constant 0 : index
    %get3A_204 = arith.constant 17 : index
    %get3A_205 = arith.constant 0 : index
    %get3A_206 = arith.constant 0 : index
    %get3A_207 = vector.load %arg2[%get3A_203, %get3A_204, %get3A_205, %get3A_206] : memref<1x19x256x512xf32, #tpu.memory_space<vmem>>, vector<1x1x256x512xf32>
    %get3A_208 = vector.shape_cast %get3A_207 : vector<1x1x256x512xf32> to vector<256x512xf32>
    %exp3A_209 = math.exp %get3A_208 : vector<256x512xf32>
    %add3A_210 = arith.addf %add3A_198, %exp3A_209 : vector<256x512xf32>
    %eq3A_211 = arith.constant 17 : i32
    %eq3A_212 = vector.broadcast %eq3A_211 : i32 to vector<256x512xi32>
    %eq3A_213 = arith.cmpi eq, %get3A_3, %eq3A_212 : vector<256x512xi32>
    %select_n3A_214 = arith.select %eq3A_213, %get3A_208, %select_n3A_202 : vector<256x512xi1>, vector<256x512xf32>
    %get3A_215 = arith.constant 0 : index
    %get3A_216 = arith.constant 18 : index
    %get3A_217 = arith.constant 0 : index
    %get3A_218 = arith.constant 0 : index
    %get3A_219 = vector.load %arg2[%get3A_215, %get3A_216, %get3A_217, %get3A_218] : memref<1x19x256x512xf32, #tpu.memory_space<vmem>>, vector<1x1x256x512xf32>
    %get3A_220 = vector.shape_cast %get3A_219 : vector<1x1x256x512xf32> to vector<256x512xf32>
    %exp3A_221 = math.exp %get3A_220 : vector<256x512xf32>
    %add3A_222 = arith.addf %add3A_210, %exp3A_221 : vector<256x512xf32>
    %eq3A_223 = arith.constant 18 : i32
    %eq3A_224 = vector.broadcast %eq3A_223 : i32 to vector<256x512xi32>
    %eq3A_225 = arith.cmpi eq, %get3A_3, %eq3A_224 : vector<256x512xi32>
    %select_n3A_226 = arith.select %eq3A_225, %get3A_220, %select_n3A_214 : vector<256x512xi1>, vector<256x512xf32>
    %log3A = math.log %add3A_222 : vector<256x512xf32>
    %sub3A = arith.subf %select_n3A_226, %log3A : vector<256x512xf32>
    %exp3A_227 = math.exp %sub3A : vector<256x512xf32>
    %swap3A = arith.constant 0 : index
    %swap3A_228 = arith.constant 0 : index
    %swap3A_229 = arith.constant 0 : index
    %swap3A_230 = vector.load %arg5[%swap3A, %swap3A_228, %swap3A_229] : memref<1x256x512xf32, #tpu.memory_space<vmem>>, vector<1x256x512xf32>
    %swap3A_231 = vector.shape_cast %swap3A_230 : vector<1x256x512xf32> to vector<256x512xf32>
    %swap3A_232 = vector.shape_cast %exp3A_227 : vector<256x512xf32> to vector<1x256x512xf32>
    tpu.vector_store %arg5[%swap3A, %swap3A_228, %swap3A_229], %swap3A_232 {strides = array<i32>} : memref<1x256x512xf32, #tpu.memory_space<vmem>>, vector<1x256x512xf32>,
    return
  }
  func.func @transform_0(%arg0: i32, %arg1: i32) -> (i32, i32, i32, i32) {
    %c0_i32 = arith.constant 0 : i32
    %c0_i32_0 = arith.constant 0 : i32
    %c0_i32_1 = arith.constant 0 : i32
    return %arg0, %c0_i32, %arg1, %c0_i32_0 : i32, i32, i32, i32
  }
  func.func @transform_1(%arg0: i32, %arg1: i32) -> (i32, i32, i32) {
    %c0_i32 = arith.constant 0 : i32
    %c0_i32_0 = arith.constant 0 : i32
    return %arg0, %arg1, %c0_i32 : i32, i32, i32
  }
  func.func @transform_2(%arg0: i32, %arg1: i32) -> (i32, i32) {
    %c0_i32 = arith.constant 0 : i32
    %c0_i32_0 = arith.constant 0 : i32
    %c0_i32_1 = arith.constant 0 : i32
    return %c0_i32, %c0_i32_0 : i32, i32
  }
  func.func @transform_3(%arg0: i32, %arg1: i32) -> (i32, i32, i32) {
    %c0_i32 = arith.constant 0 : i32
    %c0_i32_0 = arith.constant 0 : i32
    return %arg0, %arg1, %c0_i32 : i32, i32, i32
  }
}

</mosaic_0001>

<sc_bundles>
// kernel: branch_0_fun.5.cloned.1.call-start
scs
__scs_entry_jumppad:
0x0: {  	(pc) =	sbr.rel $0x88, $3  }
0x1: {  	(tag) =	ssettag $0x0;
	lr =	simm.s32 $0x1  }
0x2: {  	[smem:$0x3F9E] =	sst lr;
	_ =	strace $0xD0000000  }
0x3: {  	_ = 	snop  }
0x4: {  	_ = 	snop  }
0x5: {  	_ = 	snop  }
0x6: {  	_ = 	snop  }
0x7: {  	_ = 	snop  }
__scs_overlays_trampoline_lowered:
0x8: {  	[smem:$0x3FAD] =	sst s0  }
0x9: {  	[smem:$0x3FAE] =	sst s1  }
0xa: {  	[smem:$0x3FAF] =	sst s2  }
0xb: {  	[smem:$0x3FB0] =	sst s3  }
0xc: {  	[smem:$0x3FB1] =	sst s4  }
0xd: {  	[smem:$0x3FB2] =	sst s5  }
0xe: {  	[smem:$0x3FB3] =	sst s6  }
0xf: {  	[smem:$0x3FB4] =	sst s7  }
0x10: {  	[smem:$0x3FB5] =	sst s8  }
0x11: {  	[smem:$0x3FB6] =	sst s9;
	s0 =	simm.s32 @!p0 $0x0  }
0x12: {  	s1 =	sld [smem:$0x3F9C];
	s0 =	simm.s32 @p0 $0x1  }
0x13: {  	[smem:$0x3FB7] =	sst s0;
	s0 =	simm.s32 @!p1 $0x0  }
0x14: {  	s2 =	sld [smem:$0x3F9B];
	s0 =	simm.s32 @p1 $0x1  }
0x15: {  	[smem:$0x3FB8] =	sst s0;
	s0 =	simm.s32 @!p2 $0x0  }
0x16: {  	s3 =	sld [smem:$0x3FDB];
	s0 =	simm.s32 @p2 $0x1  }
0x17: {  	s4 =	simm.s32 $0x1BF5;
	[smem:$0x3FBA] =	sst s0  }
0x18: {  	s0 =	sld [smem:$0x3F9D];
	_ =	swait.ge [sflag:s4], $0x0  }
0x19: {  	s7 =	sld [smem:$0x3F9E]  }
0x1a: {  	s8 =	sadd.s32 $0xFFFFE003, lr  }
0x1b: {  	s9 =	sadd.s32 $0xFFFFFEF7, lr;
	s5 =	simm.s32 $0xFFFFFFFF;
	p2 =	slt.u32 s8, $0xFFFFF086  }
0x1c: {  	p1 =	slt.u32 s9, $0xF7A;
	s5 =	simm.s32 @!p2 $0x0  }
0x1d: {  	s5 =	simm.s32 @p1 $0x1;
	p0 =	seq.s32 s7, s2  }
0x1e: {  	s7 =	smul.u32 @!p0 $0xF7A, s2;
	p2 =	seq.s32 @!p0 s5, $0x0  }
0x1f: {  	s9 =	smul.u32 $0xF7A, s1;
	s8 =	simm.s32 @!p0 $0x1BF5;
	p2 =	por !p2, p0  }
0x20: {  	[sflag:s8] =	ssyncset.s32 @!p0 $0xFFFFF086;
	s6 =	sadd.s32 @!p0 s3, s7;
	s7 =	simm.s32 @!p0 $0x108  }
0x21: {  	s3 =	sadd.s32 s3, s9;
	s6 =	sadd.s32 @!p0 $0x88, s6;
	s7 =	simm.s32 @p2 $0x1082  }
0x22: {  	[simem:s7], [sflag:s8] =	dma.local @!p0 [hbm:s6], $0xF7A  }
0x23: {  	s9 =	sor.u32 $0xD0000000, s2;
	s6 =	simm.s32 $0x108;
	_ =	swait.ge @!p0 [sflag:s8], $0x0  }
0x24: {  	s3 =	sadd.s32 $0x88, s3;
	s6 =	simm.s32 @!p1 $0x1082;
	[sflag:s4] =	ssyncset.s32 $0xFFFFF086  }
0x25: {  	[simem:s6], [sflag:s4] =	dma.local [hbm:s3], $0xF7A  }
0x26: {  	[smem:$0x3F9E] =	sst s1;
	(tag) =	ssettag s2;
	_ =	strace s9  }
0x27: {  	s1 =	sld [smem:$0x3FAE]  }
0x28: {  	s2 =	sld [smem:$0x3FAF]  }
0x29: {  	s4 =	sld [smem:$0x3FB1]  }
0x2a: {  	p0 =	seq.s32 s5, $0x0;
	s5 =	sld [smem:$0x3FB2]  }
0x2b: {  	s6 =	sld [smem:$0x3FB3]  }
0x2c: {  	s7 =	sld [smem:$0x3FB4]  }
0x2d: {  	s3 =	simm.s32 $0x108;
	s8 =	sld [smem:$0x3FB5]  }
0x2e: {  	s3 =	simm.s32 @!p0 $0x1082;
	s9 =	sld [smem:$0x3FB6]  }
0x2f: {  	lr =	sadd.s32 s0, s3;
	s0 =	sld [smem:$0x3FAD]  }
0x30: {  	s3 =	sld [smem:$0x3FB0]  }
0x31: {  	[smem:$0x3FB9] =	sst s10  }
0x32: {  	s10 =	sld [smem:$0x3FB7];
	_ =	sdelay $0x3  }
0x33: {  	p0 =	seq.s32 s10, $0x1;
	s10 =	sld [smem:$0x3FB9];
	_ =	sdelay $0x3  }
0x34: {  	[smem:$0x3FB9] =	sst s10  }
0x35: {  	s10 =	sld [smem:$0x3FB8];
	_ =	sdelay $0x3  }
0x36: {  	p1 =	seq.s32 s10, $0x1;
	s10 =	sld [smem:$0x3FB9];
	_ =	sdelay $0x3  }
0x37: {  	[smem:$0x3FB9] =	sst s10  }
0x38: {  	s10 =	sld [smem:$0x3FBA]  }
0x39: {  	_ = 	snop;
	(pc) =	sbr.ind lr, $3  }
0x3a: {  	_ = 	snop  }
0x3b: {  	_ = 	snop  }
0x3c: {  	p2 =	seq.s32 s10, $0x1;
	s10 =	sld [smem:$0x3FB9]  }
0x3d: {  	_ =	shalt  }
0x3e: {  	_ =	shalt  }
0x3f: {  	_ =	shalt  }
0x40: {  	_ =	shalt  }
0x41: {  	_ =	shalt  }
0x42: {  	_ =	shalt  }
0x43: {  	_ =	shalt  }
0x44: {  	_ =	shalt  }
0x45: {  	_ =	shalt  }
0x46: {  	_ =	shalt  }
0x47: {  	_ =	shalt  }
0x48: {  	_ =	shalt  }
0x49: {  	_ =	shalt  }
0x4a: {  	_ =	shalt  }
0x4b: {  	_ =	shalt  }
0x4c: {  	_ =	shalt  }
0x4d: {  	_ =	shalt  }
0x4e: {  	_ =	shalt  }
0x4f: {  	_ =	shalt  }
0x50: {  	_ =	shalt  }
0x51: {  	_ =	shalt  }
0x52: {  	_ =	shalt  }
0x53: {  	_ =	shalt  }
0x54: {  	_ =	shalt  }
0x55: {  	_ =	shalt  }
0x56: {  	_ =	shalt  }
0x57: {  	_ =	shalt  }
0x58: {  	_ =	shalt  }
0x59: {  	_ =	shalt  }
0x5a: {  	_ =	shalt  }
0x5b: {  	_ =	shalt  }
0x5c: {  	_ =	shalt  }
0x5d: {  	_ =	shalt  }
0x5e: {  	_ =	shalt  }
0x5f: {  	_ =	shalt  }
0x60: {  	_ =	shalt  }
0x61: {  	_ =	shalt  }
0x62: {  	_ =	shalt  }
0x63: {  	_ =	shalt  }
0x64: {  	_ =	shalt  }
0x65: {  	_ =	shalt  }
0x66: {  	_ =	shalt  }
0x67: {  	_ =	shalt  }
0x68: {  	_ =	shalt  }
0x69: {  	_ =	shalt  }
0x6a: {  	_ =	shalt  }
0x6b: {  	_ =	shalt  }
0x6c: {  	_ =	shalt  }
0x6d: {  	_ =	shalt  }
0x6e: {  	_ =	shalt  }
0x6f: {  	_ =	shalt  }
0x70: {  	_ =	shalt  }
0x71: {  	_ =	shalt  }
0x72: {  	_ =	shalt  }
0x73: {  	_ =	shalt  }
0x74: {  	_ =	shalt  }
0x75: {  	_ =	shalt  }
0x76: {  	_ =	shalt  }
0x77: {  	_ =	shalt  }
0x78: {  	_ =	shalt  }
0x79: {  	_ =	shalt  }
0x7a: {  	_ =	shalt  }
0x7b: {  	_ =	shalt  }
0x7c: {  	_ =	shalt  }
0x7d: {  	_ =	shalt  }
0x7e: {  	_ =	shalt  }
0x7f: {  	_ =	shalt  }
0x80: {  	_ =	shalt  }
0x81: {  	_ =	shalt  }
0x82: {  	_ =	shalt  }
0x83: {  	_ =	shalt  }
0x84: {  	_ =	shalt  }
0x85: {  	_ =	shalt  }
0x86: {  	_ =	shalt  }
0x87: {  	_ =	shalt  }
.Lfunc_end0:
.L_simem_size_0:
called_computation_lowered:
.L_overlay_start_0:
0x88: {  	s2 =	sld [smem:$0x3FD9]  }
0x89: {  	s3 =	sld [smem:$0x3FFE];
	_ =	sdelay $0x1  }
0x8a: {  	s1 =	srdreg.scid  }
0x8b: {  	s0 =	sand.u32 $0x1, s1  }
0x8c: {  	s17 =	sshll.u32 s0, $0xA;
	s2 =	sadd.s32 s3, s2  }
0x8d: {  	s2 =	sadd.s32 s2, s17  }
0x8e: {  	[smem:$0x3FC5] =	sst s2  }
0x8f: {  	_ = 	snop  }
0x90: {  	s2 =	sld [smem:$0x3FD0];
	(tm) =	ssettm $0x1  }
0x91: {  	s18 =	sld [smem:$0x3FFB];
	_ =	sdelay $0x3  }
0x92: {  	_ =	strace s18  }
0x93: {  	s3 =	sld [smem:$0x3FFC];
	_ =	sdelay $0x3  }
0x94: {  	_ =	strace s3  }
0x95: {  	s3 =	sld [smem:$0x3FFD];
	_ =	sdelay $0x3  }
0x96: {  	_ =	strace s3  }
0x97: {  	_ =	strace $0x8FFFFFFF  }
0x98: {  	s19 =	sld [smem:$0x3FDB];
	_ =	sdelay $0x1  }
0x99: {  	s4 =	simm.s32 $_scs_section_size  }
0x9a: {  	s5 =	simm.s32 $_size__tile_overlayer_lowered;
	s6 =	simm.s32 $_tile_overlayer_lowered  }
0x9b: {  	s22 =	simm.s32 $0x1BFF;
	s21 =	sshll.u32 s6, $0x1;
	s3 =	sadd.s32 s4, s19  }
0x9c: {  	s7 =	simm.s32 $0x0;
	s20 =	sshll.u32 s5, $0x1;
	s5 =	sadd.s32 s21, s3  }
0x9d: {  	[timem:s7], [sflag:s22] =	dma.local [hbm:s5], s20  }
0x9e: {  	_ =	swait.ge [sflag:s22], s20  }
0x9f: {  	s4 =	ssub.s32 $0x0, s20;
	[sflag:s22] =	ssyncset.done $0x0  }
0xa0: {  	[sflag:s22] =	ssyncadd.s32 s4;
	_ =	sdelay $0x1  }
0xa1: {  	s23 =	simm.s32 $0x1B8B  }
0xa2: {  	_ =	swait.ge [sflag:s23], $0x1  }
0xa3: {  	[sflag:s23] =	ssyncset.done $0x0  }
0xa4: {  	s25 =	simm.s32 $0x1B8E;
	s24 =	sld [smem:$0x3FFE];
	[sflag:s23] =	ssyncadd.s32 $0xFFFFFFFF  }
0xa5: {  	s26 =	simm.s32 $execute0_lowered;
	[smem:$0x3FD2] =	sst s25  }
0xa6: {  	s5 =	sshll.u32 s26, $0x1;
	_ =	strace $0x80000046;
	[dreg:$0x1] =	wrdreg $0xFFFFFFFF  }
0xa7: {  	s28 =	simm.s32 $_size_execute0_lowered;
	s3 =	sadd.s32 s3, s5;
	[dreg:$0x0] =	wrdreg $0x0  }
0xa8: {  	s5 =	sshll.u32 s28, $0x1;
	[dreg:$0x2] =	wrdreg s3  }
0xa9: {  	[dreg:$0x3] =	wrdreg s5  }
0xaa: {  	[dreg:$0x4] =	wrdreg $0xC0  }
0xab: {  	_ =	task [dreg:s7], $0x5FFFF  }
0xac: {  	[dreg:$0x1] =	wrdreg $0xFFFFFFFF  }
0xad: {  	[dreg:$0x0] =	wrdreg $0x60  }
0xae: {  	[dreg:$0x2] =	wrdreg s24  }
0xaf: {  	[dreg:$0x3] =	wrdreg s2  }
0xb0: {  	[dreg:$0x4] =	wrdreg $0x130800  }
0xb1: {  	[dreg:$0x5] =	wrdreg $0x9  }
0xb2: {  	_ =	task.clear_ibuf [dreg:s7], $0x6FFFF;
	_ =	strace $0x90000046  }
0xb3: {  	s29 =	simm.s32 $0x9;
	_ =	strace $0x80000048  }
0xb4: {  	_ =	swait.ge [sflag:s29], $0x1  }
0xb5: {  	[sflag:s29] =	ssyncadd.s32 $0xFFFFFFFF  }
0xb6: {  	_ =	strace $0x90000048  }
0xb7: {  	_ =	sfence  }
0xb8: {  	s30 =	sld [smem:$0x0];
	_ =	sdelay $0x2  }
0xb9: {  	s31 =	sshll.u32 s1, $0xD;
	s1 =	sshrl.u32 s1, $0x2  }
0xba: {  	s3 =	sand.u32 $0x4000, s31;
	s1 =	sadd.s32 s1, s30  }
0xbb: {  	s0 =	sor.u32 s3, s0;
	s1 =	sshll.u32 s1, $0x11  }
0xbc: {  	s0 =	sor.u32 s1, s0  }
0xbd: {  	s0 =	sadd.s32 $0x8F2B, s0  }
0xbe: {  	[sflag:s0] =	ssyncadd.remote.s32 $0x1  }
0xbf: {  	_ =	sfence.sel $0xFFFF  }
0xc0: {  	[dreg:$0x0] =	wrdreg $0xFFFFFFFF;
	(pc) =	sbr.abs _section_cstart, $3  }
0xc1: {  	[dreg:$0x1] =	wrdreg $0xFFFFFFFF  }
0xc2: {  	_ =	task.clear_ibuf [dreg:s7], $0x2FFFF;
	_ =	strace $0x9FFFFFFF  }
0xc3: {  	(tm) =	ssettm $0x7FFFFFFF  }
tec
execute0_lowered:
.L_overlay_start_1:
0x0: {  	(tag) =	ssettag $0x1  }
0x1: {  	s0 =	rddreg [dreg:$0x0]  }
0x2: {  	s13 =	rddreg [dreg:$0x2];
	s1 =	srdreg.scid;
	s4 =	simm.s32 $0x0  }
0x3: {  	s6 =	stileid.u32;
	s1 =	sand.u32 $0x1, s1;
	[smem:$0x7FF] =	sst s4  }
0x4: {  	s3 =	sshll.u32 s6, $0xE;
	s16 =	sadd.s32 $0x1000, s13;
	s11 =	sadd.s32 $0x7000, s13  }
0x5: {  	s12 =	sadd.s32 $0x8000, s13;
	_ =	strace $0x80000047;
	[dreg:$0x5] =	wrdreg s11  }
0x6: {  	s17 =	sadd.s32 $0x2000, s13;
	s22 =	sadd.s32 $0x9000, s13;
	[dreg:$0x6] =	wrdreg s12  }
0x7: {  	s18 =	sadd.s32 $0x3000, s13;
	s23 =	sadd.s32 $0xA000, s13;
	[dreg:$0x7] =	wrdreg s22  }
0x8: {  	s19 =	sadd.s32 $0x4000, s13;
	s24 =	sadd.s32 $0xB000, s13;
	[dreg:$0x8] =	wrdreg s23  }
0x9: {  	s20 =	sadd.s32 $0x5000, s13;
	s25 =	sadd.s32 $0xC000, s13;
	[dreg:$0x9] =	wrdreg s24  }
0xa: {  	s21 =	sadd.s32 $0x6000, s13;
	s26 =	sadd.s32 $0xD000, s13;
	[dreg:$0xa] =	wrdreg s25  }
0xb: {  	s28 =	sadd.s32 $0xE000, s13;
	s29 =	sadd.s32 $0xF000, s13;
	[dreg:$0xb] =	wrdreg s26  }
0xc: {  	s2 =	ssub.s32 $0x2, s1;
	s0 =	sadd.s32 s3, s0;
	[dreg:$0xc] =	wrdreg s28  }
0xd: {  	s3 =	sshrl.u32 s3, $0x2;
	[dreg:$0xd] =	wrdreg s29;
	s30 =	sor.u32 s6, s1  }
0xe: {  	s24 =	simm.s32 $0x1;
	s25 =	simm.s32 $0x10000;
	s5 =	sshrl.u32 s2, $0x1  }
0xf: {  	s26 =	simm.s32 $0x12000;
	s10 =	sadd.s32 $0x1800, s0;
	s2 =	ssub.s32 s2, s5  }
0x10: {  	s14 =	sadd.s32 $0x3800, s0;
	[dreg:$0x4] =	wrdreg s10;
	s31 =	smax.u32 s2, $0x1  }
0x11: {  	v0 =	vimm.s32 $0x0;
	v1 =	vimm.s32 $0x1;
	s15 =	sadd.s32 s3, s13;
	p0 =	sne.s32 s30, $0x0;
	[dreg:$0xe] =	wrdreg s31  }
.LBB2_1:
0x12: {  	s0 =	simm.s32 $0x40;
	s1 =	simm.s32 $0x0  }
.LBB2_2:
0x13: {  	p1 =	sne.s32 s0, $0x3FC0;
	[tilespmem:s1+$0x10000] =	vst v0;
	s1 =	smov.u32 s0;
	s0 =	sadd.s32 $0x40, s0  }
.Ltmp0:
0x14: {  	(pc) =	sbr.rel @p1 .LBB2_2-.Ltmp0, $2  }
0x15: {  	_ =	sdelay $0x2  }
0x16: {  	s1 =	sshra.s32 s1, $0x2  }
0x17: {  	[tilespmem:s1+$0x10000] =	vst v0;
	s0 =	simm.s32 $0x0;
	s31 =	rddreg [dreg:$0x4]  }
0x18: {  	[tilespmem:s0], [sflag:$0x1] =	stream.linear.gather [hbm4b:s31+s0], $0x10000, $0x38;
	[tilespmem:$0x14080] =	vst v63  }
0x19: {  	_ =	swait.ge [sflag:s24], $0x10000  }
0x1a: {  	[sflag:s24] =	ssyncset.done $0x0  }
0x1b: {  	s1 =	simm.s32 $0x0;
	s0 =	simm.s32 $0x40;
	[sflag:s24] =	ssyncadd.s32 $0xFFFF0000  }
.LBB2_4:
0x1c: {  	p1 =	sne.s32 s0, $0x3FFC0;
	v2 =	vld [tilespmem:s1+$0x0];
	_ =	sdelay $0x4  }
0x1d: {  	v3 =	vshrl.u32 v2, $0x12;
	vm0 =	vgt.s32 v2, $0xFFFFFFFF  }
0x1e: {  	v2 =	vand.u32 $0xFFF, v3  }
.Ltmp1:
0x1f: {  	(pc) =	sbr.rel @p1 .LBB2_4-.Ltmp1, $2  }
0x20: {  	_ =	sdelay $0x2  }
0x21: {  	s1 =	sshra.s32 s0, $0x2;
	s0 =	sadd.s32 $0x40, s0;
	[tilespmem:v2+s25+$0x0] =	vst.idx.add.s32.msk vm0, v1  }
0x22: {  	v2 =	vld [tilespmem:s1+$0x0];
	_ =	sdelay $0x4  }
0x23: {  	v3 =	vshrl.u32 v2, $0x12;
	vm0 =	vgt.s32 v2, $0xFFFFFFFF  }
0x24: {  	v2 =	vand.u32 $0xFFF, v3;
	_ =	sdelay $0x4  }
0x25: {  	s0 =	simm.s32 $0x0;
	[tilespmem:v2+s25+$0x0] =	vst.idx.add.s32.msk vm0, v1  }
0x26: {  	[tilespmem:s0], [sflag:$0x1] =	stream.linear.gather [hbm4b:s14+s0], $0x10000, $0x38;
	[tilespmem:$0x14080] =	vst v63  }
0x27: {  	_ =	swait.ge [sflag:s24], $0x10000  }
0x28: {  	[sflag:s24] =	ssyncset.done $0x0  }
0x29: {  	s1 =	simm.s32 $0x0;
	s0 =	simm.s32 $0x40;
	[sflag:s24] =	ssyncadd.s32 $0xFFFF0000  }
.LBB2_6:
0x2a: {  	p1 =	sne.s32 s0, $0x3FFC0;
	v2 =	vld [tilespmem:s1+$0x0];
	_ =	sdelay $0x4  }
0x2b: {  	v3 =	vshrl.u32 v2, $0x12;
	vm0 =	vgt.s32 v2, $0xFFFFFFFF  }
0x2c: {  	v2 =	vand.u32 $0xFFF, v3  }
.Ltmp2:
0x2d: {  	(pc) =	sbr.rel @p1 .LBB2_6-.Ltmp2, $2  }
0x2e: {  	_ =	sdelay $0x2  }
0x2f: {  	s1 =	sshra.s32 s0, $0x2;
	s0 =	sadd.s32 $0x40, s0;
	[tilespmem:v2+s25+$0x0] =	vst.idx.add.s32.msk vm0, v1  }
0x30: {  	v2 =	vld [tilespmem:s1+$0x0];
	_ =	sdelay $0x4  }
0x31: {  	v3 =	vshrl.u32 v2, $0x12;
	vm0 =	vgt.s32 v2, $0xFFFFFFFF  }
0x32: {  	v2 =	vand.u32 $0xFFF, v3;
	_ =	sdelay $0x4  }
0x33: {  	[tilespmem:v2+s25+$0x0] =	vst.idx.add.s32.msk vm0, v1  }
0x34: {  	[spmem:s15] =	stream.linear.scatter [tilespmem:s25], [sflag:$0x1], $0x1000, $0x38;
	[tilespmem:$0x14080] =	vst v63  }
0x35: {  	_ =	swait.ge [sflag:s24], $0x1000  }
0x36: {  	[sflag:s24] =	ssyncset.done $0x0  }
0x37: {  	[sflag:s24] =	ssyncadd.s32 $0xFFFFF000  }
0x38: {  	s0 =	simm.s32 $0x40;
	s1 =	simm.s32 $0x0;
	[bflag:$0x0] =	sbarrier.arrive $0xFFFF  }
.LBB2_8:
0x39: {  	p1 =	sne.s32 s0, $0x3FC0;
	[tilespmem:s1+$0x11000] =	vst v0;
	s1 =	smov.u32 s0;
	s0 =	sadd.s32 $0x40, s0  }
.Ltmp3:
0x3a: {  	(pc) =	sbr.rel @p1 .LBB2_8-.Ltmp3, $2  }
0x3b: {  	_ =	sdelay $0x2  }
0x3c: {  	s1 =	sshra.s32 s1, $0x2  }
0x3d: {  	[tilespmem:s1+$0x11000] =	vst v0  }
0x3e: {  	[tilespmem:s26], [sflag:$0x1] =	stream.linear.gather [spmem:s13], $0x1000, $0x38;
	[tilespmem:$0x14080] =	vst v63  }
0x3f: {  	_ =	swait.ge [sflag:s24], $0x1000  }
0x40: {  	[sflag:s24] =	ssyncset.done $0x0  }
0x41: {  	s0 =	simm.s32 $0x0;
	[sflag:s24] =	ssyncadd.s32 $0xFFFFF000  }
0x42: {  	s1 =	simm.s32 $0x40;
	v2 =	vld [tilespmem:s0+$0x12000]  }
.LBB2_10:
0x43: {  	p1 =	sne.s32 s1, $0x3FC0;
	v3 =	vld [tilespmem:s0+$0x11000];
	_ =	sdelay $0x1  }
.Ltmp4:
0x44: {  	(pc) =	sbr.rel @p1 .LBB2_10-.Ltmp4, $3  }
0x45: {  	_ =	sdelay $0x1  }
0x46: {  	s2 =	sshra.s32 s1, $0x2;
	v3 =	vadd.s32 v3, v2  }
0x47: {  	s1 =	sadd.s32 $0x40, s1;
	v2 =	vld [tilespmem:s2+$0x12000];
	[tilespmem:s0+$0x11000] =	vst v3;
	s0 =	smov.u32 s2  }
0x48: {  	v3 =	vld [tilespmem:s0+$0x11000];
	_ =	sdelay $0x4  }
0x49: {  	v2 =	vadd.s32 v3, v2  }
0x4a: {  	[tilespmem:s0+$0x11000] =	vst v2  }
0x4b: {  	[tilespmem:s26], [sflag:$0x1] =	stream.linear.gather [spmem:s16], $0x1000, $0x38;
	[tilespmem:$0x14080] =	vst v63  }
0x4c: {  	_ =	swait.ge [sflag:s24], $0x1000  }
0x4d: {  	[sflag:s24] =	ssyncset.done $0x0  }
0x4e: {  	s0 =	simm.s32 $0x0;
	[sflag:s24] =	ssyncadd.s32 $0xFFFFF000  }
0x4f: {  	s1 =	simm.s32 $0x40;
	v2 =	vld [tilespmem:s0+$0x12000]  }
.LBB2_12:
0x50: {  	p1 =	sne.s32 s1, $0x3FC0;
	v3 =	vld [tilespmem:s0+$0x11000];
	_ =	sdelay $0x1  }
.Ltmp5:
0x51: {  	(pc) =	sbr.rel @p1 .LBB2_12-.Ltmp5, $3  }
0x52: {  	_ =	sdelay $0x1  }
0x53: {  	s2 =	sshra.s32 s1, $0x2;
	v3 =	vadd.s32 v3, v2  }
0x54: {  	s1 =	sadd.s32 $0x40, s1;
	v2 =	vld [tilespmem:s2+$0x12000];
	[tilespmem:s0+$0x11000] =	vst v3;
	s0 =	smov.u32 s2  }
0x55: {  	v3 =	vld [tilespmem:s0+$0x11000];
	_ =	sdelay $0x4  }
0x56: {  	v2 =	vadd.s32 v3, v2  }
0x57: {  	[tilespmem:s0+$0x11000] =	vst v2  }
0x58: {  	[tilespmem:s26], [sflag:$0x1] =	stream.linear.gather [spmem:s17], $0x1000, $0x38;
	[tilespmem:$0x14080] =	vst v63  }
0x59: {  	_ =	swait.ge [sflag:s24], $0x1000  }
0x5a: {  	[sflag:s24] =	ssyncset.done $0x0  }
0x5b: {  	s0 =	simm.s32 $0x0;
	[sflag:s24] =	ssyncadd.s32 $0xFFFFF000  }
0x5c: {  	s1 =	simm.s32 $0x40;
	v2 =	vld [tilespmem:s0+$0x12000]  }
.LBB2_14:
0x5d: {  	p1 =	sne.s32 s1, $0x3FC0;
	v3 =	vld [tilespmem:s0+$0x11000];
	_ =	sdelay $0x1  }
.Ltmp6:
0x5e: {  	(pc) =	sbr.rel @p1 .LBB2_14-.Ltmp6, $3  }
0x5f: {  	_ =	sdelay $0x1  }
0x60: {  	s2 =	sshra.s32 s1, $0x2;
	v3 =	vadd.s32 v3, v2  }
0x61: {  	s1 =	sadd.s32 $0x40, s1;
	v2 =	vld [tilespmem:s2+$0x12000];
	[tilespmem:s0+$0x11000] =	vst v3;
	s0 =	smov.u32 s2  }
0x62: {  	v3 =	vld [tilespmem:s0+$0x11000];
	_ =	sdelay $0x4  }
0x63: {  	v2 =	vadd.s32 v3, v2  }
0x64: {  	[tilespmem:s0+$0x11000] =	vst v2  }
0x65: {  	[tilespmem:s26], [sflag:$0x1] =	stream.linear.gather [spmem:s18], $0x1000, $0x38;
	[tilespmem:$0x14080] =	vst v63  }
0x66: {  	_ =	swait.ge [sflag:s24], $0x1000  }
0x67: {  	[sflag:s24] =	ssyncset.done $0x0  }
0x68: {  	s0 =	simm.s32 $0x0;
	[sflag:s24] =	ssyncadd.s32 $0xFFFFF000  }
0x69: {  	s1 =	simm.s32 $0x40;
	v2 =	vld [tilespmem:s0+$0x12000]  }
.LBB2_16:
0x6a: {  	p1 =	sne.s32 s1, $0x3FC0;
	v3 =	vld [tilespmem:s0+$0x11000];
	_ =	sdelay $0x1  }
.Ltmp7:
0x6b: {  	(pc) =	sbr.rel @p1 .LBB2_16-.Ltmp7, $3  }
0x6c: {  	_ =	sdelay $0x1  }
0x6d: {  	s2 =	sshra.s32 s1, $0x2;
	v3 =	vadd.s32 v3, v2  }
0x6e: {  	s1 =	sadd.s32 $0x40, s1;
	v2 =	vld [tilespmem:s2+$0x12000];
	[tilespmem:s0+$0x11000] =	vst v3;
	s0 =	smov.u32 s2  }
0x6f: {  	v3 =	vld [tilespmem:s0+$0x11000];
	_ =	sdelay $0x4  }
0x70: {  	v2 =	vadd.s32 v3, v2  }
0x71: {  	[tilespmem:s0+$0x11000] =	vst v2  }
0x72: {  	[tilespmem:s26], [sflag:$0x1] =	stream.linear.gather [spmem:s19], $0x1000, $0x38;
	[tilespmem:$0x14080] =	vst v63  }
0x73: {  	_ =	swait.ge [sflag:s24], $0x1000  }
0x74: {  	[sflag:s24] =	ssyncset.done $0x0  }
0x75: {  	s0 =	simm.s32 $0x0;
	[sflag:s24] =	ssyncadd.s32 $0xFFFFF000  }
0x76: {  	s1 =	simm.s32 $0x40;
	v2 =	vld [tilespmem:s0+$0x12000]  }
.LBB2_18:
0x77: {  	p1 =	sne.s32 s1, $0x3FC0;
	v3 =	vld [tilespmem:s0+$0x11000];
	_ =	sdelay $0x1  }
.Ltmp8:
0x78: {  	(pc) =	sbr.rel @p1 .LBB2_18-.Ltmp8, $3  }
0x79: {  	_ =	sdelay $0x1  }
0x7a: {  	s2 =	sshra.s32 s1, $0x2;
	v3 =	vadd.s32 v3, v2  }
0x7b: {  	s1 =	sadd.s32 $0x40, s1;
	v2 =	vld [tilespmem:s2+$0x12000];
	[tilespmem:s0+$0x11000] =	vst v3;
	s0 =	smov.u32 s2  }
0x7c: {  	v3 =	vld [tilespmem:s0+$0x11000];
	_ =	sdelay $0x4  }
0x7d: {  	v2 =	vadd.s32 v3, v2  }
0x7e: {  	[tilespmem:s0+$0x11000] =	vst v2  }
0x7f: {  	[tilespmem:s26], [sflag:$0x1] =	stream.linear.gather [spmem:s20], $0x1000, $0x38;
	[tilespmem:$0x14080] =	vst v63  }
0x80: {  	_ =	swait.ge [sflag:s24], $0x1000  }
0x81: {  	[sflag:s24] =	ssyncset.done $0x0  }
0x82: {  	s0 =	simm.s32 $0x0;
	[sflag:s24] =	ssyncadd.s32 $0xFFFFF000  }
0x83: {  	s1 =	simm.s32 $0x40;
	v2 =	vld [tilespmem:s0+$0x12000]  }
.LBB2_20:
0x84: {  	p1 =	sne.s32 s1, $0x3FC0;
	v3 =	vld [tilespmem:s0+$0x11000];
	_ =	sdelay $0x1  }
.Ltmp9:
0x85: {  	(pc) =	sbr.rel @p1 .LBB2_20-.Ltmp9, $3  }
0x86: {  	_ =	sdelay $0x1  }
0x87: {  	s2 =	sshra.s32 s1, $0x2;
	v3 =	vadd.s32 v3, v2  }
0x88: {  	s1 =	sadd.s32 $0x40, s1;
	v2 =	vld [tilespmem:s2+$0x12000];
	[tilespmem:s0+$0x11000] =	vst v3;
	s0 =	smov.u32 s2  }
0x89: {  	v3 =	vld [tilespmem:s0+$0x11000];
	_ =	sdelay $0x4  }
0x8a: {  	v2 =	vadd.s32 v3, v2  }
0x8b: {  	[tilespmem:s0+$0x11000] =	vst v2  }
0x8c: {  	[tilespmem:s26], [sflag:$0x1] =	stream.linear.gather [spmem:s21], $0x1000, $0x38;
	[tilespmem:$0x14080] =	vst v63  }
0x8d: {  	_ =	swait.ge [sflag:s24], $0x1000  }
0x8e: {  	[sflag:s24] =	ssyncset.done $0x0  }
0x8f: {  	s0 =	simm.s32 $0x0;
	[sflag:s24] =	ssyncadd.s32 $0xFFFFF000  }
0x90: {  	s1 =	simm.s32 $0x40;
	v2 =	vld [tilespmem:s0+$0x12000]  }
.LBB2_22:
0x91: {  	p1 =	sne.s32 s1, $0x3FC0;
	v3 =	vld [tilespmem:s0+$0x11000];
	_ =	sdelay $0x1  }
.Ltmp10:
0x92: {  	(pc) =	sbr.rel @p1 .LBB2_22-.Ltmp10, $3  }
0x93: {  	_ =	sdelay $0x1  }
0x94: {  	s2 =	sshra.s32 s1, $0x2;
	v3 =	vadd.s32 v3, v2  }
0x95: {  	s1 =	sadd.s32 $0x40, s1;
	v2 =	vld [tilespmem:s2+$0x12000];
	[tilespmem:s0+$0x11000] =	vst v3;
	s0 =	smov.u32 s2  }
0x96: {  	v3 =	vld [tilespmem:s0+$0x11000];
	_ =	sdelay $0x4  }
0x97: {  	v2 =	vadd.s32 v3, v2  }
0x98: {  	s31 =	rddreg [dreg:$0x5];
	[tilespmem:s0+$0x11000] =	vst v2  }
0x99: {  	[tilespmem:s26], [sflag:$0x1] =	stream.linear.gather [spmem:s31], $0x1000, $0x38;
	[tilespmem:$0x14080] =	vst v63  }
0x9a: {  	_ =	swait.ge [sflag:s24], $0x1000  }
0x9b: {  	[sflag:s24] =	ssyncset.done $0x0  }
0x9c: {  	s0 =	simm.s32 $0x0;
	[sflag:s24] =	ssyncadd.s32 $0xFFFFF000  }
0x9d: {  	s1 =	simm.s32 $0x40;
	v2 =	vld [tilespmem:s0+$0x12000]  }
.LBB2_24:
0x9e: {  	p1 =	sne.s32 s1, $0x3FC0;
	v3 =	vld [tilespmem:s0+$0x11000];
	_ =	sdelay $0x1  }
.Ltmp11:
0x9f: {  	(pc) =	sbr.rel @p1 .LBB2_24-.Ltmp11, $3  }
0xa0: {  	_ =	sdelay $0x1  }
0xa1: {  	s2 =	sshra.s32 s1, $0x2;
	v3 =	vadd.s32 v3, v2  }
0xa2: {  	s1 =	sadd.s32 $0x40, s1;
	v2 =	vld [tilespmem:s2+$0x12000];
	[tilespmem:s0+$0x11000] =	vst v3;
	s0 =	smov.u32 s2  }
0xa3: {  	v3 =	vld [tilespmem:s0+$0x11000];
	_ =	sdelay $0x4  }
0xa4: {  	v2 =	vadd.s32 v3, v2  }
0xa5: {  	s31 =	rddreg [dreg:$0x6];
	[tilespmem:s0+$0x11000] =	vst v2  }
0xa6: {  	[tilespmem:s26], [sflag:$0x1] =	stream.linear.gather [spmem:s31], $0x1000, $0x38;
	[tilespmem:$0x14080] =	vst v63  }
0xa7: {  	_ =	swait.ge [sflag:s24], $0x1000  }
0xa8: {  	[sflag:s24] =	ssyncset.done $0x0  }
0xa9: {  	s0 =	simm.s32 $0x0;
	[sflag:s24] =	ssyncadd.s32 $0xFFFFF000  }
0xaa: {  	s1 =	simm.s32 $0x40;
	v2 =	vld [tilespmem:s0+$0x12000]  }
.LBB2_26:
0xab: {  	p1 =	sne.s32 s1, $0x3FC0;
	v3 =	vld [tilespmem:s0+$0x11000];
	_ =	sdelay $0x1  }
.Ltmp12:
0xac: {  	(pc) =	sbr.rel @p1 .LBB2_26-.Ltmp12, $3  }
0xad: {  	_ =	sdelay $0x1  }
0xae: {  	s2 =	sshra.s32 s1, $0x2;
	v3 =	vadd.s32 v3, v2  }
0xaf: {  	s1 =	sadd.s32 $0x40, s1;
	v2 =	vld [tilespmem:s2+$0x12000];
	[tilespmem:s0+$0x11000] =	vst v3;
	s0 =	smov.u32 s2  }
0xb0: {  	v3 =	vld [tilespmem:s0+$0x11000];
	_ =	sdelay $0x4  }
0xb1: {  	v2 =	vadd.s32 v3, v2  }
0xb2: {  	s31 =	rddreg [dreg:$0x7];
	[tilespmem:s0+$0x11000] =	vst v2  }
0xb3: {  	[tilespmem:s26], [sflag:$0x1] =	stream.linear.gather [spmem:s31], $0x1000, $0x38;
	[tilespmem:$0x14080] =	vst v63  }
0xb4: {  	_ =	swait.ge [sflag:s24], $0x1000  }
0xb5: {  	[sflag:s24] =	ssyncset.done $0x0  }
0xb6: {  	s0 =	simm.s32 $0x0;
	[sflag:s24] =	ssyncadd.s32 $0xFFFFF000  }
0xb7: {  	s1 =	simm.s32 $0x40;
	v2 =	vld [tilespmem:s0+$0x12000]  }
.LBB2_28:
0xb8: {  	p1 =	sne.s32 s1, $0x3FC0;
	v3 =	vld [tilespmem:s0+$0x11000];
	_ =	sdelay $0x1  }
.Ltmp13:
0xb9: {  	(pc) =	sbr.rel @p1 .LBB2_28-.Ltmp13, $3  }
0xba: {  	_ =	sdelay $0x1  }
0xbb: {  	s2 =	sshra.s32 s1, $0x2;
	v3 =	vadd.s32 v3, v2  }
0xbc: {  	s1 =	sadd.s32 $0x40, s1;
	v2 =	vld [tilespmem:s2+$0x12000];
	[tilespmem:s0+$0x11000] =	vst v3;
	s0 =	smov.u32 s2  }
0xbd: {  	v3 =	vld [tilespmem:s0+$0x11000];
	_ =	sdelay $0x4  }
0xbe: {  	v2 =	vadd.s32 v3, v2  }
0xbf: {  	s31 =	rddreg [dreg:$0x8];
	[tilespmem:s0+$0x11000] =	vst v2  }
0xc0: {  	[tilespmem:s26], [sflag:$0x1] =	stream.linear.gather [spmem:s31], $0x1000, $0x38;
	[tilespmem:$0x14080] =	vst v63  }
0xc1: {  	_ =	swait.ge [sflag:s24], $0x1000  }
0xc2: {  	[sflag:s24] =	ssyncset.done $0x0  }
0xc3: {  	s0 =	simm.s32 $0x0;
	[sflag:s24] =	ssyncadd.s32 $0xFFFFF000  }
0xc4: {  	s1 =	simm.s32 $0x40;
	v2 =	vld [tilespmem:s0+$0x12000]  }
.LBB2_30:
0xc5: {  	p1 =	sne.s32 s1, $0x3FC0;
	v3 =	vld [tilespmem:s0+$0x11000];
	_ =	sdelay $0x1  }
.Ltmp14:
0xc6: {  	(pc) =	sbr.rel @p1 .LBB2_30-.Ltmp14, $3  }
0xc7: {  	_ =	sdelay $0x1  }
0xc8: {  	s2 =	sshra.s32 s1, $0x2;
	v3 =	vadd.s32 v3, v2  }
0xc9: {  	s1 =	sadd.s32 $0x40, s1;
	v2 =	vld [tilespmem:s2+$0x12000];
	[tilespmem:s0+$0x11000] =	vst v3;
	s0 =	smov.u32 s2  }
0xca: {  	v3 =	vld [tilespmem:s0+$0x11000];
	_ =	sdelay $0x4  }
0xcb: {  	v2 =	vadd.s32 v3, v2  }
0xcc: {  	s31 =	rddreg [dreg:$0x9];
	[tilespmem:s0+$0x11000] =	vst v2  }
0xcd: {  	[tilespmem:s26], [sflag:$0x1] =	stream.linear.gather [spmem:s31], $0x1000, $0x38;
	[tilespmem:$0x14080] =	vst v63  }
0xce: {  	_ =	swait.ge [sflag:s24], $0x1000  }
0xcf: {  	[sflag:s24] =	ssyncset.done $0x0  }
0xd0: {  	s0 =	simm.s32 $0x0;
	[sflag:s24] =	ssyncadd.s32 $0xFFFFF000  }
0xd1: {  	s1 =	simm.s32 $0x40;
	v2 =	vld [tilespmem:s0+$0x12000]  }
.LBB2_32:
0xd2: {  	p1 =	sne.s32 s1, $0x3FC0;
	v3 =	vld [tilespmem:s0+$0x11000];
	_ =	sdelay $0x1  }
.Ltmp15:
0xd3: {  	(pc) =	sbr.rel @p1 .LBB2_32-.Ltmp15, $3  }
0xd4: {  	_ =	sdelay $0x1  }
0xd5: {  	s2 =	sshra.s32 s1, $0x2;
	v3 =	vadd.s32 v3, v2  }
0xd6: {  	s1 =	sadd.s32 $0x40, s1;
	v2 =	vld [tilespmem:s2+$0x12000];
	[tilespmem:s0+$0x11000] =	vst v3;
	s0 =	smov.u32 s2  }
0xd7: {  	v3 =	vld [tilespmem:s0+$0x11000];
	_ =	sdelay $0x4  }
0xd8: {  	v2 =	vadd.s32 v3, v2  }
0xd9: {  	s31 =	rddreg [dreg:$0xa];
	[tilespmem:s0+$0x11000] =	vst v2  }
0xda: {  	[tilespmem:s26], [sflag:$0x1] =	stream.linear.gather [spmem:s31], $0x1000, $0x38;
	[tilespmem:$0x14080] =	vst v63  }
0xdb: {  	_ =	swait.ge [sflag:s24], $0x1000  }
0xdc: {  	[sflag:s24] =	ssyncset.done $0x0  }
0xdd: {  	s0 =	simm.s32 $0x0;
	[sflag:s24] =	ssyncadd.s32 $0xFFFFF000  }
0xde: {  	s1 =	simm.s32 $0x40;
	v2 =	vld [tilespmem:s0+$0x12000]  }
.LBB2_34:
0xdf: {  	p1 =	sne.s32 s1, $0x3FC0;
	v3 =	vld [tilespmem:s0+$0x11000];
	_ =	sdelay $0x1  }
.Ltmp16:
0xe0: {  	(pc) =	sbr.rel @p1 .LBB2_34-.Ltmp16, $3  }
0xe1: {  	_ =	sdelay $0x1  }
0xe2: {  	s2 =	sshra.s32 s1, $0x2;
	v3 =	vadd.s32 v3, v2  }
0xe3: {  	s1 =	sadd.s32 $0x40, s1;
	v2 =	vld [tilespmem:s2+$0x12000];
	[tilespmem:s0+$0x11000] =	vst v3;
	s0 =	smov.u32 s2  }
0xe4: {  	v3 =	vld [tilespmem:s0+$0x11000];
	_ =	sdelay $0x4  }
0xe5: {  	v2 =	vadd.s32 v3, v2  }
0xe6: {  	s31 =	rddreg [dreg:$0xb];
	[tilespmem:s0+$0x11000] =	vst v2  }
0xe7: {  	[tilespmem:s26], [sflag:$0x1] =	stream.linear.gather [spmem:s31], $0x1000, $0x38;
	[tilespmem:$0x14080] =	vst v63  }
0xe8: {  	_ =	swait.ge [sflag:s24], $0x1000  }
0xe9: {  	[sflag:s24] =	ssyncset.done $0x0  }
0xea: {  	s0 =	simm.s32 $0x0;
	[sflag:s24] =	ssyncadd.s32 $0xFFFFF000  }
0xeb: {  	s1 =	simm.s32 $0x40;
	v2 =	vld [tilespmem:s0+$0x12000]  }
.LBB2_36:
0xec: {  	p1 =	sne.s32 s1, $0x3FC0;
	v3 =	vld [tilespmem:s0+$0x11000];
	_ =	sdelay $0x1  }
.Ltmp17:
0xed: {  	(pc) =	sbr.rel @p1 .LBB2_36-.Ltmp17, $3  }
0xee: {  	_ =	sdelay $0x1  }
0xef: {  	s2 =	sshra.s32 s1, $0x2;
	v3 =	vadd.s32 v3, v2  }
0xf0: {  	s1 =	sadd.s32 $0x40, s1;
	v2 =	vld [tilespmem:s2+$0x12000];
	[tilespmem:s0+$0x11000] =	vst v3;
	s0 =	smov.u32 s2  }
0xf1: {  	v3 =	vld [tilespmem:s0+$0x11000];
	_ =	sdelay $0x4  }
0xf2: {  	v2 =	vadd.s32 v3, v2  }
0xf3: {  	s31 =	rddreg [dreg:$0xc];
	[tilespmem:s0+$0x11000] =	vst v2  }
0xf4: {  	[tilespmem:s26], [sflag:$0x1] =	stream.linear.gather [spmem:s31], $0x1000, $0x38;
	[tilespmem:$0x14080] =	vst v63  }
0xf5: {  	_ =	swait.ge [sflag:s24], $0x1000  }
0xf6: {  	[sflag:s24] =	ssyncset.done $0x0  }
0xf7: {  	s0 =	simm.s32 $0x0;
	[sflag:s24] =	ssyncadd.s32 $0xFFFFF000  }
0xf8: {  	s1 =	simm.s32 $0x40;
	v2 =	vld [tilespmem:s0+$0x12000]  }
.LBB2_38:
0xf9: {  	p1 =	sne.s32 s1, $0x3FC0;
	v3 =	vld [tilespmem:s0+$0x11000];
	_ =	sdelay $0x1  }
.Ltmp18:
0xfa: {  	(pc) =	sbr.rel @p1 .LBB2_38-.Ltmp18, $3  }
0xfb: {  	_ =	sdelay $0x1  }
0xfc: {  	s2 =	sshra.s32 s1, $0x2;
	v3 =	vadd.s32 v3, v2  }
0xfd: {  	s1 =	sadd.s32 $0x40, s1;
	v2 =	vld [tilespmem:s2+$0x12000];
	[tilespmem:s0+$0x11000] =	vst v3;
	s0 =	smov.u32 s2  }
0xfe: {  	v3 =	vld [tilespmem:s0+$0x11000];
	_ =	sdelay $0x4  }
0xff: {  	v2 =	vadd.s32 v3, v2  }
0x100: {  	s31 =	rddreg [dreg:$0xd];
	[tilespmem:s0+$0x11000] =	vst v2  }
0x101: {  	[tilespmem:s26], [sflag:$0x1] =	stream.linear.gather [spmem:s31], $0x1000, $0x38;
	[tilespmem:$0x14080] =	vst v63  }
0x102: {  	_ =	swait.ge [sflag:s24], $0x1000  }
0x103: {  	[sflag:s24] =	ssyncset.done $0x0  }
0x104: {  	s0 =	simm.s32 $0x0;
	[sflag:s24] =	ssyncadd.s32 $0xFFFFF000  }
0x105: {  	s1 =	simm.s32 $0x40;
	v2 =	vld [tilespmem:s0+$0x12000]  }
.LBB2_40:
0x106: {  	p1 =	sne.s32 s1, $0x3FC0;
	v3 =	vld [tilespmem:s0+$0x11000];
	_ =	sdelay $0x1  }
.Ltmp19:
0x107: {  	(pc) =	sbr.rel @p1 .LBB2_40-.Ltmp19, $3  }
0x108: {  	_ =	sdelay $0x1  }
0x109: {  	s2 =	sshra.s32 s1, $0x2;
	v3 =	vadd.s32 v3, v2  }
0x10a: {  	s1 =	sadd.s32 $0x40, s1;
	v2 =	vld [tilespmem:s2+$0x12000];
	[tilespmem:s0+$0x11000] =	vst v3;
	s0 =	smov.u32 s2  }
0x10b: {  	v3 =	vld [tilespmem:s0+$0x11000];
	_ =	sdelay $0x4  }
0x10c: {  	v2 =	vadd.s32 v3, v2  }
0x10d: {  	[tilespmem:s0+$0x11000] =	vst v2  }
0x10e: {  	s10 =	simm.s32 $0x11000;
	[bflag:$0x0] =	sbarrier.arrive $0xFFFF  }
0x10f: {  	v2 =	vld [tilespmem:s10+$0x0];
	_ =	sdelay $0x4  }
0x110: {  	s11 =	simm.s32 $0x11010;
	(xrf0) =	vadd.scan.msk.s32 $0xffff, v2  }
0x111: {  	v3 =	vld [tilespmem:s11+$0x0];
	_ =	sdelay $0x4  }
0x112: {  	s29 =	simm.s32 $0x0;
	v4, _, _ =	vpop (xrf0);
	(xrf0) =	vadd.scan.msk.s32 $0xffff, v3  }
0x113: {  	(v2sf) =	vpush v4, $0xF;
	v4 =	vadd.s32 s29, v4  }
0x114: {  	vm0 =	vlt.s32 v4, $0x186A1  }
0x115: {  	v4 =	vsel vm0, $0x1, v0;
	_ =	sdelay $0x2  }
0x116: {  	(xrf0) =	vadd.scan.msk.s32 $0xffff, v4;
	v4, _, _ =	vpop (xrf0)  }
0x117: {  	(v2sf) =	vpush v4, $0xF  }
0x118: {  	s12 =	simm.s32 $0x11020  }
0x119: {  	v5 =	vld [tilespmem:s12+$0x0]  }
0x11a: {  	v2 =	vnsel vm0, $0x0, v2  }
0x11b: {  	(xrf0) =	vadd.scan.msk.s32 $0xffff, v2;
	_ =	sdelay $0x2  }
0x11c: {  	(xrf0) =	vadd.scan.msk.s32 $0xffff, v5;
	v2, _, _ =	vpop (xrf0)  }
0x11d: {  	(v2sf) =	vpush v2, $0xF  }
0x11e: {  	s22 =	spop (v2sf)  }
0x11f: {  	s1 =	simm.s32 $0x11030;
	v2, _, _ =	vpop (xrf0);
	s3 =	sadd.s32 $0x0, s22  }
0x120: {  	(v2sf) =	vpush v2, $0xF;
	v2 =	vld [tilespmem:s1+$0x0];
	v4 =	vadd.s32 s3, v4  }
0x121: {  	vm14 =	vlt.s32 v4, $0x186A1  }
0x122: {  	v6, _, _ =	vpop (xrf0);
	v4 =	vsel vm14, $0x1, v0  }
0x123: {  	(v2sf) =	vpush v6, $0xF;
	v3 =	vnsel vm14, $0x0, v3;
	(xrf0) =	vadd.scan.msk.s32 $0xffff, v4  }
0x124: {  	(xrf0) =	vadd.scan.msk.s32 $0xffff, v3;
	s23 =	spop (v2sf)  }
0x125: {  	(xrf0) =	vadd.scan.msk.s32 $0xffff, v2;
	s6 =	sadd.s32 s3, s23  }
0x126: {  	v4 =	vadd.s32 s6, v6;
	_ =	sdelay $0x2  }
0x127: {  	s31 =	simm.s32 $0x11040;
	vm15 =	vlt.s32 v4, $0x186A1;
	v4, _, _ =	vpop (xrf0)  }
0x128: {  	v3 =	vld [tilespmem:s31+$0x0];
	(v2sf) =	vpush v4, $0xF;
	v7, _, _ =	vpop (xrf0)  }
0x129: {  	v4, _, _ =	vpop (xrf0);
	(v2sf) =	vpush v7, $0xF  }
0x12a: {  	v6 =	vsel vm15, $0x1, v0;
	s2 =	spop (v2sf);
	(v2sf) =	vpush v4, $0xF  }
0x12b: {  	s28 =	simm.s32 $0xFFFFFFFF;
	v5 =	vnsel vm15, $0x0, v5;
	(xrf0) =	vadd.scan.msk.s32 $0xffff, v6  }
0x12c: {  	s30 =	simm.s32 $0x40;
	p1 =	por $0x1, $0x1;
	s8 =	simm.s32 $0x11050;
	(xrf0) =	vadd.scan.msk.s32 $0xffff, v5  }
0x12d: {  	s9 =	simm.s32 $0x50;
	s5 =	simm.s32 $0x0;
	s0 =	simm.s32 $0x30;
	(xrf0) =	vadd.scan.msk.s32 $0xffff, v3  }
0x12e: {  	s1 =	simm.s32 $0x20;
	s23 =	simm.s32 $0x10;
	p2 =	slt.s32 s2, $0x10  }
0x12f: {  	s7 =	spop (v2sf);
	s10 =	sadd.s32 $0x0, s2;
	p1 =	por !p1, !p2  }
0x130: {  	s2 =	smov.u32 s6;
	s11 =	spop (v2sf);
	p1 =	por !p1, !p1  }
.LBB2_42:
0x131: {  	p2 =	sne.s32 s9, $0xFF0;
	s6 =	sadd.s32 s6, s11;
	v5, _, _ =	vpop (xrf0);
	s28 =	smov.u32 @p1 s10  }
0x132: {  	s7 =	sadd.s32 s7, s5;
	s5 =	smov.u32 s3;
	s3 =	smov.u32 s2;
	v6 =	vld [tilespmem:s8+$0x0];
	v7 =	vadd.s32 s6, v4;
	(v2sf) =	vpush v5, $0xF;
	v5, _, _ =	vpop (xrf0)  }
0x133: {  	s10 =	smov.u32 s23;
	s7 =	ssub.s32 $0x186A0, s7;
	s2 =	smov.u32 s6;
	v4, _, _ =	vpop (xrf0);
	vm0 =	vlt.s32 v7, $0x186A1;
	(v2sf) =	vpush v5, $0xF  }
0x134: {  	s23 =	smov.u32 s1;
	s1 =	smov.u32 s0;
	s29 =	smov.u32 @p1 s7;
	(v2sf) =	vpush v4, $0xF;
	v5 =	vsel vm0, $0x1, v0;
	v7 =	vnsel vm0, $0x0, v2;
	v2 =	vmovc v3  }
0x135: {  	s0 =	smov.u32 s30;
	s30 =	smov.u32 s9;
	(xrf0) =	vadd.scan.msk.s32 $0xffff, v5  }
.Ltmp20:
0x136: {  	(xrf0) =	vadd.scan.msk.s32 $0xffff, v7;
	(pc) =	sbr.rel @p2 .LBB2_42-.Ltmp20, $4  }
0x137: {  	(xrf0) =	vadd.scan.msk.s32 $0xffff, v6;
	s12 =	spop (v2sf);
	v3 =	vmov v6  }
0x138: {  	p1 =	slt.s32 s28, $0x0;
	p3 =	slt.s32 s12, $0x10;
	s7 =	spop (v2sf)  }
0x139: {  	s8 =	sadd.s32 $0x10, s8;
	s11 =	spop (v2sf);
	p1 =	por !p1, !p3  }
0x13a: {  	s9 =	sadd.s32 $0x10, s9;
	s10 =	sadd.s32 s10, s12;
	p1 =	por !p1, !p1  }
0x13b: {  	_ =	sdelay $0x4  }
0x13c: {  	s6 =	sadd.s32 s6, s11  }
0x13d: {  	v4 =	vadd.s32 s6, v4;
	s8 =	spop (v2sf)  }
0x13e: {  	v5, _, _ =	vpop (xrf0);
	vm0 =	vlt.s32 v4, $0x186A1;
	s9 =	spop (v2sf)  }
0x13f: {  	v62, _, _ =	vpop (xrf0);
	v6 =	vsel vm0, $0x1, v0;
	s22 =	spop (v2sf)  }
0x140: {  	v7, _, _ =	vpop (xrf0);
	(xrf0) =	vadd.scan.msk.s32 $0xffff, v6;
	s11 =	sadd.s32 s6, s22  }
0x141: {  	v63 =	vadd.s32 s11, v7  }
0x142: {  	v2 =	vnsel vm0, $0x0, v2;
	vm15 =	vlt.s32 v63, $0x186A1  }
0x143: {  	(xrf0) =	vadd.scan.msk.s32 $0xffff, v2;
	(v2sf) =	vpush v5, $0xF;
	v2 =	vsel vm15, $0x1, v0  }
0x144: {  	(xrf0) =	vadd.scan.msk.s32 $0xffff, v2  }
0x145: {  	(v2sf) =	vpush v62, $0xF;
	v2 =	vnsel vm15, $0x0, v3  }
0x146: {  	(v2sf) =	vpush v7, $0xF;
	v3, _, _ =	vpop (xrf0);
	(xrf0) =	vadd.scan.msk.s32 $0xffff, v2  }
0x147: {  	(v2sf) =	vpush v3, $0xF;
	_ =	sdelay $0x1  }
0x148: {  	v2, _, _ =	vpop (xrf0)  }
0x149: {  	(v2sf) =	vpush v2, $0xF;
	v2, _, _ =	vpop (xrf0)  }
0x14a: {  	(v2sf) =	vpush v2, $0xF  }
0x14b: {  	v2, _, _ =	vpop (xrf0)  }
0x14c: {  	(v2sf) =	vpush v2, $0xF  }
0x14d: {  	s28 =	smov.u32 @p1 s10  }
0x14e: {  	s5 =	sadd.s32 s7, s5;
	p2 =	slt.s32 s28, $0x0;
	p3 =	slt.s32 s8, $0x10  }
0x14f: {  	s5 =	ssub.s32 $0x186A0, s5;
	p2 =	por !p2, !p3  }
0x150: {  	s29 =	smov.u32 @p1 s5;
	s7 =	sadd.s32 s23, s8;
	p2 =	por !p2, !p2  }
0x151: {  	s3 =	sadd.s32 s9, s3;
	s28 =	smov.u32 @p2 s7;
	s31 =	spop (v2sf)  }
0x152: {  	s3 =	ssub.s32 $0x186A0, s3;
	p3 =	slt.s32 s28, $0x0;
	p4 =	slt.s32 s31, $0x10  }
0x153: {  	s29 =	smov.u32 @p2 s3;
	s7 =	spop (v2sf);
	p1 =	por !p3, !p4  }
0x154: {  	s1 =	sadd.s32 s1, s31;
	s9 =	spop (v2sf);
	p1 =	por !p1, !p1  }
0x155: {  	s10 =	sadd.s32 s7, s2;
	s28 =	smov.u32 @p1 s1;
	s12 =	spop (v2sf)  }
0x156: {  	s1 =	ssub.s32 $0x186A0, s10;
	p5 =	slt.s32 s28, $0x0;
	p6 =	slt.s32 s12, $0x10  }
0x157: {  	s29 =	smov.u32 @p1 s1;
	p4 =	por !p5, !p6  }
0x158: {  	s0 =	sadd.s32 s0, s12;
	s22 =	spop (v2sf);
	p1 =	por !p4, !p4  }
0x159: {  	s28 =	smov.u32 @p1 s0;
	s23 =	spop (v2sf)  }
0x15a: {  	s1 =	sadd.s32 s22, s6;
	p5 =	slt.s32 s28, $0x0;
	p6 =	slt.s32 s23, $0x10  }
0x15b: {  	s1 =	ssub.s32 $0x186A0, s1;
	s31 =	spop (v2sf);
	p2 =	por !p5, !p6  }
0x15c: {  	s0 =	sadd.s32 s30, s23;
	s2 =	sadd.s32 s31, s11;
	p2 =	por !p2, !p2  }
0x15d: {  	s29 =	smov.u32 @p1 s1;
	s28 =	smov.u32 @p2 s0;
	s0 =	ssub.s32 $0x186A0, s2  }
0x15e: {  	s1 =	simm.s32 $0x0;
	s29 =	smov.u32 @p2 s0;
	s0 =	simm.s32 $0x40  }
.LBB2_44:
0x15f: {  	p1 =	sne.s32 s0, $0x3FC0;
	[tilespmem:s1+$0x10000] =	vst v0;
	s1 =	smov.u32 s0;
	s0 =	sadd.s32 $0x40, s0  }
.Ltmp21:
0x160: {  	(pc) =	sbr.rel @p1 .LBB2_44-.Ltmp21, $2  }
0x161: {  	_ =	sdelay $0x2  }
0x162: {  	s1 =	sshra.s32 s1, $0x2  }
0x163: {  	[tilespmem:s1+$0x10000] =	vst v0;
	s0 =	simm.s32 $0x0;
	s31 =	rddreg [dreg:$0x4]  }
0x164: {  	[tilespmem:s0], [sflag:$0x1] =	stream.linear.gather [hbm4b:s31+s0], $0x10000, $0x38;
	[tilespmem:$0x14080] =	vst v63  }
0x165: {  	_ =	swait.ge [sflag:s24], $0x10000  }
0x166: {  	[sflag:s24] =	ssyncset.done $0x0  }
0x167: {  	v2 =	vmov s28;
	s1 =	simm.s32 $0x0;
	s0 =	simm.s32 $0x40;
	[sflag:s24] =	ssyncadd.s32 $0xFFFF0000  }
.LBB2_46:
0x168: {  	p1 =	sne.s32 s0, $0x3FFC0;
	v3 =	vld [tilespmem:s1+$0x0];
	_ =	sdelay $0x4  }
0x169: {  	v4 =	vshrl.u32 v3, $0x12  }
0x16a: {  	v3 =	vshrl.u32 v3, $0x6;
	vm0 =	veq.s32 v4, v2  }
0x16b: {  	v3 =	vand.u32 $0xFFF, v3  }
.Ltmp22:
0x16c: {  	(pc) =	sbr.rel @p1 .LBB2_46-.Ltmp22, $2  }
0x16d: {  	_ =	sdelay $0x2  }
0x16e: {  	s1 =	sshra.s32 s0, $0x2;
	s0 =	sadd.s32 $0x40, s0;
	[tilespmem:v3+s25+$0x0] =	vst.idx.add.s32.msk vm0, v1  }
0x16f: {  	v3 =	vld [tilespmem:s1+$0x0];
	_ =	sdelay $0x4  }
0x170: {  	v4 =	vshrl.u32 v3, $0x12  }
0x171: {  	v3 =	vshrl.u32 v3, $0x6;
	vm0 =	veq.s32 v4, v2  }
0x172: {  	v3 =	vand.u32 $0xFFF, v3;
	_ =	sdelay $0x4  }
0x173: {  	s0 =	simm.s32 $0x0;
	[tilespmem:v3+s25+$0x0] =	vst.idx.add.s32.msk vm0, v1  }
0x174: {  	[tilespmem:s0], [sflag:$0x1] =	stream.linear.gather [hbm4b:s14+s0], $0x10000, $0x38;
	[tilespmem:$0x14080] =	vst v63  }
0x175: {  	_ =	swait.ge [sflag:s24], $0x10000  }
0x176: {  	[sflag:s24] =	ssyncset.done $0x0  }
0x177: {  	s1 =	simm.s32 $0x0;
	s0 =	simm.s32 $0x40;
	[sflag:s24] =	ssyncadd.s32 $0xFFFF0000  }
.LBB2_48:
0x178: {  	p1 =	sne.s32 s0, $0x3FFC0;
	v3 =	vld [tilespmem:s1+$0x0];
	_ =	sdelay $0x4  }
0x179: {  	v4 =	vshrl.u32 v3, $0x12  }
0x17a: {  	v3 =	vshrl.u32 v3, $0x6;
	vm0 =	veq.s32 v4, v2  }
0x17b: {  	v3 =	vand.u32 $0xFFF, v3  }
.Ltmp23:
0x17c: {  	(pc) =	sbr.rel @p1 .LBB2_48-.Ltmp23, $2  }
0x17d: {  	_ =	sdelay $0x2  }
0x17e: {  	s1 =	sshra.s32 s0, $0x2;
	s0 =	sadd.s32 $0x40, s0;
	[tilespmem:v3+s25+$0x0] =	vst.idx.add.s32.msk vm0, v1  }
0x17f: {  	v3 =	vld [tilespmem:s1+$0x0];
	_ =	sdelay $0x4  }
0x180: {  	v4 =	vshrl.u32 v3, $0x12  }
0x181: {  	v3 =	vshrl.u32 v3, $0x6;
	vm0 =	veq.s32 v4, v2  }
0x182: {  	v2 =	vand.u32 $0xFFF, v3;
	_ =	sdelay $0x4  }
0x183: {  	[tilespmem:v2+s25+$0x0] =	vst.idx.add.s32.msk vm0, v1  }
0x184: {  	[spmem:s15] =	stream.linear.scatter [tilespmem:s25], [sflag:$0x1], $0x1000, $0x38;
	[tilespmem:$0x14080] =	vst v63  }
0x185: {  	_ =	swait.ge [sflag:s24], $0x1000  }
0x186: {  	[sflag:s24] =	ssyncset.done $0x0  }
0x187: {  	[sflag:s24] =	ssyncadd.s32 $0xFFFFF000  }
0x188: {  	s0 =	simm.s32 $0x40;
	s1 =	simm.s32 $0x0;
	[bflag:$0x0] =	sbarrier.arrive $0xFFFF  }
.LBB2_50:
0x189: {  	p1 =	sne.s32 s0, $0x3FC0;
	[tilespmem:s1+$0x11000] =	vst v0;
	s1 =	smov.u32 s0;
	s0 =	sadd.s32 $0x40, s0  }
.Ltmp24:
0x18a: {  	(pc) =	sbr.rel @p1 .LBB2_50-.Ltmp24, $2  }
0x18b: {  	_ =	sdelay $0x2  }
0x18c: {  	s1 =	sshra.s32 s1, $0x2  }
0x18d: {  	[tilespmem:s1+$0x11000] =	vst v0  }
0x18e: {  	[tilespmem:s26], [sflag:$0x1] =	stream.linear.gather [spmem:s13], $0x1000, $0x38;
	[tilespmem:$0x14080] =	vst v63  }
0x18f: {  	_ =	swait.ge [sflag:s24], $0x1000  }
0x190: {  	[sflag:s24] =	ssyncset.done $0x0  }
0x191: {  	s0 =	simm.s32 $0x0;
	[sflag:s24] =	ssyncadd.s32 $0xFFFFF000  }
0x192: {  	s1 =	simm.s32 $0x40;
	v2 =	vld [tilespmem:s0+$0x12000]  }
.LBB2_52:
0x193: {  	p1 =	sne.s32 s1, $0x3FC0;
	v3 =	vld [tilespmem:s0+$0x11000];
	_ =	sdelay $0x1  }
.Ltmp25:
0x194: {  	(pc) =	sbr.rel @p1 .LBB2_52-.Ltmp25, $3  }
0x195: {  	_ =	sdelay $0x1  }
0x196: {  	s2 =	sshra.s32 s1, $0x2;
	v3 =	vadd.s32 v3, v2  }
0x197: {  	s1 =	sadd.s32 $0x40, s1;
	v2 =	vld [tilespmem:s2+$0x12000];
	[tilespmem:s0+$0x11000] =	vst v3;
	s0 =	smov.u32 s2  }
0x198: {  	v3 =	vld [tilespmem:s0+$0x11000];
	_ =	sdelay $0x4  }
0x199: {  	v2 =	vadd.s32 v3, v2  }
0x19a: {  	[tilespmem:s0+$0x11000] =	vst v2  }
0x19b: {  	[tilespmem:s26], [sflag:$0x1] =	stream.linear.gather [spmem:s16], $0x1000, $0x38;
	[tilespmem:$0x14080] =	vst v63  }
0x19c: {  	_ =	swait.ge [sflag:s24], $0x1000  }
0x19d: {  	[sflag:s24] =	ssyncset.done $0x0  }
0x19e: {  	s0 =	simm.s32 $0x0;
	[sflag:s24] =	ssyncadd.s32 $0xFFFFF000  }
0x19f: {  	s1 =	simm.s32 $0x40;
	v2 =	vld [tilespmem:s0+$0x12000]  }
.LBB2_54:
0x1a0: {  	p1 =	sne.s32 s1, $0x3FC0;
	v3 =	vld [tilespmem:s0+$0x11000];
	_ =	sdelay $0x1  }
.Ltmp26:
0x1a1: {  	(pc) =	sbr.rel @p1 .LBB2_54-.Ltmp26, $3  }
0x1a2: {  	_ =	sdelay $0x1  }
0x1a3: {  	s2 =	sshra.s32 s1, $0x2;
	v3 =	vadd.s32 v3, v2  }
0x1a4: {  	s1 =	sadd.s32 $0x40, s1;
	v2 =	vld [tilespmem:s2+$0x12000];
	[tilespmem:s0+$0x11000] =	vst v3;
	s0 =	smov.u32 s2  }
0x1a5: {  	v3 =	vld [tilespmem:s0+$0x11000];
	_ =	sdelay $0x4  }
0x1a6: {  	v2 =	vadd.s32 v3, v2  }
0x1a7: {  	[tilespmem:s0+$0x11000] =	vst v2  }
0x1a8: {  	[tilespmem:s26], [sflag:$0x1] =	stream.linear.gather [spmem:s17], $0x1000, $0x38;
	[tilespmem:$0x14080] =	vst v63  }
0x1a9: {  	_ =	swait.ge [sflag:s24], $0x1000  }
0x1aa: {  	[sflag:s24] =	ssyncset.done $0x0  }
0x1ab: {  	s0 =	simm.s32 $0x0;
	[sflag:s24] =	ssyncadd.s32 $0xFFFFF000  }
0x1ac: {  	s1 =	simm.s32 $0x40;
	v2 =	vld [tilespmem:s0+$0x12000]  }
.LBB2_56:
0x1ad: {  	p1 =	sne.s32 s1, $0x3FC0;
	v3 =	vld [tilespmem:s0+$0x11000];
	_ =	sdelay $0x1  }
.Ltmp27:
0x1ae: {  	(pc) =	sbr.rel @p1 .LBB2_56-.Ltmp27, $3  }
0x1af: {  	_ =	sdelay $0x1  }
0x1b0: {  	s2 =	sshra.s32 s1, $0x2;
	v3 =	vadd.s32 v3, v2  }
0x1b1: {  	s1 =	sadd.s32 $0x40, s1;
	v2 =	vld [tilespmem:s2+$0x12000];
	[tilespmem:s0+$0x11000] =	vst v3;
	s0 =	smov.u32 s2  }
0x1b2: {  	v3 =	vld [tilespmem:s0+$0x11000];
	_ =	sdelay $0x4  }
0x1b3: {  	v2 =	vadd.s32 v3, v2  }
0x1b4: {  	[tilespmem:s0+$0x11000] =	vst v2  }
0x1b5: {  	[tilespmem:s26], [sflag:$0x1] =	stream.linear.gather [spmem:s18], $0x1000, $0x38;
	[tilespmem:$0x14080] =	vst v63  }
0x1b6: {  	_ =	swait.ge [sflag:s24], $0x1000  }
0x1b7: {  	[sflag:s24] =	ssyncset.done $0x0  }
0x1b8: {  	s0 =	simm.s32 $0x0;
	[sflag:s24] =	ssyncadd.s32 $0xFFFFF000  }
0x1b9: {  	s1 =	simm.s32 $0x40;
	v2 =	vld [tilespmem:s0+$0x12000]  }
.LBB2_58:
0x1ba: {  	p1 =	sne.s32 s1, $0x3FC0;
	v3 =	vld [tilespmem:s0+$0x11000];
	_ =	sdelay $0x1  }
.Ltmp28:
0x1bb: {  	(pc) =	sbr.rel @p1 .LBB2_58-.Ltmp28, $3  }
0x1bc: {  	_ =	sdelay $0x1  }
0x1bd: {  	s2 =	sshra.s32 s1, $0x2;
	v3 =	vadd.s32 v3, v2  }
0x1be: {  	s1 =	sadd.s32 $0x40, s1;
	v2 =	vld [tilespmem:s2+$0x12000];
	[tilespmem:s0+$0x11000] =	vst v3;
	s0 =	smov.u32 s2  }
0x1bf: {  	v3 =	vld [tilespmem:s0+$0x11000];
	_ =	sdelay $0x4  }
0x1c0: {  	v2 =	vadd.s32 v3, v2  }
0x1c1: {  	[tilespmem:s0+$0x11000] =	vst v2  }
0x1c2: {  	[tilespmem:s26], [sflag:$0x1] =	stream.linear.gather [spmem:s19], $0x1000, $0x38;
	[tilespmem:$0x14080] =	vst v63  }
0x1c3: {  	_ =	swait.ge [sflag:s24], $0x1000  }
0x1c4: {  	[sflag:s24] =	ssyncset.done $0x0  }
0x1c5: {  	s0 =	simm.s32 $0x0;
	[sflag:s24] =	ssyncadd.s32 $0xFFFFF000  }
0x1c6: {  	s1 =	simm.s32 $0x40;
	v2 =	vld [tilespmem:s0+$0x12000]  }
.LBB2_60:
0x1c7: {  	p1 =	sne.s32 s1, $0x3FC0;
	v3 =	vld [tilespmem:s0+$0x11000];
	_ =	sdelay $0x1  }
.Ltmp29:
0x1c8: {  	(pc) =	sbr.rel @p1 .LBB2_60-.Ltmp29, $3  }
0x1c9: {  	_ =	sdelay $0x1  }
0x1ca: {  	s2 =	sshra.s32 s1, $0x2;
	v3 =	vadd.s32 v3, v2  }
0x1cb: {  	s1 =	sadd.s32 $0x40, s1;
	v2 =	vld [tilespmem:s2+$0x12000];
	[tilespmem:s0+$0x11000] =	vst v3;
	s0 =	smov.u32 s2  }
0x1cc: {  	v3 =	vld [tilespmem:s0+$0x11000];
	_ =	sdelay $0x4  }
0x1cd: {  	v2 =	vadd.s32 v3, v2  }
0x1ce: {  	[tilespmem:s0+$0x11000] =	vst v2  }
0x1cf: {  	[tilespmem:s26], [sflag:$0x1] =	stream.linear.gather [spmem:s20], $0x1000, $0x38;
	[tilespmem:$0x14080] =	vst v63  }
0x1d0: {  	_ =	swait.ge [sflag:s24], $0x1000  }
0x1d1: {  	[sflag:s24] =	ssyncset.done $0x0  }
0x1d2: {  	s0 =	simm.s32 $0x0;
	[sflag:s24] =	ssyncadd.s32 $0xFFFFF000  }
0x1d3: {  	s1 =	simm.s32 $0x40;
	v2 =	vld [tilespmem:s0+$0x12000]  }
.LBB2_62:
0x1d4: {  	p1 =	sne.s32 s1, $0x3FC0;
	v3 =	vld [tilespmem:s0+$0x11000];
	_ =	sdelay $0x1  }
.Ltmp30:
0x1d5: {  	(pc) =	sbr.rel @p1 .LBB2_62-.Ltmp30, $3  }
0x1d6: {  	_ =	sdelay $0x1  }
0x1d7: {  	s2 =	sshra.s32 s1, $0x2;
	v3 =	vadd.s32 v3, v2  }
0x1d8: {  	s1 =	sadd.s32 $0x40, s1;
	v2 =	vld [tilespmem:s2+$0x12000];
	[tilespmem:s0+$0x11000] =	vst v3;
	s0 =	smov.u32 s2  }
0x1d9: {  	v3 =	vld [tilespmem:s0+$0x11000];
	_ =	sdelay $0x4  }
0x1da: {  	v2 =	vadd.s32 v3, v2  }
0x1db: {  	[tilespmem:s0+$0x11000] =	vst v2  }
0x1dc: {  	[tilespmem:s26], [sflag:$0x1] =	stream.linear.gather [spmem:s21], $0x1000, $0x38;
	[tilespmem:$0x14080] =	vst v63  }
0x1dd: {  	_ =	swait.ge [sflag:s24], $0x1000  }
0x1de: {  	[sflag:s24] =	ssyncset.done $0x0  }
0x1df: {  	s0 =	simm.s32 $0x0;
	[sflag:s24] =	ssyncadd.s32 $0xFFFFF000  }
0x1e0: {  	s22 =	smov.u32 s21;
	s1 =	simm.s32 $0x40;
	v2 =	vld [tilespmem:s0+$0x12000]  }
.LBB2_64:
0x1e1: {  	p1 =	sne.s32 s1, $0x3FC0;
	v3 =	vld [tilespmem:s0+$0x11000];
	_ =	sdelay $0x1  }
.Ltmp31:
0x1e2: {  	(pc) =	sbr.rel @p1 .LBB2_64-.Ltmp31, $3  }
0x1e3: {  	_ =	sdelay $0x1  }
0x1e4: {  	s2 =	sshra.s32 s1, $0x2;
	v3 =	vadd.s32 v3, v2  }
0x1e5: {  	s1 =	sadd.s32 $0x40, s1;
	v2 =	vld [tilespmem:s2+$0x12000];
	[tilespmem:s0+$0x11000] =	vst v3;
	s0 =	smov.u32 s2  }
0x1e6: {  	v3 =	vld [tilespmem:s0+$0x11000];
	_ =	sdelay $0x4  }
0x1e7: {  	v2 =	vadd.s32 v3, v2  }
0x1e8: {  	s31 =	rddreg [dreg:$0x5];
	[tilespmem:s0+$0x11000] =	vst v2  }
0x1e9: {  	[tilespmem:s26], [sflag:$0x1] =	stream.linear.gather [spmem:s31], $0x1000, $0x38;
	[tilespmem:$0x14080] =	vst v63  }
0x1ea: {  	_ =	swait.ge [sflag:s24], $0x1000  }
0x1eb: {  	[sflag:s24] =	ssyncset.done $0x0  }
0x1ec: {  	s0 =	simm.s32 $0x0;
	[sflag:s24] =	ssyncadd.s32 $0xFFFFF000  }
0x1ed: {  	s21 =	smov.u32 s20;
	s1 =	simm.s32 $0x40;
	v2 =	vld [tilespmem:s0+$0x12000]  }
.LBB2_66:
0x1ee: {  	p1 =	sne.s32 s1, $0x3FC0;
	v3 =	vld [tilespmem:s0+$0x11000];
	_ =	sdelay $0x1  }
.Ltmp32:
0x1ef: {  	(pc) =	sbr.rel @p1 .LBB2_66-.Ltmp32, $3  }
0x1f0: {  	_ =	sdelay $0x1  }
0x1f1: {  	s2 =	sshra.s32 s1, $0x2;
	v3 =	vadd.s32 v3, v2  }
0x1f2: {  	s1 =	sadd.s32 $0x40, s1;
	v2 =	vld [tilespmem:s2+$0x12000];
	[tilespmem:s0+$0x11000] =	vst v3;
	s0 =	smov.u32 s2  }
0x1f3: {  	v3 =	vld [tilespmem:s0+$0x11000];
	_ =	sdelay $0x4  }
0x1f4: {  	v2 =	vadd.s32 v3, v2  }
0x1f5: {  	s31 =	rddreg [dreg:$0x6];
	[tilespmem:s0+$0x11000] =	vst v2  }
0x1f6: {  	[tilespmem:s26], [sflag:$0x1] =	stream.linear.gather [spmem:s31], $0x1000, $0x38;
	[tilespmem:$0x14080] =	vst v63  }
0x1f7: {  	_ =	swait.ge [sflag:s24], $0x1000  }
0x1f8: {  	[sflag:s24] =	ssyncset.done $0x0  }
0x1f9: {  	s0 =	simm.s32 $0x0;
	[sflag:s24] =	ssyncadd.s32 $0xFFFFF000  }
0x1fa: {  	s20 =	smov.u32 s19;
	s1 =	simm.s32 $0x40;
	v2 =	vld [tilespmem:s0+$0x12000]  }
.LBB2_68:
0x1fb: {  	p1 =	sne.s32 s1, $0x3FC0;
	v3 =	vld [tilespmem:s0+$0x11000];
	_ =	sdelay $0x1  }
.Ltmp33:
0x1fc: {  	(pc) =	sbr.rel @p1 .LBB2_68-.Ltmp33, $3  }
0x1fd: {  	_ =	sdelay $0x1  }
0x1fe: {  	s2 =	sshra.s32 s1, $0x2;
	v3 =	vadd.s32 v3, v2  }
0x1ff: {  	s1 =	sadd.s32 $0x40, s1;
	v2 =	vld [tilespmem:s2+$0x12000];
	[tilespmem:s0+$0x11000] =	vst v3;
	s0 =	smov.u32 s2  }
0x200: {  	v3 =	vld [tilespmem:s0+$0x11000];
	_ =	sdelay $0x4  }
0x201: {  	v2 =	vadd.s32 v3, v2  }
0x202: {  	s31 =	rddreg [dreg:$0x7];
	[tilespmem:s0+$0x11000] =	vst v2  }
0x203: {  	[tilespmem:s26], [sflag:$0x1] =	stream.linear.gather [spmem:s31], $0x1000, $0x38;
	[tilespmem:$0x14080] =	vst v63  }
0x204: {  	_ =	swait.ge [sflag:s24], $0x1000  }
0x205: {  	[sflag:s24] =	ssyncset.done $0x0  }
0x206: {  	s0 =	simm.s32 $0x0;
	[sflag:s24] =	ssyncadd.s32 $0xFFFFF000  }
0x207: {  	s19 =	smov.u32 s18;
	s1 =	simm.s32 $0x40;
	v2 =	vld [tilespmem:s0+$0x12000]  }
.LBB2_70:
0x208: {  	p1 =	sne.s32 s1, $0x3FC0;
	v3 =	vld [tilespmem:s0+$0x11000];
	_ =	sdelay $0x1  }
.Ltmp34:
0x209: {  	(pc) =	sbr.rel @p1 .LBB2_70-.Ltmp34, $3  }
0x20a: {  	_ =	sdelay $0x1  }
0x20b: {  	s2 =	sshra.s32 s1, $0x2;
	v3 =	vadd.s32 v3, v2  }
0x20c: {  	s1 =	sadd.s32 $0x40, s1;
	v2 =	vld [tilespmem:s2+$0x12000];
	[tilespmem:s0+$0x11000] =	vst v3;
	s0 =	smov.u32 s2  }
0x20d: {  	v3 =	vld [tilespmem:s0+$0x11000];
	_ =	sdelay $0x4  }
0x20e: {  	v2 =	vadd.s32 v3, v2  }
0x20f: {  	s31 =	rddreg [dreg:$0x8];
	[tilespmem:s0+$0x11000] =	vst v2  }
0x210: {  	[tilespmem:s26], [sflag:$0x1] =	stream.linear.gather [spmem:s31], $0x1000, $0x38;
	[tilespmem:$0x14080] =	vst v63  }
0x211: {  	_ =	swait.ge [sflag:s24], $0x1000  }
0x212: {  	[sflag:s24] =	ssyncset.done $0x0  }
0x213: {  	s0 =	simm.s32 $0x0;
	[sflag:s24] =	ssyncadd.s32 $0xFFFFF000  }
0x214: {  	s18 =	smov.u32 s17;
	s1 =	simm.s32 $0x40;
	v2 =	vld [tilespmem:s0+$0x12000]  }
.LBB2_72:
0x215: {  	p1 =	sne.s32 s1, $0x3FC0;
	v3 =	vld [tilespmem:s0+$0x11000];
	_ =	sdelay $0x1  }
.Ltmp35:
0x216: {  	(pc) =	sbr.rel @p1 .LBB2_72-.Ltmp35, $3  }
0x217: {  	_ =	sdelay $0x1  }
0x218: {  	s2 =	sshra.s32 s1, $0x2;
	v3 =	vadd.s32 v3, v2  }
0x219: {  	s1 =	sadd.s32 $0x40, s1;
	v2 =	vld [tilespmem:s2+$0x12000];
	[tilespmem:s0+$0x11000] =	vst v3;
	s0 =	smov.u32 s2  }
0x21a: {  	v3 =	vld [tilespmem:s0+$0x11000];
	_ =	sdelay $0x4  }
0x21b: {  	v2 =	vadd.s32 v3, v2  }
0x21c: {  	s31 =	rddreg [dreg:$0x9];
	[tilespmem:s0+$0x11000] =	vst v2  }
0x21d: {  	[tilespmem:s26], [sflag:$0x1] =	stream.linear.gather [spmem:s31], $0x1000, $0x38;
	[tilespmem:$0x14080] =	vst v63  }
0x21e: {  	_ =	swait.ge [sflag:s24], $0x1000  }
0x21f: {  	[sflag:s24] =	ssyncset.done $0x0  }
0x220: {  	s0 =	simm.s32 $0x0;
	[sflag:s24] =	ssyncadd.s32 $0xFFFFF000  }
0x221: {  	s17 =	smov.u32 s16;
	s1 =	simm.s32 $0x40;
	v2 =	vld [tilespmem:s0+$0x12000]  }
.LBB2_74:
0x222: {  	p1 =	sne.s32 s1, $0x3FC0;
	v3 =	vld [tilespmem:s0+$0x11000];
	_ =	sdelay $0x1  }
.Ltmp36:
0x223: {  	(pc) =	sbr.rel @p1 .LBB2_74-.Ltmp36, $3  }
0x224: {  	_ =	sdelay $0x1  }
0x225: {  	s2 =	sshra.s32 s1, $0x2;
	v3 =	vadd.s32 v3, v2  }
0x226: {  	s1 =	sadd.s32 $0x40, s1;
	v2 =	vld [tilespmem:s2+$0x12000];
	[tilespmem:s0+$0x11000] =	vst v3;
	s0 =	smov.u32 s2  }
0x227: {  	v3 =	vld [tilespmem:s0+$0x11000];
	_ =	sdelay $0x4  }
0x228: {  	v2 =	vadd.s32 v3, v2  }
0x229: {  	s31 =	rddreg [dreg:$0xa];
	[tilespmem:s0+$0x11000] =	vst v2  }
0x22a: {  	[tilespmem:s26], [sflag:$0x1] =	stream.linear.gather [spmem:s31], $0x1000, $0x38;
	[tilespmem:$0x14080] =	vst v63  }
0x22b: {  	_ =	swait.ge [sflag:s24], $0x1000  }
0x22c: {  	[sflag:s24] =	ssyncset.done $0x0  }
0x22d: {  	s0 =	simm.s32 $0x0;
	[sflag:s24] =	ssyncadd.s32 $0xFFFFF000  }
0x22e: {  	s16 =	smov.u32 s15;
	s1 =	simm.s32 $0x40;
	v2 =	vld [tilespmem:s0+$0x12000]  }
.LBB2_76:
0x22f: {  	p1 =	sne.s32 s1, $0x3FC0;
	v3 =	vld [tilespmem:s0+$0x11000];
	_ =	sdelay $0x1  }
.Ltmp37:
0x230: {  	(pc) =	sbr.rel @p1 .LBB2_76-.Ltmp37, $3  }
0x231: {  	_ =	sdelay $0x1  }
0x232: {  	s2 =	sshra.s32 s1, $0x2;
	v3 =	vadd.s32 v3, v2  }
0x233: {  	s1 =	sadd.s32 $0x40, s1;
	v2 =	vld [tilespmem:s2+$0x12000];
	[tilespmem:s0+$0x11000] =	vst v3;
	s0 =	smov.u32 s2  }
0x234: {  	v3 =	vld [tilespmem:s0+$0x11000];
	_ =	sdelay $0x4  }
0x235: {  	v2 =	vadd.s32 v3, v2  }
0x236: {  	s31 =	rddreg [dreg:$0xb];
	[tilespmem:s0+$0x11000] =	vst v2  }
0x237: {  	[tilespmem:s26], [sflag:$0x1] =	stream.linear.gather [spmem:s31], $0x1000, $0x38;
	[tilespmem:$0x14080] =	vst v63  }
0x238: {  	_ =	swait.ge [sflag:s24], $0x1000  }
0x239: {  	[sflag:s24] =	ssyncset.done $0x0  }
0x23a: {  	s0 =	simm.s32 $0x0;
	[sflag:s24] =	ssyncadd.s32 $0xFFFFF000  }
0x23b: {  	s15 =	smov.u32 s14;
	s1 =	simm.s32 $0x40;
	v2 =	vld [tilespmem:s0+$0x12000]  }
.LBB2_78:
0x23c: {  	p1 =	sne.s32 s1, $0x3FC0;
	v3 =	vld [tilespmem:s0+$0x11000];
	_ =	sdelay $0x1  }
.Ltmp38:
0x23d: {  	(pc) =	sbr.rel @p1 .LBB2_78-.Ltmp38, $3  }
0x23e: {  	_ =	sdelay $0x1  }
0x23f: {  	s2 =	sshra.s32 s1, $0x2;
	v3 =	vadd.s32 v3, v2  }
0x240: {  	s1 =	sadd.s32 $0x40, s1;
	v2 =	vld [tilespmem:s2+$0x12000];
	[tilespmem:s0+$0x11000] =	vst v3;
	s0 =	smov.u32 s2  }
0x241: {  	v3 =	vld [tilespmem:s0+$0x11000];
	_ =	sdelay $0x4  }
0x242: {  	v2 =	vadd.s32 v3, v2  }
0x243: {  	s31 =	rddreg [dreg:$0xc];
	[tilespmem:s0+$0x11000] =	vst v2  }
0x244: {  	[tilespmem:s26], [sflag:$0x1] =	stream.linear.gather [spmem:s31], $0x1000, $0x38;
	[tilespmem:$0x14080] =	vst v63  }
0x245: {  	_ =	swait.ge [sflag:s24], $0x1000  }
0x246: {  	[sflag:s24] =	ssyncset.done $0x0  }
0x247: {  	s0 =	simm.s32 $0x0;
	[sflag:s24] =	ssyncadd.s32 $0xFFFFF000  }
0x248: {  	s14 =	smov.u32 s13;
	s1 =	simm.s32 $0x40;
	v2 =	vld [tilespmem:s0+$0x12000]  }
.LBB2_80:
0x249: {  	p1 =	sne.s32 s1, $0x3FC0;
	v3 =	vld [tilespmem:s0+$0x11000];
	_ =	sdelay $0x1  }
.Ltmp39:
0x24a: {  	(pc) =	sbr.rel @p1 .LBB2_80-.Ltmp39, $3  }
0x24b: {  	_ =	sdelay $0x1  }
0x24c: {  	s2 =	sshra.s32 s1, $0x2;
	v3 =	vadd.s32 v3, v2  }
0x24d: {  	s1 =	sadd.s32 $0x40, s1;
	v2 =	vld [tilespmem:s2+$0x12000];
	[tilespmem:s0+$0x11000] =	vst v3;
	s0 =	smov.u32 s2  }
0x24e: {  	v3 =	vld [tilespmem:s0+$0x11000];
	_ =	sdelay $0x4  }
0x24f: {  	v2 =	vadd.s32 v3, v2  }
0x250: {  	s31 =	rddreg [dreg:$0xd];
	[tilespmem:s0+$0x11000] =	vst v2  }
0x251: {  	[tilespmem:s26], [sflag:$0x1] =	stream.linear.gather [spmem:s31], $0x1000, $0x38;
	[tilespmem:$0x14080] =	vst v63  }
0x252: {  	_ =	swait.ge [sflag:s24], $0x1000  }
0x253: {  	[sflag:s24] =	ssyncset.done $0x0  }
0x254: {  	s0 =	simm.s32 $0x0;
	[sflag:s24] =	ssyncadd.s32 $0xFFFFF000  }
0x255: {  	s1 =	simm.s32 $0x40;
	v2 =	vld [tilespmem:s0+$0x12000]  }
.LBB2_82:
0x256: {  	p1 =	sne.s32 s1, $0x3FC0;
	v3 =	vld [tilespmem:s0+$0x11000];
	_ =	sdelay $0x1  }
.Ltmp40:
0x257: {  	(pc) =	sbr.rel @p1 .LBB2_82-.Ltmp40, $3  }
0x258: {  	_ =	sdelay $0x1  }
0x259: {  	s2 =	sshra.s32 s1, $0x2;
	v3 =	vadd.s32 v3, v2  }
0x25a: {  	s1 =	sadd.s32 $0x40, s1;
	v2 =	vld [tilespmem:s2+$0x12000];
	[tilespmem:s0+$0x11000] =	vst v3;
	s0 =	smov.u32 s2  }
0x25b: {  	v3 =	vld [tilespmem:s0+$0x11000];
	_ =	sdelay $0x4  }
0x25c: {  	v2 =	vadd.s32 v3, v2  }
0x25d: {  	[tilespmem:s0+$0x11000] =	vst v2  }
0x25e: {  	s9 =	simm.s32 $0x11000;
	[bflag:$0x0] =	sbarrier.arrive $0xFFFF  }
0x25f: {  	v3 =	vld [tilespmem:s9+$0x0];
	_ =	sdelay $0x4  }
0x260: {  	s10 =	simm.s32 $0x11010;
	(xrf0) =	vadd.scan.msk.s32 $0xffff, v3  }
0x261: {  	v4 =	vld [tilespmem:s10+$0x0];
	_ =	sdelay $0x4  }
0x262: {  	s31 =	simm.s32 $0x0;
	v5, _, _ =	vpop (xrf0);
	(xrf0) =	vadd.scan.msk.s32 $0xffff, v4  }
0x263: {  	v2 =	vmov s29;
	(v2sf) =	vpush v5, $0xF;
	v5 =	vadd.s32 s31, v5  }
0x264: {  	vm0 =	vle.s32 v5, v2  }
0x265: {  	v5 =	vsel vm0, $0x1, v0;
	_ =	sdelay $0x2  }
0x266: {  	(xrf0) =	vadd.scan.msk.s32 $0xffff, v5;
	v5, _, _ =	vpop (xrf0)  }
0x267: {  	(v2sf) =	vpush v5, $0xF  }
0x268: {  	s11 =	simm.s32 $0x11020  }
0x269: {  	v6 =	vld [tilespmem:s11+$0x0]  }
0x26a: {  	v3 =	vnsel vm0, $0x0, v3  }
0x26b: {  	(xrf0) =	vadd.scan.msk.s32 $0xffff, v3;
	_ =	sdelay $0x2  }
0x26c: {  	(xrf0) =	vadd.scan.msk.s32 $0xffff, v6;
	v3, _, _ =	vpop (xrf0)  }
0x26d: {  	(v2sf) =	vpush v3, $0xF  }
0x26e: {  	s12 =	spop (v2sf)  }
0x26f: {  	s2 =	simm.s32 $0x11030;
	v3, _, _ =	vpop (xrf0);
	s1 =	sadd.s32 $0x0, s12  }
0x270: {  	(v2sf) =	vpush v3, $0xF;
	v3 =	vld [tilespmem:s2+$0x0];
	v5 =	vadd.s32 s1, v5  }
0x271: {  	vm14 =	vle.s32 v5, v2  }
0x272: {  	v7, _, _ =	vpop (xrf0);
	v5 =	vsel vm14, $0x1, v0  }
0x273: {  	(v2sf) =	vpush v7, $0xF;
	v4 =	vnsel vm14, $0x0, v4;
	(xrf0) =	vadd.scan.msk.s32 $0xffff, v5  }
0x274: {  	(xrf0) =	vadd.scan.msk.s32 $0xffff, v4;
	s13 =	spop (v2sf)  }
0x275: {  	(xrf0) =	vadd.scan.msk.s32 $0xffff, v3;
	s5 =	sadd.s32 s1, s13  }
0x276: {  	v5 =	vadd.s32 s5, v7;
	_ =	sdelay $0x2  }
0x277: {  	s23 =	simm.s32 $0x11040;
	vm15 =	vle.s32 v5, v2;
	v5, _, _ =	vpop (xrf0)  }
0x278: {  	v4 =	vld [tilespmem:s23+$0x0];
	(v2sf) =	vpush v5, $0xF;
	v8, _, _ =	vpop (xrf0)  }
0x279: {  	v5, _, _ =	vpop (xrf0);
	(v2sf) =	vpush v8, $0xF  }
0x27a: {  	v7 =	vsel vm15, $0x1, v0;
	s6 =	spop (v2sf);
	(v2sf) =	vpush v5, $0xF  }
0x27b: {  	s30 =	simm.s32 $0xFFFFFFFF;
	v6 =	vnsel vm15, $0x0, v6;
	(xrf0) =	vadd.scan.msk.s32 $0xffff, v7  }
0x27c: {  	s3 =	simm.s32 $0x30;
	p1 =	por $0x1, $0x1;
	s0 =	simm.s32 $0x40;
	(xrf0) =	vadd.scan.msk.s32 $0xffff, v6  }
0x27d: {  	s9 =	simm.s32 $0x11050;
	s10 =	simm.s32 $0x50;
	s2 =	simm.s32 $0x10;
	(xrf0) =	vadd.scan.msk.s32 $0xffff, v4  }
0x27e: {  	s23 =	simm.s32 $0x20;
	s7 =	smov.u32 s5;
	p2 =	slt.s32 s6, $0x10  }
0x27f: {  	s8 =	spop (v2sf);
	s11 =	sadd.s32 $0x0, s6;
	p1 =	por !p1, !p2  }
0x280: {  	s6 =	simm.s32 $0x0;
	s12 =	spop (v2sf);
	p1 =	por !p1, !p1  }
.LBB2_84:
0x281: {  	p2 =	sne.s32 s10, $0xFF0;
	s5 =	sadd.s32 s5, s12;
	v6, _, _ =	vpop (xrf0);
	s30 =	smov.u32 @p1 s11  }
0x282: {  	s8 =	sadd.s32 s8, s6;
	s6 =	smov.u32 s1;
	s1 =	smov.u32 s7;
	v7 =	vld [tilespmem:s9+$0x0];
	v8 =	vadd.s32 s5, v5;
	(v2sf) =	vpush v6, $0xF;
	v6, _, _ =	vpop (xrf0)  }
0x283: {  	s11 =	smov.u32 s2;
	s8 =	ssub.s32 s29, s8;
	s7 =	smov.u32 s5;
	v5, _, _ =	vpop (xrf0);
	vm0 =	vle.s32 v8, v2;
	(v2sf) =	vpush v6, $0xF  }
0x284: {  	s2 =	smov.u32 s23;
	s23 =	smov.u32 s3;
	s31 =	smov.u32 @p1 s8;
	(v2sf) =	vpush v5, $0xF;
	v6 =	vsel vm0, $0x1, v0;
	v8 =	vnsel vm0, $0x0, v3;
	v3 =	vmovc v4  }
0x285: {  	s3 =	smov.u32 s0;
	s0 =	smov.u32 s10;
	(xrf0) =	vadd.scan.msk.s32 $0xffff, v6  }
.Ltmp41:
0x286: {  	(xrf0) =	vadd.scan.msk.s32 $0xffff, v8;
	(pc) =	sbr.rel @p2 .LBB2_84-.Ltmp41, $4  }
0x287: {  	(xrf0) =	vadd.scan.msk.s32 $0xffff, v7;
	s13 =	spop (v2sf);
	v4 =	vmov v7  }
0x288: {  	p1 =	slt.s32 s30, $0x0;
	p3 =	slt.s32 s13, $0x10;
	s8 =	spop (v2sf)  }
0x289: {  	s9 =	sadd.s32 $0x10, s9;
	s12 =	spop (v2sf);
	p1 =	por !p1, !p3  }
0x28a: {  	s10 =	sadd.s32 $0x10, s10;
	s11 =	sadd.s32 s11, s13;
	p1 =	por !p1, !p1  }
0x28b: {  	_ =	sdelay $0x4  }
0x28c: {  	s5 =	sadd.s32 s5, s12  }
0x28d: {  	v5 =	vadd.s32 s5, v5;
	s9 =	spop (v2sf)  }
0x28e: {  	v6, _, _ =	vpop (xrf0);
	vm0 =	vle.s32 v5, v2;
	s10 =	spop (v2sf)  }
0x28f: {  	v62, _, _ =	vpop (xrf0);
	v7 =	vsel vm0, $0x1, v0;
	s13 =	spop (v2sf)  }
0x290: {  	v8, _, _ =	vpop (xrf0);
	(xrf0) =	vadd.scan.msk.s32 $0xffff, v7;
	s12 =	sadd.s32 s5, s13  }
0x291: {  	v63 =	vadd.s32 s12, v8  }
0x292: {  	v3 =	vnsel vm0, $0x0, v3;
	vm15 =	vle.s32 v63, v2  }
0x293: {  	(xrf0) =	vadd.scan.msk.s32 $0xffff, v3;
	(v2sf) =	vpush v6, $0xF;
	v2 =	vsel vm15, $0x1, v0  }
0x294: {  	(xrf0) =	vadd.scan.msk.s32 $0xffff, v2  }
0x295: {  	(v2sf) =	vpush v62, $0xF;
	v2 =	vnsel vm15, $0x0, v4  }
0x296: {  	(v2sf) =	vpush v8, $0xF;
	v3, _, _ =	vpop (xrf0);
	(xrf0) =	vadd.scan.msk.s32 $0xffff, v2  }
0x297: {  	(v2sf) =	vpush v3, $0xF;
	_ =	sdelay $0x1  }
0x298: {  	v2, _, _ =	vpop (xrf0)  }
0x299: {  	(v2sf) =	vpush v2, $0xF;
	v2, _, _ =	vpop (xrf0)  }
0x29a: {  	(v2sf) =	vpush v2, $0xF  }
0x29b: {  	v2, _, _ =	vpop (xrf0)  }
0x29c: {  	(v2sf) =	vpush v2, $0xF  }
0x29d: {  	s30 =	smov.u32 @p1 s11  }
0x29e: {  	s6 =	sadd.s32 s8, s6;
	p2 =	slt.s32 s30, $0x0;
	p3 =	slt.s32 s9, $0x10  }
0x29f: {  	s6 =	ssub.s32 s29, s6;
	p2 =	por !p2, !p3  }
0x2a0: {  	s31 =	smov.u32 @p1 s6;
	s2 =	sadd.s32 s2, s9;
	p2 =	por !p2, !p2  }
0x2a1: {  	s1 =	sadd.s32 s10, s1;
	s30 =	smov.u32 @p2 s2;
	s11 =	spop (v2sf)  }
0x2a2: {  	s1 =	ssub.s32 s29, s1;
	p3 =	slt.s32 s30, $0x0;
	p4 =	slt.s32 s11, $0x10  }
0x2a3: {  	s31 =	smov.u32 @p2 s1;
	s13 =	spop (v2sf);
	p1 =	por !p3, !p4  }
0x2a4: {  	s2 =	sadd.s32 s23, s11;
	s6 =	spop (v2sf);
	p1 =	por !p1, !p1  }
0x2a5: {  	s1 =	sadd.s32 s13, s7;
	s30 =	smov.u32 @p1 s2;
	s9 =	spop (v2sf)  }
0x2a6: {  	s1 =	ssub.s32 s29, s1;
	p5 =	slt.s32 s30, $0x0;
	p6 =	slt.s32 s9, $0x10  }
0x2a7: {  	s31 =	smov.u32 @p1 s1;
	p4 =	por !p5, !p6  }
0x2a8: {  	s2 =	sadd.s32 s3, s9;
	p1 =	por !p4, !p4;
	s10 =	spop (v2sf)  }
0x2a9: {  	s30 =	smov.u32 @p1 s2;
	s11 =	spop (v2sf)  }
0x2aa: {  	p5 =	slt.s32 s30, $0x0;
	s1 =	sadd.s32 s10, s5;
	p6 =	slt.s32 s11, $0x10  }
0x2ab: {  	s1 =	ssub.s32 s29, s1;
	s13 =	spop (v2sf);
	p2 =	por !p5, !p6  }
0x2ac: {  	s0 =	sadd.s32 s0, s11;
	s23 =	sadd.s32 s13, s12;
	p2 =	por !p2, !p2  }
0x2ad: {  	s31 =	smov.u32 @p1 s1;
	s30 =	smov.u32 @p2 s0;
	s0 =	ssub.s32 s29, s23  }
0x2ae: {  	s1 =	simm.s32 $0x0;
	s31 =	smov.u32 @p2 s0;
	s0 =	simm.s32 $0x40  }
.LBB2_86:
0x2af: {  	p1 =	sne.s32 s0, $0x3FC0;
	[tilespmem:s1+$0x10000] =	vst v0;
	s1 =	smov.u32 s0;
	s0 =	sadd.s32 $0x40, s0  }
.Ltmp42:
0x2b0: {  	(pc) =	sbr.rel @p1 .LBB2_86-.Ltmp42, $2  }
0x2b1: {  	_ =	sdelay $0x2  }
0x2b2: {  	s1 =	sshra.s32 s1, $0x2  }
0x2b3: {  	[tilespmem:s1+$0x10000] =	vst v0;
	s0 =	simm.s32 $0x0;
	s23 =	rddreg [dreg:$0x4]  }
0x2b4: {  	[tilespmem:s0], [sflag:$0x1] =	stream.linear.gather [hbm4b:s23+s0], $0x10000, $0x38;
	[tilespmem:$0x14080] =	vst v63  }
0x2b5: {  	s29 =	sshll.u32 s28, $0xC;
	_ =	swait.ge [sflag:s24], $0x10000  }
0x2b6: {  	s1 =	simm.s32 $0x0;
	s0 =	sor.u32 s29, s30;
	[sflag:s24] =	ssyncset.done $0x0  }
0x2b7: {  	s13 =	smov.u32 s14;
	v2 =	vmov s0;
	s0 =	simm.s32 $0x40;
	[sflag:s24] =	ssyncadd.s32 $0xFFFF0000  }
.LBB2_88:
0x2b8: {  	p1 =	sne.s32 s0, $0x3FFC0;
	v3 =	vld [tilespmem:s1+$0x0];
	_ =	sdelay $0x4  }
0x2b9: {  	v4 =	vshrl.u32 v3, $0x6  }
0x2ba: {  	vm0 =	veq.s32 v4, v2  }
0x2bb: {  	v3 =	vand.u32 $0x3F, v3  }
.Ltmp43:
0x2bc: {  	(pc) =	sbr.rel @p1 .LBB2_88-.Ltmp43, $2  }
0x2bd: {  	_ =	sdelay $0x2  }
0x2be: {  	s1 =	sshra.s32 s0, $0x2;
	s0 =	sadd.s32 $0x40, s0;
	[tilespmem:v3+s25+$0x0] =	vst.idx.add.s32.msk vm0, v1  }
0x2bf: {  	v3 =	vld [tilespmem:s1+$0x0];
	_ =	sdelay $0x4  }
0x2c0: {  	v4 =	vshrl.u32 v3, $0x6  }
0x2c1: {  	vm0 =	veq.s32 v4, v2  }
0x2c2: {  	v3 =	vand.u32 $0x3F, v3;
	_ =	sdelay $0x4  }
0x2c3: {  	s0 =	simm.s32 $0x0;
	[tilespmem:v3+s25+$0x0] =	vst.idx.add.s32.msk vm0, v1  }
0x2c4: {  	[tilespmem:s0], [sflag:$0x1] =	stream.linear.gather [hbm4b:s15+s0], $0x10000, $0x38;
	[tilespmem:$0x14080] =	vst v63  }
0x2c5: {  	_ =	swait.ge [sflag:s24], $0x10000  }
0x2c6: {  	s14 =	smov.u32 s15;
	[sflag:s24] =	ssyncset.done $0x0  }
0x2c7: {  	s1 =	simm.s32 $0x0;
	s0 =	simm.s32 $0x40;
	[sflag:s24] =	ssyncadd.s32 $0xFFFF0000  }
.LBB2_90:
0x2c8: {  	p1 =	sne.s32 s0, $0x3FFC0;
	v3 =	vld [tilespmem:s1+$0x0];
	_ =	sdelay $0x4  }
0x2c9: {  	v4 =	vshrl.u32 v3, $0x6  }
0x2ca: {  	vm0 =	veq.s32 v4, v2  }
0x2cb: {  	v3 =	vand.u32 $0x3F, v3  }
.Ltmp44:
0x2cc: {  	(pc) =	sbr.rel @p1 .LBB2_90-.Ltmp44, $2  }
0x2cd: {  	_ =	sdelay $0x2  }
0x2ce: {  	s1 =	sshra.s32 s0, $0x2;
	s0 =	sadd.s32 $0x40, s0;
	[tilespmem:v3+s25+$0x0] =	vst.idx.add.s32.msk vm0, v1  }
0x2cf: {  	v3 =	vld [tilespmem:s1+$0x0];
	_ =	sdelay $0x4  }
0x2d0: {  	v4 =	vshrl.u32 v3, $0x6  }
0x2d1: {  	vm0 =	veq.s32 v4, v2  }
0x2d2: {  	v2 =	vand.u32 $0x3F, v3;
	_ =	sdelay $0x4  }
0x2d3: {  	[tilespmem:v2+s25+$0x0] =	vst.idx.add.s32.msk vm0, v1  }
0x2d4: {  	[spmem:s16] =	stream.linear.scatter [tilespmem:s25], [sflag:$0x1], $0x1000, $0x38;
	[tilespmem:$0x14080] =	vst v63  }
0x2d5: {  	_ =	swait.ge [sflag:s24], $0x1000  }
0x2d6: {  	[sflag:s24] =	ssyncset.done $0x0  }
0x2d7: {  	s15 =	smov.u32 s16;
	[sflag:s24] =	ssyncadd.s32 $0xFFFFF000  }
0x2d8: {  	s0 =	simm.s32 $0x40;
	s1 =	simm.s32 $0x0;
	[bflag:$0x0] =	sbarrier.arrive $0xFFFF  }
.LBB2_92:
0x2d9: {  	p1 =	sne.s32 s0, $0x3FC0;
	[tilespmem:s1+$0x11000] =	vst v0;
	s1 =	smov.u32 s0;
	s0 =	sadd.s32 $0x40, s0  }
.Ltmp45:
0x2da: {  	(pc) =	sbr.rel @p1 .LBB2_92-.Ltmp45, $2  }
0x2db: {  	_ =	sdelay $0x2  }
0x2dc: {  	s1 =	sshra.s32 s1, $0x2  }
0x2dd: {  	[tilespmem:s1+$0x11000] =	vst v0  }
0x2de: {  	[tilespmem:s26], [sflag:$0x1] =	stream.linear.gather [spmem:s13], $0x1000, $0x38;
	[tilespmem:$0x14080] =	vst v63  }
0x2df: {  	_ =	swait.ge [sflag:s24], $0x1000  }
0x2e0: {  	[sflag:s24] =	ssyncset.done $0x0  }
0x2e1: {  	s0 =	simm.s32 $0x0;
	[sflag:s24] =	ssyncadd.s32 $0xFFFFF000  }
0x2e2: {  	s1 =	simm.s32 $0x40;
	s16 =	smov.u32 s17;
	v2 =	vld [tilespmem:s0+$0x12000]  }
.LBB2_94:
0x2e3: {  	p1 =	sne.s32 s1, $0x3FC0;
	v3 =	vld [tilespmem:s0+$0x11000];
	_ =	sdelay $0x1  }
.Ltmp46:
0x2e4: {  	(pc) =	sbr.rel @p1 .LBB2_94-.Ltmp46, $3  }
0x2e5: {  	_ =	sdelay $0x1  }
0x2e6: {  	s2 =	sshra.s32 s1, $0x2;
	v3 =	vadd.s32 v3, v2  }
0x2e7: {  	s1 =	sadd.s32 $0x40, s1;
	v2 =	vld [tilespmem:s2+$0x12000];
	[tilespmem:s0+$0x11000] =	vst v3;
	s0 =	smov.u32 s2  }
0x2e8: {  	v3 =	vld [tilespmem:s0+$0x11000];
	_ =	sdelay $0x4  }
0x2e9: {  	v2 =	vadd.s32 v3, v2  }
0x2ea: {  	[tilespmem:s0+$0x11000] =	vst v2  }
0x2eb: {  	[tilespmem:s26], [sflag:$0x1] =	stream.linear.gather [spmem:s16], $0x1000, $0x38;
	[tilespmem:$0x14080] =	vst v63  }
0x2ec: {  	_ =	swait.ge [sflag:s24], $0x1000  }
0x2ed: {  	[sflag:s24] =	ssyncset.done $0x0  }
0x2ee: {  	s0 =	simm.s32 $0x0;
	[sflag:s24] =	ssyncadd.s32 $0xFFFFF000  }
0x2ef: {  	s1 =	simm.s32 $0x40;
	s17 =	smov.u32 s18;
	v2 =	vld [tilespmem:s0+$0x12000]  }
.LBB2_96:
0x2f0: {  	p1 =	sne.s32 s1, $0x3FC0;
	v3 =	vld [tilespmem:s0+$0x11000];
	_ =	sdelay $0x1  }
.Ltmp47:
0x2f1: {  	(pc) =	sbr.rel @p1 .LBB2_96-.Ltmp47, $3  }
0x2f2: {  	_ =	sdelay $0x1  }
0x2f3: {  	s2 =	sshra.s32 s1, $0x2;
	v3 =	vadd.s32 v3, v2  }
0x2f4: {  	s1 =	sadd.s32 $0x40, s1;
	v2 =	vld [tilespmem:s2+$0x12000];
	[tilespmem:s0+$0x11000] =	vst v3;
	s0 =	smov.u32 s2  }
0x2f5: {  	v3 =	vld [tilespmem:s0+$0x11000];
	_ =	sdelay $0x4  }
0x2f6: {  	v2 =	vadd.s32 v3, v2  }
0x2f7: {  	[tilespmem:s0+$0x11000] =	vst v2  }
0x2f8: {  	[tilespmem:s26], [sflag:$0x1] =	stream.linear.gather [spmem:s17], $0x1000, $0x38;
	[tilespmem:$0x14080] =	vst v63  }
0x2f9: {  	_ =	swait.ge [sflag:s24], $0x1000  }
0x2fa: {  	[sflag:s24] =	ssyncset.done $0x0  }
0x2fb: {  	s0 =	simm.s32 $0x0;
	[sflag:s24] =	ssyncadd.s32 $0xFFFFF000  }
0x2fc: {  	s1 =	simm.s32 $0x40;
	s18 =	smov.u32 s19;
	v2 =	vld [tilespmem:s0+$0x12000]  }
.LBB2_98:
0x2fd: {  	p1 =	sne.s32 s1, $0x3FC0;
	v3 =	vld [tilespmem:s0+$0x11000];
	_ =	sdelay $0x1  }
.Ltmp48:
0x2fe: {  	(pc) =	sbr.rel @p1 .LBB2_98-.Ltmp48, $3  }
0x2ff: {  	_ =	sdelay $0x1  }
0x300: {  	s2 =	sshra.s32 s1, $0x2;
	v3 =	vadd.s32 v3, v2  }
0x301: {  	s1 =	sadd.s32 $0x40, s1;
	v2 =	vld [tilespmem:s2+$0x12000];
	[tilespmem:s0+$0x11000] =	vst v3;
	s0 =	smov.u32 s2  }
0x302: {  	v3 =	vld [tilespmem:s0+$0x11000];
	_ =	sdelay $0x4  }
0x303: {  	v2 =	vadd.s32 v3, v2  }
0x304: {  	[tilespmem:s0+$0x11000] =	vst v2  }
0x305: {  	[tilespmem:s26], [sflag:$0x1] =	stream.linear.gather [spmem:s18], $0x1000, $0x38;
	[tilespmem:$0x14080] =	vst v63  }
0x306: {  	_ =	swait.ge [sflag:s24], $0x1000  }
0x307: {  	[sflag:s24] =	ssyncset.done $0x0  }
0x308: {  	s0 =	simm.s32 $0x0;
	[sflag:s24] =	ssyncadd.s32 $0xFFFFF000  }
0x309: {  	s1 =	simm.s32 $0x40;
	s19 =	smov.u32 s20;
	v2 =	vld [tilespmem:s0+$0x12000]  }
.LBB2_100:
0x30a: {  	p1 =	sne.s32 s1, $0x3FC0;
	v3 =	vld [tilespmem:s0+$0x11000];
	_ =	sdelay $0x1  }
.Ltmp49:
0x30b: {  	(pc) =	sbr.rel @p1 .LBB2_100-.Ltmp49, $3  }
0x30c: {  	_ =	sdelay $0x1  }
0x30d: {  	s2 =	sshra.s32 s1, $0x2;
	v3 =	vadd.s32 v3, v2  }
0x30e: {  	s1 =	sadd.s32 $0x40, s1;
	v2 =	vld [tilespmem:s2+$0x12000];
	[tilespmem:s0+$0x11000] =	vst v3;
	s0 =	smov.u32 s2  }
0x30f: {  	v3 =	vld [tilespmem:s0+$0x11000];
	_ =	sdelay $0x4  }
0x310: {  	v2 =	vadd.s32 v3, v2  }
0x311: {  	[tilespmem:s0+$0x11000] =	vst v2  }
0x312: {  	[tilespmem:s26], [sflag:$0x1] =	stream.linear.gather [spmem:s19], $0x1000, $0x38;
	[tilespmem:$0x14080] =	vst v63  }
0x313: {  	_ =	swait.ge [sflag:s24], $0x1000  }
0x314: {  	[sflag:s24] =	ssyncset.done $0x0  }
0x315: {  	s0 =	simm.s32 $0x0;
	[sflag:s24] =	ssyncadd.s32 $0xFFFFF000  }
0x316: {  	s1 =	simm.s32 $0x40;
	s20 =	smov.u32 s21;
	v2 =	vld [tilespmem:s0+$0x12000]  }
.LBB2_102:
0x317: {  	p1 =	sne.s32 s1, $0x3FC0;
	v3 =	vld [tilespmem:s0+$0x11000];
	_ =	sdelay $0x1  }
.Ltmp50:
0x318: {  	(pc) =	sbr.rel @p1 .LBB2_102-.Ltmp50, $3  }
0x319: {  	_ =	sdelay $0x1  }
0x31a: {  	s2 =	sshra.s32 s1, $0x2;
	v3 =	vadd.s32 v3, v2  }
0x31b: {  	s1 =	sadd.s32 $0x40, s1;
	v2 =	vld [tilespmem:s2+$0x12000];
	[tilespmem:s0+$0x11000] =	vst v3;
	s0 =	smov.u32 s2  }
0x31c: {  	v3 =	vld [tilespmem:s0+$0x11000];
	_ =	sdelay $0x4  }
0x31d: {  	v2 =	vadd.s32 v3, v2  }
0x31e: {  	[tilespmem:s0+$0x11000] =	vst v2  }
0x31f: {  	[tilespmem:s26], [sflag:$0x1] =	stream.linear.gather [spmem:s20], $0x1000, $0x38;
	[tilespmem:$0x14080] =	vst v63  }
0x320: {  	_ =	swait.ge [sflag:s24], $0x1000  }
0x321: {  	[sflag:s24] =	ssyncset.done $0x0  }
0x322: {  	s0 =	simm.s32 $0x0;
	[sflag:s24] =	ssyncadd.s32 $0xFFFFF000  }
0x323: {  	s1 =	simm.s32 $0x40;
	s21 =	smov.u32 s22;
	v2 =	vld [tilespmem:s0+$0x12000]  }
.LBB2_104:
0x324: {  	p1 =	sne.s32 s1, $0x3FC0;
	v3 =	vld [tilespmem:s0+$0x11000];
	_ =	sdelay $0x1  }
.Ltmp51:
0x325: {  	(pc) =	sbr.rel @p1 .LBB2_104-.Ltmp51, $3  }
0x326: {  	_ =	sdelay $0x1  }
0x327: {  	s2 =	sshra.s32 s1, $0x2;
	v3 =	vadd.s32 v3, v2  }
0x328: {  	s1 =	sadd.s32 $0x40, s1;
	v2 =	vld [tilespmem:s2+$0x12000];
	[tilespmem:s0+$0x11000] =	vst v3;
	s0 =	smov.u32 s2  }
0x329: {  	v3 =	vld [tilespmem:s0+$0x11000];
	_ =	sdelay $0x4  }
0x32a: {  	v2 =	vadd.s32 v3, v2  }
0x32b: {  	[tilespmem:s0+$0x11000] =	vst v2  }
0x32c: {  	[tilespmem:s26], [sflag:$0x1] =	stream.linear.gather [spmem:s21], $0x1000, $0x38;
	[tilespmem:$0x14080] =	vst v63  }
0x32d: {  	_ =	swait.ge [sflag:s24], $0x1000  }
0x32e: {  	[sflag:s24] =	ssyncset.done $0x0  }
0x32f: {  	s0 =	simm.s32 $0x0;
	[sflag:s24] =	ssyncadd.s32 $0xFFFFF000  }
0x330: {  	s1 =	simm.s32 $0x40;
	v2 =	vld [tilespmem:s0+$0x12000]  }
.LBB2_106:
0x331: {  	p1 =	sne.s32 s1, $0x3FC0;
	v3 =	vld [tilespmem:s0+$0x11000];
	_ =	sdelay $0x1  }
.Ltmp52:
0x332: {  	(pc) =	sbr.rel @p1 .LBB2_106-.Ltmp52, $3  }
0x333: {  	_ =	sdelay $0x1  }
0x334: {  	s2 =	sshra.s32 s1, $0x2;
	v3 =	vadd.s32 v3, v2  }
0x335: {  	s1 =	sadd.s32 $0x40, s1;
	v2 =	vld [tilespmem:s2+$0x12000];
	[tilespmem:s0+$0x11000] =	vst v3;
	s0 =	smov.u32 s2  }
0x336: {  	v3 =	vld [tilespmem:s0+$0x11000];
	_ =	sdelay $0x4  }
0x337: {  	v2 =	vadd.s32 v3, v2  }
0x338: {  	s29 =	rddreg [dreg:$0x5];
	[tilespmem:s0+$0x11000] =	vst v2  }
0x339: {  	[tilespmem:s26], [sflag:$0x1] =	stream.linear.gather [spmem:s29], $0x1000, $0x38;
	[tilespmem:$0x14080] =	vst v63  }
0x33a: {  	_ =	swait.ge [sflag:s24], $0x1000  }
0x33b: {  	[sflag:s24] =	ssyncset.done $0x0  }
0x33c: {  	s0 =	simm.s32 $0x0;
	[sflag:s24] =	ssyncadd.s32 $0xFFFFF000  }
0x33d: {  	s1 =	simm.s32 $0x40;
	v2 =	vld [tilespmem:s0+$0x12000]  }
.LBB2_108:
0x33e: {  	p1 =	sne.s32 s1, $0x3FC0;
	v3 =	vld [tilespmem:s0+$0x11000];
	_ =	sdelay $0x1  }
.Ltmp53:
0x33f: {  	(pc) =	sbr.rel @p1 .LBB2_108-.Ltmp53, $3  }
0x340: {  	_ =	sdelay $0x1  }
0x341: {  	s2 =	sshra.s32 s1, $0x2;
	v3 =	vadd.s32 v3, v2  }
0x342: {  	s1 =	sadd.s32 $0x40, s1;
	v2 =	vld [tilespmem:s2+$0x12000];
	[tilespmem:s0+$0x11000] =	vst v3;
	s0 =	smov.u32 s2  }
0x343: {  	v3 =	vld [tilespmem:s0+$0x11000];
	_ =	sdelay $0x4  }
0x344: {  	v2 =	vadd.s32 v3, v2  }
0x345: {  	s29 =	rddreg [dreg:$0x6];
	[tilespmem:s0+$0x11000] =	vst v2  }
0x346: {  	[tilespmem:s26], [sflag:$0x1] =	stream.linear.gather [spmem:s29], $0x1000, $0x38;
	[tilespmem:$0x14080] =	vst v63  }
0x347: {  	_ =	swait.ge [sflag:s24], $0x1000  }
0x348: {  	[sflag:s24] =	ssyncset.done $0x0  }
0x349: {  	s0 =	simm.s32 $0x0;
	[sflag:s24] =	ssyncadd.s32 $0xFFFFF000  }
0x34a: {  	s1 =	simm.s32 $0x40;
	v2 =	vld [tilespmem:s0+$0x12000]  }
.LBB2_110:
0x34b: {  	p1 =	sne.s32 s1, $0x3FC0;
	v3 =	vld [tilespmem:s0+$0x11000];
	_ =	sdelay $0x1  }
.Ltmp54:
0x34c: {  	(pc) =	sbr.rel @p1 .LBB2_110-.Ltmp54, $3  }
0x34d: {  	_ =	sdelay $0x1  }
0x34e: {  	s2 =	sshra.s32 s1, $0x2;
	v3 =	vadd.s32 v3, v2  }
0x34f: {  	s1 =	sadd.s32 $0x40, s1;
	v2 =	vld [tilespmem:s2+$0x12000];
	[tilespmem:s0+$0x11000] =	vst v3;
	s0 =	smov.u32 s2  }
0x350: {  	v3 =	vld [tilespmem:s0+$0x11000];
	_ =	sdelay $0x4  }
0x351: {  	v2 =	vadd.s32 v3, v2  }
0x352: {  	s29 =	rddreg [dreg:$0x7];
	[tilespmem:s0+$0x11000] =	vst v2  }
0x353: {  	[tilespmem:s26], [sflag:$0x1] =	stream.linear.gather [spmem:s29], $0x1000, $0x38;
	[tilespmem:$0x14080] =	vst v63  }
0x354: {  	_ =	swait.ge [sflag:s24], $0x1000  }
0x355: {  	[sflag:s24] =	ssyncset.done $0x0  }
0x356: {  	s0 =	simm.s32 $0x0;
	[sflag:s24] =	ssyncadd.s32 $0xFFFFF000  }
0x357: {  	s1 =	simm.s32 $0x40;
	v2 =	vld [tilespmem:s0+$0x12000]  }
.LBB2_112:
0x358: {  	p1 =	sne.s32 s1, $0x3FC0;
	v3 =	vld [tilespmem:s0+$0x11000];
	_ =	sdelay $0x1  }
.Ltmp55:
0x359: {  	(pc) =	sbr.rel @p1 .LBB2_112-.Ltmp55, $3  }
0x35a: {  	_ =	sdelay $0x1  }
0x35b: {  	s2 =	sshra.s32 s1, $0x2;
	v3 =	vadd.s32 v3, v2  }
0x35c: {  	s1 =	sadd.s32 $0x40, s1;
	v2 =	vld [tilespmem:s2+$0x12000];
	[tilespmem:s0+$0x11000] =	vst v3;
	s0 =	smov.u32 s2  }
0x35d: {  	v3 =	vld [tilespmem:s0+$0x11000];
	_ =	sdelay $0x4  }
0x35e: {  	v2 =	vadd.s32 v3, v2  }
0x35f: {  	s29 =	rddreg [dreg:$0x8];
	[tilespmem:s0+$0x11000] =	vst v2  }
0x360: {  	[tilespmem:s26], [sflag:$0x1] =	stream.linear.gather [spmem:s29], $0x1000, $0x38;
	[tilespmem:$0x14080] =	vst v63  }
0x361: {  	_ =	swait.ge [sflag:s24], $0x1000  }
0x362: {  	[sflag:s24] =	ssyncset.done $0x0  }
0x363: {  	s0 =	simm.s32 $0x0;
	[sflag:s24] =	ssyncadd.s32 $0xFFFFF000  }
0x364: {  	s1 =	simm.s32 $0x40;
	v2 =	vld [tilespmem:s0+$0x12000]  }
.LBB2_114:
0x365: {  	p1 =	sne.s32 s1, $0x3FC0;
	v3 =	vld [tilespmem:s0+$0x11000];
	_ =	sdelay $0x1  }
.Ltmp56:
0x366: {  	(pc) =	sbr.rel @p1 .LBB2_114-.Ltmp56, $3  }
0x367: {  	_ =	sdelay $0x1  }
0x368: {  	s2 =	sshra.s32 s1, $0x2;
	v3 =	vadd.s32 v3, v2  }
0x369: {  	s1 =	sadd.s32 $0x40, s1;
	v2 =	vld [tilespmem:s2+$0x12000];
	[tilespmem:s0+$0x11000] =	vst v3;
	s0 =	smov.u32 s2  }
0x36a: {  	v3 =	vld [tilespmem:s0+$0x11000];
	_ =	sdelay $0x4  }
0x36b: {  	v2 =	vadd.s32 v3, v2  }
0x36c: {  	s29 =	rddreg [dreg:$0x9];
	[tilespmem:s0+$0x11000] =	vst v2  }
0x36d: {  	[tilespmem:s26], [sflag:$0x1] =	stream.linear.gather [spmem:s29], $0x1000, $0x38;
	[tilespmem:$0x14080] =	vst v63  }
0x36e: {  	_ =	swait.ge [sflag:s24], $0x1000  }
0x36f: {  	[sflag:s24] =	ssyncset.done $0x0  }
0x370: {  	s0 =	simm.s32 $0x0;
	[sflag:s24] =	ssyncadd.s32 $0xFFFFF000  }
0x371: {  	s1 =	simm.s32 $0x40;
	v2 =	vld [tilespmem:s0+$0x12000]  }
.LBB2_116:
0x372: {  	p1 =	sne.s32 s1, $0x3FC0;
	v3 =	vld [tilespmem:s0+$0x11000];
	_ =	sdelay $0x1  }
.Ltmp57:
0x373: {  	(pc) =	sbr.rel @p1 .LBB2_116-.Ltmp57, $3  }
0x374: {  	_ =	sdelay $0x1  }
0x375: {  	s2 =	sshra.s32 s1, $0x2;
	v3 =	vadd.s32 v3, v2  }
0x376: {  	s1 =	sadd.s32 $0x40, s1;
	v2 =	vld [tilespmem:s2+$0x12000];
	[tilespmem:s0+$0x11000] =	vst v3;
	s0 =	smov.u32 s2  }
0x377: {  	v3 =	vld [tilespmem:s0+$0x11000];
	_ =	sdelay $0x4  }
0x378: {  	v2 =	vadd.s32 v3, v2  }
0x379: {  	s29 =	rddreg [dreg:$0xa];
	[tilespmem:s0+$0x11000] =	vst v2  }
0x37a: {  	[tilespmem:s26], [sflag:$0x1] =	stream.linear.gather [spmem:s29], $0x1000, $0x38;
	[tilespmem:$0x14080] =	vst v63  }
0x37b: {  	_ =	swait.ge [sflag:s24], $0x1000  }
0x37c: {  	[sflag:s24] =	ssyncset.done $0x0  }
0x37d: {  	s0 =	simm.s32 $0x0;
	[sflag:s24] =	ssyncadd.s32 $0xFFFFF000  }
0x37e: {  	s1 =	simm.s32 $0x40;
	v2 =	vld [tilespmem:s0+$0x12000]  }
.LBB2_118:
0x37f: {  	p1 =	sne.s32 s1, $0x3FC0;
	v3 =	vld [tilespmem:s0+$0x11000];
	_ =	sdelay $0x1  }
.Ltmp58:
0x380: {  	(pc) =	sbr.rel @p1 .LBB2_118-.Ltmp58, $3  }
0x381: {  	_ =	sdelay $0x1  }
0x382: {  	s2 =	sshra.s32 s1, $0x2;
	v3 =	vadd.s32 v3, v2  }
0x383: {  	s1 =	sadd.s32 $0x40, s1;
	v2 =	vld [tilespmem:s2+$0x12000];
	[tilespmem:s0+$0x11000] =	vst v3;
	s0 =	smov.u32 s2  }
0x384: {  	v3 =	vld [tilespmem:s0+$0x11000];
	_ =	sdelay $0x4  }
0x385: {  	v2 =	vadd.s32 v3, v2  }
0x386: {  	s29 =	rddreg [dreg:$0xb];
	[tilespmem:s0+$0x11000] =	vst v2  }
0x387: {  	[tilespmem:s26], [sflag:$0x1] =	stream.linear.gather [spmem:s29], $0x1000, $0x38;
	[tilespmem:$0x14080] =	vst v63  }
0x388: {  	_ =	swait.ge [sflag:s24], $0x1000  }
0x389: {  	[sflag:s24] =	ssyncset.done $0x0  }
0x38a: {  	s0 =	simm.s32 $0x0;
	[sflag:s24] =	ssyncadd.s32 $0xFFFFF000  }
0x38b: {  	s1 =	simm.s32 $0x40;
	v2 =	vld [tilespmem:s0+$0x12000]  }
.LBB2_120:
0x38c: {  	p1 =	sne.s32 s1, $0x3FC0;
	v3 =	vld [tilespmem:s0+$0x11000];
	_ =	sdelay $0x1  }
.Ltmp59:
0x38d: {  	(pc) =	sbr.rel @p1 .LBB2_120-.Ltmp59, $3  }
0x38e: {  	_ =	sdelay $0x1  }
0x38f: {  	s2 =	sshra.s32 s1, $0x2;
	v3 =	vadd.s32 v3, v2  }
0x390: {  	s1 =	sadd.s32 $0x40, s1;
	v2 =	vld [tilespmem:s2+$0x12000];
	[tilespmem:s0+$0x11000] =	vst v3;
	s0 =	smov.u32 s2  }
0x391: {  	v3 =	vld [tilespmem:s0+$0x11000];
	_ =	sdelay $0x4  }
0x392: {  	v2 =	vadd.s32 v3, v2  }
0x393: {  	s29 =	rddreg [dreg:$0xc];
	[tilespmem:s0+$0x11000] =	vst v2  }
0x394: {  	[tilespmem:s26], [sflag:$0x1] =	stream.linear.gather [spmem:s29], $0x1000, $0x38;
	[tilespmem:$0x14080] =	vst v63  }
0x395: {  	_ =	swait.ge [sflag:s24], $0x1000  }
0x396: {  	[sflag:s24] =	ssyncset.done $0x0  }
0x397: {  	s0 =	simm.s32 $0x0;
	[sflag:s24] =	ssyncadd.s32 $0xFFFFF000  }
0x398: {  	s1 =	simm.s32 $0x40;
	v2 =	vld [tilespmem:s0+$0x12000]  }
.LBB2_122:
0x399: {  	p1 =	sne.s32 s1, $0x3FC0;
	v3 =	vld [tilespmem:s0+$0x11000];
	_ =	sdelay $0x1  }
.Ltmp60:
0x39a: {  	(pc) =	sbr.rel @p1 .LBB2_122-.Ltmp60, $3  }
0x39b: {  	_ =	sdelay $0x1  }
0x39c: {  	s2 =	sshra.s32 s1, $0x2;
	v3 =	vadd.s32 v3, v2  }
0x39d: {  	s1 =	sadd.s32 $0x40, s1;
	v2 =	vld [tilespmem:s2+$0x12000];
	[tilespmem:s0+$0x11000] =	vst v3;
	s0 =	smov.u32 s2  }
0x39e: {  	v3 =	vld [tilespmem:s0+$0x11000];
	_ =	sdelay $0x4  }
0x39f: {  	v2 =	vadd.s32 v3, v2  }
0x3a0: {  	s29 =	rddreg [dreg:$0xd];
	[tilespmem:s0+$0x11000] =	vst v2  }
0x3a1: {  	[tilespmem:s26], [sflag:$0x1] =	stream.linear.gather [spmem:s29], $0x1000, $0x38;
	[tilespmem:$0x14080] =	vst v63  }
0x3a2: {  	_ =	swait.ge [sflag:s24], $0x1000  }
0x3a3: {  	[sflag:s24] =	ssyncset.done $0x0  }
0x3a4: {  	s0 =	simm.s32 $0x0;
	[sflag:s24] =	ssyncadd.s32 $0xFFFFF000  }
0x3a5: {  	s1 =	simm.s32 $0x40;
	v2 =	vld [tilespmem:s0+$0x12000]  }
.LBB2_124:
0x3a6: {  	p1 =	sne.s32 s1, $0x3FC0;
	v3 =	vld [tilespmem:s0+$0x11000];
	_ =	sdelay $0x1  }
.Ltmp61:
0x3a7: {  	(pc) =	sbr.rel @p1 .LBB2_124-.Ltmp61, $3  }
0x3a8: {  	_ =	sdelay $0x1  }
0x3a9: {  	s2 =	sshra.s32 s1, $0x2;
	v3 =	vadd.s32 v3, v2  }
0x3aa: {  	s1 =	sadd.s32 $0x40, s1;
	v2 =	vld [tilespmem:s2+$0x12000];
	[tilespmem:s0+$0x11000] =	vst v3;
	s0 =	smov.u32 s2  }
0x3ab: {  	v3 =	vld [tilespmem:s0+$0x11000];
	_ =	sdelay $0x4  }
0x3ac: {  	v2 =	vadd.s32 v3, v2  }
0x3ad: {  	[tilespmem:s0+$0x11000] =	vst v2  }
0x3ae: {  	s22 =	simm.s32 $0x11000;
	[bflag:$0x0] =	sbarrier.arrive $0xFFFF  }
0x3af: {  	v2 =	vld [tilespmem:s22+$0x0];
	_ =	sdelay $0x4  }
0x3b0: {  	(xrf0) =	vadd.scan.msk.s32 $0xffff, v2;
	_ =	sdelay $0x5  }
0x3b1: {  	v3, _, _ =	vpop (xrf0)  }
0x3b2: {  	(v2sf) =	vpush v3, $0xF  }
0x3b3: {  	s23 =	simm.s32 $0x11010  }
0x3b4: {  	v2 =	vld [tilespmem:s23+$0x0];
	_ =	sdelay $0x4  }
0x3b5: {  	(xrf0) =	vadd.scan.msk.s32 $0xffff, v2;
	_ =	sdelay $0x2  }
0x3b6: {  	s2 =	simm.s32 $0x0  }
0x3b7: {  	s29 =	simm.s32 $0x11020;
	v2 =	vmov s31;
	v3 =	vadd.s32 s2, v3  }
0x3b8: {  	v5 =	vld [tilespmem:s29+$0x0];
	vm0 =	vle.s32 v3, v2  }
0x3b9: {  	v3 =	vsel vm0, $0x1, v0;
	v4, _, _ =	vpop (xrf0)  }
0x3ba: {  	(xrf0) =	vadd.scan.msk.s32 $0xffff, v3;
	(v2sf) =	vpush v4, $0xF  }
0x3bb: {  	s31 =	spop (v2sf)  }
0x3bc: {  	s6 =	sadd.s32 $0x0, s31  }
0x3bd: {  	(xrf0) =	vadd.scan.msk.s32 $0xffff, v5;
	v3 =	vadd.s32 s6, v4;
	_ =	sdelay $0x2  }
0x3be: {  	vm15 =	vle.s32 v3, v2;
	v3, _, _ =	vpop (xrf0)  }
0x3bf: {  	s7 =	simm.s32 $0x11030;
	(v2sf) =	vpush v3, $0xF  }
0x3c0: {  	v5 =	vld [tilespmem:s7+$0x0]  }
0x3c1: {  	v4 =	vsel vm15, $0x1, v0;
	v3, _, _ =	vpop (xrf0)  }
0x3c2: {  	(xrf0) =	vadd.scan.msk.s32 $0xffff, v4;
	(v2sf) =	vpush v3, $0xF;
	_ =	sdelay $0x2  }
0x3c3: {  	(xrf0) =	vadd.scan.msk.s32 $0xffff, v5  }
0x3c4: {  	s5 =	simm.s32 $0x10;
	s3 =	simm.s32 $0x20;
	s1 =	simm.s32 $0x30  }
0x3c5: {  	s8 =	simm.s32 $0x40;
	s0 =	simm.s32 $0xFFFFFFFF;
	s9 =	spop (v2sf)  }
.LBB2_126:
0x3c6: {  	p1 =	sne.s32 s8, $0xFF0;
	s6 =	sadd.s32 s6, s9;
	v4, _, _ =	vpop (xrf0);
	s9 =	smov.u32 s3  }
0x3c7: {  	s7 =	sadd.s32 $0x10, s7;
	s3 =	smov.u32 s1;
	s1 =	smov.u32 s8;
	v5 =	vadd.s32 s6, v3;
	(v2sf) =	vpush v4, $0xF  }
0x3c8: {  	v4 =	vld [tilespmem:s7+$0x0];
	vm0 =	vle.s32 v5, v2  }
0x3c9: {  	v3, _, _ =	vpop (xrf0);
	v5 =	vsel vm0, $0x1, v0  }
0x3ca: {  	(v2sf) =	vpush v3, $0xF;
	(xrf0) =	vadd.scan.msk.s32 $0xffff, v5  }
.Ltmp62:
0x3cb: {  	(pc) =	sbr.rel @p1 .LBB2_126-.Ltmp62, $4  }
0x3cc: {  	s11 =	smov.u32 s0;
	s10 =	spop (v2sf)  }
0x3cd: {  	(xrf0) =	vadd.scan.msk.s32 $0xffff, v4;
	p2 =	slt.s32 s10, $0x10;
	s10 =	sadd.s32 s2, s10;
	s2 =	smov.u32 s5  }
0x3ce: {  	p3 =	slt.s32 s0, $0x0;
	s5 =	smov.u32 s9;
	s11 =	smov.u32 @p2 s10  }
0x3cf: {  	s8 =	sadd.s32 $0x10, s8;
	s9 =	spop (v2sf);
	s0 =	smov.u32 @p3 s11  }
0x3d0: {  	_ =	sdelay $0x5  }
0x3d1: {  	s6 =	sadd.s32 s6, s9  }
0x3d2: {  	v3 =	vadd.s32 s6, v3  }
0x3d3: {  	s7 =	spop (v2sf)  }
0x3d4: {  	v4, _, _ =	vpop (xrf0);
	vm0 =	vle.s32 v3, v2;
	s8 =	spop (v2sf)  }
0x3d5: {  	v5 =	vsel vm0, $0x1, v0;
	v3, _, _ =	vpop (xrf0);
	s6 =	sadd.s32 s6, s8  }
0x3d6: {  	(xrf0) =	vadd.scan.msk.s32 $0xffff, v5;
	v63 =	vadd.s32 s6, v3  }
0x3d7: {  	vm15 =	vle.s32 v63, v2  }
0x3d8: {  	v2 =	vsel vm15, $0x1, v0  }
0x3d9: {  	(xrf0) =	vadd.scan.msk.s32 $0xffff, v2  }
0x3da: {  	(v2sf) =	vpush v4, $0xF;
	_ =	sdelay $0x1  }
0x3db: {  	(v2sf) =	vpush v3, $0xF;
	v2, _, _ =	vpop (xrf0)  }
0x3dc: {  	(v2sf) =	vpush v2, $0xF;
	_ =	sdelay $0x1  }
0x3dd: {  	v2, _, _ =	vpop (xrf0)  }
0x3de: {  	(v2sf) =	vpush v2, $0xF;
	_ =	sdelay $0x6  }
0x3df: {  	p1 =	slt.s32 s7, $0x10;
	s2 =	sadd.s32 s2, s7;
	s6 =	smov.u32 s0  }
0x3e0: {  	p2 =	slt.s32 s0, $0x0;
	s6 =	smov.u32 @p1 s2  }
0x3e1: {  	s0 =	smov.u32 @p2 s6;
	s22 =	spop (v2sf)  }
0x3e2: {  	p1 =	slt.s32 s22, $0x10;
	s2 =	sadd.s32 s5, s22;
	s5 =	smov.u32 s0  }
0x3e3: {  	p2 =	slt.s32 s0, $0x0;
	s5 =	smov.u32 @p1 s2;
	s23 =	spop (v2sf)  }
0x3e4: {  	s0 =	smov.u32 @p2 s5;
	s2 =	spop (v2sf)  }
0x3e5: {  	p1 =	slt.s32 s2, $0x10;
	s2 =	sadd.s32 s3, s2;
	s3 =	smov.u32 s0  }
0x3e6: {  	p2 =	slt.s32 s0, $0x0;
	s3 =	smov.u32 @p1 s2  }
0x3e7: {  	s0 =	smov.u32 @p2 s3;
	s3 =	sshll.u32 @!p0 s30, $0x6;
	s29 =	spop (v2sf)  }
0x3e8: {  	s2 =	smov.u32 s0;
	p1 =	slt.s32 s29, $0x10;
	s1 =	sadd.s32 s1, s29  }
0x3e9: {  	p2 =	slt.s32 s0, $0x0;
	s2 =	smov.u32 @p1 s1;
	s1 =	sshll.u32 @!p0 s28, $0x12  }
0x3ea: {  	s0 =	smov.u32 @p2 s2;
	s1 =	sor.u32 @!p0 s1, s3  }
0x3eb: {  	s0 =	sor.u32 @!p0 s0, s1  }
0x3ec: {  	v2 =	vmov @!p0 s0  }
0x3ed: {  	s2 =	rddreg [dreg:$0x1];
	s1 =	simm.s32 @!p0 $0x13000;
	s0 =	simm.s32 @!p0 $0x0;
	[tilespmem:$0x13000] =	vst @!p0 v2  }
0x3ee: {  	[hbm4b:s2+s0] =	stream.linear.scatter @!p0 [tilespmem:s1], [sflag:$0x1], $0x80, $0x38;
	[tilespmem:$0x14080] =	vst v63  }
0x3ef: {  	s0 =	simm.s32 @!p0 $0x1  }
0x3f0: {  	_ =	swait.ge @!p0 [sflag:s0], $0x80  }
0x3f1: {  	s4 =	sadd.s32 $0x1, s4;
	s31 =	rddreg [dreg:$0xe]  }
0x3f2: {  	p1 =	sne.s32 s4, s31  }
.Ltmp63:
0x3f3: {  	_ = 	snop;
	(pc) =	sbr.rel @p1 .LBB2_1-.Ltmp63, $3  }
0x3f4: {  	_ =	sdelay $0x1  }
0x3f5: {  	[sflag:s0] =	ssyncset.done @!p0 $0x0  }
0x3f6: {  	[sflag:s0] =	ssyncadd.s32 @!p0 $0xFFFFFF80  }
0x3f7: {  	_ =	sfence.sel $0x180000  }
0x3f8: {  	[bflag:$0x0] =	sbarrier.arrive $0xFFFF  }
0x3f9: {  	_ =	strace $0x90000047  }
0x3fa: {  	s0 =	stileid.u32;
	[bflag:$0x2] =	sbarrier.arrive $0xFFFF  }
0x3fb: {  	p0 =	sne.s32 s0, $0x0;
	s0 =	rddreg [dreg:$0x3]  }
0x3fc: {  	s0 =	sadd.s32 @!p0 $0x100000, s0  }
0x3fd: {  	[sflag:s0] =	ssyncadd.tile.s32 @!p0 $0x1;
	_ =	shalt  }
.Lfunc_end2:
_tile_overlayer_lowered:
.L_overlay_start_2:
0x3fe: {  	(tag) =	ssettag $0x2  }
0x3ff: {  	s0 =	rddreg [dreg:$0x0];
	s2 =	stileid.u32  }
0x400: {  	s1 =	rddreg [dreg:$0x1];
	p0 =	sne.s32 s2, $0x0  }
0x401: {  	s3 =	rddreg [dreg:$0x2];
	[bflag:$0x3] =	sbarrier.arrive $0xFFFF;
	s2 =	simm.s32 @!p0 $0x1C01  }
0x402: {  	[timem:s3], [sflag:s2] =	dma.local @!p0 [hbm:s0], s1  }
0x403: {  	s0 =	simm.s32 @!p0 $0x1  }
0x404: {  	_ =	swait.ge @!p0 [sflag:s0], s1  }
0x405: {  	s1 =	ssub.s32 @!p0 $0x0, s1;
	[sflag:s0] =	ssyncset.done @!p0 $0x0  }
0x406: {  	[sflag:s0] =	ssyncadd.s32 @!p0 s1  }
0x407: {  	[bflag:$0x3] =	sbarrier.arrive $0xFFFF  }
0x408: {  	_ =	shalt  }

</sc_bundles>
